<compile_context>
chip_gen: v7x
topology: tpu7x:2x2x1
jax: 0.10.2.dev20260603
libtpu: 0.0.44.dev20260713+nightly
codegen_flags: <defaults>
</compile_context>

<pallas_src>
import functools

import jax
import jax.numpy as jnp
from jax import lax
from jax.experimental import pallas as pl
from jax.experimental.pallas import tpu as pltpu
from jax.experimental.pallas import tpu_sc as plsc

N = 10000
E = 320000
D = 128
DO = 10
WL2 = 16

NC = 2
NS = 16
NTILES = NC * NS
K = 128
CA = 144
CB = 16
EPAD = NS * (CA + CB) * K
RPT = 640
NPAD = NS * RPT

BR = 1000
NBUF = 4
NB2 = 8
WH = 64


def _edge_loop(h_hbm, srcv, dstv, rows, acc, gsem, ssem, ngroups, nbuf):

    def body(g, carry):
        base = g * nbuf
        gs = [pltpu.async_copy(h_hbm.at[srcv.at[base + j]], rows.at[j],
                               gsem.at[j]) for j in range(nbuf)]
        ss = []
        for j in range(nbuf):
            gs[j].wait()
            ss.append(pltpu.async_copy(rows.at[j], acc.at[dstv.at[base + j]],
                                       ssem.at[j], add=True))
        for s in ss:
            s.wait()
        return carry

    lax.fori_loop(0, ngroups, body, 0)


def _memset(buf, value, nrows, ncols):
    v = jnp.full((16,), value, jnp.float32)

    def body(i, carry):
        for j in range(ncols // 16):
            buf[i, pl.ds(j * 16, 16)] = v
        return carry

    lax.fori_loop(0, nrows, body, 0)


def _zero_acc_slice(zbuf, acc, sid):
    for j in range(RPT // K):
        pltpu.sync_copy(zbuf, acc.at[pl.ds(sid * RPT + j * K, K)])


def _load_idx(cid, sid, s0_hbm, d0_hbm, s1_hbm, d1_hbm, srcv, dstv):
    @pl.when(cid == 0)
    def _():
        pltpu.sync_copy(s0_hbm.at[sid], srcv)
        pltpu.sync_copy(d0_hbm.at[sid], dstv)

    @pl.when(cid == 1)
    def _():
        pltpu.sync_copy(s1_hbm.at[sid], srcv.at[pl.ds(0, CB)])
        pltpu.sync_copy(d1_hbm.at[sid], dstv.at[pl.ds(0, CB)])


def _make_agg_split():
    mesh = plsc.VectorSubcoreMesh(core_axis_name="c", subcore_axis_name="s")

    @functools.partial(
        pl.kernel, mesh=mesh,
        out_type=[jax.ShapeDtypeStruct((NC, NPAD, WH), jnp.float32)] * 2,
        compiler_params=pltpu.CompilerParams(use_tc_tiling_on_sc=False),
        scratch_types=[
            pltpu.VMEM((CA, K), jnp.int32),
            pltpu.VMEM((CA, K), jnp.int32),
            pltpu.VMEM((NBUF, K, WH), jnp.float32),
            pltpu.VMEM_SHARED((NPAD, WH), jnp.float32),
            pltpu.SemaphoreType.DMA((NBUF,)),
            pltpu.SemaphoreType.DMA((NBUF,)),
        ],
    )
    def agg(ha_hbm, hb_hbm, s0_hbm, d0_hbm, s1_hbm, d1_hbm,
            outa_hbm, outb_hbm, srcv, dstv, rows, acc, gsem, ssem):
        cid = lax.axis_index("c")
        sid = lax.axis_index("s")
        sl = pl.ds(sid * RPT, RPT)
        _load_idx(cid, sid, s0_hbm, d0_hbm, s1_hbm, d1_hbm, srcv, dstv)
        ngroups = jnp.where(cid == 0, CA // NBUF, CB // NBUF)
        for h_hbm, out_hbm in ((ha_hbm, outa_hbm), (hb_hbm, outb_hbm)):
            _memset(rows.at[0], 0.0, K, WH)
            _zero_acc_slice(rows.at[0], acc, sid)
            plsc.subcore_barrier()
            _edge_loop(h_hbm, srcv, dstv, rows, acc, gsem, ssem, ngroups,
                       NBUF)
            plsc.subcore_barrier()
            pltpu.sync_copy(acc.at[sl], out_hbm.at[cid, sl])
            plsc.subcore_barrier()

    return agg


def _make_agg(W):
    mesh = plsc.VectorSubcoreMesh(core_axis_name="c", subcore_axis_name="s")

    @functools.partial(
        pl.kernel, mesh=mesh,
        out_type=jax.ShapeDtypeStruct((NC, NPAD, W), jnp.float32),
        compiler_params=pltpu.CompilerParams(use_tc_tiling_on_sc=False),
        scratch_types=[
            pltpu.VMEM((CA, K), jnp.int32),
            pltpu.VMEM((CA, K), jnp.int32),
            pltpu.VMEM((NB2, K, W), jnp.float32),
            pltpu.VMEM_SHARED((NPAD, W), jnp.float32),
            pltpu.SemaphoreType.DMA((NB2,)),
            pltpu.SemaphoreType.DMA((NB2,)),
        ],
    )
    def agg(h_hbm, s0_hbm, d0_hbm, s1_hbm, d1_hbm, out_hbm,
            srcv, dstv, rows, acc, gsem, ssem):
        cid = lax.axis_index("c")
        sid = lax.axis_index("s")
        sl = pl.ds(sid * RPT, RPT)
        _load_idx(cid, sid, s0_hbm, d0_hbm, s1_hbm, d1_hbm, srcv, dstv)
        ngroups = jnp.where(cid == 0, CA // NB2, CB // NB2)
        _memset(rows.at[0], 0.0, K, W)
        _zero_acc_slice(rows.at[0], acc, sid)
        plsc.subcore_barrier()
        _edge_loop(h_hbm, srcv, dstv, rows, acc, gsem, ssem, ngroups, NB2)
        plsc.subcore_barrier()
        pltpu.sync_copy(acc.at[sl], out_hbm.at[cid, sl])

    return agg


def _make_deg():
    mesh = plsc.VectorSubcoreMesh(core_axis_name="c", subcore_axis_name="s")

    @functools.partial(
        pl.kernel, mesh=mesh,
        out_type=jax.ShapeDtypeStruct((NC, NPAD, WL2), jnp.float32),
        compiler_params=pltpu.CompilerParams(use_tc_tiling_on_sc=False),
        scratch_types=[
            pltpu.VMEM((CA, K), jnp.int32),
            pltpu.VMEM((K, WL2), jnp.float32),
            pltpu.VMEM((K, WL2), jnp.float32),
            pltpu.VMEM_SHARED((NPAD, WL2), jnp.float32),
            pltpu.SemaphoreType.DMA((NB2,)),
        ],
    )
    def deg(d0_hbm, d1_hbm, out_hbm, dstv, ones_v, zbuf, acc, ssem):
        cid = lax.axis_index("c")
        sid = lax.axis_index("s")
        sl = pl.ds(sid * RPT, RPT)

        @pl.when(cid == 0)
        def _():
            pltpu.sync_copy(d0_hbm.at[sid], dstv)

        @pl.when(cid == 1)
        def _():
            pltpu.sync_copy(d1_hbm.at[sid], dstv.at[pl.ds(0, CB)])

        ngroups = jnp.where(cid == 0, CA // NB2, CB // NB2)
        _memset(ones_v, 1.0, K, WL2)
        _memset(zbuf, 0.0, K, WL2)
        _zero_acc_slice(zbuf, acc, sid)
        plsc.subcore_barrier()

        def body(g, carry):
            base = g * NB2
            ss = [pltpu.async_copy(ones_v, acc.at[dstv.at[base + j]],
                                   ssem.at[j], add=True) for j in range(NB2)]
            for s in ss:
                s.wait()
            return carry

        lax.fori_loop(0, ngroups, body, 0)
        plsc.subcore_barrier()
        pltpu.sync_copy(acc.at[sl], out_hbm.at[cid, sl])

    return deg


_agg1 = _make_agg_split()
_agg16 = _make_agg(WL2)
_deg = _make_deg()


def _tc_mm_body(x_ref, w1_ref, h_ref):
    h_ref[...] = jnp.dot(x_ref[...], w1_ref[...],
                         preferred_element_type=jnp.float32)


def _tc_mm(x, W1):
    return pl.pallas_call(
        _tc_mm_body,
        grid=(N // BR,),
        in_specs=[
            pl.BlockSpec((BR, D), lambda i: (i, 0)),
            pl.BlockSpec((D, D), lambda i: (0, 0)),
        ],
        out_specs=pl.BlockSpec((BR, D), lambda i: (i, 0)),
        out_shape=jax.ShapeDtypeStruct((N, D), jnp.float32),
    )(x, W1)


def _tc_scale_body(degp_ref, h_ref, ha_ref, hb_ref, dis_ref):
    deg = degp_ref[0, :, 0:1] + degp_ref[1, :, 0:1] + 1.0
    dis = lax.rsqrt(deg)
    hs = h_ref[...] * dis
    ha_ref[...] = hs[:, :WH]
    hb_ref[...] = hs[:, WH:]
    dis_ref[...] = jnp.broadcast_to(dis, dis_ref.shape)


def _tc_scale(degp, h1):
    return pl.pallas_call(
        _tc_scale_body,
        grid=(N // BR,),
        in_specs=[
            pl.BlockSpec((2, BR, WL2), lambda i: (0, i, 0)),
            pl.BlockSpec((BR, D), lambda i: (i, 0)),
        ],
        out_specs=[
            pl.BlockSpec((BR, WH), lambda i: (i, 0)),
            pl.BlockSpec((BR, WH), lambda i: (i, 0)),
            pl.BlockSpec((BR, 8), lambda i: (i, 0)),
        ],
        out_shape=[
            jax.ShapeDtypeStruct((N, WH), jnp.float32),
            jax.ShapeDtypeStruct((N, WH), jnp.float32),
            jax.ShapeDtypeStruct((N, 8), jnp.float32),
        ],
    )(degp, h1)


def _tc_b_body(pa_ref, pb_ref, ha_ref, hb_ref, dis_ref, b1_ref, w2_ref,
               h2_ref):
    dis = dis_ref[:, 0:1]
    sa = pa_ref[0] + pa_ref[1] + ha_ref[...]
    sb = pb_ref[0] + pb_ref[1] + hb_ref[...]
    s = jnp.concatenate([sa, sb], axis=1)
    z = jnp.maximum(s * dis + b1_ref[...], 0.0)
    h2 = jnp.dot(z, w2_ref[...], preferred_element_type=jnp.float32)
    h2_ref[...] = h2 * dis


def _tc_b(parta, partb, h1a, h1b, dis, b1row, W2p):
    return pl.pallas_call(
        _tc_b_body,
        grid=(N // BR,),
        in_specs=[
            pl.BlockSpec((2, BR, WH), lambda i: (0, i, 0)),
            pl.BlockSpec((2, BR, WH), lambda i: (0, i, 0)),
            pl.BlockSpec((BR, WH), lambda i: (i, 0)),
            pl.BlockSpec((BR, WH), lambda i: (i, 0)),
            pl.BlockSpec((BR, 8), lambda i: (i, 0)),
            pl.BlockSpec((1, D), lambda i: (0, 0)),
            pl.BlockSpec((D, WL2), lambda i: (0, 0)),
        ],
        out_specs=pl.BlockSpec((BR, WL2), lambda i: (i, 0)),
        out_shape=jax.ShapeDtypeStruct((N, WL2), jnp.float32),
    )(parta, partb, h1a, h1b, dis, b1row, W2p)


def _tc_c_body(part_ref, h2_ref, dis_ref, b2_ref, out_ref):
    dis = dis_ref[:, 0:1]
    s = part_ref[0] + part_ref[1] + h2_ref[...]
    out_ref[...] = s * dis + b2_ref[...]


def _tc_c(part2, h2p, dis, b2row):
    return pl.pallas_call(
        _tc_c_body,
        grid=(N // BR,),
        in_specs=[
            pl.BlockSpec((2, BR, WL2), lambda i: (0, i, 0)),
            pl.BlockSpec((BR, WL2), lambda i: (i, 0)),
            pl.BlockSpec((BR, 8), lambda i: (i, 0)),
            pl.BlockSpec((1, WL2), lambda i: (0, 0)),
        ],
        out_specs=pl.BlockSpec((BR, WL2), lambda i: (i, 0)),
        out_shape=jax.ShapeDtypeStruct((N, WL2), jnp.float32),
    )(part2, h2p, dis, b2row)


def kernel(x, edge_index, W1, b1, W2, b2):
    src = edge_index[0]
    dst = edge_index[1]
    e0 = NS * CA * K
    srcpad = jnp.concatenate([src, jnp.zeros((EPAD - E,), jnp.int32)])
    dstpad = jnp.concatenate([dst, jnp.full((EPAD - E,), N, jnp.int32)])
    s0 = srcpad[:e0].reshape(NS, CA, K)
    s1 = srcpad[e0:].reshape(NS, CB, K)
    d0 = dstpad[:e0].reshape(NS, CA, K)
    d1 = dstpad[e0:].reshape(NS, CB, K)

    W2p = jnp.pad(W2, ((0, 0), (0, WL2 - DO)))
    b1row = b1[None, :]
    b2row = jnp.pad(b2, (0, WL2 - DO))[None, :]

    h1 = _tc_mm(x, W1)
    degp = _deg(d0, d1)
    h1a, h1b, dis = _tc_scale(degp, h1)
    parta, partb = _agg1(h1a, h1b, s0, d0, s1, d1)
    h2p = _tc_b(parta, partb, h1a, h1b, dis, b1row, W2p)
    part2 = _agg16(h2p, s0, d0, s1, d1)
    outp = _tc_c(part2, h2p, dis, b2row)
    return outp[:, :DO]

# --- scband reference (transcript-rebuilt; emitter-appended) ---
"""Pipeline reference for scband-gcn-60533269069867 (READ-ONLY COPY).

The authoritative reference and input builder live on the scoring server;
editing this copy changes nothing except your own understanding.
"""

import jax, jax.numpy as jnp
import numpy as np

N = 10000
E = 320000
D_IN = 128
D_HID = 128
D_OUT = 10


def gcn_conv(x, edge_index, W, b, num_nodes):
    # Faithful GCNConv: add self-loops, symmetric normalization D^-1/2 (A+I) D^-1/2 X W + b
    src = edge_index[0]
    dst = edge_index[1]
    loop = jnp.arange(num_nodes, dtype=edge_index.dtype)
    src = jnp.concatenate([src, loop])
    dst = jnp.concatenate([dst, loop])
    deg = jnp.zeros((num_nodes,), dtype=x.dtype).at[dst].add(1.0)
    deg_inv_sqrt = jnp.where(deg > 0, jax.lax.rsqrt(jnp.maximum(deg, 1e-12)), 0.0)
    norm = deg_inv_sqrt[src] * deg_inv_sqrt[dst]
    h = x @ W  # linear transform first (reduces message width when out < in)
    msgs = h[src] * norm[:, None]  # gather + scale (SparseCore gather)
    out = jax.ops.segment_sum(msgs, dst, num_segments=num_nodes)  # scatter-add
    return out + b


def setup_inputs(seed: int = 0):
    key = jax.random.key(seed)
    k1, k2, k3, k4, k5, k6 = jax.random.split(key, 6)
    x = jax.random.normal(k1, (N, D_IN), dtype=jnp.float32)
    edge_index = jax.random.randint(k2, (2, E), 0, N, dtype=jnp.int32)
    W1 = jax.random.normal(k3, (D_IN, D_HID), dtype=jnp.float32) * (1.0 / np.sqrt(D_IN))
    b1 = jnp.zeros((D_HID,), dtype=jnp.float32)
    W2 = jax.random.normal(k4, (D_HID, D_OUT), dtype=jnp.float32) * (1.0 / np.sqrt(D_HID))
    b2 = jnp.zeros((D_OUT,), dtype=jnp.float32)
    return {"x": x, "edge_index": edge_index, "W1": W1, "b1": b1, "W2": W2, "b2": b2}


def reference(x, edge_index, W1, b1, W2, b2):
    h = gcn_conv(x, edge_index, W1, b1, N)
    h = jax.nn.relu(h)
    # F.dropout with training=False (eval mode) is identity
    out = gcn_conv(h, edge_index, W2, b2, N)
    return out

if __name__ == "__main__":
    import jax
    _d = setup_inputs()
    print(jax.jit(kernel)(*tuple(_d.values())))

</pallas_src>

<mosaic_0001>
#map = affine_map<(d0, d1) -> (0, 0)>
#map1 = affine_map<(d0, d1) -> (0, 0, 0)>
module attributes {stable_mosaic.version = 14 : i64} {
  func.func @agg(%arg0: i32, %arg1: i32, %arg2: memref<10000x64xf32, #tpu.memory_space<hbm>>, %arg3: memref<10000x64xf32, #tpu.memory_space<hbm>>, %arg4: memref<16x144x128xi32, #tpu.memory_space<hbm>>, %arg5: memref<16x144x128xi32, #tpu.memory_space<hbm>>, %arg6: memref<16x16x128xi32, #tpu.memory_space<hbm>>, %arg7: memref<16x16x128xi32, #tpu.memory_space<hbm>>, %arg8: memref<2x10240x64xf32, #tpu.memory_space<hbm>>, %arg9: memref<2x10240x64xf32, #tpu.memory_space<hbm>>, %arg10: memref<144x128xi32, #tpu.memory_space<vmem>>, %arg11: memref<144x128xi32, #tpu.memory_space<vmem>>, %arg12: memref<4x128x64xf32, #tpu.memory_space<vmem>>, %arg13: memref<10240x64xf32, #tpu.memory_space<vmem_shared>>, %arg14: memref<4x!tpu.dma_semaphore, #tpu.memory_space<semaphore_mem>>, %arg15: memref<4x!tpu.dma_semaphore, #tpu.memory_space<semaphore_mem>>) attributes {dimension_semantics = [#tpu.dimension_semantics<core_parallel>, #tpu.dimension_semantics<subcore_parallel>], iteration_bounds = array<i64: 2, 16>, scalar_prefetch = 0 : i64, scratch_operands = 6 : i64, tpu.core_type = #tpu.core_type<sc_vector_subcore>, window_params = [{transform_indices = #map}, {transform_indices = #map}, {transform_indices = #map1}, {transform_indices = #map1}, {transform_indices = #map1}, {transform_indices = #map1}, {transform_indices = #map1}, {transform_indices = #map1}]} {
    %mul3A = arith.constant 640 : i32
    %mul3A_0 = arith.muli %arg1, %mul3A : i32
    %eq3A = arith.constant 0 : i32
    %eq3A_1 = arith.cmpi eq, %arg0, %eq3A : i32
    %convert_element_type3A = arith.extui %eq3A_1 : i1 to i32
    %cond3A = arith.constant 0 : i32
    %cond3A_2 = arith.cmpi ne, %convert_element_type3A, %cond3A : i32
    scf.if %cond3A_2 {
      "tpu.region"() ({
        %run_scoped3A_99 = tpu.sem_alloc : memref<!tpu.dma_semaphore, #tpu.memory_space<semaphore_mem>>
        %dma_start3A = arith.constant 0 : i32
        %dma_start3A_100 = arith.constant 0 : i32
        %dma_start3A_101 = tpu.memref_slice %arg4[%arg1, %dma_start3A, %dma_start3A_100] : memref<16x144x128xi32, #tpu.memory_space<hbm>> -> memref<1x144x128xi32, #tpu.memory_space<hbm>>
        %dma_start3A_102 = tpu.memref_squeeze %dma_start3A_101 : memref<1x144x128xi32, #tpu.memory_space<hbm>> -> memref<144x128xi32, #tpu.memory_space<hbm>>
        %dma_start3A_103 = arith.constant 0 : i32
        %dma_start3A_104 = arith.constant 0 : i32
        %dma_start3A_105 = tpu.memref_slice %arg4[%arg1, %dma_start3A_103, %dma_start3A_104] : memref<16x144x128xi32, #tpu.memory_space<hbm>> -> memref<1x144x128xi32, #tpu.memory_space<hbm>>
        %dma_start3A_106 = tpu.memref_squeeze %dma_start3A_105 : memref<1x144x128xi32, #tpu.memory_space<hbm>> -> memref<144x128xi32, #tpu.memory_space<hbm>>
        tpu.enqueue_dma source(%dma_start3A_106 : memref<144x128xi32, #tpu.memory_space<hbm>>) target(%arg10 : memref<144x128xi32, #tpu.memory_space<vmem>>) target_semaphore(%run_scoped3A_99 : memref<!tpu.dma_semaphore, #tpu.memory_space<semaphore_mem>>)
        %dma_wait3A = arith.constant 0 : i32
        %dma_wait3A_107 = arith.constant 0 : i32
        %dma_wait3A_108 = tpu.memref_slice %arg4[%arg1, %dma_wait3A, %dma_wait3A_107] : memref<16x144x128xi32, #tpu.memory_space<hbm>> -> memref<1x144x128xi32, #tpu.memory_space<hbm>>
        %dma_wait3A_109 = tpu.memref_squeeze %dma_wait3A_108 : memref<1x144x128xi32, #tpu.memory_space<hbm>> -> memref<144x128xi32, #tpu.memory_space<hbm>>
        %dma_wait3A_110 = arith.constant 0 : i32
        %dma_wait3A_111 = arith.constant 0 : i32
        %dma_wait3A_112 = tpu.memref_slice %arg4[%arg1, %dma_wait3A_110, %dma_wait3A_111] : memref<16x144x128xi32, #tpu.memory_space<hbm>> -> memref<1x144x128xi32, #tpu.memory_space<hbm>>
        %dma_wait3A_113 = tpu.memref_squeeze %dma_wait3A_112 : memref<1x144x128xi32, #tpu.memory_space<hbm>> -> memref<144x128xi32, #tpu.memory_space<hbm>>
        tpu.wait_dma2 semaphore(%run_scoped3A_99 : memref<!tpu.dma_semaphore, #tpu.memory_space<semaphore_mem>>) src(%dma_wait3A_113 : memref<144x128xi32, #tpu.memory_space<hbm>>) dst(%arg10 : memref<144x128xi32, #tpu.memory_space<vmem>>)
        tpu.yield
      }) : () -> ()
      "tpu.region"() ({
        %run_scoped3A_99 = tpu.sem_alloc : memref<!tpu.dma_semaphore, #tpu.memory_space<semaphore_mem>>
        %dma_start3A = arith.constant 0 : i32
        %dma_start3A_100 = arith.constant 0 : i32
        %dma_start3A_101 = tpu.memref_slice %arg5[%arg1, %dma_start3A, %dma_start3A_100] : memref<16x144x128xi32, #tpu.memory_space<hbm>> -> memref<1x144x128xi32, #tpu.memory_space<hbm>>
        %dma_start3A_102 = tpu.memref_squeeze %dma_start3A_101 : memref<1x144x128xi32, #tpu.memory_space<hbm>> -> memref<144x128xi32, #tpu.memory_space<hbm>>
        %dma_start3A_103 = arith.constant 0 : i32
        %dma_start3A_104 = arith.constant 0 : i32
        %dma_start3A_105 = tpu.memref_slice %arg5[%arg1, %dma_start3A_103, %dma_start3A_104] : memref<16x144x128xi32, #tpu.memory_space<hbm>> -> memref<1x144x128xi32, #tpu.memory_space<hbm>>
        %dma_start3A_106 = tpu.memref_squeeze %dma_start3A_105 : memref<1x144x128xi32, #tpu.memory_space<hbm>> -> memref<144x128xi32, #tpu.memory_space<hbm>>
        tpu.enqueue_dma source(%dma_start3A_106 : memref<144x128xi32, #tpu.memory_space<hbm>>) target(%arg11 : memref<144x128xi32, #tpu.memory_space<vmem>>) target_semaphore(%run_scoped3A_99 : memref<!tpu.dma_semaphore, #tpu.memory_space<semaphore_mem>>)
        %dma_wait3A = arith.constant 0 : i32
        %dma_wait3A_107 = arith.constant 0 : i32
        %dma_wait3A_108 = tpu.memref_slice %arg5[%arg1, %dma_wait3A, %dma_wait3A_107] : memref<16x144x128xi32, #tpu.memory_space<hbm>> -> memref<1x144x128xi32, #tpu.memory_space<hbm>>
        %dma_wait3A_109 = tpu.memref_squeeze %dma_wait3A_108 : memref<1x144x128xi32, #tpu.memory_space<hbm>> -> memref<144x128xi32, #tpu.memory_space<hbm>>
        %dma_wait3A_110 = arith.constant 0 : i32
        %dma_wait3A_111 = arith.constant 0 : i32
        %dma_wait3A_112 = tpu.memref_slice %arg5[%arg1, %dma_wait3A_110, %dma_wait3A_111] : memref<16x144x128xi32, #tpu.memory_space<hbm>> -> memref<1x144x128xi32, #tpu.memory_space<hbm>>
        %dma_wait3A_113 = tpu.memref_squeeze %dma_wait3A_112 : memref<1x144x128xi32, #tpu.memory_space<hbm>> -> memref<144x128xi32, #tpu.memory_space<hbm>>
        tpu.wait_dma2 semaphore(%run_scoped3A_99 : memref<!tpu.dma_semaphore, #tpu.memory_space<semaphore_mem>>) src(%dma_wait3A_113 : memref<144x128xi32, #tpu.memory_space<hbm>>) dst(%arg11 : memref<144x128xi32, #tpu.memory_space<vmem>>)
        tpu.yield
      }) : () -> ()
    } else {
    }
    %eq3A_3 = arith.constant 1 : i32
    %eq3A_4 = arith.cmpi eq, %arg0, %eq3A_3 : i32
    %convert_element_type3A_5 = arith.extui %eq3A_4 : i1 to i32
    %cond3A_6 = arith.constant 0 : i32
    %cond3A_7 = arith.cmpi ne, %convert_element_type3A_5, %cond3A_6 : i32
    scf.if %cond3A_7 {
      "tpu.region"() ({
        %run_scoped3A_99 = tpu.sem_alloc : memref<!tpu.dma_semaphore, #tpu.memory_space<semaphore_mem>>
        %dma_start3A = arith.constant 0 : i32
        %dma_start3A_100 = arith.constant 0 : i32
        %dma_start3A_101 = tpu.memref_slice %arg10[%dma_start3A, %dma_start3A_100] : memref<144x128xi32, #tpu.memory_space<vmem>> -> memref<16x128xi32, #tpu.memory_space<vmem>>
        %dma_start3A_102 = arith.constant 0 : i32
        %dma_start3A_103 = arith.constant 0 : i32
        %dma_start3A_104 = tpu.memref_slice %arg6[%arg1, %dma_start3A_102, %dma_start3A_103] : memref<16x16x128xi32, #tpu.memory_space<hbm>> -> memref<1x16x128xi32, #tpu.memory_space<hbm>>
        %dma_start3A_105 = tpu.memref_squeeze %dma_start3A_104 : memref<1x16x128xi32, #tpu.memory_space<hbm>> -> memref<16x128xi32, #tpu.memory_space<hbm>>
        %dma_start3A_106 = arith.constant 0 : i32
        %dma_start3A_107 = arith.constant 0 : i32
        %dma_start3A_108 = tpu.memref_slice %arg10[%dma_start3A_106, %dma_start3A_107] : memref<144x128xi32, #tpu.memory_space<vmem>> -> memref<16x128xi32, #tpu.memory_space<vmem>>
        %dma_start3A_109 = arith.constant 0 : i32
        %dma_start3A_110 = arith.constant 0 : i32
        %dma_start3A_111 = tpu.memref_slice %arg6[%arg1, %dma_start3A_109, %dma_start3A_110] : memref<16x16x128xi32, #tpu.memory_space<hbm>> -> memref<1x16x128xi32, #tpu.memory_space<hbm>>
        %dma_start3A_112 = tpu.memref_squeeze %dma_start3A_111 : memref<1x16x128xi32, #tpu.memory_space<hbm>> -> memref<16x128xi32, #tpu.memory_space<hbm>>
        tpu.enqueue_dma source(%dma_start3A_112 : memref<16x128xi32, #tpu.memory_space<hbm>>) target(%dma_start3A_108 : memref<16x128xi32, #tpu.memory_space<vmem>>) target_semaphore(%run_scoped3A_99 : memref<!tpu.dma_semaphore, #tpu.memory_space<semaphore_mem>>)
        %dma_wait3A = arith.constant 0 : i32
        %dma_wait3A_113 = arith.constant 0 : i32
        %dma_wait3A_114 = tpu.memref_slice %arg10[%dma_wait3A, %dma_wait3A_113] : memref<144x128xi32, #tpu.memory_space<vmem>> -> memref<16x128xi32, #tpu.memory_space<vmem>>
        %dma_wait3A_115 = arith.constant 0 : i32
        %dma_wait3A_116 = arith.constant 0 : i32
        %dma_wait3A_117 = tpu.memref_slice %arg6[%arg1, %dma_wait3A_115, %dma_wait3A_116] : memref<16x16x128xi32, #tpu.memory_space<hbm>> -> memref<1x16x128xi32, #tpu.memory_space<hbm>>
        %dma_wait3A_118 = tpu.memref_squeeze %dma_wait3A_117 : memref<1x16x128xi32, #tpu.memory_space<hbm>> -> memref<16x128xi32, #tpu.memory_space<hbm>>
        %dma_wait3A_119 = arith.constant 0 : i32
        %dma_wait3A_120 = arith.constant 0 : i32
        %dma_wait3A_121 = tpu.memref_slice %arg10[%dma_wait3A_119, %dma_wait3A_120] : memref<144x128xi32, #tpu.memory_space<vmem>> -> memref<16x128xi32, #tpu.memory_space<vmem>>
        %dma_wait3A_122 = arith.constant 0 : i32
        %dma_wait3A_123 = arith.constant 0 : i32
        %dma_wait3A_124 = tpu.memref_slice %arg6[%arg1, %dma_wait3A_122, %dma_wait3A_123] : memref<16x16x128xi32, #tpu.memory_space<hbm>> -> memref<1x16x128xi32, #tpu.memory_space<hbm>>
        %dma_wait3A_125 = tpu.memref_squeeze %dma_wait3A_124 : memref<1x16x128xi32, #tpu.memory_space<hbm>> -> memref<16x128xi32, #tpu.memory_space<hbm>>
        tpu.wait_dma2 semaphore(%run_scoped3A_99 : memref<!tpu.dma_semaphore, #tpu.memory_space<semaphore_mem>>) src(%dma_wait3A_125 : memref<16x128xi32, #tpu.memory_space<hbm>>) dst(%dma_wait3A_121 : memref<16x128xi32, #tpu.memory_space<vmem>>)
        tpu.yield
      }) : () -> ()
      "tpu.region"() ({
        %run_scoped3A_99 = tpu.sem_alloc : memref<!tpu.dma_semaphore, #tpu.memory_space<semaphore_mem>>
        %dma_start3A = arith.constant 0 : i32
        %dma_start3A_100 = arith.constant 0 : i32
        %dma_start3A_101 = tpu.memref_slice %arg11[%dma_start3A, %dma_start3A_100] : memref<144x128xi32, #tpu.memory_space<vmem>> -> memref<16x128xi32, #tpu.memory_space<vmem>>
        %dma_start3A_102 = arith.constant 0 : i32
        %dma_start3A_103 = arith.constant 0 : i32
        %dma_start3A_104 = tpu.memref_slice %arg7[%arg1, %dma_start3A_102, %dma_start3A_103] : memref<16x16x128xi32, #tpu.memory_space<hbm>> -> memref<1x16x128xi32, #tpu.memory_space<hbm>>
        %dma_start3A_105 = tpu.memref_squeeze %dma_start3A_104 : memref<1x16x128xi32, #tpu.memory_space<hbm>> -> memref<16x128xi32, #tpu.memory_space<hbm>>
        %dma_start3A_106 = arith.constant 0 : i32
        %dma_start3A_107 = arith.constant 0 : i32
        %dma_start3A_108 = tpu.memref_slice %arg11[%dma_start3A_106, %dma_start3A_107] : memref<144x128xi32, #tpu.memory_space<vmem>> -> memref<16x128xi32, #tpu.memory_space<vmem>>
        %dma_start3A_109 = arith.constant 0 : i32
        %dma_start3A_110 = arith.constant 0 : i32
        %dma_start3A_111 = tpu.memref_slice %arg7[%arg1, %dma_start3A_109, %dma_start3A_110] : memref<16x16x128xi32, #tpu.memory_space<hbm>> -> memref<1x16x128xi32, #tpu.memory_space<hbm>>
        %dma_start3A_112 = tpu.memref_squeeze %dma_start3A_111 : memref<1x16x128xi32, #tpu.memory_space<hbm>> -> memref<16x128xi32, #tpu.memory_space<hbm>>
        tpu.enqueue_dma source(%dma_start3A_112 : memref<16x128xi32, #tpu.memory_space<hbm>>) target(%dma_start3A_108 : memref<16x128xi32, #tpu.memory_space<vmem>>) target_semaphore(%run_scoped3A_99 : memref<!tpu.dma_semaphore, #tpu.memory_space<semaphore_mem>>)
        %dma_wait3A = arith.constant 0 : i32
        %dma_wait3A_113 = arith.constant 0 : i32
        %dma_wait3A_114 = tpu.memref_slice %arg11[%dma_wait3A, %dma_wait3A_113] : memref<144x128xi32, #tpu.memory_space<vmem>> -> memref<16x128xi32, #tpu.memory_space<vmem>>
        %dma_wait3A_115 = arith.constant 0 : i32
        %dma_wait3A_116 = arith.constant 0 : i32
        %dma_wait3A_117 = tpu.memref_slice %arg7[%arg1, %dma_wait3A_115, %dma_wait3A_116] : memref<16x16x128xi32, #tpu.memory_space<hbm>> -> memref<1x16x128xi32, #tpu.memory_space<hbm>>
        %dma_wait3A_118 = tpu.memref_squeeze %dma_wait3A_117 : memref<1x16x128xi32, #tpu.memory_space<hbm>> -> memref<16x128xi32, #tpu.memory_space<hbm>>
        %dma_wait3A_119 = arith.constant 0 : i32
        %dma_wait3A_120 = arith.constant 0 : i32
        %dma_wait3A_121 = tpu.memref_slice %arg11[%dma_wait3A_119, %dma_wait3A_120] : memref<144x128xi32, #tpu.memory_space<vmem>> -> memref<16x128xi32, #tpu.memory_space<vmem>>
        %dma_wait3A_122 = arith.constant 0 : i32
        %dma_wait3A_123 = arith.constant 0 : i32
        %dma_wait3A_124 = tpu.memref_slice %arg7[%arg1, %dma_wait3A_122, %dma_wait3A_123] : memref<16x16x128xi32, #tpu.memory_space<hbm>> -> memref<1x16x128xi32, #tpu.memory_space<hbm>>
        %dma_wait3A_125 = tpu.memref_squeeze %dma_wait3A_124 : memref<1x16x128xi32, #tpu.memory_space<hbm>> -> memref<16x128xi32, #tpu.memory_space<hbm>>
        tpu.wait_dma2 semaphore(%run_scoped3A_99 : memref<!tpu.dma_semaphore, #tpu.memory_space<semaphore_mem>>) src(%dma_wait3A_125 : memref<16x128xi32, #tpu.memory_space<hbm>>) dst(%dma_wait3A_121 : memref<16x128xi32, #tpu.memory_space<vmem>>)
        tpu.yield
      }) : () -> ()
    } else {
    }
    %eq3A_8 = arith.constant 0 : i32
    %eq3A_9 = arith.cmpi eq, %arg0, %eq3A_8 : i32
    %jit3A = arith.constant 36 : i32
    %jit3A_10 = arith.constant 4 : i32
    %select_n3A = arith.select %eq3A_9, %jit3A, %jit3A_10 : i32
    %broadcast_in_dim3A = arith.constant 0.000000e+00 : f32
    %broadcast_in_dim3A_11 = vector.broadcast %broadcast_in_dim3A : f32 to vector<16xf32>
    %scan3A = arith.constant 0 : i32
    %scan3A_12 = arith.constant 0 : i32
    %scan3A_13 = arith.constant 0 : i32
    %scan3A_14 = arith.constant 128 : i32
    %scan3A_15 = arith.addi %scan3A_13, %scan3A_14 : i32
    %scan3A_16 = arith.constant 1 : i32
    scf.for %scan3A_99 = %scan3A_13 to %scan3A_15 step %scan3A_16  : i32 {
      %swap3A = arith.constant 0 : i32
      %swap3A_100 = arith.constant 0 : i32
      %swap3A_101 = tpu.memref_slice %arg12[%scan3A_12, %swap3A, %swap3A_100] : memref<4x128x64xf32, #tpu.memory_space<vmem>> -> memref<1x128x64xf32, #tpu.memory_space<vmem>>
      %swap3A_102 = tpu.memref_squeeze %swap3A_101 : memref<1x128x64xf32, #tpu.memory_space<vmem>> -> memref<128x64xf32, #tpu.memory_space<vmem>>
      %swap3A_103 = arith.index_cast %scan3A_99 : i32 to index
      %swap3A_104 = arith.constant 0 : index
      %swap3A_105 = tpu.vector_load %swap3A_102[%swap3A_103, %swap3A_104] {strides = array<i32>} : memref<128x64xf32, #tpu.memory_space<vmem>>, vector<1x16xf32>,
      %swap3A_106 = vector.shape_cast %swap3A_105 : vector<1x16xf32> to vector<16xf32>
      %swap3A_107 = vector.shape_cast %broadcast_in_dim3A_11 : vector<16xf32> to vector<1x16xf32>
      tpu.vector_store %swap3A_102[%swap3A_103, %swap3A_104], %swap3A_107 {strides = array<i32>} : memref<128x64xf32, #tpu.memory_space<vmem>>, vector<1x16xf32>,
      %swap3A_108 = arith.constant 0 : i32
      %swap3A_109 = arith.constant 0 : i32
      %swap3A_110 = tpu.memref_slice %arg12[%scan3A_12, %swap3A_108, %swap3A_109] : memref<4x128x64xf32, #tpu.memory_space<vmem>> -> memref<1x128x64xf32, #tpu.memory_space<vmem>>
      %swap3A_111 = tpu.memref_squeeze %swap3A_110 : memref<1x128x64xf32, #tpu.memory_space<vmem>> -> memref<128x64xf32, #tpu.memory_space<vmem>>
      %swap3A_112 = arith.index_cast %scan3A_99 : i32 to index
      %swap3A_113 = arith.constant 16 : index
      %swap3A_114 = tpu.vector_load %swap3A_111[%swap3A_112, %swap3A_113] {strides = array<i32>} : memref<128x64xf32, #tpu.memory_space<vmem>>, vector<1x16xf32>,
      %swap3A_115 = vector.shape_cast %swap3A_114 : vector<1x16xf32> to vector<16xf32>
      %swap3A_116 = vector.shape_cast %broadcast_in_dim3A_11 : vector<16xf32> to vector<1x16xf32>
      tpu.vector_store %swap3A_111[%swap3A_112, %swap3A_113], %swap3A_116 {strides = array<i32>} : memref<128x64xf32, #tpu.memory_space<vmem>>, vector<1x16xf32>,
      %swap3A_117 = arith.constant 0 : i32
      %swap3A_118 = arith.constant 0 : i32
      %swap3A_119 = tpu.memref_slice %arg12[%scan3A_12, %swap3A_117, %swap3A_118] : memref<4x128x64xf32, #tpu.memory_space<vmem>> -> memref<1x128x64xf32, #tpu.memory_space<vmem>>
      %swap3A_120 = tpu.memref_squeeze %swap3A_119 : memref<1x128x64xf32, #tpu.memory_space<vmem>> -> memref<128x64xf32, #tpu.memory_space<vmem>>
      %swap3A_121 = arith.index_cast %scan3A_99 : i32 to index
      %swap3A_122 = arith.constant 32 : index
      %swap3A_123 = tpu.vector_load %swap3A_120[%swap3A_121, %swap3A_122] {strides = array<i32>} : memref<128x64xf32, #tpu.memory_space<vmem>>, vector<1x16xf32>,
      %swap3A_124 = vector.shape_cast %swap3A_123 : vector<1x16xf32> to vector<16xf32>
      %swap3A_125 = vector.shape_cast %broadcast_in_dim3A_11 : vector<16xf32> to vector<1x16xf32>
      tpu.vector_store %swap3A_120[%swap3A_121, %swap3A_122], %swap3A_125 {strides = array<i32>} : memref<128x64xf32, #tpu.memory_space<vmem>>, vector<1x16xf32>,
      %swap3A_126 = arith.constant 0 : i32
      %swap3A_127 = arith.constant 0 : i32
      %swap3A_128 = tpu.memref_slice %arg12[%scan3A_12, %swap3A_126, %swap3A_127] : memref<4x128x64xf32, #tpu.memory_space<vmem>> -> memref<1x128x64xf32, #tpu.memory_space<vmem>>
      %swap3A_129 = tpu.memref_squeeze %swap3A_128 : memref<1x128x64xf32, #tpu.memory_space<vmem>> -> memref<128x64xf32, #tpu.memory_space<vmem>>
      %swap3A_130 = arith.index_cast %scan3A_99 : i32 to index
      %swap3A_131 = arith.constant 48 : index
      %swap3A_132 = tpu.vector_load %swap3A_129[%swap3A_130, %swap3A_131] {strides = array<i32>} : memref<128x64xf32, #tpu.memory_space<vmem>>, vector<1x16xf32>,
      %swap3A_133 = vector.shape_cast %swap3A_132 : vector<1x16xf32> to vector<16xf32>
      %swap3A_134 = vector.shape_cast %broadcast_in_dim3A_11 : vector<16xf32> to vector<1x16xf32>
      tpu.vector_store %swap3A_129[%swap3A_130, %swap3A_131], %swap3A_134 {strides = array<i32>} : memref<128x64xf32, #tpu.memory_space<vmem>>, vector<1x16xf32>,
    }
    %scan3A_17 = arith.constant 128 : i32
    %mul3A_18 = arith.constant 640 : i32
    %mul3A_19 = arith.muli %arg1, %mul3A_18 : i32
    %add3A = arith.constant 0 : i32
    %add3A_20 = arith.addi %mul3A_19, %add3A : i32
    %run_scoped3A = arith.constant 0 : i32
    "tpu.region"() ({
      %run_scoped3A_99 = tpu.sem_alloc : memref<!tpu.dma_semaphore, #tpu.memory_space<semaphore_mem>>
      %dma_start3A = arith.constant 0 : i32
      %dma_start3A_100 = arith.constant 0 : i32
      %dma_start3A_101 = tpu.memref_slice %arg12[%run_scoped3A, %dma_start3A, %dma_start3A_100] : memref<4x128x64xf32, #tpu.memory_space<vmem>> -> memref<1x128x64xf32, #tpu.memory_space<vmem>>
      %dma_start3A_102 = tpu.memref_squeeze %dma_start3A_101 : memref<1x128x64xf32, #tpu.memory_space<vmem>> -> memref<128x64xf32, #tpu.memory_space<vmem>>
      %dma_start3A_103 = arith.constant 0 : i32
      %dma_start3A_104 = tpu.memref_slice %arg13[%add3A_20, %dma_start3A_103] : memref<10240x64xf32, #tpu.memory_space<vmem_shared>> -> memref<128x64xf32, #tpu.memory_space<vmem_shared>>
      %dma_start3A_105 = arith.constant 0 : i32
      %dma_start3A_106 = tpu.memref_slice %arg13[%add3A_20, %dma_start3A_105] : memref<10240x64xf32, #tpu.memory_space<vmem_shared>> -> memref<128x64xf32, #tpu.memory_space<vmem_shared>>
      %dma_start3A_107 = arith.constant 0 : i32
      %dma_start3A_108 = arith.constant 0 : i32
      %dma_start3A_109 = tpu.memref_slice %arg12[%run_scoped3A, %dma_start3A_107, %dma_start3A_108] : memref<4x128x64xf32, #tpu.memory_space<vmem>> -> memref<1x128x64xf32, #tpu.memory_space<vmem>>
      %dma_start3A_110 = tpu.memref_squeeze %dma_start3A_109 : memref<1x128x64xf32, #tpu.memory_space<vmem>> -> memref<128x64xf32, #tpu.memory_space<vmem>>
      tpu.enqueue_dma source(%dma_start3A_110 : memref<128x64xf32, #tpu.memory_space<vmem>>) target(%dma_start3A_106 : memref<128x64xf32, #tpu.memory_space<vmem_shared>>) target_semaphore(%run_scoped3A_99 : memref<!tpu.dma_semaphore, #tpu.memory_space<semaphore_mem>>)
      %dma_wait3A = arith.constant 0 : i32
      %dma_wait3A_111 = arith.constant 0 : i32
      %dma_wait3A_112 = tpu.memref_slice %arg12[%run_scoped3A, %dma_wait3A, %dma_wait3A_111] : memref<4x128x64xf32, #tpu.memory_space<vmem>> -> memref<1x128x64xf32, #tpu.memory_space<vmem>>
      %dma_wait3A_113 = tpu.memref_squeeze %dma_wait3A_112 : memref<1x128x64xf32, #tpu.memory_space<vmem>> -> memref<128x64xf32, #tpu.memory_space<vmem>>
      %dma_wait3A_114 = arith.constant 0 : i32
      %dma_wait3A_115 = tpu.memref_slice %arg13[%add3A_20, %dma_wait3A_114] : memref<10240x64xf32, #tpu.memory_space<vmem_shared>> -> memref<128x64xf32, #tpu.memory_space<vmem_shared>>
      %dma_wait3A_116 = arith.constant 0 : i32
      %dma_wait3A_117 = tpu.memref_slice %arg13[%add3A_20, %dma_wait3A_116] : memref<10240x64xf32, #tpu.memory_space<vmem_shared>> -> memref<128x64xf32, #tpu.memory_space<vmem_shared>>
      %dma_wait3A_118 = arith.constant 0 : i32
      %dma_wait3A_119 = arith.constant 0 : i32
      %dma_wait3A_120 = tpu.memref_slice %arg12[%run_scoped3A, %dma_wait3A_118, %dma_wait3A_119] : memref<4x128x64xf32, #tpu.memory_space<vmem>> -> memref<1x128x64xf32, #tpu.memory_space<vmem>>
      %dma_wait3A_121 = tpu.memref_squeeze %dma_wait3A_120 : memref<1x128x64xf32, #tpu.memory_space<vmem>> -> memref<128x64xf32, #tpu.memory_space<vmem>>
      tpu.wait_dma2 semaphore(%run_scoped3A_99 : memref<!tpu.dma_semaphore, #tpu.memory_space<semaphore_mem>>) src(%dma_wait3A_121 : memref<128x64xf32, #tpu.memory_space<vmem>>) dst(%dma_wait3A_117 : memref<128x64xf32, #tpu.memory_space<vmem_shared>>)
      tpu.yield
    }) : () -> ()
    %mul3A_21 = arith.constant 640 : i32
    %mul3A_22 = arith.muli %arg1, %mul3A_21 : i32
    %add3A_23 = arith.constant 128 : i32
    %add3A_24 = arith.addi %mul3A_22, %add3A_23 : i32
    %run_scoped3A_25 = arith.constant 0 : i32
    "tpu.region"() ({
      %run_scoped3A_99 = tpu.sem_alloc : memref<!tpu.dma_semaphore, #tpu.memory_space<semaphore_mem>>
      %dma_start3A = arith.constant 0 : i32
      %dma_start3A_100 = arith.constant 0 : i32
      %dma_start3A_101 = tpu.memref_slice %arg12[%run_scoped3A_25, %dma_start3A, %dma_start3A_100] : memref<4x128x64xf32, #tpu.memory_space<vmem>> -> memref<1x128x64xf32, #tpu.memory_space<vmem>>
      %dma_start3A_102 = tpu.memref_squeeze %dma_start3A_101 : memref<1x128x64xf32, #tpu.memory_space<vmem>> -> memref<128x64xf32, #tpu.memory_space<vmem>>
      %dma_start3A_103 = arith.constant 0 : i32
      %dma_start3A_104 = tpu.memref_slice %arg13[%add3A_24, %dma_start3A_103] : memref<10240x64xf32, #tpu.memory_space<vmem_shared>> -> memref<128x64xf32, #tpu.memory_space<vmem_shared>>
      %dma_start3A_105 = arith.constant 0 : i32
      %dma_start3A_106 = tpu.memref_slice %arg13[%add3A_24, %dma_start3A_105] : memref<10240x64xf32, #tpu.memory_space<vmem_shared>> -> memref<128x64xf32, #tpu.memory_space<vmem_shared>>
      %dma_start3A_107 = arith.constant 0 : i32
      %dma_start3A_108 = arith.constant 0 : i32
      %dma_start3A_109 = tpu.memref_slice %arg12[%run_scoped3A_25, %dma_start3A_107, %dma_start3A_108] : memref<4x128x64xf32, #tpu.memory_space<vmem>> -> memref<1x128x64xf32, #tpu.memory_space<vmem>>
      %dma_start3A_110 = tpu.memref_squeeze %dma_start3A_109 : memref<1x128x64xf32, #tpu.memory_space<vmem>> -> memref<128x64xf32, #tpu.memory_space<vmem>>
      tpu.enqueue_dma source(%dma_start3A_110 : memref<128x64xf32, #tpu.memory_space<vmem>>) target(%dma_start3A_106 : memref<128x64xf32, #tpu.memory_space<vmem_shared>>) target_semaphore(%run_scoped3A_99 : memref<!tpu.dma_semaphore, #tpu.memory_space<semaphore_mem>>)
      %dma_wait3A = arith.constant 0 : i32
      %dma_wait3A_111 = arith.constant 0 : i32
      %dma_wait3A_112 = tpu.memref_slice %arg12[%run_scoped3A_25, %dma_wait3A, %dma_wait3A_111] : memref<4x128x64xf32, #tpu.memory_space<vmem>> -> memref<1x128x64xf32, #tpu.memory_space<vmem>>
      %dma_wait3A_113 = tpu.memref_squeeze %dma_wait3A_112 : memref<1x128x64xf32, #tpu.memory_space<vmem>> -> memref<128x64xf32, #tpu.memory_space<vmem>>
      %dma_wait3A_114 = arith.constant 0 : i32
      %dma_wait3A_115 = tpu.memref_slice %arg13[%add3A_24, %dma_wait3A_114] : memref<10240x64xf32, #tpu.memory_space<vmem_shared>> -> memref<128x64xf32, #tpu.memory_space<vmem_shared>>
      %dma_wait3A_116 = arith.constant 0 : i32
      %dma_wait3A_117 = tpu.memref_slice %arg13[%add3A_24, %dma_wait3A_116] : memref<10240x64xf32, #tpu.memory_space<vmem_shared>> -> memref<128x64xf32, #tpu.memory_space<vmem_shared>>
      %dma_wait3A_118 = arith.constant 0 : i32
      %dma_wait3A_119 = arith.constant 0 : i32
      %dma_wait3A_120 = tpu.memref_slice %arg12[%run_scoped3A_25, %dma_wait3A_118, %dma_wait3A_119] : memref<4x128x64xf32, #tpu.memory_space<vmem>> -> memref<1x128x64xf32, #tpu.memory_space<vmem>>
      %dma_wait3A_121 = tpu.memref_squeeze %dma_wait3A_120 : memref<1x128x64xf32, #tpu.memory_space<vmem>> -> memref<128x64xf32, #tpu.memory_space<vmem>>
      tpu.wait_dma2 semaphore(%run_scoped3A_99 : memref<!tpu.dma_semaphore, #tpu.memory_space<semaphore_mem>>) src(%dma_wait3A_121 : memref<128x64xf32, #tpu.memory_space<vmem>>) dst(%dma_wait3A_117 : memref<128x64xf32, #tpu.memory_space<vmem_shared>>)
      tpu.yield
    }) : () -> ()
    %mul3A_26 = arith.constant 640 : i32
    %mul3A_27 = arith.muli %arg1, %mul3A_26 : i32
    %add3A_28 = arith.constant 256 : i32
    %add3A_29 = arith.addi %mul3A_27, %add3A_28 : i32
    %run_scoped3A_30 = arith.constant 0 : i32
    "tpu.region"() ({
      %run_scoped3A_99 = tpu.sem_alloc : memref<!tpu.dma_semaphore, #tpu.memory_space<semaphore_mem>>
      %dma_start3A = arith.constant 0 : i32
      %dma_start3A_100 = arith.constant 0 : i32
      %dma_start3A_101 = tpu.memref_slice %arg12[%run_scoped3A_30, %dma_start3A, %dma_start3A_100] : memref<4x128x64xf32, #tpu.memory_space<vmem>> -> memref<1x128x64xf32, #tpu.memory_space<vmem>>
      %dma_start3A_102 = tpu.memref_squeeze %dma_start3A_101 : memref<1x128x64xf32, #tpu.memory_space<vmem>> -> memref<128x64xf32, #tpu.memory_space<vmem>>
      %dma_start3A_103 = arith.constant 0 : i32
      %dma_start3A_104 = tpu.memref_slice %arg13[%add3A_29, %dma_start3A_103] : memref<10240x64xf32, #tpu.memory_space<vmem_shared>> -> memref<128x64xf32, #tpu.memory_space<vmem_shared>>
      %dma_start3A_105 = arith.constant 0 : i32
      %dma_start3A_106 = tpu.memref_slice %arg13[%add3A_29, %dma_start3A_105] : memref<10240x64xf32, #tpu.memory_space<vmem_shared>> -> memref<128x64xf32, #tpu.memory_space<vmem_shared>>
      %dma_start3A_107 = arith.constant 0 : i32
      %dma_start3A_108 = arith.constant 0 : i32
      %dma_start3A_109 = tpu.memref_slice %arg12[%run_scoped3A_30, %dma_start3A_107, %dma_start3A_108] : memref<4x128x64xf32, #tpu.memory_space<vmem>> -> memref<1x128x64xf32, #tpu.memory_space<vmem>>
      %dma_start3A_110 = tpu.memref_squeeze %dma_start3A_109 : memref<1x128x64xf32, #tpu.memory_space<vmem>> -> memref<128x64xf32, #tpu.memory_space<vmem>>
      tpu.enqueue_dma source(%dma_start3A_110 : memref<128x64xf32, #tpu.memory_space<vmem>>) target(%dma_start3A_106 : memref<128x64xf32, #tpu.memory_space<vmem_shared>>) target_semaphore(%run_scoped3A_99 : memref<!tpu.dma_semaphore, #tpu.memory_space<semaphore_mem>>)
      %dma_wait3A = arith.constant 0 : i32
      %dma_wait3A_111 = arith.constant 0 : i32
      %dma_wait3A_112 = tpu.memref_slice %arg12[%run_scoped3A_30, %dma_wait3A, %dma_wait3A_111] : memref<4x128x64xf32, #tpu.memory_space<vmem>> -> memref<1x128x64xf32, #tpu.memory_space<vmem>>
      %dma_wait3A_113 = tpu.memref_squeeze %dma_wait3A_112 : memref<1x128x64xf32, #tpu.memory_space<vmem>> -> memref<128x64xf32, #tpu.memory_space<vmem>>
      %dma_wait3A_114 = arith.constant 0 : i32
      %dma_wait3A_115 = tpu.memref_slice %arg13[%add3A_29, %dma_wait3A_114] : memref<10240x64xf32, #tpu.memory_space<vmem_shared>> -> memref<128x64xf32, #tpu.memory_space<vmem_shared>>
      %dma_wait3A_116 = arith.constant 0 : i32
      %dma_wait3A_117 = tpu.memref_slice %arg13[%add3A_29, %dma_wait3A_116] : memref<10240x64xf32, #tpu.memory_space<vmem_shared>> -> memref<128x64xf32, #tpu.memory_space<vmem_shared>>
      %dma_wait3A_118 = arith.constant 0 : i32
      %dma_wait3A_119 = arith.constant 0 : i32
      %dma_wait3A_120 = tpu.memref_slice %arg12[%run_scoped3A_30, %dma_wait3A_118, %dma_wait3A_119] : memref<4x128x64xf32, #tpu.memory_space<vmem>> -> memref<1x128x64xf32, #tpu.memory_space<vmem>>
      %dma_wait3A_121 = tpu.memref_squeeze %dma_wait3A_120 : memref<1x128x64xf32, #tpu.memory_space<vmem>> -> memref<128x64xf32, #tpu.memory_space<vmem>>
      tpu.wait_dma2 semaphore(%run_scoped3A_99 : memref<!tpu.dma_semaphore, #tpu.memory_space<semaphore_mem>>) src(%dma_wait3A_121 : memref<128x64xf32, #tpu.memory_space<vmem>>) dst(%dma_wait3A_117 : memref<128x64xf32, #tpu.memory_space<vmem_shared>>)
      tpu.yield
    }) : () -> ()
    %mul3A_31 = arith.constant 640 : i32
    %mul3A_32 = arith.muli %arg1, %mul3A_31 : i32
    %add3A_33 = arith.constant 384 : i32
    %add3A_34 = arith.addi %mul3A_32, %add3A_33 : i32
    %run_scoped3A_35 = arith.constant 0 : i32
    "tpu.region"() ({
      %run_scoped3A_99 = tpu.sem_alloc : memref<!tpu.dma_semaphore, #tpu.memory_space<semaphore_mem>>
      %dma_start3A = arith.constant 0 : i32
      %dma_start3A_100 = arith.constant 0 : i32
      %dma_start3A_101 = tpu.memref_slice %arg12[%run_scoped3A_35, %dma_start3A, %dma_start3A_100] : memref<4x128x64xf32, #tpu.memory_space<vmem>> -> memref<1x128x64xf32, #tpu.memory_space<vmem>>
      %dma_start3A_102 = tpu.memref_squeeze %dma_start3A_101 : memref<1x128x64xf32, #tpu.memory_space<vmem>> -> memref<128x64xf32, #tpu.memory_space<vmem>>
      %dma_start3A_103 = arith.constant 0 : i32
      %dma_start3A_104 = tpu.memref_slice %arg13[%add3A_34, %dma_start3A_103] : memref<10240x64xf32, #tpu.memory_space<vmem_shared>> -> memref<128x64xf32, #tpu.memory_space<vmem_shared>>
      %dma_start3A_105 = arith.constant 0 : i32
      %dma_start3A_106 = tpu.memref_slice %arg13[%add3A_34, %dma_start3A_105] : memref<10240x64xf32, #tpu.memory_space<vmem_shared>> -> memref<128x64xf32, #tpu.memory_space<vmem_shared>>
      %dma_start3A_107 = arith.constant 0 : i32
      %dma_start3A_108 = arith.constant 0 : i32
      %dma_start3A_109 = tpu.memref_slice %arg12[%run_scoped3A_35, %dma_start3A_107, %dma_start3A_108] : memref<4x128x64xf32, #tpu.memory_space<vmem>> -> memref<1x128x64xf32, #tpu.memory_space<vmem>>
      %dma_start3A_110 = tpu.memref_squeeze %dma_start3A_109 : memref<1x128x64xf32, #tpu.memory_space<vmem>> -> memref<128x64xf32, #tpu.memory_space<vmem>>
      tpu.enqueue_dma source(%dma_start3A_110 : memref<128x64xf32, #tpu.memory_space<vmem>>) target(%dma_start3A_106 : memref<128x64xf32, #tpu.memory_space<vmem_shared>>) target_semaphore(%run_scoped3A_99 : memref<!tpu.dma_semaphore, #tpu.memory_space<semaphore_mem>>)
      %dma_wait3A = arith.constant 0 : i32
      %dma_wait3A_111 = arith.constant 0 : i32
      %dma_wait3A_112 = tpu.memref_slice %arg12[%run_scoped3A_35, %dma_wait3A, %dma_wait3A_111] : memref<4x128x64xf32, #tpu.memory_space<vmem>> -> memref<1x128x64xf32, #tpu.memory_space<vmem>>
      %dma_wait3A_113 = tpu.memref_squeeze %dma_wait3A_112 : memref<1x128x64xf32, #tpu.memory_space<vmem>> -> memref<128x64xf32, #tpu.memory_space<vmem>>
      %dma_wait3A_114 = arith.constant 0 : i32
      %dma_wait3A_115 = tpu.memref_slice %arg13[%add3A_34, %dma_wait3A_114] : memref<10240x64xf32, #tpu.memory_space<vmem_shared>> -> memref<128x64xf32, #tpu.memory_space<vmem_shared>>
      %dma_wait3A_116 = arith.constant 0 : i32
      %dma_wait3A_117 = tpu.memref_slice %arg13[%add3A_34, %dma_wait3A_116] : memref<10240x64xf32, #tpu.memory_space<vmem_shared>> -> memref<128x64xf32, #tpu.memory_space<vmem_shared>>
      %dma_wait3A_118 = arith.constant 0 : i32
      %dma_wait3A_119 = arith.constant 0 : i32
      %dma_wait3A_120 = tpu.memref_slice %arg12[%run_scoped3A_35, %dma_wait3A_118, %dma_wait3A_119] : memref<4x128x64xf32, #tpu.memory_space<vmem>> -> memref<1x128x64xf32, #tpu.memory_space<vmem>>
      %dma_wait3A_121 = tpu.memref_squeeze %dma_wait3A_120 : memref<1x128x64xf32, #tpu.memory_space<vmem>> -> memref<128x64xf32, #tpu.memory_space<vmem>>
      tpu.wait_dma2 semaphore(%run_scoped3A_99 : memref<!tpu.dma_semaphore, #tpu.memory_space<semaphore_mem>>) src(%dma_wait3A_121 : memref<128x64xf32, #tpu.memory_space<vmem>>) dst(%dma_wait3A_117 : memref<128x64xf32, #tpu.memory_space<vmem_shared>>)
      tpu.yield
    }) : () -> ()
    %mul3A_36 = arith.constant 640 : i32
    %mul3A_37 = arith.muli %arg1, %mul3A_36 : i32
    %add3A_38 = arith.constant 512 : i32
    %add3A_39 = arith.addi %mul3A_37, %add3A_38 : i32
    %run_scoped3A_40 = arith.constant 0 : i32
    "tpu.region"() ({
      %run_scoped3A_99 = tpu.sem_alloc : memref<!tpu.dma_semaphore, #tpu.memory_space<semaphore_mem>>
      %dma_start3A = arith.constant 0 : i32
      %dma_start3A_100 = arith.constant 0 : i32
      %dma_start3A_101 = tpu.memref_slice %arg12[%run_scoped3A_40, %dma_start3A, %dma_start3A_100] : memref<4x128x64xf32, #tpu.memory_space<vmem>> -> memref<1x128x64xf32, #tpu.memory_space<vmem>>
      %dma_start3A_102 = tpu.memref_squeeze %dma_start3A_101 : memref<1x128x64xf32, #tpu.memory_space<vmem>> -> memref<128x64xf32, #tpu.memory_space<vmem>>
      %dma_start3A_103 = arith.constant 0 : i32
      %dma_start3A_104 = tpu.memref_slice %arg13[%add3A_39, %dma_start3A_103] : memref<10240x64xf32, #tpu.memory_space<vmem_shared>> -> memref<128x64xf32, #tpu.memory_space<vmem_shared>>
      %dma_start3A_105 = arith.constant 0 : i32
      %dma_start3A_106 = tpu.memref_slice %arg13[%add3A_39, %dma_start3A_105] : memref<10240x64xf32, #tpu.memory_space<vmem_shared>> -> memref<128x64xf32, #tpu.memory_space<vmem_shared>>
      %dma_start3A_107 = arith.constant 0 : i32
      %dma_start3A_108 = arith.constant 0 : i32
      %dma_start3A_109 = tpu.memref_slice %arg12[%run_scoped3A_40, %dma_start3A_107, %dma_start3A_108] : memref<4x128x64xf32, #tpu.memory_space<vmem>> -> memref<1x128x64xf32, #tpu.memory_space<vmem>>
      %dma_start3A_110 = tpu.memref_squeeze %dma_start3A_109 : memref<1x128x64xf32, #tpu.memory_space<vmem>> -> memref<128x64xf32, #tpu.memory_space<vmem>>
      tpu.enqueue_dma source(%dma_start3A_110 : memref<128x64xf32, #tpu.memory_space<vmem>>) target(%dma_start3A_106 : memref<128x64xf32, #tpu.memory_space<vmem_shared>>) target_semaphore(%run_scoped3A_99 : memref<!tpu.dma_semaphore, #tpu.memory_space<semaphore_mem>>)
      %dma_wait3A = arith.constant 0 : i32
      %dma_wait3A_111 = arith.constant 0 : i32
      %dma_wait3A_112 = tpu.memref_slice %arg12[%run_scoped3A_40, %dma_wait3A, %dma_wait3A_111] : memref<4x128x64xf32, #tpu.memory_space<vmem>> -> memref<1x128x64xf32, #tpu.memory_space<vmem>>
      %dma_wait3A_113 = tpu.memref_squeeze %dma_wait3A_112 : memref<1x128x64xf32, #tpu.memory_space<vmem>> -> memref<128x64xf32, #tpu.memory_space<vmem>>
      %dma_wait3A_114 = arith.constant 0 : i32
      %dma_wait3A_115 = tpu.memref_slice %arg13[%add3A_39, %dma_wait3A_114] : memref<10240x64xf32, #tpu.memory_space<vmem_shared>> -> memref<128x64xf32, #tpu.memory_space<vmem_shared>>
      %dma_wait3A_116 = arith.constant 0 : i32
      %dma_wait3A_117 = tpu.memref_slice %arg13[%add3A_39, %dma_wait3A_116] : memref<10240x64xf32, #tpu.memory_space<vmem_shared>> -> memref<128x64xf32, #tpu.memory_space<vmem_shared>>
      %dma_wait3A_118 = arith.constant 0 : i32
      %dma_wait3A_119 = arith.constant 0 : i32
      %dma_wait3A_120 = tpu.memref_slice %arg12[%run_scoped3A_40, %dma_wait3A_118, %dma_wait3A_119] : memref<4x128x64xf32, #tpu.memory_space<vmem>> -> memref<1x128x64xf32, #tpu.memory_space<vmem>>
      %dma_wait3A_121 = tpu.memref_squeeze %dma_wait3A_120 : memref<1x128x64xf32, #tpu.memory_space<vmem>> -> memref<128x64xf32, #tpu.memory_space<vmem>>
      tpu.wait_dma2 semaphore(%run_scoped3A_99 : memref<!tpu.dma_semaphore, #tpu.memory_space<semaphore_mem>>) src(%dma_wait3A_121 : memref<128x64xf32, #tpu.memory_space<vmem>>) dst(%dma_wait3A_117 : memref<128x64xf32, #tpu.memory_space<vmem_shared>>)
      tpu.yield
    }) : () -> ()
    %barrier3A = arith.constant 0 : index
    tpu.barrier barrier_id(%barrier3A)
    %while3A = arith.constant 0 : i32
    %while3A_41 = arith.constant 0 : i32
    %while3A_42 = arith.subi %select_n3A, %while3A_41 : i32
    %while3A_43 = arith.addi %while3A_41, %while3A_42 : i32
    %while3A_44 = arith.constant 1 : i32
    %while3A_45 = arith.divsi %while3A_42, %while3A_44 : i32
    %while3A_46 = arith.muli %while3A_45, %while3A_44 : i32
    %while3A_47 = arith.addi %while3A_41, %while3A_46 : i32
    %while3A_48 = arith.constant 1 : i32
    scf.for %while3A_99 = %while3A_41 to %while3A_47 step %while3A_48  : i32 {
      %mul3A_100 = arith.constant 4 : i32
      %mul3A_101 = arith.muli %while3A_99, %mul3A_100 : i32
      %add3A_102 = arith.constant 0 : i32
      %add3A_103 = arith.addi %mul3A_101, %add3A_102 : i32
      %dma_start3A = arith.constant 0 : i32
      %dma_start3A_104 = arith.constant 0 : i32
      %dma_start3A_105 = arith.constant 0 : i32
      %dma_start3A_106 = arith.constant 0 : i32
      %dma_start3A_107 = tpu.memref_slice %arg12[%dma_start3A, %dma_start3A_105, %dma_start3A_106] : memref<4x128x64xf32, #tpu.memory_space<vmem>> -> memref<1x128x64xf32, #tpu.memory_space<vmem>>
      %dma_start3A_108 = tpu.memref_squeeze %dma_start3A_107 : memref<1x128x64xf32, #tpu.memory_space<vmem>> -> memref<128x64xf32, #tpu.memory_space<vmem>>
      %dma_start3A_109 = arith.constant 0 : i32
      %dma_start3A_110 = tpu.memref_slice %arg10[%add3A_103, %dma_start3A_109] : memref<144x128xi32, #tpu.memory_space<vmem>> -> memref<1x128xi32, #tpu.memory_space<vmem>>
      %dma_start3A_111 = tpu.memref_squeeze %dma_start3A_110 : memref<1x128xi32, #tpu.memory_space<vmem>> -> memref<128xi32, #tpu.memory_space<vmem>>
      %dma_start3A_112 = arith.constant 0 : i32
      %dma_start3A_113 = arith.constant 0 : i32
      %dma_start3A_114 = tpu.memref_slice %arg2[%dma_start3A_112, %dma_start3A_113] : memref<10000x64xf32, #tpu.memory_space<hbm>> -> memref<10000x64xf32, #tpu.memory_space<hbm>>
      %dma_start3A_115 = tpu.memref_slice %arg14[%dma_start3A_104] : memref<4x!tpu.dma_semaphore, #tpu.memory_space<semaphore_mem>> -> memref<1x!tpu.dma_semaphore, #tpu.memory_space<semaphore_mem>>
      %dma_start3A_116 = tpu.memref_squeeze %dma_start3A_115 : memref<1x!tpu.dma_semaphore, #tpu.memory_space<semaphore_mem>> -> memref<!tpu.dma_semaphore, #tpu.memory_space<semaphore_mem>>
      tpu.enqueue_indirect_dma source(%dma_start3A_114 : memref<10000x64xf32, #tpu.memory_space<hbm>>) target(%dma_start3A_108 : memref<128x64xf32, #tpu.memory_space<vmem>>) offsets(%dma_start3A_111 : memref<128xi32, #tpu.memory_space<vmem>>) semaphore(%dma_start3A_116 : memref<!tpu.dma_semaphore, #tpu.memory_space<semaphore_mem>>)
      %add3A_117 = arith.constant 1 : i32
      %add3A_118 = arith.addi %mul3A_101, %add3A_117 : i32
      %dma_start3A_119 = arith.constant 1 : i32
      %dma_start3A_120 = arith.constant 1 : i32
      %dma_start3A_121 = arith.constant 0 : i32
      %dma_start3A_122 = arith.constant 0 : i32
      %dma_start3A_123 = tpu.memref_slice %arg12[%dma_start3A_119, %dma_start3A_121, %dma_start3A_122] : memref<4x128x64xf32, #tpu.memory_space<vmem>> -> memref<1x128x64xf32, #tpu.memory_space<vmem>>
      %dma_start3A_124 = tpu.memref_squeeze %dma_start3A_123 : memref<1x128x64xf32, #tpu.memory_space<vmem>> -> memref<128x64xf32, #tpu.memory_space<vmem>>
      %dma_start3A_125 = arith.constant 0 : i32
      %dma_start3A_126 = tpu.memref_slice %arg10[%add3A_118, %dma_start3A_125] : memref<144x128xi32, #tpu.memory_space<vmem>> -> memref<1x128xi32, #tpu.memory_space<vmem>>
      %dma_start3A_127 = tpu.memref_squeeze %dma_start3A_126 : memref<1x128xi32, #tpu.memory_space<vmem>> -> memref<128xi32, #tpu.memory_space<vmem>>
      %dma_start3A_128 = arith.constant 0 : i32
      %dma_start3A_129 = arith.constant 0 : i32
      %dma_start3A_130 = tpu.memref_slice %arg2[%dma_start3A_128, %dma_start3A_129] : memref<10000x64xf32, #tpu.memory_space<hbm>> -> memref<10000x64xf32, #tpu.memory_space<hbm>>
      %dma_start3A_131 = tpu.memref_slice %arg14[%dma_start3A_120] : memref<4x!tpu.dma_semaphore, #tpu.memory_space<semaphore_mem>> -> memref<1x!tpu.dma_semaphore, #tpu.memory_space<semaphore_mem>>
      %dma_start3A_132 = tpu.memref_squeeze %dma_start3A_131 : memref<1x!tpu.dma_semaphore, #tpu.memory_space<semaphore_mem>> -> memref<!tpu.dma_semaphore, #tpu.memory_space<semaphore_mem>>
      tpu.enqueue_indirect_dma source(%dma_start3A_130 : memref<10000x64xf32, #tpu.memory_space<hbm>>) target(%dma_start3A_124 : memref<128x64xf32, #tpu.memory_space<vmem>>) offsets(%dma_start3A_127 : memref<128xi32, #tpu.memory_space<vmem>>) semaphore(%dma_start3A_132 : memref<!tpu.dma_semaphore, #tpu.memory_space<semaphore_mem>>)
      %add3A_133 = arith.constant 2 : i32
      %add3A_134 = arith.addi %mul3A_101, %add3A_133 : i32
      %dma_start3A_135 = arith.constant 2 : i32
      %dma_start3A_136 = arith.constant 2 : i32
      %dma_start3A_137 = arith.constant 0 : i32
      %dma_start3A_138 = arith.constant 0 : i32
      %dma_start3A_139 = tpu.memref_slice %arg12[%dma_start3A_135, %dma_start3A_137, %dma_start3A_138] : memref<4x128x64xf32, #tpu.memory_space<vmem>> -> memref<1x128x64xf32, #tpu.memory_space<vmem>>
      %dma_start3A_140 = tpu.memref_squeeze %dma_start3A_139 : memref<1x128x64xf32, #tpu.memory_space<vmem>> -> memref<128x64xf32, #tpu.memory_space<vmem>>
      %dma_start3A_141 = arith.constant 0 : i32
      %dma_start3A_142 = tpu.memref_slice %arg10[%add3A_134, %dma_start3A_141] : memref<144x128xi32, #tpu.memory_space<vmem>> -> memref<1x128xi32, #tpu.memory_space<vmem>>
      %dma_start3A_143 = tpu.memref_squeeze %dma_start3A_142 : memref<1x128xi32, #tpu.memory_space<vmem>> -> memref<128xi32, #tpu.memory_space<vmem>>
      %dma_start3A_144 = arith.constant 0 : i32
      %dma_start3A_145 = arith.constant 0 : i32
      %dma_start3A_146 = tpu.memref_slice %arg2[%dma_start3A_144, %dma_start3A_145] : memref<10000x64xf32, #tpu.memory_space<hbm>> -> memref<10000x64xf32, #tpu.memory_space<hbm>>
      %dma_start3A_147 = tpu.memref_slice %arg14[%dma_start3A_136] : memref<4x!tpu.dma_semaphore, #tpu.memory_space<semaphore_mem>> -> memref<1x!tpu.dma_semaphore, #tpu.memory_space<semaphore_mem>>
      %dma_start3A_148 = tpu.memref_squeeze %dma_start3A_147 : memref<1x!tpu.dma_semaphore, #tpu.memory_space<semaphore_mem>> -> memref<!tpu.dma_semaphore, #tpu.memory_space<semaphore_mem>>
      tpu.enqueue_indirect_dma source(%dma_start3A_146 : memref<10000x64xf32, #tpu.memory_space<hbm>>) target(%dma_start3A_140 : memref<128x64xf32, #tpu.memory_space<vmem>>) offsets(%dma_start3A_143 : memref<128xi32, #tpu.memory_space<vmem>>) semaphore(%dma_start3A_148 : memref<!tpu.dma_semaphore, #tpu.memory_space<semaphore_mem>>)
      %add3A_149 = arith.constant 3 : i32
      %add3A_150 = arith.addi %mul3A_101, %add3A_149 : i32
      %dma_start3A_151 = arith.constant 3 : i32
      %dma_start3A_152 = arith.constant 3 : i32
      %dma_start3A_153 = arith.constant 0 : i32
      %dma_start3A_154 = arith.constant 0 : i32
      %dma_start3A_155 = tpu.memref_slice %arg12[%dma_start3A_151, %dma_start3A_153, %dma_start3A_154] : memref<4x128x64xf32, #tpu.memory_space<vmem>> -> memref<1x128x64xf32, #tpu.memory_space<vmem>>
      %dma_start3A_156 = tpu.memref_squeeze %dma_start3A_155 : memref<1x128x64xf32, #tpu.memory_space<vmem>> -> memref<128x64xf32, #tpu.memory_space<vmem>>
      %dma_start3A_157 = arith.constant 0 : i32
      %dma_start3A_158 = tpu.memref_slice %arg10[%add3A_150, %dma_start3A_157] : memref<144x128xi32, #tpu.memory_space<vmem>> -> memref<1x128xi32, #tpu.memory_space<vmem>>
      %dma_start3A_159 = tpu.memref_squeeze %dma_start3A_158 : memref<1x128xi32, #tpu.memory_space<vmem>> -> memref<128xi32, #tpu.memory_space<vmem>>
      %dma_start3A_160 = arith.constant 0 : i32
      %dma_start3A_161 = arith.constant 0 : i32
      %dma_start3A_162 = tpu.memref_slice %arg2[%dma_start3A_160, %dma_start3A_161] : memref<10000x64xf32, #tpu.memory_space<hbm>> -> memref<10000x64xf32, #tpu.memory_space<hbm>>
      %dma_start3A_163 = tpu.memref_slice %arg14[%dma_start3A_152] : memref<4x!tpu.dma_semaphore, #tpu.memory_space<semaphore_mem>> -> memref<1x!tpu.dma_semaphore, #tpu.memory_space<semaphore_mem>>
      %dma_start3A_164 = tpu.memref_squeeze %dma_start3A_163 : memref<1x!tpu.dma_semaphore, #tpu.memory_space<semaphore_mem>> -> memref<!tpu.dma_semaphore, #tpu.memory_space<semaphore_mem>>
      tpu.enqueue_indirect_dma source(%dma_start3A_162 : memref<10000x64xf32, #tpu.memory_space<hbm>>) target(%dma_start3A_156 : memref<128x64xf32, #tpu.memory_space<vmem>>) offsets(%dma_start3A_159 : memref<128xi32, #tpu.memory_space<vmem>>) semaphore(%dma_start3A_164 : memref<!tpu.dma_semaphore, #tpu.memory_space<semaphore_mem>>)
      %dma_wait3A = arith.constant 0 : i32
      %dma_wait3A_165 = arith.constant 0 : i32
      %dma_wait3A_166 = arith.constant 0 : i32
      %dma_wait3A_167 = arith.constant 0 : i32
      %dma_wait3A_168 = tpu.memref_slice %arg12[%dma_wait3A, %dma_wait3A_166, %dma_wait3A_167] : memref<4x128x64xf32, #tpu.memory_space<vmem>> -> memref<1x128x64xf32, #tpu.memory_space<vmem>>
      %dma_wait3A_169 = tpu.memref_squeeze %dma_wait3A_168 : memref<1x128x64xf32, #tpu.memory_space<vmem>> -> memref<128x64xf32, #tpu.memory_space<vmem>>
      %dma_wait3A_170 = arith.constant 0 : i32
      %dma_wait3A_171 = tpu.memref_slice %arg10[%add3A_103, %dma_wait3A_170] : memref<144x128xi32, #tpu.memory_space<vmem>> -> memref<1x128xi32, #tpu.memory_space<vmem>>
      %dma_wait3A_172 = tpu.memref_squeeze %dma_wait3A_171 : memref<1x128xi32, #tpu.memory_space<vmem>> -> memref<128xi32, #tpu.memory_space<vmem>>
      %dma_wait3A_173 = arith.constant 0 : i32
      %dma_wait3A_174 = arith.constant 0 : i32
      %dma_wait3A_175 = tpu.memref_slice %arg2[%dma_wait3A_173, %dma_wait3A_174] : memref<10000x64xf32, #tpu.memory_space<hbm>> -> memref<10000x64xf32, #tpu.memory_space<hbm>>
      %dma_wait3A_176 = tpu.memref_slice %arg14[%dma_wait3A_165] : memref<4x!tpu.dma_semaphore, #tpu.memory_space<semaphore_mem>> -> memref<1x!tpu.dma_semaphore, #tpu.memory_space<semaphore_mem>>
      %dma_wait3A_177 = tpu.memref_squeeze %dma_wait3A_176 : memref<1x!tpu.dma_semaphore, #tpu.memory_space<semaphore_mem>> -> memref<!tpu.dma_semaphore, #tpu.memory_space<semaphore_mem>>
      tpu.wait_indirect_dma semaphore(%dma_wait3A_177 : memref<!tpu.dma_semaphore, #tpu.memory_space<semaphore_mem>>) src(%dma_wait3A_175 : memref<10000x64xf32, #tpu.memory_space<hbm>>) dst(%dma_wait3A_169 : memref<128x64xf32, #tpu.memory_space<vmem>>)
      %add3A_178 = arith.constant 0 : i32
      %add3A_179 = arith.addi %mul3A_101, %add3A_178 : i32
      %dma_start3A_180 = arith.constant 0 : i32
      %dma_start3A_181 = arith.constant 0 : i32
      %dma_start3A_182 = arith.constant 0 : i32
      %dma_start3A_183 = arith.constant 0 : i32
      %dma_start3A_184 = tpu.memref_slice %arg12[%dma_start3A_180, %dma_start3A_182, %dma_start3A_183] : memref<4x128x64xf32, #tpu.memory_space<vmem>> -> memref<1x128x64xf32, #tpu.memory_space<vmem>>
      %dma_start3A_185 = tpu.memref_squeeze %dma_start3A_184 : memref<1x128x64xf32, #tpu.memory_space<vmem>> -> memref<128x64xf32, #tpu.memory_space<vmem>>
      %dma_start3A_186 = arith.constant 0 : i32
      %dma_start3A_187 = tpu.memref_slice %arg11[%add3A_179, %dma_start3A_186] : memref<144x128xi32, #tpu.memory_space<vmem>> -> memref<1x128xi32, #tpu.memory_space<vmem>>
      %dma_start3A_188 = tpu.memref_squeeze %dma_start3A_187 : memref<1x128xi32, #tpu.memory_space<vmem>> -> memref<128xi32, #tpu.memory_space<vmem>>
      %dma_start3A_189 = arith.constant 0 : i32
      %dma_start3A_190 = arith.constant 0 : i32
      %dma_start3A_191 = tpu.memref_slice %arg13[%dma_start3A_189, %dma_start3A_190] : memref<10240x64xf32, #tpu.memory_space<vmem_shared>> -> memref<10240x64xf32, #tpu.memory_space<vmem_shared>>
      %dma_start3A_192 = tpu.memref_slice %arg15[%dma_start3A_181] : memref<4x!tpu.dma_semaphore, #tpu.memory_space<semaphore_mem>> -> memref<1x!tpu.dma_semaphore, #tpu.memory_space<semaphore_mem>>
      %dma_start3A_193 = tpu.memref_squeeze %dma_start3A_192 : memref<1x!tpu.dma_semaphore, #tpu.memory_space<semaphore_mem>> -> memref<!tpu.dma_semaphore, #tpu.memory_space<semaphore_mem>>
      tpu.enqueue_indirect_dma source(%dma_start3A_185 : memref<128x64xf32, #tpu.memory_space<vmem>>) target(%dma_start3A_191 : memref<10240x64xf32, #tpu.memory_space<vmem_shared>>) offsets(%dma_start3A_188 : memref<128xi32, #tpu.memory_space<vmem>>) semaphore(%dma_start3A_193 : memref<!tpu.dma_semaphore, #tpu.memory_space<semaphore_mem>>) {add = true}
      %dma_wait3A_194 = arith.constant 1 : i32
      %dma_wait3A_195 = arith.constant 1 : i32
      %dma_wait3A_196 = arith.constant 0 : i32
      %dma_wait3A_197 = arith.constant 0 : i32
      %dma_wait3A_198 = tpu.memref_slice %arg12[%dma_wait3A_194, %dma_wait3A_196, %dma_wait3A_197] : memref<4x128x64xf32, #tpu.memory_space<vmem>> -> memref<1x128x64xf32, #tpu.memory_space<vmem>>
      %dma_wait3A_199 = tpu.memref_squeeze %dma_wait3A_198 : memref<1x128x64xf32, #tpu.memory_space<vmem>> -> memref<128x64xf32, #tpu.memory_space<vmem>>
      %dma_wait3A_200 = arith.constant 0 : i32
      %dma_wait3A_201 = tpu.memref_slice %arg10[%add3A_118, %dma_wait3A_200] : memref<144x128xi32, #tpu.memory_space<vmem>> -> memref<1x128xi32, #tpu.memory_space<vmem>>
      %dma_wait3A_202 = tpu.memref_squeeze %dma_wait3A_201 : memref<1x128xi32, #tpu.memory_space<vmem>> -> memref<128xi32, #tpu.memory_space<vmem>>
      %dma_wait3A_203 = arith.constant 0 : i32
      %dma_wait3A_204 = arith.constant 0 : i32
      %dma_wait3A_205 = tpu.memref_slice %arg2[%dma_wait3A_203, %dma_wait3A_204] : memref<10000x64xf32, #tpu.memory_space<hbm>> -> memref<10000x64xf32, #tpu.memory_space<hbm>>
      %dma_wait3A_206 = tpu.memref_slice %arg14[%dma_wait3A_195] : memref<4x!tpu.dma_semaphore, #tpu.memory_space<semaphore_mem>> -> memref<1x!tpu.dma_semaphore, #tpu.memory_space<semaphore_mem>>
      %dma_wait3A_207 = tpu.memref_squeeze %dma_wait3A_206 : memref<1x!tpu.dma_semaphore, #tpu.memory_space<semaphore_mem>> -> memref<!tpu.dma_semaphore, #tpu.memory_space<semaphore_mem>>
      tpu.wait_indirect_dma semaphore(%dma_wait3A_207 : memref<!tpu.dma_semaphore, #tpu.memory_space<semaphore_mem>>) src(%dma_wait3A_205 : memref<10000x64xf32, #tpu.memory_space<hbm>>) dst(%dma_wait3A_199 : memref<128x64xf32, #tpu.memory_space<vmem>>)
      %add3A_208 = arith.constant 1 : i32
      %add3A_209 = arith.addi %mul3A_101, %add3A_208 : i32
      %dma_start3A_210 = arith.constant 1 : i32
      %dma_start3A_211 = arith.constant 1 : i32
      %dma_start3A_212 = arith.constant 0 : i32
      %dma_start3A_213 = arith.constant 0 : i32
      %dma_start3A_214 = tpu.memref_slice %arg12[%dma_start3A_210, %dma_start3A_212, %dma_start3A_213] : memref<4x128x64xf32, #tpu.memory_space<vmem>> -> memref<1x128x64xf32, #tpu.memory_space<vmem>>
      %dma_start3A_215 = tpu.memref_squeeze %dma_start3A_214 : memref<1x128x64xf32, #tpu.memory_space<vmem>> -> memref<128x64xf32, #tpu.memory_space<vmem>>
      %dma_start3A_216 = arith.constant 0 : i32
      %dma_start3A_217 = tpu.memref_slice %arg11[%add3A_209, %dma_start3A_216] : memref<144x128xi32, #tpu.memory_space<vmem>> -> memref<1x128xi32, #tpu.memory_space<vmem>>
      %dma_start3A_218 = tpu.memref_squeeze %dma_start3A_217 : memref<1x128xi32, #tpu.memory_space<vmem>> -> memref<128xi32, #tpu.memory_space<vmem>>
      %dma_start3A_219 = arith.constant 0 : i32
      %dma_start3A_220 = arith.constant 0 : i32
      %dma_start3A_221 = tpu.memref_slice %arg13[%dma_start3A_219, %dma_start3A_220] : memref<10240x64xf32, #tpu.memory_space<vmem_shared>> -> memref<10240x64xf32, #tpu.memory_space<vmem_shared>>
      %dma_start3A_222 = tpu.memref_slice %arg15[%dma_start3A_211] : memref<4x!tpu.dma_semaphore, #tpu.memory_space<semaphore_mem>> -> memref<1x!tpu.dma_semaphore, #tpu.memory_space<semaphore_mem>>
      %dma_start3A_223 = tpu.memref_squeeze %dma_start3A_222 : memref<1x!tpu.dma_semaphore, #tpu.memory_space<semaphore_mem>> -> memref<!tpu.dma_semaphore, #tpu.memory_space<semaphore_mem>>
      tpu.enqueue_indirect_dma source(%dma_start3A_215 : memref<128x64xf32, #tpu.memory_space<vmem>>) target(%dma_start3A_221 : memref<10240x64xf32, #tpu.memory_space<vmem_shared>>) offsets(%dma_start3A_218 : memref<128xi32, #tpu.memory_space<vmem>>) semaphore(%dma_start3A_223 : memref<!tpu.dma_semaphore, #tpu.memory_space<semaphore_mem>>) {add = true}
      %dma_wait3A_224 = arith.constant 2 : i32
      %dma_wait3A_225 = arith.constant 2 : i32
      %dma_wait3A_226 = arith.constant 0 : i32
      %dma_wait3A_227 = arith.constant 0 : i32
      %dma_wait3A_228 = tpu.memref_slice %arg12[%dma_wait3A_224, %dma_wait3A_226, %dma_wait3A_227] : memref<4x128x64xf32, #tpu.memory_space<vmem>> -> memref<1x128x64xf32, #tpu.memory_space<vmem>>
      %dma_wait3A_229 = tpu.memref_squeeze %dma_wait3A_228 : memref<1x128x64xf32, #tpu.memory_space<vmem>> -> memref<128x64xf32, #tpu.memory_space<vmem>>
      %dma_wait3A_230 = arith.constant 0 : i32
      %dma_wait3A_231 = tpu.memref_slice %arg10[%add3A_134, %dma_wait3A_230] : memref<144x128xi32, #tpu.memory_space<vmem>> -> memref<1x128xi32, #tpu.memory_space<vmem>>
      %dma_wait3A_232 = tpu.memref_squeeze %dma_wait3A_231 : memref<1x128xi32, #tpu.memory_space<vmem>> -> memref<128xi32, #tpu.memory_space<vmem>>
      %dma_wait3A_233 = arith.constant 0 : i32
      %dma_wait3A_234 = arith.constant 0 : i32
      %dma_wait3A_235 = tpu.memref_slice %arg2[%dma_wait3A_233, %dma_wait3A_234] : memref<10000x64xf32, #tpu.memory_space<hbm>> -> memref<10000x64xf32, #tpu.memory_space<hbm>>
      %dma_wait3A_236 = tpu.memref_slice %arg14[%dma_wait3A_225] : memref<4x!tpu.dma_semaphore, #tpu.memory_space<semaphore_mem>> -> memref<1x!tpu.dma_semaphore, #tpu.memory_space<semaphore_mem>>
      %dma_wait3A_237 = tpu.memref_squeeze %dma_wait3A_236 : memref<1x!tpu.dma_semaphore, #tpu.memory_space<semaphore_mem>> -> memref<!tpu.dma_semaphore, #tpu.memory_space<semaphore_mem>>
      tpu.wait_indirect_dma semaphore(%dma_wait3A_237 : memref<!tpu.dma_semaphore, #tpu.memory_space<semaphore_mem>>) src(%dma_wait3A_235 : memref<10000x64xf32, #tpu.memory_space<hbm>>) dst(%dma_wait3A_229 : memref<128x64xf32, #tpu.memory_space<vmem>>)
      %add3A_238 = arith.constant 2 : i32
      %add3A_239 = arith.addi %mul3A_101, %add3A_238 : i32
      %dma_start3A_240 = arith.constant 2 : i32
      %dma_start3A_241 = arith.constant 2 : i32
      %dma_start3A_242 = arith.constant 0 : i32
      %dma_start3A_243 = arith.constant 0 : i32
      %dma_start3A_244 = tpu.memref_slice %arg12[%dma_start3A_240, %dma_start3A_242, %dma_start3A_243] : memref<4x128x64xf32, #tpu.memory_space<vmem>> -> memref<1x128x64xf32, #tpu.memory_space<vmem>>
      %dma_start3A_245 = tpu.memref_squeeze %dma_start3A_244 : memref<1x128x64xf32, #tpu.memory_space<vmem>> -> memref<128x64xf32, #tpu.memory_space<vmem>>
      %dma_start3A_246 = arith.constant 0 : i32
      %dma_start3A_247 = tpu.memref_slice %arg11[%add3A_239, %dma_start3A_246] : memref<144x128xi32, #tpu.memory_space<vmem>> -> memref<1x128xi32, #tpu.memory_space<vmem>>
      %dma_start3A_248 = tpu.memref_squeeze %dma_start3A_247 : memref<1x128xi32, #tpu.memory_space<vmem>> -> memref<128xi32, #tpu.memory_space<vmem>>
      %dma_start3A_249 = arith.constant 0 : i32
      %dma_start3A_250 = arith.constant 0 : i32
      %dma_start3A_251 = tpu.memref_slice %arg13[%dma_start3A_249, %dma_start3A_250] : memref<10240x64xf32, #tpu.memory_space<vmem_shared>> -> memref<10240x64xf32, #tpu.memory_space<vmem_shared>>
      %dma_start3A_252 = tpu.memref_slice %arg15[%dma_start3A_241] : memref<4x!tpu.dma_semaphore, #tpu.memory_space<semaphore_mem>> -> memref<1x!tpu.dma_semaphore, #tpu.memory_space<semaphore_mem>>
      %dma_start3A_253 = tpu.memref_squeeze %dma_start3A_252 : memref<1x!tpu.dma_semaphore, #tpu.memory_space<semaphore_mem>> -> memref<!tpu.dma_semaphore, #tpu.memory_space<semaphore_mem>>
      tpu.enqueue_indirect_dma source(%dma_start3A_245 : memref<128x64xf32, #tpu.memory_space<vmem>>) target(%dma_start3A_251 : memref<10240x64xf32, #tpu.memory_space<vmem_shared>>) offsets(%dma_start3A_248 : memref<128xi32, #tpu.memory_space<vmem>>) semaphore(%dma_start3A_253 : memref<!tpu.dma_semaphore, #tpu.memory_space<semaphore_mem>>) {add = true}
      %dma_wait3A_254 = arith.constant 3 : i32
      %dma_wait3A_255 = arith.constant 3 : i32
      %dma_wait3A_256 = arith.constant 0 : i32
      %dma_wait3A_257 = arith.constant 0 : i32
      %dma_wait3A_258 = tpu.memref_slice %arg12[%dma_wait3A_254, %dma_wait3A_256, %dma_wait3A_257] : memref<4x128x64xf32, #tpu.memory_space<vmem>> -> memref<1x128x64xf32, #tpu.memory_space<vmem>>
      %dma_wait3A_259 = tpu.memref_squeeze %dma_wait3A_258 : memref<1x128x64xf32, #tpu.memory_space<vmem>> -> memref<128x64xf32, #tpu.memory_space<vmem>>
      %dma_wait3A_260 = arith.constant 0 : i32
      %dma_wait3A_261 = tpu.memref_slice %arg10[%add3A_150, %dma_wait3A_260] : memref<144x128xi32, #tpu.memory_space<vmem>> -> memref<1x128xi32, #tpu.memory_space<vmem>>
      %dma_wait3A_262 = tpu.memref_squeeze %dma_wait3A_261 : memref<1x128xi32, #tpu.memory_space<vmem>> -> memref<128xi32, #tpu.memory_space<vmem>>
      %dma_wait3A_263 = arith.constant 0 : i32
      %dma_wait3A_264 = arith.constant 0 : i32
      %dma_wait3A_265 = tpu.memref_slice %arg2[%dma_wait3A_263, %dma_wait3A_264] : memref<10000x64xf32, #tpu.memory_space<hbm>> -> memref<10000x64xf32, #tpu.memory_space<hbm>>
      %dma_wait3A_266 = tpu.memref_slice %arg14[%dma_wait3A_255] : memref<4x!tpu.dma_semaphore, #tpu.memory_space<semaphore_mem>> -> memref<1x!tpu.dma_semaphore, #tpu.memory_space<semaphore_mem>>
      %dma_wait3A_267 = tpu.memref_squeeze %dma_wait3A_266 : memref<1x!tpu.dma_semaphore, #tpu.memory_space<semaphore_mem>> -> memref<!tpu.dma_semaphore, #tpu.memory_space<semaphore_mem>>
      tpu.wait_indirect_dma semaphore(%dma_wait3A_267 : memref<!tpu.dma_semaphore, #tpu.memory_space<semaphore_mem>>) src(%dma_wait3A_265 : memref<10000x64xf32, #tpu.memory_space<hbm>>) dst(%dma_wait3A_259 : memref<128x64xf32, #tpu.memory_space<vmem>>)
      %add3A_268 = arith.constant 3 : i32
      %add3A_269 = arith.addi %mul3A_101, %add3A_268 : i32
      %dma_start3A_270 = arith.constant 3 : i32
      %dma_start3A_271 = arith.constant 3 : i32
      %dma_start3A_272 = arith.constant 0 : i32
      %dma_start3A_273 = arith.constant 0 : i32
      %dma_start3A_274 = tpu.memref_slice %arg12[%dma_start3A_270, %dma_start3A_272, %dma_start3A_273] : memref<4x128x64xf32, #tpu.memory_space<vmem>> -> memref<1x128x64xf32, #tpu.memory_space<vmem>>
      %dma_start3A_275 = tpu.memref_squeeze %dma_start3A_274 : memref<1x128x64xf32, #tpu.memory_space<vmem>> -> memref<128x64xf32, #tpu.memory_space<vmem>>
      %dma_start3A_276 = arith.constant 0 : i32
      %dma_start3A_277 = tpu.memref_slice %arg11[%add3A_269, %dma_start3A_276] : memref<144x128xi32, #tpu.memory_space<vmem>> -> memref<1x128xi32, #tpu.memory_space<vmem>>
      %dma_start3A_278 = tpu.memref_squeeze %dma_start3A_277 : memref<1x128xi32, #tpu.memory_space<vmem>> -> memref<128xi32, #tpu.memory_space<vmem>>
      %dma_start3A_279 = arith.constant 0 : i32
      %dma_start3A_280 = arith.constant 0 : i32
      %dma_start3A_281 = tpu.memref_slice %arg13[%dma_start3A_279, %dma_start3A_280] : memref<10240x64xf32, #tpu.memory_space<vmem_shared>> -> memref<10240x64xf32, #tpu.memory_space<vmem_shared>>
      %dma_start3A_282 = tpu.memref_slice %arg15[%dma_start3A_271] : memref<4x!tpu.dma_semaphore, #tpu.memory_space<semaphore_mem>> -> memref<1x!tpu.dma_semaphore, #tpu.memory_space<semaphore_mem>>
      %dma_start3A_283 = tpu.memref_squeeze %dma_start3A_282 : memref<1x!tpu.dma_semaphore, #tpu.memory_space<semaphore_mem>> -> memref<!tpu.dma_semaphore, #tpu.memory_space<semaphore_mem>>
      tpu.enqueue_indirect_dma source(%dma_start3A_275 : memref<128x64xf32, #tpu.memory_space<vmem>>) target(%dma_start3A_281 : memref<10240x64xf32, #tpu.memory_space<vmem_shared>>) offsets(%dma_start3A_278 : memref<128xi32, #tpu.memory_space<vmem>>) semaphore(%dma_start3A_283 : memref<!tpu.dma_semaphore, #tpu.memory_space<semaphore_mem>>) {add = true}
      %dma_wait3A_284 = arith.constant 0 : i32
      %dma_wait3A_285 = arith.constant 0 : i32
      %dma_wait3A_286 = arith.constant 0 : i32
      %dma_wait3A_287 = arith.constant 0 : i32
      %dma_wait3A_288 = tpu.memref_slice %arg12[%dma_wait3A_284, %dma_wait3A_286, %dma_wait3A_287] : memref<4x128x64xf32, #tpu.memory_space<vmem>> -> memref<1x128x64xf32, #tpu.memory_space<vmem>>
      %dma_wait3A_289 = tpu.memref_squeeze %dma_wait3A_288 : memref<1x128x64xf32, #tpu.memory_space<vmem>> -> memref<128x64xf32, #tpu.memory_space<vmem>>
      %dma_wait3A_290 = arith.constant 0 : i32
      %dma_wait3A_291 = tpu.memref_slice %arg11[%add3A_179, %dma_wait3A_290] : memref<144x128xi32, #tpu.memory_space<vmem>> -> memref<1x128xi32, #tpu.memory_space<vmem>>
      %dma_wait3A_292 = tpu.memref_squeeze %dma_wait3A_291 : memref<1x128xi32, #tpu.memory_space<vmem>> -> memref<128xi32, #tpu.memory_space<vmem>>
      %dma_wait3A_293 = arith.constant 0 : i32
      %dma_wait3A_294 = arith.constant 0 : i32
      %dma_wait3A_295 = tpu.memref_slice %arg13[%dma_wait3A_293, %dma_wait3A_294] : memref<10240x64xf32, #tpu.memory_space<vmem_shared>> -> memref<10240x64xf32, #tpu.memory_space<vmem_shared>>
      %dma_wait3A_296 = tpu.memref_slice %arg15[%dma_wait3A_285] : memref<4x!tpu.dma_semaphore, #tpu.memory_space<semaphore_mem>> -> memref<1x!tpu.dma_semaphore, #tpu.memory_space<semaphore_mem>>
      %dma_wait3A_297 = tpu.memref_squeeze %dma_wait3A_296 : memref<1x!tpu.dma_semaphore, #tpu.memory_space<semaphore_mem>> -> memref<!tpu.dma_semaphore, #tpu.memory_space<semaphore_mem>>
      tpu.wait_indirect_dma semaphore(%dma_wait3A_297 : memref<!tpu.dma_semaphore, #tpu.memory_space<semaphore_mem>>) src(%dma_wait3A_289 : memref<128x64xf32, #tpu.memory_space<vmem>>) dst(%dma_wait3A_295 : memref<10240x64xf32, #tpu.memory_space<vmem_shared>>)
      %dma_wait3A_298 = arith.constant 1 : i32
      %dma_wait3A_299 = arith.constant 1 : i32
      %dma_wait3A_300 = arith.constant 0 : i32
      %dma_wait3A_301 = arith.constant 0 : i32
      %dma_wait3A_302 = tpu.memref_slice %arg12[%dma_wait3A_298, %dma_wait3A_300, %dma_wait3A_301] : memref<4x128x64xf32, #tpu.memory_space<vmem>> -> memref<1x128x64xf32, #tpu.memory_space<vmem>>
      %dma_wait3A_303 = tpu.memref_squeeze %dma_wait3A_302 : memref<1x128x64xf32, #tpu.memory_space<vmem>> -> memref<128x64xf32, #tpu.memory_space<vmem>>
      %dma_wait3A_304 = arith.constant 0 : i32
      %dma_wait3A_305 = tpu.memref_slice %arg11[%add3A_209, %dma_wait3A_304] : memref<144x128xi32, #tpu.memory_space<vmem>> -> memref<1x128xi32, #tpu.memory_space<vmem>>
      %dma_wait3A_306 = tpu.memref_squeeze %dma_wait3A_305 : memref<1x128xi32, #tpu.memory_space<vmem>> -> memref<128xi32, #tpu.memory_space<vmem>>
      %dma_wait3A_307 = arith.constant 0 : i32
      %dma_wait3A_308 = arith.constant 0 : i32
      %dma_wait3A_309 = tpu.memref_slice %arg13[%dma_wait3A_307, %dma_wait3A_308] : memref<10240x64xf32, #tpu.memory_space<vmem_shared>> -> memref<10240x64xf32, #tpu.memory_space<vmem_shared>>
      %dma_wait3A_310 = tpu.memref_slice %arg15[%dma_wait3A_299] : memref<4x!tpu.dma_semaphore, #tpu.memory_space<semaphore_mem>> -> memref<1x!tpu.dma_semaphore, #tpu.memory_space<semaphore_mem>>
      %dma_wait3A_311 = tpu.memref_squeeze %dma_wait3A_310 : memref<1x!tpu.dma_semaphore, #tpu.memory_space<semaphore_mem>> -> memref<!tpu.dma_semaphore, #tpu.memory_space<semaphore_mem>>
      tpu.wait_indirect_dma semaphore(%dma_wait3A_311 : memref<!tpu.dma_semaphore, #tpu.memory_space<semaphore_mem>>) src(%dma_wait3A_303 : memref<128x64xf32, #tpu.memory_space<vmem>>) dst(%dma_wait3A_309 : memref<10240x64xf32, #tpu.memory_space<vmem_shared>>)
      %dma_wait3A_312 = arith.constant 2 : i32
      %dma_wait3A_313 = arith.constant 2 : i32
      %dma_wait3A_314 = arith.constant 0 : i32
      %dma_wait3A_315 = arith.constant 0 : i32
      %dma_wait3A_316 = tpu.memref_slice %arg12[%dma_wait3A_312, %dma_wait3A_314, %dma_wait3A_315] : memref<4x128x64xf32, #tpu.memory_space<vmem>> -> memref<1x128x64xf32, #tpu.memory_space<vmem>>
      %dma_wait3A_317 = tpu.memref_squeeze %dma_wait3A_316 : memref<1x128x64xf32, #tpu.memory_space<vmem>> -> memref<128x64xf32, #tpu.memory_space<vmem>>
      %dma_wait3A_318 = arith.constant 0 : i32
      %dma_wait3A_319 = tpu.memref_slice %arg11[%add3A_239, %dma_wait3A_318] : memref<144x128xi32, #tpu.memory_space<vmem>> -> memref<1x128xi32, #tpu.memory_space<vmem>>
      %dma_wait3A_320 = tpu.memref_squeeze %dma_wait3A_319 : memref<1x128xi32, #tpu.memory_space<vmem>> -> memref<128xi32, #tpu.memory_space<vmem>>
      %dma_wait3A_321 = arith.constant 0 : i32
      %dma_wait3A_322 = arith.constant 0 : i32
      %dma_wait3A_323 = tpu.memref_slice %arg13[%dma_wait3A_321, %dma_wait3A_322] : memref<10240x64xf32, #tpu.memory_space<vmem_shared>> -> memref<10240x64xf32, #tpu.memory_space<vmem_shared>>
      %dma_wait3A_324 = tpu.memref_slice %arg15[%dma_wait3A_313] : memref<4x!tpu.dma_semaphore, #tpu.memory_space<semaphore_mem>> -> memref<1x!tpu.dma_semaphore, #tpu.memory_space<semaphore_mem>>
      %dma_wait3A_325 = tpu.memref_squeeze %dma_wait3A_324 : memref<1x!tpu.dma_semaphore, #tpu.memory_space<semaphore_mem>> -> memref<!tpu.dma_semaphore, #tpu.memory_space<semaphore_mem>>
      tpu.wait_indirect_dma semaphore(%dma_wait3A_325 : memref<!tpu.dma_semaphore, #tpu.memory_space<semaphore_mem>>) src(%dma_wait3A_317 : memref<128x64xf32, #tpu.memory_space<vmem>>) dst(%dma_wait3A_323 : memref<10240x64xf32, #tpu.memory_space<vmem_shared>>)
      %dma_wait3A_326 = arith.constant 3 : i32
      %dma_wait3A_327 = arith.constant 3 : i32
      %dma_wait3A_328 = arith.constant 0 : i32
      %dma_wait3A_329 = arith.constant 0 : i32
      %dma_wait3A_330 = tpu.memref_slice %arg12[%dma_wait3A_326, %dma_wait3A_328, %dma_wait3A_329] : memref<4x128x64xf32, #tpu.memory_space<vmem>> -> memref<1x128x64xf32, #tpu.memory_space<vmem>>
      %dma_wait3A_331 = tpu.memref_squeeze %dma_wait3A_330 : memref<1x128x64xf32, #tpu.memory_space<vmem>> -> memref<128x64xf32, #tpu.memory_space<vmem>>
      %dma_wait3A_332 = arith.constant 0 : i32
      %dma_wait3A_333 = tpu.memref_slice %arg11[%add3A_269, %dma_wait3A_332] : memref<144x128xi32, #tpu.memory_space<vmem>> -> memref<1x128xi32, #tpu.memory_space<vmem>>
      %dma_wait3A_334 = tpu.memref_squeeze %dma_wait3A_333 : memref<1x128xi32, #tpu.memory_space<vmem>> -> memref<128xi32, #tpu.memory_space<vmem>>
      %dma_wait3A_335 = arith.constant 0 : i32
      %dma_wait3A_336 = arith.constant 0 : i32
      %dma_wait3A_337 = tpu.memref_slice %arg13[%dma_wait3A_335, %dma_wait3A_336] : memref<10240x64xf32, #tpu.memory_space<vmem_shared>> -> memref<10240x64xf32, #tpu.memory_space<vmem_shared>>
      %dma_wait3A_338 = tpu.memref_slice %arg15[%dma_wait3A_327] : memref<4x!tpu.dma_semaphore, #tpu.memory_space<semaphore_mem>> -> memref<1x!tpu.dma_semaphore, #tpu.memory_space<semaphore_mem>>
      %dma_wait3A_339 = tpu.memref_squeeze %dma_wait3A_338 : memref<1x!tpu.dma_semaphore, #tpu.memory_space<semaphore_mem>> -> memref<!tpu.dma_semaphore, #tpu.memory_space<semaphore_mem>>
      tpu.wait_indirect_dma semaphore(%dma_wait3A_339 : memref<!tpu.dma_semaphore, #tpu.memory_space<semaphore_mem>>) src(%dma_wait3A_331 : memref<128x64xf32, #tpu.memory_space<vmem>>) dst(%dma_wait3A_337 : memref<10240x64xf32, #tpu.memory_space<vmem_shared>>)
    }
    %while3A_49 = arith.constant 1 : i32
    scf.for %while3A_99 = %while3A_47 to %while3A_43 step %while3A_49  : i32 {
      %mul3A_100 = arith.constant 4 : i32
      %mul3A_101 = arith.muli %while3A_99, %mul3A_100 : i32
      %add3A_102 = arith.constant 0 : i32
      %add3A_103 = arith.addi %mul3A_101, %add3A_102 : i32
      %dma_start3A = arith.constant 0 : i32
      %dma_start3A_104 = arith.constant 0 : i32
      %dma_start3A_105 = arith.constant 0 : i32
      %dma_start3A_106 = arith.constant 0 : i32
      %dma_start3A_107 = tpu.memref_slice %arg12[%dma_start3A, %dma_start3A_105, %dma_start3A_106] : memref<4x128x64xf32, #tpu.memory_space<vmem>> -> memref<1x128x64xf32, #tpu.memory_space<vmem>>
      %dma_start3A_108 = tpu.memref_squeeze %dma_start3A_107 : memref<1x128x64xf32, #tpu.memory_space<vmem>> -> memref<128x64xf32, #tpu.memory_space<vmem>>
      %dma_start3A_109 = arith.constant 0 : i32
      %dma_start3A_110 = tpu.memref_slice %arg10[%add3A_103, %dma_start3A_109] : memref<144x128xi32, #tpu.memory_space<vmem>> -> memref<1x128xi32, #tpu.memory_space<vmem>>
      %dma_start3A_111 = tpu.memref_squeeze %dma_start3A_110 : memref<1x128xi32, #tpu.memory_space<vmem>> -> memref<128xi32, #tpu.memory_space<vmem>>
      %dma_start3A_112 = arith.constant 0 : i32
      %dma_start3A_113 = arith.constant 0 : i32
      %dma_start3A_114 = tpu.memref_slice %arg2[%dma_start3A_112, %dma_start3A_113] : memref<10000x64xf32, #tpu.memory_space<hbm>> -> memref<10000x64xf32, #tpu.memory_space<hbm>>
      %dma_start3A_115 = tpu.memref_slice %arg14[%dma_start3A_104] : memref<4x!tpu.dma_semaphore, #tpu.memory_space<semaphore_mem>> -> memref<1x!tpu.dma_semaphore, #tpu.memory_space<semaphore_mem>>
      %dma_start3A_116 = tpu.memref_squeeze %dma_start3A_115 : memref<1x!tpu.dma_semaphore, #tpu.memory_space<semaphore_mem>> -> memref<!tpu.dma_semaphore, #tpu.memory_space<semaphore_mem>>
      tpu.enqueue_indirect_dma source(%dma_start3A_114 : memref<10000x64xf32, #tpu.memory_space<hbm>>) target(%dma_start3A_108 : memref<128x64xf32, #tpu.memory_space<vmem>>) offsets(%dma_start3A_111 : memref<128xi32, #tpu.memory_space<vmem>>) semaphore(%dma_start3A_116 : memref<!tpu.dma_semaphore, #tpu.memory_space<semaphore_mem>>)
      %add3A_117 = arith.constant 1 : i32
      %add3A_118 = arith.addi %mul3A_101, %add3A_117 : i32
      %dma_start3A_119 = arith.constant 1 : i32
      %dma_start3A_120 = arith.constant 1 : i32
      %dma_start3A_121 = arith.constant 0 : i32
      %dma_start3A_122 = arith.constant 0 : i32
      %dma_start3A_123 = tpu.memref_slice %arg12[%dma_start3A_119, %dma_start3A_121, %dma_start3A_122] : memref<4x128x64xf32, #tpu.memory_space<vmem>> -> memref<1x128x64xf32, #tpu.memory_space<vmem>>
      %dma_start3A_124 = tpu.memref_squeeze %dma_start3A_123 : memref<1x128x64xf32, #tpu.memory_space<vmem>> -> memref<128x64xf32, #tpu.memory_space<vmem>>
      %dma_start3A_125 = arith.constant 0 : i32
      %dma_start3A_126 = tpu.memref_slice %arg10[%add3A_118, %dma_start3A_125] : memref<144x128xi32, #tpu.memory_space<vmem>> -> memref<1x128xi32, #tpu.memory_space<vmem>>
      %dma_start3A_127 = tpu.memref_squeeze %dma_start3A_126 : memref<1x128xi32, #tpu.memory_space<vmem>> -> memref<128xi32, #tpu.memory_space<vmem>>
      %dma_start3A_128 = arith.constant 0 : i32
      %dma_start3A_129 = arith.constant 0 : i32
      %dma_start3A_130 = tpu.memref_slice %arg2[%dma_start3A_128, %dma_start3A_129] : memref<10000x64xf32, #tpu.memory_space<hbm>> -> memref<10000x64xf32, #tpu.memory_space<hbm>>
      %dma_start3A_131 = tpu.memref_slice %arg14[%dma_start3A_120] : memref<4x!tpu.dma_semaphore, #tpu.memory_space<semaphore_mem>> -> memref<1x!tpu.dma_semaphore, #tpu.memory_space<semaphore_mem>>
      %dma_start3A_132 = tpu.memref_squeeze %dma_start3A_131 : memref<1x!tpu.dma_semaphore, #tpu.memory_space<semaphore_mem>> -> memref<!tpu.dma_semaphore, #tpu.memory_space<semaphore_mem>>
      tpu.enqueue_indirect_dma source(%dma_start3A_130 : memref<10000x64xf32, #tpu.memory_space<hbm>>) target(%dma_start3A_124 : memref<128x64xf32, #tpu.memory_space<vmem>>) offsets(%dma_start3A_127 : memref<128xi32, #tpu.memory_space<vmem>>) semaphore(%dma_start3A_132 : memref<!tpu.dma_semaphore, #tpu.memory_space<semaphore_mem>>)
      %add3A_133 = arith.constant 2 : i32
      %add3A_134 = arith.addi %mul3A_101, %add3A_133 : i32
      %dma_start3A_135 = arith.constant 2 : i32
      %dma_start3A_136 = arith.constant 2 : i32
      %dma_start3A_137 = arith.constant 0 : i32
      %dma_start3A_138 = arith.constant 0 : i32
      %dma_start3A_139 = tpu.memref_slice %arg12[%dma_start3A_135, %dma_start3A_137, %dma_start3A_138] : memref<4x128x64xf32, #tpu.memory_space<vmem>> -> memref<1x128x64xf32, #tpu.memory_space<vmem>>
      %dma_start3A_140 = tpu.memref_squeeze %dma_start3A_139 : memref<1x128x64xf32, #tpu.memory_space<vmem>> -> memref<128x64xf32, #tpu.memory_space<vmem>>
      %dma_start3A_141 = arith.constant 0 : i32
      %dma_start3A_142 = tpu.memref_slice %arg10[%add3A_134, %dma_start3A_141] : memref<144x128xi32, #tpu.memory_space<vmem>> -> memref<1x128xi32, #tpu.memory_space<vmem>>
      %dma_start3A_143 = tpu.memref_squeeze %dma_start3A_142 : memref<1x128xi32, #tpu.memory_space<vmem>> -> memref<128xi32, #tpu.memory_space<vmem>>
      %dma_start3A_144 = arith.constant 0 : i32
      %dma_start3A_145 = arith.constant 0 : i32
      %dma_start3A_146 = tpu.memref_slice %arg2[%dma_start3A_144, %dma_start3A_145] : memref<10000x64xf32, #tpu.memory_space<hbm>> -> memref<10000x64xf32, #tpu.memory_space<hbm>>
      %dma_start3A_147 = tpu.memref_slice %arg14[%dma_start3A_136] : memref<4x!tpu.dma_semaphore, #tpu.memory_space<semaphore_mem>> -> memref<1x!tpu.dma_semaphore, #tpu.memory_space<semaphore_mem>>
      %dma_start3A_148 = tpu.memref_squeeze %dma_start3A_147 : memref<1x!tpu.dma_semaphore, #tpu.memory_space<semaphore_mem>> -> memref<!tpu.dma_semaphore, #tpu.memory_space<semaphore_mem>>
      tpu.enqueue_indirect_dma source(%dma_start3A_146 : memref<10000x64xf32, #tpu.memory_space<hbm>>) target(%dma_start3A_140 : memref<128x64xf32, #tpu.memory_space<vmem>>) offsets(%dma_start3A_143 : memref<128xi32, #tpu.memory_space<vmem>>) semaphore(%dma_start3A_148 : memref<!tpu.dma_semaphore, #tpu.memory_space<semaphore_mem>>)
      %add3A_149 = arith.constant 3 : i32
      %add3A_150 = arith.addi %mul3A_101, %add3A_149 : i32
      %dma_start3A_151 = arith.constant 3 : i32
      %dma_start3A_152 = arith.constant 3 : i32
      %dma_start3A_153 = arith.constant 0 : i32
      %dma_start3A_154 = arith.constant 0 : i32
      %dma_start3A_155 = tpu.memref_slice %arg12[%dma_start3A_151, %dma_start3A_153, %dma_start3A_154] : memref<4x128x64xf32, #tpu.memory_space<vmem>> -> memref<1x128x64xf32, #tpu.memory_space<vmem>>
      %dma_start3A_156 = tpu.memref_squeeze %dma_start3A_155 : memref<1x128x64xf32, #tpu.memory_space<vmem>> -> memref<128x64xf32, #tpu.memory_space<vmem>>
      %dma_start3A_157 = arith.constant 0 : i32
      %dma_start3A_158 = tpu.memref_slice %arg10[%add3A_150, %dma_start3A_157] : memref<144x128xi32, #tpu.memory_space<vmem>> -> memref<1x128xi32, #tpu.memory_space<vmem>>
      %dma_start3A_159 = tpu.memref_squeeze %dma_start3A_158 : memref<1x128xi32, #tpu.memory_space<vmem>> -> memref<128xi32, #tpu.memory_space<vmem>>
      %dma_start3A_160 = arith.constant 0 : i32
      %dma_start3A_161 = arith.constant 0 : i32
      %dma_start3A_162 = tpu.memref_slice %arg2[%dma_start3A_160, %dma_start3A_161] : memref<10000x64xf32, #tpu.memory_space<hbm>> -> memref<10000x64xf32, #tpu.memory_space<hbm>>
      %dma_start3A_163 = tpu.memref_slice %arg14[%dma_start3A_152] : memref<4x!tpu.dma_semaphore, #tpu.memory_space<semaphore_mem>> -> memref<1x!tpu.dma_semaphore, #tpu.memory_space<semaphore_mem>>
      %dma_start3A_164 = tpu.memref_squeeze %dma_start3A_163 : memref<1x!tpu.dma_semaphore, #tpu.memory_space<semaphore_mem>> -> memref<!tpu.dma_semaphore, #tpu.memory_space<semaphore_mem>>
      tpu.enqueue_indirect_dma source(%dma_start3A_162 : memref<10000x64xf32, #tpu.memory_space<hbm>>) target(%dma_start3A_156 : memref<128x64xf32, #tpu.memory_space<vmem>>) offsets(%dma_start3A_159 : memref<128xi32, #tpu.memory_space<vmem>>) semaphore(%dma_start3A_164 : memref<!tpu.dma_semaphore, #tpu.memory_space<semaphore_mem>>)
      %dma_wait3A = arith.constant 0 : i32
      %dma_wait3A_165 = arith.constant 0 : i32
      %dma_wait3A_166 = arith.constant 0 : i32
      %dma_wait3A_167 = arith.constant 0 : i32
      %dma_wait3A_168 = tpu.memref_slice %arg12[%dma_wait3A, %dma_wait3A_166, %dma_wait3A_167] : memref<4x128x64xf32, #tpu.memory_space<vmem>> -> memref<1x128x64xf32, #tpu.memory_space<vmem>>
      %dma_wait3A_169 = tpu.memref_squeeze %dma_wait3A_168 : memref<1x128x64xf32, #tpu.memory_space<vmem>> -> memref<128x64xf32, #tpu.memory_space<vmem>>
      %dma_wait3A_170 = arith.constant 0 : i32
      %dma_wait3A_171 = tpu.memref_slice %arg10[%add3A_103, %dma_wait3A_170] : memref<144x128xi32, #tpu.memory_space<vmem>> -> memref<1x128xi32, #tpu.memory_space<vmem>>
      %dma_wait3A_172 = tpu.memref_squeeze %dma_wait3A_171 : memref<1x128xi32, #tpu.memory_space<vmem>> -> memref<128xi32, #tpu.memory_space<vmem>>
      %dma_wait3A_173 = arith.constant 0 : i32
      %dma_wait3A_174 = arith.constant 0 : i32
      %dma_wait3A_175 = tpu.memref_slice %arg2[%dma_wait3A_173, %dma_wait3A_174] : memref<10000x64xf32, #tpu.memory_space<hbm>> -> memref<10000x64xf32, #tpu.memory_space<hbm>>
      %dma_wait3A_176 = tpu.memref_slice %arg14[%dma_wait3A_165] : memref<4x!tpu.dma_semaphore, #tpu.memory_space<semaphore_mem>> -> memref<1x!tpu.dma_semaphore, #tpu.memory_space<semaphore_mem>>
      %dma_wait3A_177 = tpu.memref_squeeze %dma_wait3A_176 : memref<1x!tpu.dma_semaphore, #tpu.memory_space<semaphore_mem>> -> memref<!tpu.dma_semaphore, #tpu.memory_space<semaphore_mem>>
      tpu.wait_indirect_dma semaphore(%dma_wait3A_177 : memref<!tpu.dma_semaphore, #tpu.memory_space<semaphore_mem>>) src(%dma_wait3A_175 : memref<10000x64xf32, #tpu.memory_space<hbm>>) dst(%dma_wait3A_169 : memref<128x64xf32, #tpu.memory_space<vmem>>)
      %add3A_178 = arith.constant 0 : i32
      %add3A_179 = arith.addi %mul3A_101, %add3A_178 : i32
      %dma_start3A_180 = arith.constant 0 : i32
      %dma_start3A_181 = arith.constant 0 : i32
      %dma_start3A_182 = arith.constant 0 : i32
      %dma_start3A_183 = arith.constant 0 : i32
      %dma_start3A_184 = tpu.memref_slice %arg12[%dma_start3A_180, %dma_start3A_182, %dma_start3A_183] : memref<4x128x64xf32, #tpu.memory_space<vmem>> -> memref<1x128x64xf32, #tpu.memory_space<vmem>>
      %dma_start3A_185 = tpu.memref_squeeze %dma_start3A_184 : memref<1x128x64xf32, #tpu.memory_space<vmem>> -> memref<128x64xf32, #tpu.memory_space<vmem>>
      %dma_start3A_186 = arith.constant 0 : i32
      %dma_start3A_187 = tpu.memref_slice %arg11[%add3A_179, %dma_start3A_186] : memref<144x128xi32, #tpu.memory_space<vmem>> -> memref<1x128xi32, #tpu.memory_space<vmem>>
      %dma_start3A_188 = tpu.memref_squeeze %dma_start3A_187 : memref<1x128xi32, #tpu.memory_space<vmem>> -> memref<128xi32, #tpu.memory_space<vmem>>
      %dma_start3A_189 = arith.constant 0 : i32
      %dma_start3A_190 = arith.constant 0 : i32
      %dma_start3A_191 = tpu.memref_slice %arg13[%dma_start3A_189, %dma_start3A_190] : memref<10240x64xf32, #tpu.memory_space<vmem_shared>> -> memref<10240x64xf32, #tpu.memory_space<vmem_shared>>
      %dma_start3A_192 = tpu.memref_slice %arg15[%dma_start3A_181] : memref<4x!tpu.dma_semaphore, #tpu.memory_space<semaphore_mem>> -> memref<1x!tpu.dma_semaphore, #tpu.memory_space<semaphore_mem>>
      %dma_start3A_193 = tpu.memref_squeeze %dma_start3A_192 : memref<1x!tpu.dma_semaphore, #tpu.memory_space<semaphore_mem>> -> memref<!tpu.dma_semaphore, #tpu.memory_space<semaphore_mem>>
      tpu.enqueue_indirect_dma source(%dma_start3A_185 : memref<128x64xf32, #tpu.memory_space<vmem>>) target(%dma_start3A_191 : memref<10240x64xf32, #tpu.memory_space<vmem_shared>>) offsets(%dma_start3A_188 : memref<128xi32, #tpu.memory_space<vmem>>) semaphore(%dma_start3A_193 : memref<!tpu.dma_semaphore, #tpu.memory_space<semaphore_mem>>) {add = true}
      %dma_wait3A_194 = arith.constant 1 : i32
      %dma_wait3A_195 = arith.constant 1 : i32
      %dma_wait3A_196 = arith.constant 0 : i32
      %dma_wait3A_197 = arith.constant 0 : i32
      %dma_wait3A_198 = tpu.memref_slice %arg12[%dma_wait3A_194, %dma_wait3A_196, %dma_wait3A_197] : memref<4x128x64xf32, #tpu.memory_space<vmem>> -> memref<1x128x64xf32, #tpu.memory_space<vmem>>
      %dma_wait3A_199 = tpu.memref_squeeze %dma_wait3A_198 : memref<1x128x64xf32, #tpu.memory_space<vmem>> -> memref<128x64xf32, #tpu.memory_space<vmem>>
      %dma_wait3A_200 = arith.constant 0 : i32
      %dma_wait3A_201 = tpu.memref_slice %arg10[%add3A_118, %dma_wait3A_200] : memref<144x128xi32, #tpu.memory_space<vmem>> -> memref<1x128xi32, #tpu.memory_space<vmem>>
      %dma_wait3A_202 = tpu.memref_squeeze %dma_wait3A_201 : memref<1x128xi32, #tpu.memory_space<vmem>> -> memref<128xi32, #tpu.memory_space<vmem>>
      %dma_wait3A_203 = arith.constant 0 : i32
      %dma_wait3A_204 = arith.constant 0 : i32
      %dma_wait3A_205 = tpu.memref_slice %arg2[%dma_wait3A_203, %dma_wait3A_204] : memref<10000x64xf32, #tpu.memory_space<hbm>> -> memref<10000x64xf32, #tpu.memory_space<hbm>>
      %dma_wait3A_206 = tpu.memref_slice %arg14[%dma_wait3A_195] : memref<4x!tpu.dma_semaphore, #tpu.memory_space<semaphore_mem>> -> memref<1x!tpu.dma_semaphore, #tpu.memory_space<semaphore_mem>>
      %dma_wait3A_207 = tpu.memref_squeeze %dma_wait3A_206 : memref<1x!tpu.dma_semaphore, #tpu.memory_space<semaphore_mem>> -> memref<!tpu.dma_semaphore, #tpu.memory_space<semaphore_mem>>
      tpu.wait_indirect_dma semaphore(%dma_wait3A_207 : memref<!tpu.dma_semaphore, #tpu.memory_space<semaphore_mem>>) src(%dma_wait3A_205 : memref<10000x64xf32, #tpu.memory_space<hbm>>) dst(%dma_wait3A_199 : memref<128x64xf32, #tpu.memory_space<vmem>>)
      %add3A_208 = arith.constant 1 : i32
      %add3A_209 = arith.addi %mul3A_101, %add3A_208 : i32
      %dma_start3A_210 = arith.constant 1 : i32
      %dma_start3A_211 = arith.constant 1 : i32
      %dma_start3A_212 = arith.constant 0 : i32
      %dma_start3A_213 = arith.constant 0 : i32
      %dma_start3A_214 = tpu.memref_slice %arg12[%dma_start3A_210, %dma_start3A_212, %dma_start3A_213] : memref<4x128x64xf32, #tpu.memory_space<vmem>> -> memref<1x128x64xf32, #tpu.memory_space<vmem>>
      %dma_start3A_215 = tpu.memref_squeeze %dma_start3A_214 : memref<1x128x64xf32, #tpu.memory_space<vmem>> -> memref<128x64xf32, #tpu.memory_space<vmem>>
      %dma_start3A_216 = arith.constant 0 : i32
      %dma_start3A_217 = tpu.memref_slice %arg11[%add3A_209, %dma_start3A_216] : memref<144x128xi32, #tpu.memory_space<vmem>> -> memref<1x128xi32, #tpu.memory_space<vmem>>
      %dma_start3A_218 = tpu.memref_squeeze %dma_start3A_217 : memref<1x128xi32, #tpu.memory_space<vmem>> -> memref<128xi32, #tpu.memory_space<vmem>>
      %dma_start3A_219 = arith.constant 0 : i32
      %dma_start3A_220 = arith.constant 0 : i32
      %dma_start3A_221 = tpu.memref_slice %arg13[%dma_start3A_219, %dma_start3A_220] : memref<10240x64xf32, #tpu.memory_space<vmem_shared>> -> memref<10240x64xf32, #tpu.memory_space<vmem_shared>>
      %dma_start3A_222 = tpu.memref_slice %arg15[%dma_start3A_211] : memref<4x!tpu.dma_semaphore, #tpu.memory_space<semaphore_mem>> -> memref<1x!tpu.dma_semaphore, #tpu.memory_space<semaphore_mem>>
      %dma_start3A_223 = tpu.memref_squeeze %dma_start3A_222 : memref<1x!tpu.dma_semaphore, #tpu.memory_space<semaphore_mem>> -> memref<!tpu.dma_semaphore, #tpu.memory_space<semaphore_mem>>
      tpu.enqueue_indirect_dma source(%dma_start3A_215 : memref<128x64xf32, #tpu.memory_space<vmem>>) target(%dma_start3A_221 : memref<10240x64xf32, #tpu.memory_space<vmem_shared>>) offsets(%dma_start3A_218 : memref<128xi32, #tpu.memory_space<vmem>>) semaphore(%dma_start3A_223 : memref<!tpu.dma_semaphore, #tpu.memory_space<semaphore_mem>>) {add = true}
      %dma_wait3A_224 = arith.constant 2 : i32
      %dma_wait3A_225 = arith.constant 2 : i32
      %dma_wait3A_226 = arith.constant 0 : i32
      %dma_wait3A_227 = arith.constant 0 : i32
      %dma_wait3A_228 = tpu.memref_slice %arg12[%dma_wait3A_224, %dma_wait3A_226, %dma_wait3A_227] : memref<4x128x64xf32, #tpu.memory_space<vmem>> -> memref<1x128x64xf32, #tpu.memory_space<vmem>>
      %dma_wait3A_229 = tpu.memref_squeeze %dma_wait3A_228 : memref<1x128x64xf32, #tpu.memory_space<vmem>> -> memref<128x64xf32, #tpu.memory_space<vmem>>
      %dma_wait3A_230 = arith.constant 0 : i32
      %dma_wait3A_231 = tpu.memref_slice %arg10[%add3A_134, %dma_wait3A_230] : memref<144x128xi32, #tpu.memory_space<vmem>> -> memref<1x128xi32, #tpu.memory_space<vmem>>
      %dma_wait3A_232 = tpu.memref_squeeze %dma_wait3A_231 : memref<1x128xi32, #tpu.memory_space<vmem>> -> memref<128xi32, #tpu.memory_space<vmem>>
      %dma_wait3A_233 = arith.constant 0 : i32
      %dma_wait3A_234 = arith.constant 0 : i32
      %dma_wait3A_235 = tpu.memref_slice %arg2[%dma_wait3A_233, %dma_wait3A_234] : memref<10000x64xf32, #tpu.memory_space<hbm>> -> memref<10000x64xf32, #tpu.memory_space<hbm>>
      %dma_wait3A_236 = tpu.memref_slice %arg14[%dma_wait3A_225] : memref<4x!tpu.dma_semaphore, #tpu.memory_space<semaphore_mem>> -> memref<1x!tpu.dma_semaphore, #tpu.memory_space<semaphore_mem>>
      %dma_wait3A_237 = tpu.memref_squeeze %dma_wait3A_236 : memref<1x!tpu.dma_semaphore, #tpu.memory_space<semaphore_mem>> -> memref<!tpu.dma_semaphore, #tpu.memory_space<semaphore_mem>>
      tpu.wait_indirect_dma semaphore(%dma_wait3A_237 : memref<!tpu.dma_semaphore, #tpu.memory_space<semaphore_mem>>) src(%dma_wait3A_235 : memref<10000x64xf32, #tpu.memory_space<hbm>>) dst(%dma_wait3A_229 : memref<128x64xf32, #tpu.memory_space<vmem>>)
      %add3A_238 = arith.constant 2 : i32
      %add3A_239 = arith.addi %mul3A_101, %add3A_238 : i32
      %dma_start3A_240 = arith.constant 2 : i32
      %dma_start3A_241 = arith.constant 2 : i32
      %dma_start3A_242 = arith.constant 0 : i32
      %dma_start3A_243 = arith.constant 0 : i32
      %dma_start3A_244 = tpu.memref_slice %arg12[%dma_start3A_240, %dma_start3A_242, %dma_start3A_243] : memref<4x128x64xf32, #tpu.memory_space<vmem>> -> memref<1x128x64xf32, #tpu.memory_space<vmem>>
      %dma_start3A_245 = tpu.memref_squeeze %dma_start3A_244 : memref<1x128x64xf32, #tpu.memory_space<vmem>> -> memref<128x64xf32, #tpu.memory_space<vmem>>
      %dma_start3A_246 = arith.constant 0 : i32
      %dma_start3A_247 = tpu.memref_slice %arg11[%add3A_239, %dma_start3A_246] : memref<144x128xi32, #tpu.memory_space<vmem>> -> memref<1x128xi32, #tpu.memory_space<vmem>>
      %dma_start3A_248 = tpu.memref_squeeze %dma_start3A_247 : memref<1x128xi32, #tpu.memory_space<vmem>> -> memref<128xi32, #tpu.memory_space<vmem>>
      %dma_start3A_249 = arith.constant 0 : i32
      %dma_start3A_250 = arith.constant 0 : i32
      %dma_start3A_251 = tpu.memref_slice %arg13[%dma_start3A_249, %dma_start3A_250] : memref<10240x64xf32, #tpu.memory_space<vmem_shared>> -> memref<10240x64xf32, #tpu.memory_space<vmem_shared>>
      %dma_start3A_252 = tpu.memref_slice %arg15[%dma_start3A_241] : memref<4x!tpu.dma_semaphore, #tpu.memory_space<semaphore_mem>> -> memref<1x!tpu.dma_semaphore, #tpu.memory_space<semaphore_mem>>
      %dma_start3A_253 = tpu.memref_squeeze %dma_start3A_252 : memref<1x!tpu.dma_semaphore, #tpu.memory_space<semaphore_mem>> -> memref<!tpu.dma_semaphore, #tpu.memory_space<semaphore_mem>>
      tpu.enqueue_indirect_dma source(%dma_start3A_245 : memref<128x64xf32, #tpu.memory_space<vmem>>) target(%dma_start3A_251 : memref<10240x64xf32, #tpu.memory_space<vmem_shared>>) offsets(%dma_start3A_248 : memref<128xi32, #tpu.memory_space<vmem>>) semaphore(%dma_start3A_253 : memref<!tpu.dma_semaphore, #tpu.memory_space<semaphore_mem>>) {add = true}
      %dma_wait3A_254 = arith.constant 3 : i32
      %dma_wait3A_255 = arith.constant 3 : i32
      %dma_wait3A_256 = arith.constant 0 : i32
      %dma_wait3A_257 = arith.constant 0 : i32
      %dma_wait3A_258 = tpu.memref_slice %arg12[%dma_wait3A_254, %dma_wait3A_256, %dma_wait3A_257] : memref<4x128x64xf32, #tpu.memory_space<vmem>> -> memref<1x128x64xf32, #tpu.memory_space<vmem>>
      %dma_wait3A_259 = tpu.memref_squeeze %dma_wait3A_258 : memref<1x128x64xf32, #tpu.memory_space<vmem>> -> memref<128x64xf32, #tpu.memory_space<vmem>>
      %dma_wait3A_260 = arith.constant 0 : i32
      %dma_wait3A_261 = tpu.memref_slice %arg10[%add3A_150, %dma_wait3A_260] : memref<144x128xi32, #tpu.memory_space<vmem>> -> memref<1x128xi32, #tpu.memory_space<vmem>>
      %dma_wait3A_262 = tpu.memref_squeeze %dma_wait3A_261 : memref<1x128xi32, #tpu.memory_space<vmem>> -> memref<128xi32, #tpu.memory_space<vmem>>
      %dma_wait3A_263 = arith.constant 0 : i32
      %dma_wait3A_264 = arith.constant 0 : i32
      %dma_wait3A_265 = tpu.memref_slice %arg2[%dma_wait3A_263, %dma_wait3A_264] : memref<10000x64xf32, #tpu.memory_space<hbm>> -> memref<10000x64xf32, #tpu.memory_space<hbm>>
      %dma_wait3A_266 = tpu.memref_slice %arg14[%dma_wait3A_255] : memref<4x!tpu.dma_semaphore, #tpu.memory_space<semaphore_mem>> -> memref<1x!tpu.dma_semaphore, #tpu.memory_space<semaphore_mem>>
      %dma_wait3A_267 = tpu.memref_squeeze %dma_wait3A_266 : memref<1x!tpu.dma_semaphore, #tpu.memory_space<semaphore_mem>> -> memref<!tpu.dma_semaphore, #tpu.memory_space<semaphore_mem>>
      tpu.wait_indirect_dma semaphore(%dma_wait3A_267 : memref<!tpu.dma_semaphore, #tpu.memory_space<semaphore_mem>>) src(%dma_wait3A_265 : memref<10000x64xf32, #tpu.memory_space<hbm>>) dst(%dma_wait3A_259 : memref<128x64xf32, #tpu.memory_space<vmem>>)
      %add3A_268 = arith.constant 3 : i32
      %add3A_269 = arith.addi %mul3A_101, %add3A_268 : i32
      %dma_start3A_270 = arith.constant 3 : i32
      %dma_start3A_271 = arith.constant 3 : i32
      %dma_start3A_272 = arith.constant 0 : i32
      %dma_start3A_273 = arith.constant 0 : i32
      %dma_start3A_274 = tpu.memref_slice %arg12[%dma_start3A_270, %dma_start3A_272, %dma_start3A_273] : memref<4x128x64xf32, #tpu.memory_space<vmem>> -> memref<1x128x64xf32, #tpu.memory_space<vmem>>
      %dma_start3A_275 = tpu.memref_squeeze %dma_start3A_274 : memref<1x128x64xf32, #tpu.memory_space<vmem>> -> memref<128x64xf32, #tpu.memory_space<vmem>>
      %dma_start3A_276 = arith.constant 0 : i32
      %dma_start3A_277 = tpu.memref_slice %arg11[%add3A_269, %dma_start3A_276] : memref<144x128xi32, #tpu.memory_space<vmem>> -> memref<1x128xi32, #tpu.memory_space<vmem>>
      %dma_start3A_278 = tpu.memref_squeeze %dma_start3A_277 : memref<1x128xi32, #tpu.memory_space<vmem>> -> memref<128xi32, #tpu.memory_space<vmem>>
      %dma_start3A_279 = arith.constant 0 : i32
      %dma_start3A_280 = arith.constant 0 : i32
      %dma_start3A_281 = tpu.memref_slice %arg13[%dma_start3A_279, %dma_start3A_280] : memref<10240x64xf32, #tpu.memory_space<vmem_shared>> -> memref<10240x64xf32, #tpu.memory_space<vmem_shared>>
      %dma_start3A_282 = tpu.memref_slice %arg15[%dma_start3A_271] : memref<4x!tpu.dma_semaphore, #tpu.memory_space<semaphore_mem>> -> memref<1x!tpu.dma_semaphore, #tpu.memory_space<semaphore_mem>>
      %dma_start3A_283 = tpu.memref_squeeze %dma_start3A_282 : memref<1x!tpu.dma_semaphore, #tpu.memory_space<semaphore_mem>> -> memref<!tpu.dma_semaphore, #tpu.memory_space<semaphore_mem>>
      tpu.enqueue_indirect_dma source(%dma_start3A_275 : memref<128x64xf32, #tpu.memory_space<vmem>>) target(%dma_start3A_281 : memref<10240x64xf32, #tpu.memory_space<vmem_shared>>) offsets(%dma_start3A_278 : memref<128xi32, #tpu.memory_space<vmem>>) semaphore(%dma_start3A_283 : memref<!tpu.dma_semaphore, #tpu.memory_space<semaphore_mem>>) {add = true}
      %dma_wait3A_284 = arith.constant 0 : i32
      %dma_wait3A_285 = arith.constant 0 : i32
      %dma_wait3A_286 = arith.constant 0 : i32
      %dma_wait3A_287 = arith.constant 0 : i32
      %dma_wait3A_288 = tpu.memref_slice %arg12[%dma_wait3A_284, %dma_wait3A_286, %dma_wait3A_287] : memref<4x128x64xf32, #tpu.memory_space<vmem>> -> memref<1x128x64xf32, #tpu.memory_space<vmem>>
      %dma_wait3A_289 = tpu.memref_squeeze %dma_wait3A_288 : memref<1x128x64xf32, #tpu.memory_space<vmem>> -> memref<128x64xf32, #tpu.memory_space<vmem>>
      %dma_wait3A_290 = arith.constant 0 : i32
      %dma_wait3A_291 = tpu.memref_slice %arg11[%add3A_179, %dma_wait3A_290] : memref<144x128xi32, #tpu.memory_space<vmem>> -> memref<1x128xi32, #tpu.memory_space<vmem>>
      %dma_wait3A_292 = tpu.memref_squeeze %dma_wait3A_291 : memref<1x128xi32, #tpu.memory_space<vmem>> -> memref<128xi32, #tpu.memory_space<vmem>>
      %dma_wait3A_293 = arith.constant 0 : i32
      %dma_wait3A_294 = arith.constant 0 : i32
      %dma_wait3A_295 = tpu.memref_slice %arg13[%dma_wait3A_293, %dma_wait3A_294] : memref<10240x64xf32, #tpu.memory_space<vmem_shared>> -> memref<10240x64xf32, #tpu.memory_space<vmem_shared>>
      %dma_wait3A_296 = tpu.memref_slice %arg15[%dma_wait3A_285] : memref<4x!tpu.dma_semaphore, #tpu.memory_space<semaphore_mem>> -> memref<1x!tpu.dma_semaphore, #tpu.memory_space<semaphore_mem>>
      %dma_wait3A_297 = tpu.memref_squeeze %dma_wait3A_296 : memref<1x!tpu.dma_semaphore, #tpu.memory_space<semaphore_mem>> -> memref<!tpu.dma_semaphore, #tpu.memory_space<semaphore_mem>>
      tpu.wait_indirect_dma semaphore(%dma_wait3A_297 : memref<!tpu.dma_semaphore, #tpu.memory_space<semaphore_mem>>) src(%dma_wait3A_289 : memref<128x64xf32, #tpu.memory_space<vmem>>) dst(%dma_wait3A_295 : memref<10240x64xf32, #tpu.memory_space<vmem_shared>>)
      %dma_wait3A_298 = arith.constant 1 : i32
      %dma_wait3A_299 = arith.constant 1 : i32
      %dma_wait3A_300 = arith.constant 0 : i32
      %dma_wait3A_301 = arith.constant 0 : i32
      %dma_wait3A_302 = tpu.memref_slice %arg12[%dma_wait3A_298, %dma_wait3A_300, %dma_wait3A_301] : memref<4x128x64xf32, #tpu.memory_space<vmem>> -> memref<1x128x64xf32, #tpu.memory_space<vmem>>
      %dma_wait3A_303 = tpu.memref_squeeze %dma_wait3A_302 : memref<1x128x64xf32, #tpu.memory_space<vmem>> -> memref<128x64xf32, #tpu.memory_space<vmem>>
      %dma_wait3A_304 = arith.constant 0 : i32
      %dma_wait3A_305 = tpu.memref_slice %arg11[%add3A_209, %dma_wait3A_304] : memref<144x128xi32, #tpu.memory_space<vmem>> -> memref<1x128xi32, #tpu.memory_space<vmem>>
      %dma_wait3A_306 = tpu.memref_squeeze %dma_wait3A_305 : memref<1x128xi32, #tpu.memory_space<vmem>> -> memref<128xi32, #tpu.memory_space<vmem>>
      %dma_wait3A_307 = arith.constant 0 : i32
      %dma_wait3A_308 = arith.constant 0 : i32
      %dma_wait3A_309 = tpu.memref_slice %arg13[%dma_wait3A_307, %dma_wait3A_308] : memref<10240x64xf32, #tpu.memory_space<vmem_shared>> -> memref<10240x64xf32, #tpu.memory_space<vmem_shared>>
      %dma_wait3A_310 = tpu.memref_slice %arg15[%dma_wait3A_299] : memref<4x!tpu.dma_semaphore, #tpu.memory_space<semaphore_mem>> -> memref<1x!tpu.dma_semaphore, #tpu.memory_space<semaphore_mem>>
      %dma_wait3A_311 = tpu.memref_squeeze %dma_wait3A_310 : memref<1x!tpu.dma_semaphore, #tpu.memory_space<semaphore_mem>> -> memref<!tpu.dma_semaphore, #tpu.memory_space<semaphore_mem>>
      tpu.wait_indirect_dma semaphore(%dma_wait3A_311 : memref<!tpu.dma_semaphore, #tpu.memory_space<semaphore_mem>>) src(%dma_wait3A_303 : memref<128x64xf32, #tpu.memory_space<vmem>>) dst(%dma_wait3A_309 : memref<10240x64xf32, #tpu.memory_space<vmem_shared>>)
      %dma_wait3A_312 = arith.constant 2 : i32
      %dma_wait3A_313 = arith.constant 2 : i32
      %dma_wait3A_314 = arith.constant 0 : i32
      %dma_wait3A_315 = arith.constant 0 : i32
      %dma_wait3A_316 = tpu.memref_slice %arg12[%dma_wait3A_312, %dma_wait3A_314, %dma_wait3A_315] : memref<4x128x64xf32, #tpu.memory_space<vmem>> -> memref<1x128x64xf32, #tpu.memory_space<vmem>>
      %dma_wait3A_317 = tpu.memref_squeeze %dma_wait3A_316 : memref<1x128x64xf32, #tpu.memory_space<vmem>> -> memref<128x64xf32, #tpu.memory_space<vmem>>
      %dma_wait3A_318 = arith.constant 0 : i32
      %dma_wait3A_319 = tpu.memref_slice %arg11[%add3A_239, %dma_wait3A_318] : memref<144x128xi32, #tpu.memory_space<vmem>> -> memref<1x128xi32, #tpu.memory_space<vmem>>
      %dma_wait3A_320 = tpu.memref_squeeze %dma_wait3A_319 : memref<1x128xi32, #tpu.memory_space<vmem>> -> memref<128xi32, #tpu.memory_space<vmem>>
      %dma_wait3A_321 = arith.constant 0 : i32
      %dma_wait3A_322 = arith.constant 0 : i32
      %dma_wait3A_323 = tpu.memref_slice %arg13[%dma_wait3A_321, %dma_wait3A_322] : memref<10240x64xf32, #tpu.memory_space<vmem_shared>> -> memref<10240x64xf32, #tpu.memory_space<vmem_shared>>
      %dma_wait3A_324 = tpu.memref_slice %arg15[%dma_wait3A_313] : memref<4x!tpu.dma_semaphore, #tpu.memory_space<semaphore_mem>> -> memref<1x!tpu.dma_semaphore, #tpu.memory_space<semaphore_mem>>
      %dma_wait3A_325 = tpu.memref_squeeze %dma_wait3A_324 : memref<1x!tpu.dma_semaphore, #tpu.memory_space<semaphore_mem>> -> memref<!tpu.dma_semaphore, #tpu.memory_space<semaphore_mem>>
      tpu.wait_indirect_dma semaphore(%dma_wait3A_325 : memref<!tpu.dma_semaphore, #tpu.memory_space<semaphore_mem>>) src(%dma_wait3A_317 : memref<128x64xf32, #tpu.memory_space<vmem>>) dst(%dma_wait3A_323 : memref<10240x64xf32, #tpu.memory_space<vmem_shared>>)
      %dma_wait3A_326 = arith.constant 3 : i32
      %dma_wait3A_327 = arith.constant 3 : i32
      %dma_wait3A_328 = arith.constant 0 : i32
      %dma_wait3A_329 = arith.constant 0 : i32
      %dma_wait3A_330 = tpu.memref_slice %arg12[%dma_wait3A_326, %dma_wait3A_328, %dma_wait3A_329] : memref<4x128x64xf32, #tpu.memory_space<vmem>> -> memref<1x128x64xf32, #tpu.memory_space<vmem>>
      %dma_wait3A_331 = tpu.memref_squeeze %dma_wait3A_330 : memref<1x128x64xf32, #tpu.memory_space<vmem>> -> memref<128x64xf32, #tpu.memory_space<vmem>>
      %dma_wait3A_332 = arith.constant 0 : i32
      %dma_wait3A_333 = tpu.memref_slice %arg11[%add3A_269, %dma_wait3A_332] : memref<144x128xi32, #tpu.memory_space<vmem>> -> memref<1x128xi32, #tpu.memory_space<vmem>>
      %dma_wait3A_334 = tpu.memref_squeeze %dma_wait3A_333 : memref<1x128xi32, #tpu.memory_space<vmem>> -> memref<128xi32, #tpu.memory_space<vmem>>
      %dma_wait3A_335 = arith.constant 0 : i32
      %dma_wait3A_336 = arith.constant 0 : i32
      %dma_wait3A_337 = tpu.memref_slice %arg13[%dma_wait3A_335, %dma_wait3A_336] : memref<10240x64xf32, #tpu.memory_space<vmem_shared>> -> memref<10240x64xf32, #tpu.memory_space<vmem_shared>>
      %dma_wait3A_338 = tpu.memref_slice %arg15[%dma_wait3A_327] : memref<4x!tpu.dma_semaphore, #tpu.memory_space<semaphore_mem>> -> memref<1x!tpu.dma_semaphore, #tpu.memory_space<semaphore_mem>>
      %dma_wait3A_339 = tpu.memref_squeeze %dma_wait3A_338 : memref<1x!tpu.dma_semaphore, #tpu.memory_space<semaphore_mem>> -> memref<!tpu.dma_semaphore, #tpu.memory_space<semaphore_mem>>
      tpu.wait_indirect_dma semaphore(%dma_wait3A_339 : memref<!tpu.dma_semaphore, #tpu.memory_space<semaphore_mem>>) src(%dma_wait3A_331 : memref<128x64xf32, #tpu.memory_space<vmem>>) dst(%dma_wait3A_337 : memref<10240x64xf32, #tpu.memory_space<vmem_shared>>)
    }
    %barrier3A_50 = arith.constant 0 : index
    tpu.barrier barrier_id(%barrier3A_50)
    "tpu.region"() ({
      %run_scoped3A_99 = tpu.sem_alloc : memref<!tpu.dma_semaphore, #tpu.memory_space<semaphore_mem>>
      %dma_start3A = arith.constant 0 : i32
      %dma_start3A_100 = tpu.memref_slice %arg8[%arg0, %mul3A_0, %dma_start3A] : memref<2x10240x64xf32, #tpu.memory_space<hbm>> -> memref<1x640x64xf32, #tpu.memory_space<hbm>>
      %dma_start3A_101 = tpu.memref_squeeze %dma_start3A_100 : memref<1x640x64xf32, #tpu.memory_space<hbm>> -> memref<640x64xf32, #tpu.memory_space<hbm>>
      %dma_start3A_102 = arith.constant 0 : i32
      %dma_start3A_103 = tpu.memref_slice %arg13[%mul3A_0, %dma_start3A_102] : memref<10240x64xf32, #tpu.memory_space<vmem_shared>> -> memref<640x64xf32, #tpu.memory_space<vmem_shared>>
      tpu.enqueue_dma source(%dma_start3A_103 : memref<640x64xf32, #tpu.memory_space<vmem_shared>>) target(%dma_start3A_101 : memref<640x64xf32, #tpu.memory_space<hbm>>) target_semaphore(%run_scoped3A_99 : memref<!tpu.dma_semaphore, #tpu.memory_space<semaphore_mem>>)
      %dma_wait3A = arith.constant 0 : i32
      %dma_wait3A_104 = tpu.memref_slice %arg8[%arg0, %mul3A_0, %dma_wait3A] : memref<2x10240x64xf32, #tpu.memory_space<hbm>> -> memref<1x640x64xf32, #tpu.memory_space<hbm>>
      %dma_wait3A_105 = tpu.memref_squeeze %dma_wait3A_104 : memref<1x640x64xf32, #tpu.memory_space<hbm>> -> memref<640x64xf32, #tpu.memory_space<hbm>>
      %dma_wait3A_106 = arith.constant 0 : i32
      %dma_wait3A_107 = tpu.memref_slice %arg13[%mul3A_0, %dma_wait3A_106] : memref<10240x64xf32, #tpu.memory_space<vmem_shared>> -> memref<640x64xf32, #tpu.memory_space<vmem_shared>>
      tpu.wait_dma2 semaphore(%run_scoped3A_99 : memref<!tpu.dma_semaphore, #tpu.memory_space<semaphore_mem>>) src(%dma_wait3A_107 : memref<640x64xf32, #tpu.memory_space<vmem_shared>>) dst(%dma_wait3A_105 : memref<640x64xf32, #tpu.memory_space<hbm>>)
      tpu.yield
    }) : () -> ()
    %barrier3A_51 = arith.constant 0 : index
    tpu.barrier barrier_id(%barrier3A_51)
    %broadcast_in_dim3A_52 = arith.constant 0.000000e+00 : f32
    %broadcast_in_dim3A_53 = vector.broadcast %broadcast_in_dim3A_52 : f32 to vector<16xf32>
    %scan3A_54 = arith.constant 0 : i32
    %scan3A_55 = arith.constant 0 : i32
    %scan3A_56 = arith.constant 0 : i32
    %scan3A_57 = arith.constant 128 : i32
    %scan3A_58 = arith.addi %scan3A_56, %scan3A_57 : i32
    %scan3A_59 = arith.constant 1 : i32
    scf.for %scan3A_99 = %scan3A_56 to %scan3A_58 step %scan3A_59  : i32 {
      %swap3A = arith.constant 0 : i32
      %swap3A_100 = arith.constant 0 : i32
      %swap3A_101 = tpu.memref_slice %arg12[%scan3A_55, %swap3A, %swap3A_100] : memref<4x128x64xf32, #tpu.memory_space<vmem>> -> memref<1x128x64xf32, #tpu.memory_space<vmem>>
      %swap3A_102 = tpu.memref_squeeze %swap3A_101 : memref<1x128x64xf32, #tpu.memory_space<vmem>> -> memref<128x64xf32, #tpu.memory_space<vmem>>
      %swap3A_103 = arith.index_cast %scan3A_99 : i32 to index
      %swap3A_104 = arith.constant 0 : index
      %swap3A_105 = tpu.vector_load %swap3A_102[%swap3A_103, %swap3A_104] {strides = array<i32>} : memref<128x64xf32, #tpu.memory_space<vmem>>, vector<1x16xf32>,
      %swap3A_106 = vector.shape_cast %swap3A_105 : vector<1x16xf32> to vector<16xf32>
      %swap3A_107 = vector.shape_cast %broadcast_in_dim3A_53 : vector<16xf32> to vector<1x16xf32>
      tpu.vector_store %swap3A_102[%swap3A_103, %swap3A_104], %swap3A_107 {strides = array<i32>} : memref<128x64xf32, #tpu.memory_space<vmem>>, vector<1x16xf32>,
      %swap3A_108 = arith.constant 0 : i32
      %swap3A_109 = arith.constant 0 : i32
      %swap3A_110 = tpu.memref_slice %arg12[%scan3A_55, %swap3A_108, %swap3A_109] : memref<4x128x64xf32, #tpu.memory_space<vmem>> -> memref<1x128x64xf32, #tpu.memory_space<vmem>>
      %swap3A_111 = tpu.memref_squeeze %swap3A_110 : memref<1x128x64xf32, #tpu.memory_space<vmem>> -> memref<128x64xf32, #tpu.memory_space<vmem>>
      %swap3A_112 = arith.index_cast %scan3A_99 : i32 to index
      %swap3A_113 = arith.constant 16 : index
      %swap3A_114 = tpu.vector_load %swap3A_111[%swap3A_112, %swap3A_113] {strides = array<i32>} : memref<128x64xf32, #tpu.memory_space<vmem>>, vector<1x16xf32>,
      %swap3A_115 = vector.shape_cast %swap3A_114 : vector<1x16xf32> to vector<16xf32>
      %swap3A_116 = vector.shape_cast %broadcast_in_dim3A_53 : vector<16xf32> to vector<1x16xf32>
      tpu.vector_store %swap3A_111[%swap3A_112, %swap3A_113], %swap3A_116 {strides = array<i32>} : memref<128x64xf32, #tpu.memory_space<vmem>>, vector<1x16xf32>,
      %swap3A_117 = arith.constant 0 : i32
      %swap3A_118 = arith.constant 0 : i32
      %swap3A_119 = tpu.memref_slice %arg12[%scan3A_55, %swap3A_117, %swap3A_118] : memref<4x128x64xf32, #tpu.memory_space<vmem>> -> memref<1x128x64xf32, #tpu.memory_space<vmem>>
      %swap3A_120 = tpu.memref_squeeze %swap3A_119 : memref<1x128x64xf32, #tpu.memory_space<vmem>> -> memref<128x64xf32, #tpu.memory_space<vmem>>
      %swap3A_121 = arith.index_cast %scan3A_99 : i32 to index
      %swap3A_122 = arith.constant 32 : index
      %swap3A_123 = tpu.vector_load %swap3A_120[%swap3A_121, %swap3A_122] {strides = array<i32>} : memref<128x64xf32, #tpu.memory_space<vmem>>, vector<1x16xf32>,
      %swap3A_124 = vector.shape_cast %swap3A_123 : vector<1x16xf32> to vector<16xf32>
      %swap3A_125 = vector.shape_cast %broadcast_in_dim3A_53 : vector<16xf32> to vector<1x16xf32>
      tpu.vector_store %swap3A_120[%swap3A_121, %swap3A_122], %swap3A_125 {strides = array<i32>} : memref<128x64xf32, #tpu.memory_space<vmem>>, vector<1x16xf32>,
      %swap3A_126 = arith.constant 0 : i32
      %swap3A_127 = arith.constant 0 : i32
      %swap3A_128 = tpu.memref_slice %arg12[%scan3A_55, %swap3A_126, %swap3A_127] : memref<4x128x64xf32, #tpu.memory_space<vmem>> -> memref<1x128x64xf32, #tpu.memory_space<vmem>>
      %swap3A_129 = tpu.memref_squeeze %swap3A_128 : memref<1x128x64xf32, #tpu.memory_space<vmem>> -> memref<128x64xf32, #tpu.memory_space<vmem>>
      %swap3A_130 = arith.index_cast %scan3A_99 : i32 to index
      %swap3A_131 = arith.constant 48 : index
      %swap3A_132 = tpu.vector_load %swap3A_129[%swap3A_130, %swap3A_131] {strides = array<i32>} : memref<128x64xf32, #tpu.memory_space<vmem>>, vector<1x16xf32>,
      %swap3A_133 = vector.shape_cast %swap3A_132 : vector<1x16xf32> to vector<16xf32>
      %swap3A_134 = vector.shape_cast %broadcast_in_dim3A_53 : vector<16xf32> to vector<1x16xf32>
      tpu.vector_store %swap3A_129[%swap3A_130, %swap3A_131], %swap3A_134 {strides = array<i32>} : memref<128x64xf32, #tpu.memory_space<vmem>>, vector<1x16xf32>,
    }
    %scan3A_60 = arith.constant 128 : i32
    %mul3A_61 = arith.constant 640 : i32
    %mul3A_62 = arith.muli %arg1, %mul3A_61 : i32
    %add3A_63 = arith.constant 0 : i32
    %add3A_64 = arith.addi %mul3A_62, %add3A_63 : i32
    %run_scoped3A_65 = arith.constant 0 : i32
    "tpu.region"() ({
      %run_scoped3A_99 = tpu.sem_alloc : memref<!tpu.dma_semaphore, #tpu.memory_space<semaphore_mem>>
      %dma_start3A = arith.constant 0 : i32
      %dma_start3A_100 = arith.constant 0 : i32
      %dma_start3A_101 = tpu.memref_slice %arg12[%run_scoped3A_65, %dma_start3A, %dma_start3A_100] : memref<4x128x64xf32, #tpu.memory_space<vmem>> -> memref<1x128x64xf32, #tpu.memory_space<vmem>>
      %dma_start3A_102 = tpu.memref_squeeze %dma_start3A_101 : memref<1x128x64xf32, #tpu.memory_space<vmem>> -> memref<128x64xf32, #tpu.memory_space<vmem>>
      %dma_start3A_103 = arith.constant 0 : i32
      %dma_start3A_104 = tpu.memref_slice %arg13[%add3A_64, %dma_start3A_103] : memref<10240x64xf32, #tpu.memory_space<vmem_shared>> -> memref<128x64xf32, #tpu.memory_space<vmem_shared>>
      %dma_start3A_105 = arith.constant 0 : i32
      %dma_start3A_106 = tpu.memref_slice %arg13[%add3A_64, %dma_start3A_105] : memref<10240x64xf32, #tpu.memory_space<vmem_shared>> -> memref<128x64xf32, #tpu.memory_space<vmem_shared>>
      %dma_start3A_107 = arith.constant 0 : i32
      %dma_start3A_108 = arith.constant 0 : i32
      %dma_start3A_109 = tpu.memref_slice %arg12[%run_scoped3A_65, %dma_start3A_107, %dma_start3A_108] : memref<4x128x64xf32, #tpu.memory_space<vmem>> -> memref<1x128x64xf32, #tpu.memory_space<vmem>>
      %dma_start3A_110 = tpu.memref_squeeze %dma_start3A_109 : memref<1x128x64xf32, #tpu.memory_space<vmem>> -> memref<128x64xf32, #tpu.memory_space<vmem>>
      tpu.enqueue_dma source(%dma_start3A_110 : memref<128x64xf32, #tpu.memory_space<vmem>>) target(%dma_start3A_106 : memref<128x64xf32, #tpu.memory_space<vmem_shared>>) target_semaphore(%run_scoped3A_99 : memref<!tpu.dma_semaphore, #tpu.memory_space<semaphore_mem>>)
      %dma_wait3A = arith.constant 0 : i32
      %dma_wait3A_111 = arith.constant 0 : i32
      %dma_wait3A_112 = tpu.memref_slice %arg12[%run_scoped3A_65, %dma_wait3A, %dma_wait3A_111] : memref<4x128x64xf32, #tpu.memory_space<vmem>> -> memref<1x128x64xf32, #tpu.memory_space<vmem>>
      %dma_wait3A_113 = tpu.memref_squeeze %dma_wait3A_112 : memref<1x128x64xf32, #tpu.memory_space<vmem>> -> memref<128x64xf32, #tpu.memory_space<vmem>>
      %dma_wait3A_114 = arith.constant 0 : i32
      %dma_wait3A_115 = tpu.memref_slice %arg13[%add3A_64, %dma_wait3A_114] : memref<10240x64xf32, #tpu.memory_space<vmem_shared>> -> memref<128x64xf32, #tpu.memory_space<vmem_shared>>
      %dma_wait3A_116 = arith.constant 0 : i32
      %dma_wait3A_117 = tpu.memref_slice %arg13[%add3A_64, %dma_wait3A_116] : memref<10240x64xf32, #tpu.memory_space<vmem_shared>> -> memref<128x64xf32, #tpu.memory_space<vmem_shared>>
      %dma_wait3A_118 = arith.constant 0 : i32
      %dma_wait3A_119 = arith.constant 0 : i32
      %dma_wait3A_120 = tpu.memref_slice %arg12[%run_scoped3A_65, %dma_wait3A_118, %dma_wait3A_119] : memref<4x128x64xf32, #tpu.memory_space<vmem>> -> memref<1x128x64xf32, #tpu.memory_space<vmem>>
      %dma_wait3A_121 = tpu.memref_squeeze %dma_wait3A_120 : memref<1x128x64xf32, #tpu.memory_space<vmem>> -> memref<128x64xf32, #tpu.memory_space<vmem>>
      tpu.wait_dma2 semaphore(%run_scoped3A_99 : memref<!tpu.dma_semaphore, #tpu.memory_space<semaphore_mem>>) src(%dma_wait3A_121 : memref<128x64xf32, #tpu.memory_space<vmem>>) dst(%dma_wait3A_117 : memref<128x64xf32, #tpu.memory_space<vmem_shared>>)
      tpu.yield
    }) : () -> ()
    %mul3A_66 = arith.constant 640 : i32
    %mul3A_67 = arith.muli %arg1, %mul3A_66 : i32
    %add3A_68 = arith.constant 128 : i32
    %add3A_69 = arith.addi %mul3A_67, %add3A_68 : i32
    %run_scoped3A_70 = arith.constant 0 : i32
    "tpu.region"() ({
      %run_scoped3A_99 = tpu.sem_alloc : memref<!tpu.dma_semaphore, #tpu.memory_space<semaphore_mem>>
      %dma_start3A = arith.constant 0 : i32
      %dma_start3A_100 = arith.constant 0 : i32
      %dma_start3A_101 = tpu.memref_slice %arg12[%run_scoped3A_70, %dma_start3A, %dma_start3A_100] : memref<4x128x64xf32, #tpu.memory_space<vmem>> -> memref<1x128x64xf32, #tpu.memory_space<vmem>>
      %dma_start3A_102 = tpu.memref_squeeze %dma_start3A_101 : memref<1x128x64xf32, #tpu.memory_space<vmem>> -> memref<128x64xf32, #tpu.memory_space<vmem>>
      %dma_start3A_103 = arith.constant 0 : i32
      %dma_start3A_104 = tpu.memref_slice %arg13[%add3A_69, %dma_start3A_103] : memref<10240x64xf32, #tpu.memory_space<vmem_shared>> -> memref<128x64xf32, #tpu.memory_space<vmem_shared>>
      %dma_start3A_105 = arith.constant 0 : i32
      %dma_start3A_106 = tpu.memref_slice %arg13[%add3A_69, %dma_start3A_105] : memref<10240x64xf32, #tpu.memory_space<vmem_shared>> -> memref<128x64xf32, #tpu.memory_space<vmem_shared>>
      %dma_start3A_107 = arith.constant 0 : i32
      %dma_start3A_108 = arith.constant 0 : i32
      %dma_start3A_109 = tpu.memref_slice %arg12[%run_scoped3A_70, %dma_start3A_107, %dma_start3A_108] : memref<4x128x64xf32, #tpu.memory_space<vmem>> -> memref<1x128x64xf32, #tpu.memory_space<vmem>>
      %dma_start3A_110 = tpu.memref_squeeze %dma_start3A_109 : memref<1x128x64xf32, #tpu.memory_space<vmem>> -> memref<128x64xf32, #tpu.memory_space<vmem>>
      tpu.enqueue_dma source(%dma_start3A_110 : memref<128x64xf32, #tpu.memory_space<vmem>>) target(%dma_start3A_106 : memref<128x64xf32, #tpu.memory_space<vmem_shared>>) target_semaphore(%run_scoped3A_99 : memref<!tpu.dma_semaphore, #tpu.memory_space<semaphore_mem>>)
      %dma_wait3A = arith.constant 0 : i32
      %dma_wait3A_111 = arith.constant 0 : i32
      %dma_wait3A_112 = tpu.memref_slice %arg12[%run_scoped3A_70, %dma_wait3A, %dma_wait3A_111] : memref<4x128x64xf32, #tpu.memory_space<vmem>> -> memref<1x128x64xf32, #tpu.memory_space<vmem>>
      %dma_wait3A_113 = tpu.memref_squeeze %dma_wait3A_112 : memref<1x128x64xf32, #tpu.memory_space<vmem>> -> memref<128x64xf32, #tpu.memory_space<vmem>>
      %dma_wait3A_114 = arith.constant 0 : i32
      %dma_wait3A_115 = tpu.memref_slice %arg13[%add3A_69, %dma_wait3A_114] : memref<10240x64xf32, #tpu.memory_space<vmem_shared>> -> memref<128x64xf32, #tpu.memory_space<vmem_shared>>
      %dma_wait3A_116 = arith.constant 0 : i32
      %dma_wait3A_117 = tpu.memref_slice %arg13[%add3A_69, %dma_wait3A_116] : memref<10240x64xf32, #tpu.memory_space<vmem_shared>> -> memref<128x64xf32, #tpu.memory_space<vmem_shared>>
      %dma_wait3A_118 = arith.constant 0 : i32
      %dma_wait3A_119 = arith.constant 0 : i32
      %dma_wait3A_120 = tpu.memref_slice %arg12[%run_scoped3A_70, %dma_wait3A_118, %dma_wait3A_119] : memref<4x128x64xf32, #tpu.memory_space<vmem>> -> memref<1x128x64xf32, #tpu.memory_space<vmem>>
      %dma_wait3A_121 = tpu.memref_squeeze %dma_wait3A_120 : memref<1x128x64xf32, #tpu.memory_space<vmem>> -> memref<128x64xf32, #tpu.memory_space<vmem>>
      tpu.wait_dma2 semaphore(%run_scoped3A_99 : memref<!tpu.dma_semaphore, #tpu.memory_space<semaphore_mem>>) src(%dma_wait3A_121 : memref<128x64xf32, #tpu.memory_space<vmem>>) dst(%dma_wait3A_117 : memref<128x64xf32, #tpu.memory_space<vmem_shared>>)
      tpu.yield
    }) : () -> ()
    %mul3A_71 = arith.constant 640 : i32
    %mul3A_72 = arith.muli %arg1, %mul3A_71 : i32
    %add3A_73 = arith.constant 256 : i32
    %add3A_74 = arith.addi %mul3A_72, %add3A_73 : i32
    %run_scoped3A_75 = arith.constant 0 : i32
    "tpu.region"() ({
      %run_scoped3A_99 = tpu.sem_alloc : memref<!tpu.dma_semaphore, #tpu.memory_space<semaphore_mem>>
      %dma_start3A = arith.constant 0 : i32
      %dma_start3A_100 = arith.constant 0 : i32
      %dma_start3A_101 = tpu.memref_slice %arg12[%run_scoped3A_75, %dma_start3A, %dma_start3A_100] : memref<4x128x64xf32, #tpu.memory_space<vmem>> -> memref<1x128x64xf32, #tpu.memory_space<vmem>>
      %dma_start3A_102 = tpu.memref_squeeze %dma_start3A_101 : memref<1x128x64xf32, #tpu.memory_space<vmem>> -> memref<128x64xf32, #tpu.memory_space<vmem>>
      %dma_start3A_103 = arith.constant 0 : i32
      %dma_start3A_104 = tpu.memref_slice %arg13[%add3A_74, %dma_start3A_103] : memref<10240x64xf32, #tpu.memory_space<vmem_shared>> -> memref<128x64xf32, #tpu.memory_space<vmem_shared>>
      %dma_start3A_105 = arith.constant 0 : i32
      %dma_start3A_106 = tpu.memref_slice %arg13[%add3A_74, %dma_start3A_105] : memref<10240x64xf32, #tpu.memory_space<vmem_shared>> -> memref<128x64xf32, #tpu.memory_space<vmem_shared>>
      %dma_start3A_107 = arith.constant 0 : i32
      %dma_start3A_108 = arith.constant 0 : i32
      %dma_start3A_109 = tpu.memref_slice %arg12[%run_scoped3A_75, %dma_start3A_107, %dma_start3A_108] : memref<4x128x64xf32, #tpu.memory_space<vmem>> -> memref<1x128x64xf32, #tpu.memory_space<vmem>>
      %dma_start3A_110 = tpu.memref_squeeze %dma_start3A_109 : memref<1x128x64xf32, #tpu.memory_space<vmem>> -> memref<128x64xf32, #tpu.memory_space<vmem>>
      tpu.enqueue_dma source(%dma_start3A_110 : memref<128x64xf32, #tpu.memory_space<vmem>>) target(%dma_start3A_106 : memref<128x64xf32, #tpu.memory_space<vmem_shared>>) target_semaphore(%run_scoped3A_99 : memref<!tpu.dma_semaphore, #tpu.memory_space<semaphore_mem>>)
      %dma_wait3A = arith.constant 0 : i32
      %dma_wait3A_111 = arith.constant 0 : i32
      %dma_wait3A_112 = tpu.memref_slice %arg12[%run_scoped3A_75, %dma_wait3A, %dma_wait3A_111] : memref<4x128x64xf32, #tpu.memory_space<vmem>> -> memref<1x128x64xf32, #tpu.memory_space<vmem>>
      %dma_wait3A_113 = tpu.memref_squeeze %dma_wait3A_112 : memref<1x128x64xf32, #tpu.memory_space<vmem>> -> memref<128x64xf32, #tpu.memory_space<vmem>>
      %dma_wait3A_114 = arith.constant 0 : i32
      %dma_wait3A_115 = tpu.memref_slice %arg13[%add3A_74, %dma_wait3A_114] : memref<10240x64xf32, #tpu.memory_space<vmem_shared>> -> memref<128x64xf32, #tpu.memory_space<vmem_shared>>
      %dma_wait3A_116 = arith.constant 0 : i32
      %dma_wait3A_117 = tpu.memref_slice %arg13[%add3A_74, %dma_wait3A_116] : memref<10240x64xf32, #tpu.memory_space<vmem_shared>> -> memref<128x64xf32, #tpu.memory_space<vmem_shared>>
      %dma_wait3A_118 = arith.constant 0 : i32
      %dma_wait3A_119 = arith.constant 0 : i32
      %dma_wait3A_120 = tpu.memref_slice %arg12[%run_scoped3A_75, %dma_wait3A_118, %dma_wait3A_119] : memref<4x128x64xf32, #tpu.memory_space<vmem>> -> memref<1x128x64xf32, #tpu.memory_space<vmem>>
      %dma_wait3A_121 = tpu.memref_squeeze %dma_wait3A_120 : memref<1x128x64xf32, #tpu.memory_space<vmem>> -> memref<128x64xf32, #tpu.memory_space<vmem>>
      tpu.wait_dma2 semaphore(%run_scoped3A_99 : memref<!tpu.dma_semaphore, #tpu.memory_space<semaphore_mem>>) src(%dma_wait3A_121 : memref<128x64xf32, #tpu.memory_space<vmem>>) dst(%dma_wait3A_117 : memref<128x64xf32, #tpu.memory_space<vmem_shared>>)
      tpu.yield
    }) : () -> ()
    %mul3A_76 = arith.constant 640 : i32
    %mul3A_77 = arith.muli %arg1, %mul3A_76 : i32
    %add3A_78 = arith.constant 384 : i32
    %add3A_79 = arith.addi %mul3A_77, %add3A_78 : i32
    %run_scoped3A_80 = arith.constant 0 : i32
    "tpu.region"() ({
      %run_scoped3A_99 = tpu.sem_alloc : memref<!tpu.dma_semaphore, #tpu.memory_space<semaphore_mem>>
      %dma_start3A = arith.constant 0 : i32
      %dma_start3A_100 = arith.constant 0 : i32
      %dma_start3A_101 = tpu.memref_slice %arg12[%run_scoped3A_80, %dma_start3A, %dma_start3A_100] : memref<4x128x64xf32, #tpu.memory_space<vmem>> -> memref<1x128x64xf32, #tpu.memory_space<vmem>>
      %dma_start3A_102 = tpu.memref_squeeze %dma_start3A_101 : memref<1x128x64xf32, #tpu.memory_space<vmem>> -> memref<128x64xf32, #tpu.memory_space<vmem>>
      %dma_start3A_103 = arith.constant 0 : i32
      %dma_start3A_104 = tpu.memref_slice %arg13[%add3A_79, %dma_start3A_103] : memref<10240x64xf32, #tpu.memory_space<vmem_shared>> -> memref<128x64xf32, #tpu.memory_space<vmem_shared>>
      %dma_start3A_105 = arith.constant 0 : i32
      %dma_start3A_106 = tpu.memref_slice %arg13[%add3A_79, %dma_start3A_105] : memref<10240x64xf32, #tpu.memory_space<vmem_shared>> -> memref<128x64xf32, #tpu.memory_space<vmem_shared>>
      %dma_start3A_107 = arith.constant 0 : i32
      %dma_start3A_108 = arith.constant 0 : i32
      %dma_start3A_109 = tpu.memref_slice %arg12[%run_scoped3A_80, %dma_start3A_107, %dma_start3A_108] : memref<4x128x64xf32, #tpu.memory_space<vmem>> -> memref<1x128x64xf32, #tpu.memory_space<vmem>>
      %dma_start3A_110 = tpu.memref_squeeze %dma_start3A_109 : memref<1x128x64xf32, #tpu.memory_space<vmem>> -> memref<128x64xf32, #tpu.memory_space<vmem>>
      tpu.enqueue_dma source(%dma_start3A_110 : memref<128x64xf32, #tpu.memory_space<vmem>>) target(%dma_start3A_106 : memref<128x64xf32, #tpu.memory_space<vmem_shared>>) target_semaphore(%run_scoped3A_99 : memref<!tpu.dma_semaphore, #tpu.memory_space<semaphore_mem>>)
      %dma_wait3A = arith.constant 0 : i32
      %dma_wait3A_111 = arith.constant 0 : i32
      %dma_wait3A_112 = tpu.memref_slice %arg12[%run_scoped3A_80, %dma_wait3A, %dma_wait3A_111] : memref<4x128x64xf32, #tpu.memory_space<vmem>> -> memref<1x128x64xf32, #tpu.memory_space<vmem>>
      %dma_wait3A_113 = tpu.memref_squeeze %dma_wait3A_112 : memref<1x128x64xf32, #tpu.memory_space<vmem>> -> memref<128x64xf32, #tpu.memory_space<vmem>>
      %dma_wait3A_114 = arith.constant 0 : i32
      %dma_wait3A_115 = tpu.memref_slice %arg13[%add3A_79, %dma_wait3A_114] : memref<10240x64xf32, #tpu.memory_space<vmem_shared>> -> memref<128x64xf32, #tpu.memory_space<vmem_shared>>
      %dma_wait3A_116 = arith.constant 0 : i32
      %dma_wait3A_117 = tpu.memref_slice %arg13[%add3A_79, %dma_wait3A_116] : memref<10240x64xf32, #tpu.memory_space<vmem_shared>> -> memref<128x64xf32, #tpu.memory_space<vmem_shared>>
      %dma_wait3A_118 = arith.constant 0 : i32
      %dma_wait3A_119 = arith.constant 0 : i32
      %dma_wait3A_120 = tpu.memref_slice %arg12[%run_scoped3A_80, %dma_wait3A_118, %dma_wait3A_119] : memref<4x128x64xf32, #tpu.memory_space<vmem>> -> memref<1x128x64xf32, #tpu.memory_space<vmem>>
      %dma_wait3A_121 = tpu.memref_squeeze %dma_wait3A_120 : memref<1x128x64xf32, #tpu.memory_space<vmem>> -> memref<128x64xf32, #tpu.memory_space<vmem>>
      tpu.wait_dma2 semaphore(%run_scoped3A_99 : memref<!tpu.dma_semaphore, #tpu.memory_space<semaphore_mem>>) src(%dma_wait3A_121 : memref<128x64xf32, #tpu.memory_space<vmem>>) dst(%dma_wait3A_117 : memref<128x64xf32, #tpu.memory_space<vmem_shared>>)
      tpu.yield
    }) : () -> ()
    %mul3A_81 = arith.constant 640 : i32
    %mul3A_82 = arith.muli %arg1, %mul3A_81 : i32
    %add3A_83 = arith.constant 512 : i32
    %add3A_84 = arith.addi %mul3A_82, %add3A_83 : i32
    %run_scoped3A_85 = arith.constant 0 : i32
    "tpu.region"() ({
      %run_scoped3A_99 = tpu.sem_alloc : memref<!tpu.dma_semaphore, #tpu.memory_space<semaphore_mem>>
      %dma_start3A = arith.constant 0 : i32
      %dma_start3A_100 = arith.constant 0 : i32
      %dma_start3A_101 = tpu.memref_slice %arg12[%run_scoped3A_85, %dma_start3A, %dma_start3A_100] : memref<4x128x64xf32, #tpu.memory_space<vmem>> -> memref<1x128x64xf32, #tpu.memory_space<vmem>>
      %dma_start3A_102 = tpu.memref_squeeze %dma_start3A_101 : memref<1x128x64xf32, #tpu.memory_space<vmem>> -> memref<128x64xf32, #tpu.memory_space<vmem>>
      %dma_start3A_103 = arith.constant 0 : i32
      %dma_start3A_104 = tpu.memref_slice %arg13[%add3A_84, %dma_start3A_103] : memref<10240x64xf32, #tpu.memory_space<vmem_shared>> -> memref<128x64xf32, #tpu.memory_space<vmem_shared>>
      %dma_start3A_105 = arith.constant 0 : i32
      %dma_start3A_106 = tpu.memref_slice %arg13[%add3A_84, %dma_start3A_105] : memref<10240x64xf32, #tpu.memory_space<vmem_shared>> -> memref<128x64xf32, #tpu.memory_space<vmem_shared>>
      %dma_start3A_107 = arith.constant 0 : i32
      %dma_start3A_108 = arith.constant 0 : i32
      %dma_start3A_109 = tpu.memref_slice %arg12[%run_scoped3A_85, %dma_start3A_107, %dma_start3A_108] : memref<4x128x64xf32, #tpu.memory_space<vmem>> -> memref<1x128x64xf32, #tpu.memory_space<vmem>>
      %dma_start3A_110 = tpu.memref_squeeze %dma_start3A_109 : memref<1x128x64xf32, #tpu.memory_space<vmem>> -> memref<128x64xf32, #tpu.memory_space<vmem>>
      tpu.enqueue_dma source(%dma_start3A_110 : memref<128x64xf32, #tpu.memory_space<vmem>>) target(%dma_start3A_106 : memref<128x64xf32, #tpu.memory_space<vmem_shared>>) target_semaphore(%run_scoped3A_99 : memref<!tpu.dma_semaphore, #tpu.memory_space<semaphore_mem>>)
      %dma_wait3A = arith.constant 0 : i32
      %dma_wait3A_111 = arith.constant 0 : i32
      %dma_wait3A_112 = tpu.memref_slice %arg12[%run_scoped3A_85, %dma_wait3A, %dma_wait3A_111] : memref<4x128x64xf32, #tpu.memory_space<vmem>> -> memref<1x128x64xf32, #tpu.memory_space<vmem>>
      %dma_wait3A_113 = tpu.memref_squeeze %dma_wait3A_112 : memref<1x128x64xf32, #tpu.memory_space<vmem>> -> memref<128x64xf32, #tpu.memory_space<vmem>>
      %dma_wait3A_114 = arith.constant 0 : i32
      %dma_wait3A_115 = tpu.memref_slice %arg13[%add3A_84, %dma_wait3A_114] : memref<10240x64xf32, #tpu.memory_space<vmem_shared>> -> memref<128x64xf32, #tpu.memory_space<vmem_shared>>
      %dma_wait3A_116 = arith.constant 0 : i32
      %dma_wait3A_117 = tpu.memref_slice %arg13[%add3A_84, %dma_wait3A_116] : memref<10240x64xf32, #tpu.memory_space<vmem_shared>> -> memref<128x64xf32, #tpu.memory_space<vmem_shared>>
      %dma_wait3A_118 = arith.constant 0 : i32
      %dma_wait3A_119 = arith.constant 0 : i32
      %dma_wait3A_120 = tpu.memref_slice %arg12[%run_scoped3A_85, %dma_wait3A_118, %dma_wait3A_119] : memref<4x128x64xf32, #tpu.memory_space<vmem>> -> memref<1x128x64xf32, #tpu.memory_space<vmem>>
      %dma_wait3A_121 = tpu.memref_squeeze %dma_wait3A_120 : memref<1x128x64xf32, #tpu.memory_space<vmem>> -> memref<128x64xf32, #tpu.memory_space<vmem>>
      tpu.wait_dma2 semaphore(%run_scoped3A_99 : memref<!tpu.dma_semaphore, #tpu.memory_space<semaphore_mem>>) src(%dma_wait3A_121 : memref<128x64xf32, #tpu.memory_space<vmem>>) dst(%dma_wait3A_117 : memref<128x64xf32, #tpu.memory_space<vmem_shared>>)
      tpu.yield
    }) : () -> ()
    %barrier3A_86 = arith.constant 0 : index
    tpu.barrier barrier_id(%barrier3A_86)
    %while3A_87 = arith.constant 0 : i32
    %while3A_88 = arith.constant 0 : i32
    %while3A_89 = arith.subi %select_n3A, %while3A_88 : i32
    %while3A_90 = arith.addi %while3A_88, %while3A_89 : i32
    %while3A_91 = arith.constant 1 : i32
    %while3A_92 = arith.divsi %while3A_89, %while3A_91 : i32
    %while3A_93 = arith.muli %while3A_92, %while3A_91 : i32
    %while3A_94 = arith.addi %while3A_88, %while3A_93 : i32
    %while3A_95 = arith.constant 1 : i32
    scf.for %while3A_99 = %while3A_88 to %while3A_94 step %while3A_95  : i32 {
      %mul3A_100 = arith.constant 4 : i32
      %mul3A_101 = arith.muli %while3A_99, %mul3A_100 : i32
      %add3A_102 = arith.constant 0 : i32
      %add3A_103 = arith.addi %mul3A_101, %add3A_102 : i32
      %dma_start3A = arith.constant 0 : i32
      %dma_start3A_104 = arith.constant 0 : i32
      %dma_start3A_105 = arith.constant 0 : i32
      %dma_start3A_106 = arith.constant 0 : i32
      %dma_start3A_107 = tpu.memref_slice %arg12[%dma_start3A, %dma_start3A_105, %dma_start3A_106] : memref<4x128x64xf32, #tpu.memory_space<vmem>> -> memref<1x128x64xf32, #tpu.memory_space<vmem>>
      %dma_start3A_108 = tpu.memref_squeeze %dma_start3A_107 : memref<1x128x64xf32, #tpu.memory_space<vmem>> -> memref<128x64xf32, #tpu.memory_space<vmem>>
      %dma_start3A_109 = arith.constant 0 : i32
      %dma_start3A_110 = tpu.memref_slice %arg10[%add3A_103, %dma_start3A_109] : memref<144x128xi32, #tpu.memory_space<vmem>> -> memref<1x128xi32, #tpu.memory_space<vmem>>
      %dma_start3A_111 = tpu.memref_squeeze %dma_start3A_110 : memref<1x128xi32, #tpu.memory_space<vmem>> -> memref<128xi32, #tpu.memory_space<vmem>>
      %dma_start3A_112 = arith.constant 0 : i32
      %dma_start3A_113 = arith.constant 0 : i32
      %dma_start3A_114 = tpu.memref_slice %arg3[%dma_start3A_112, %dma_start3A_113] : memref<10000x64xf32, #tpu.memory_space<hbm>> -> memref<10000x64xf32, #tpu.memory_space<hbm>>
      %dma_start3A_115 = tpu.memref_slice %arg14[%dma_start3A_104] : memref<4x!tpu.dma_semaphore, #tpu.memory_space<semaphore_mem>> -> memref<1x!tpu.dma_semaphore, #tpu.memory_space<semaphore_mem>>
      %dma_start3A_116 = tpu.memref_squeeze %dma_start3A_115 : memref<1x!tpu.dma_semaphore, #tpu.memory_space<semaphore_mem>> -> memref<!tpu.dma_semaphore, #tpu.memory_space<semaphore_mem>>
      tpu.enqueue_indirect_dma source(%dma_start3A_114 : memref<10000x64xf32, #tpu.memory_space<hbm>>) target(%dma_start3A_108 : memref<128x64xf32, #tpu.memory_space<vmem>>) offsets(%dma_start3A_111 : memref<128xi32, #tpu.memory_space<vmem>>) semaphore(%dma_start3A_116 : memref<!tpu.dma_semaphore, #tpu.memory_space<semaphore_mem>>)
      %add3A_117 = arith.constant 1 : i32
      %add3A_118 = arith.addi %mul3A_101, %add3A_117 : i32
      %dma_start3A_119 = arith.constant 1 : i32
      %dma_start3A_120 = arith.constant 1 : i32
      %dma_start3A_121 = arith.constant 0 : i32
      %dma_start3A_122 = arith.constant 0 : i32
      %dma_start3A_123 = tpu.memref_slice %arg12[%dma_start3A_119, %dma_start3A_121, %dma_start3A_122] : memref<4x128x64xf32, #tpu.memory_space<vmem>> -> memref<1x128x64xf32, #tpu.memory_space<vmem>>
      %dma_start3A_124 = tpu.memref_squeeze %dma_start3A_123 : memref<1x128x64xf32, #tpu.memory_space<vmem>> -> memref<128x64xf32, #tpu.memory_space<vmem>>
      %dma_start3A_125 = arith.constant 0 : i32
      %dma_start3A_126 = tpu.memref_slice %arg10[%add3A_118, %dma_start3A_125] : memref<144x128xi32, #tpu.memory_space<vmem>> -> memref<1x128xi32, #tpu.memory_space<vmem>>
      %dma_start3A_127 = tpu.memref_squeeze %dma_start3A_126 : memref<1x128xi32, #tpu.memory_space<vmem>> -> memref<128xi32, #tpu.memory_space<vmem>>
      %dma_start3A_128 = arith.constant 0 : i32
      %dma_start3A_129 = arith.constant 0 : i32
      %dma_start3A_130 = tpu.memref_slice %arg3[%dma_start3A_128, %dma_start3A_129] : memref<10000x64xf32, #tpu.memory_space<hbm>> -> memref<10000x64xf32, #tpu.memory_space<hbm>>
      %dma_start3A_131 = tpu.memref_slice %arg14[%dma_start3A_120] : memref<4x!tpu.dma_semaphore, #tpu.memory_space<semaphore_mem>> -> memref<1x!tpu.dma_semaphore, #tpu.memory_space<semaphore_mem>>
      %dma_start3A_132 = tpu.memref_squeeze %dma_start3A_131 : memref<1x!tpu.dma_semaphore, #tpu.memory_space<semaphore_mem>> -> memref<!tpu.dma_semaphore, #tpu.memory_space<semaphore_mem>>
      tpu.enqueue_indirect_dma source(%dma_start3A_130 : memref<10000x64xf32, #tpu.memory_space<hbm>>) target(%dma_start3A_124 : memref<128x64xf32, #tpu.memory_space<vmem>>) offsets(%dma_start3A_127 : memref<128xi32, #tpu.memory_space<vmem>>) semaphore(%dma_start3A_132 : memref<!tpu.dma_semaphore, #tpu.memory_space<semaphore_mem>>)
      %add3A_133 = arith.constant 2 : i32
      %add3A_134 = arith.addi %mul3A_101, %add3A_133 : i32
      %dma_start3A_135 = arith.constant 2 : i32
      %dma_start3A_136 = arith.constant 2 : i32
      %dma_start3A_137 = arith.constant 0 : i32
      %dma_start3A_138 = arith.constant 0 : i32
      %dma_start3A_139 = tpu.memref_slice %arg12[%dma_start3A_135, %dma_start3A_137, %dma_start3A_138] : memref<4x128x64xf32, #tpu.memory_space<vmem>> -> memref<1x128x64xf32, #tpu.memory_space<vmem>>
      %dma_start3A_140 = tpu.memref_squeeze %dma_start3A_139 : memref<1x128x64xf32, #tpu.memory_space<vmem>> -> memref<128x64xf32, #tpu.memory_space<vmem>>
      %dma_start3A_141 = arith.constant 0 : i32
      %dma_start3A_142 = tpu.memref_slice %arg10[%add3A_134, %dma_start3A_141] : memref<144x128xi32, #tpu.memory_space<vmem>> -> memref<1x128xi32, #tpu.memory_space<vmem>>
      %dma_start3A_143 = tpu.memref_squeeze %dma_start3A_142 : memref<1x128xi32, #tpu.memory_space<vmem>> -> memref<128xi32, #tpu.memory_space<vmem>>
      %dma_start3A_144 = arith.constant 0 : i32
      %dma_start3A_145 = arith.constant 0 : i32
      %dma_start3A_146 = tpu.memref_slice %arg3[%dma_start3A_144, %dma_start3A_145] : memref<10000x64xf32, #tpu.memory_space<hbm>> -> memref<10000x64xf32, #tpu.memory_space<hbm>>
      %dma_start3A_147 = tpu.memref_slice %arg14[%dma_start3A_136] : memref<4x!tpu.dma_semaphore, #tpu.memory_space<semaphore_mem>> -> memref<1x!tpu.dma_semaphore, #tpu.memory_space<semaphore_mem>>
      %dma_start3A_148 = tpu.memref_squeeze %dma_start3A_147 : memref<1x!tpu.dma_semaphore, #tpu.memory_space<semaphore_mem>> -> memref<!tpu.dma_semaphore, #tpu.memory_space<semaphore_mem>>
      tpu.enqueue_indirect_dma source(%dma_start3A_146 : memref<10000x64xf32, #tpu.memory_space<hbm>>) target(%dma_start3A_140 : memref<128x64xf32, #tpu.memory_space<vmem>>) offsets(%dma_start3A_143 : memref<128xi32, #tpu.memory_space<vmem>>) semaphore(%dma_start3A_148 : memref<!tpu.dma_semaphore, #tpu.memory_space<semaphore_mem>>)
      %add3A_149 = arith.constant 3 : i32
      %add3A_150 = arith.addi %mul3A_101, %add3A_149 : i32
      %dma_start3A_151 = arith.constant 3 : i32
      %dma_start3A_152 = arith.constant 3 : i32
      %dma_start3A_153 = arith.constant 0 : i32
      %dma_start3A_154 = arith.constant 0 : i32
      %dma_start3A_155 = tpu.memref_slice %arg12[%dma_start3A_151, %dma_start3A_153, %dma_start3A_154] : memref<4x128x64xf32, #tpu.memory_space<vmem>> -> memref<1x128x64xf32, #tpu.memory_space<vmem>>
      %dma_start3A_156 = tpu.memref_squeeze %dma_start3A_155 : memref<1x128x64xf32, #tpu.memory_space<vmem>> -> memref<128x64xf32, #tpu.memory_space<vmem>>
      %dma_start3A_157 = arith.constant 0 : i32
      %dma_start3A_158 = tpu.memref_slice %arg10[%add3A_150, %dma_start3A_157] : memref<144x128xi32, #tpu.memory_space<vmem>> -> memref<1x128xi32, #tpu.memory_space<vmem>>
      %dma_start3A_159 = tpu.memref_squeeze %dma_start3A_158 : memref<1x128xi32, #tpu.memory_space<vmem>> -> memref<128xi32, #tpu.memory_space<vmem>>
      %dma_start3A_160 = arith.constant 0 : i32
      %dma_start3A_161 = arith.constant 0 : i32
      %dma_start3A_162 = tpu.memref_slice %arg3[%dma_start3A_160, %dma_start3A_161] : memref<10000x64xf32, #tpu.memory_space<hbm>> -> memref<10000x64xf32, #tpu.memory_space<hbm>>
      %dma_start3A_163 = tpu.memref_slice %arg14[%dma_start3A_152] : memref<4x!tpu.dma_semaphore, #tpu.memory_space<semaphore_mem>> -> memref<1x!tpu.dma_semaphore, #tpu.memory_space<semaphore_mem>>
      %dma_start3A_164 = tpu.memref_squeeze %dma_start3A_163 : memref<1x!tpu.dma_semaphore, #tpu.memory_space<semaphore_mem>> -> memref<!tpu.dma_semaphore, #tpu.memory_space<semaphore_mem>>
      tpu.enqueue_indirect_dma source(%dma_start3A_162 : memref<10000x64xf32, #tpu.memory_space<hbm>>) target(%dma_start3A_156 : memref<128x64xf32, #tpu.memory_space<vmem>>) offsets(%dma_start3A_159 : memref<128xi32, #tpu.memory_space<vmem>>) semaphore(%dma_start3A_164 : memref<!tpu.dma_semaphore, #tpu.memory_space<semaphore_mem>>)
      %dma_wait3A = arith.constant 0 : i32
      %dma_wait3A_165 = arith.constant 0 : i32
      %dma_wait3A_166 = arith.constant 0 : i32
      %dma_wait3A_167 = arith.constant 0 : i32
      %dma_wait3A_168 = tpu.memref_slice %arg12[%dma_wait3A, %dma_wait3A_166, %dma_wait3A_167] : memref<4x128x64xf32, #tpu.memory_space<vmem>> -> memref<1x128x64xf32, #tpu.memory_space<vmem>>
      %dma_wait3A_169 = tpu.memref_squeeze %dma_wait3A_168 : memref<1x128x64xf32, #tpu.memory_space<vmem>> -> memref<128x64xf32, #tpu.memory_space<vmem>>
      %dma_wait3A_170 = arith.constant 0 : i32
      %dma_wait3A_171 = tpu.memref_slice %arg10[%add3A_103, %dma_wait3A_170] : memref<144x128xi32, #tpu.memory_space<vmem>> -> memref<1x128xi32, #tpu.memory_space<vmem>>
      %dma_wait3A_172 = tpu.memref_squeeze %dma_wait3A_171 : memref<1x128xi32, #tpu.memory_space<vmem>> -> memref<128xi32, #tpu.memory_space<vmem>>
      %dma_wait3A_173 = arith.constant 0 : i32
      %dma_wait3A_174 = arith.constant 0 : i32
      %dma_wait3A_175 = tpu.memref_slice %arg3[%dma_wait3A_173, %dma_wait3A_174] : memref<10000x64xf32, #tpu.memory_space<hbm>> -> memref<10000x64xf32, #tpu.memory_space<hbm>>
      %dma_wait3A_176 = tpu.memref_slice %arg14[%dma_wait3A_165] : memref<4x!tpu.dma_semaphore, #tpu.memory_space<semaphore_mem>> -> memref<1x!tpu.dma_semaphore, #tpu.memory_space<semaphore_mem>>
      %dma_wait3A_177 = tpu.memref_squeeze %dma_wait3A_176 : memref<1x!tpu.dma_semaphore, #tpu.memory_space<semaphore_mem>> -> memref<!tpu.dma_semaphore, #tpu.memory_space<semaphore_mem>>
      tpu.wait_indirect_dma semaphore(%dma_wait3A_177 : memref<!tpu.dma_semaphore, #tpu.memory_space<semaphore_mem>>) src(%dma_wait3A_175 : memref<10000x64xf32, #tpu.memory_space<hbm>>) dst(%dma_wait3A_169 : memref<128x64xf32, #tpu.memory_space<vmem>>)
      %add3A_178 = arith.constant 0 : i32
      %add3A_179 = arith.addi %mul3A_101, %add3A_178 : i32
      %dma_start3A_180 = arith.constant 0 : i32
      %dma_start3A_181 = arith.constant 0 : i32
      %dma_start3A_182 = arith.constant 0 : i32
      %dma_start3A_183 = arith.constant 0 : i32
      %dma_start3A_184 = tpu.memref_slice %arg12[%dma_start3A_180, %dma_start3A_182, %dma_start3A_183] : memref<4x128x64xf32, #tpu.memory_space<vmem>> -> memref<1x128x64xf32, #tpu.memory_space<vmem>>
      %dma_start3A_185 = tpu.memref_squeeze %dma_start3A_184 : memref<1x128x64xf32, #tpu.memory_space<vmem>> -> memref<128x64xf32, #tpu.memory_space<vmem>>
      %dma_start3A_186 = arith.constant 0 : i32
      %dma_start3A_187 = tpu.memref_slice %arg11[%add3A_179, %dma_start3A_186] : memref<144x128xi32, #tpu.memory_space<vmem>> -> memref<1x128xi32, #tpu.memory_space<vmem>>
      %dma_start3A_188 = tpu.memref_squeeze %dma_start3A_187 : memref<1x128xi32, #tpu.memory_space<vmem>> -> memref<128xi32, #tpu.memory_space<vmem>>
      %dma_start3A_189 = arith.constant 0 : i32
      %dma_start3A_190 = arith.constant 0 : i32
      %dma_start3A_191 = tpu.memref_slice %arg13[%dma_start3A_189, %dma_start3A_190] : memref<10240x64xf32, #tpu.memory_space<vmem_shared>> -> memref<10240x64xf32, #tpu.memory_space<vmem_shared>>
      %dma_start3A_192 = tpu.memref_slice %arg15[%dma_start3A_181] : memref<4x!tpu.dma_semaphore, #tpu.memory_space<semaphore_mem>> -> memref<1x!tpu.dma_semaphore, #tpu.memory_space<semaphore_mem>>
      %dma_start3A_193 = tpu.memref_squeeze %dma_start3A_192 : memref<1x!tpu.dma_semaphore, #tpu.memory_space<semaphore_mem>> -> memref<!tpu.dma_semaphore, #tpu.memory_space<semaphore_mem>>
      tpu.enqueue_indirect_dma source(%dma_start3A_185 : memref<128x64xf32, #tpu.memory_space<vmem>>) target(%dma_start3A_191 : memref<10240x64xf32, #tpu.memory_space<vmem_shared>>) offsets(%dma_start3A_188 : memref<128xi32, #tpu.memory_space<vmem>>) semaphore(%dma_start3A_193 : memref<!tpu.dma_semaphore, #tpu.memory_space<semaphore_mem>>) {add = true}
      %dma_wait3A_194 = arith.constant 1 : i32
      %dma_wait3A_195 = arith.constant 1 : i32
      %dma_wait3A_196 = arith.constant 0 : i32
      %dma_wait3A_197 = arith.constant 0 : i32
      %dma_wait3A_198 = tpu.memref_slice %arg12[%dma_wait3A_194, %dma_wait3A_196, %dma_wait3A_197] : memref<4x128x64xf32, #tpu.memory_space<vmem>> -> memref<1x128x64xf32, #tpu.memory_space<vmem>>
      %dma_wait3A_199 = tpu.memref_squeeze %dma_wait3A_198 : memref<1x128x64xf32, #tpu.memory_space<vmem>> -> memref<128x64xf32, #tpu.memory_space<vmem>>
      %dma_wait3A_200 = arith.constant 0 : i32
      %dma_wait3A_201 = tpu.memref_slice %arg10[%add3A_118, %dma_wait3A_200] : memref<144x128xi32, #tpu.memory_space<vmem>> -> memref<1x128xi32, #tpu.memory_space<vmem>>
      %dma_wait3A_202 = tpu.memref_squeeze %dma_wait3A_201 : memref<1x128xi32, #tpu.memory_space<vmem>> -> memref<128xi32, #tpu.memory_space<vmem>>
      %dma_wait3A_203 = arith.constant 0 : i32
      %dma_wait3A_204 = arith.constant 0 : i32
      %dma_wait3A_205 = tpu.memref_slice %arg3[%dma_wait3A_203, %dma_wait3A_204] : memref<10000x64xf32, #tpu.memory_space<hbm>> -> memref<10000x64xf32, #tpu.memory_space<hbm>>
      %dma_wait3A_206 = tpu.memref_slice %arg14[%dma_wait3A_195] : memref<4x!tpu.dma_semaphore, #tpu.memory_space<semaphore_mem>> -> memref<1x!tpu.dma_semaphore, #tpu.memory_space<semaphore_mem>>
      %dma_wait3A_207 = tpu.memref_squeeze %dma_wait3A_206 : memref<1x!tpu.dma_semaphore, #tpu.memory_space<semaphore_mem>> -> memref<!tpu.dma_semaphore, #tpu.memory_space<semaphore_mem>>
      tpu.wait_indirect_dma semaphore(%dma_wait3A_207 : memref<!tpu.dma_semaphore, #tpu.memory_space<semaphore_mem>>) src(%dma_wait3A_205 : memref<10000x64xf32, #tpu.memory_space<hbm>>) dst(%dma_wait3A_199 : memref<128x64xf32, #tpu.memory_space<vmem>>)
      %add3A_208 = arith.constant 1 : i32
      %add3A_209 = arith.addi %mul3A_101, %add3A_208 : i32
      %dma_start3A_210 = arith.constant 1 : i32
      %dma_start3A_211 = arith.constant 1 : i32
      %dma_start3A_212 = arith.constant 0 : i32
      %dma_start3A_213 = arith.constant 0 : i32
      %dma_start3A_214 = tpu.memref_slice %arg12[%dma_start3A_210, %dma_start3A_212, %dma_start3A_213] : memref<4x128x64xf32, #tpu.memory_space<vmem>> -> memref<1x128x64xf32, #tpu.memory_space<vmem>>
      %dma_start3A_215 = tpu.memref_squeeze %dma_start3A_214 : memref<1x128x64xf32, #tpu.memory_space<vmem>> -> memref<128x64xf32, #tpu.memory_space<vmem>>
      %dma_start3A_216 = arith.constant 0 : i32
      %dma_start3A_217 = tpu.memref_slice %arg11[%add3A_209, %dma_start3A_216] : memref<144x128xi32, #tpu.memory_space<vmem>> -> memref<1x128xi32, #tpu.memory_space<vmem>>
      %dma_start3A_218 = tpu.memref_squeeze %dma_start3A_217 : memref<1x128xi32, #tpu.memory_space<vmem>> -> memref<128xi32, #tpu.memory_space<vmem>>
      %dma_start3A_219 = arith.constant 0 : i32
      %dma_start3A_220 = arith.constant 0 : i32
      %dma_start3A_221 = tpu.memref_slice %arg13[%dma_start3A_219, %dma_start3A_220] : memref<10240x64xf32, #tpu.memory_space<vmem_shared>> -> memref<10240x64xf32, #tpu.memory_space<vmem_shared>>
      %dma_start3A_222 = tpu.memref_slice %arg15[%dma_start3A_211] : memref<4x!tpu.dma_semaphore, #tpu.memory_space<semaphore_mem>> -> memref<1x!tpu.dma_semaphore, #tpu.memory_space<semaphore_mem>>
      %dma_start3A_223 = tpu.memref_squeeze %dma_start3A_222 : memref<1x!tpu.dma_semaphore, #tpu.memory_space<semaphore_mem>> -> memref<!tpu.dma_semaphore, #tpu.memory_space<semaphore_mem>>
      tpu.enqueue_indirect_dma source(%dma_start3A_215 : memref<128x64xf32, #tpu.memory_space<vmem>>) target(%dma_start3A_221 : memref<10240x64xf32, #tpu.memory_space<vmem_shared>>) offsets(%dma_start3A_218 : memref<128xi32, #tpu.memory_space<vmem>>) semaphore(%dma_start3A_223 : memref<!tpu.dma_semaphore, #tpu.memory_space<semaphore_mem>>) {add = true}
      %dma_wait3A_224 = arith.constant 2 : i32
      %dma_wait3A_225 = arith.constant 2 : i32
      %dma_wait3A_226 = arith.constant 0 : i32
      %dma_wait3A_227 = arith.constant 0 : i32
      %dma_wait3A_228 = tpu.memref_slice %arg12[%dma_wait3A_224, %dma_wait3A_226, %dma_wait3A_227] : memref<4x128x64xf32, #tpu.memory_space<vmem>> -> memref<1x128x64xf32, #tpu.memory_space<vmem>>
      %dma_wait3A_229 = tpu.memref_squeeze %dma_wait3A_228 : memref<1x128x64xf32, #tpu.memory_space<vmem>> -> memref<128x64xf32, #tpu.memory_space<vmem>>
      %dma_wait3A_230 = arith.constant 0 : i32
      %dma_wait3A_231 = tpu.memref_slice %arg10[%add3A_134, %dma_wait3A_230] : memref<144x128xi32, #tpu.memory_space<vmem>> -> memref<1x128xi32, #tpu.memory_space<vmem>>
      %dma_wait3A_232 = tpu.memref_squeeze %dma_wait3A_231 : memref<1x128xi32, #tpu.memory_space<vmem>> -> memref<128xi32, #tpu.memory_space<vmem>>
      %dma_wait3A_233 = arith.constant 0 : i32
      %dma_wait3A_234 = arith.constant 0 : i32
      %dma_wait3A_235 = tpu.memref_slice %arg3[%dma_wait3A_233, %dma_wait3A_234] : memref<10000x64xf32, #tpu.memory_space<hbm>> -> memref<10000x64xf32, #tpu.memory_space<hbm>>
      %dma_wait3A_236 = tpu.memref_slice %arg14[%dma_wait3A_225] : memref<4x!tpu.dma_semaphore, #tpu.memory_space<semaphore_mem>> -> memref<1x!tpu.dma_semaphore, #tpu.memory_space<semaphore_mem>>
      %dma_wait3A_237 = tpu.memref_squeeze %dma_wait3A_236 : memref<1x!tpu.dma_semaphore, #tpu.memory_space<semaphore_mem>> -> memref<!tpu.dma_semaphore, #tpu.memory_space<semaphore_mem>>
      tpu.wait_indirect_dma semaphore(%dma_wait3A_237 : memref<!tpu.dma_semaphore, #tpu.memory_space<semaphore_mem>>) src(%dma_wait3A_235 : memref<10000x64xf32, #tpu.memory_space<hbm>>) dst(%dma_wait3A_229 : memref<128x64xf32, #tpu.memory_space<vmem>>)
      %add3A_238 = arith.constant 2 : i32
      %add3A_239 = arith.addi %mul3A_101, %add3A_238 : i32
      %dma_start3A_240 = arith.constant 2 : i32
      %dma_start3A_241 = arith.constant 2 : i32
      %dma_start3A_242 = arith.constant 0 : i32
      %dma_start3A_243 = arith.constant 0 : i32
      %dma_start3A_244 = tpu.memref_slice %arg12[%dma_start3A_240, %dma_start3A_242, %dma_start3A_243] : memref<4x128x64xf32, #tpu.memory_space<vmem>> -> memref<1x128x64xf32, #tpu.memory_space<vmem>>
      %dma_start3A_245 = tpu.memref_squeeze %dma_start3A_244 : memref<1x128x64xf32, #tpu.memory_space<vmem>> -> memref<128x64xf32, #tpu.memory_space<vmem>>
      %dma_start3A_246 = arith.constant 0 : i32
      %dma_start3A_247 = tpu.memref_slice %arg11[%add3A_239, %dma_start3A_246] : memref<144x128xi32, #tpu.memory_space<vmem>> -> memref<1x128xi32, #tpu.memory_space<vmem>>
      %dma_start3A_248 = tpu.memref_squeeze %dma_start3A_247 : memref<1x128xi32, #tpu.memory_space<vmem>> -> memref<128xi32, #tpu.memory_space<vmem>>
      %dma_start3A_249 = arith.constant 0 : i32
      %dma_start3A_250 = arith.constant 0 : i32
      %dma_start3A_251 = tpu.memref_slice %arg13[%dma_start3A_249, %dma_start3A_250] : memref<10240x64xf32, #tpu.memory_space<vmem_shared>> -> memref<10240x64xf32, #tpu.memory_space<vmem_shared>>
      %dma_start3A_252 = tpu.memref_slice %arg15[%dma_start3A_241] : memref<4x!tpu.dma_semaphore, #tpu.memory_space<semaphore_mem>> -> memref<1x!tpu.dma_semaphore, #tpu.memory_space<semaphore_mem>>
      %dma_start3A_253 = tpu.memref_squeeze %dma_start3A_252 : memref<1x!tpu.dma_semaphore, #tpu.memory_space<semaphore_mem>> -> memref<!tpu.dma_semaphore, #tpu.memory_space<semaphore_mem>>
      tpu.enqueue_indirect_dma source(%dma_start3A_245 : memref<128x64xf32, #tpu.memory_space<vmem>>) target(%dma_start3A_251 : memref<10240x64xf32, #tpu.memory_space<vmem_shared>>) offsets(%dma_start3A_248 : memref<128xi32, #tpu.memory_space<vmem>>) semaphore(%dma_start3A_253 : memref<!tpu.dma_semaphore, #tpu.memory_space<semaphore_mem>>) {add = true}
      %dma_wait3A_254 = arith.constant 3 : i32
      %dma_wait3A_255 = arith.constant 3 : i32
      %dma_wait3A_256 = arith.constant 0 : i32
      %dma_wait3A_257 = arith.constant 0 : i32
      %dma_wait3A_258 = tpu.memref_slice %arg12[%dma_wait3A_254, %dma_wait3A_256, %dma_wait3A_257] : memref<4x128x64xf32, #tpu.memory_space<vmem>> -> memref<1x128x64xf32, #tpu.memory_space<vmem>>
      %dma_wait3A_259 = tpu.memref_squeeze %dma_wait3A_258 : memref<1x128x64xf32, #tpu.memory_space<vmem>> -> memref<128x64xf32, #tpu.memory_space<vmem>>
      %dma_wait3A_260 = arith.constant 0 : i32
      %dma_wait3A_261 = tpu.memref_slice %arg10[%add3A_150, %dma_wait3A_260] : memref<144x128xi32, #tpu.memory_space<vmem>> -> memref<1x128xi32, #tpu.memory_space<vmem>>
      %dma_wait3A_262 = tpu.memref_squeeze %dma_wait3A_261 : memref<1x128xi32, #tpu.memory_space<vmem>> -> memref<128xi32, #tpu.memory_space<vmem>>
      %dma_wait3A_263 = arith.constant 0 : i32
      %dma_wait3A_264 = arith.constant 0 : i32
      %dma_wait3A_265 = tpu.memref_slice %arg3[%dma_wait3A_263, %dma_wait3A_264] : memref<10000x64xf32, #tpu.memory_space<hbm>> -> memref<10000x64xf32, #tpu.memory_space<hbm>>
      %dma_wait3A_266 = tpu.memref_slice %arg14[%dma_wait3A_255] : memref<4x!tpu.dma_semaphore, #tpu.memory_space<semaphore_mem>> -> memref<1x!tpu.dma_semaphore, #tpu.memory_space<semaphore_mem>>
      %dma_wait3A_267 = tpu.memref_squeeze %dma_wait3A_266 : memref<1x!tpu.dma_semaphore, #tpu.memory_space<semaphore_mem>> -> memref<!tpu.dma_semaphore, #tpu.memory_space<semaphore_mem>>
      tpu.wait_indirect_dma semaphore(%dma_wait3A_267 : memref<!tpu.dma_semaphore, #tpu.memory_space<semaphore_mem>>) src(%dma_wait3A_265 : memref<10000x64xf32, #tpu.memory_space<hbm>>) dst(%dma_wait3A_259 : memref<128x64xf32, #tpu.memory_space<vmem>>)
      %add3A_268 = arith.constant 3 : i32
      %add3A_269 = arith.addi %mul3A_101, %add3A_268 : i32
      %dma_start3A_270 = arith.constant 3 : i32
      %dma_start3A_271 = arith.constant 3 : i32
      %dma_start3A_272 = arith.constant 0 : i32
      %dma_start3A_273 = arith.constant 0 : i32
      %dma_start3A_274 = tpu.memref_slice %arg12[%dma_start3A_270, %dma_start3A_272, %dma_start3A_273] : memref<4x128x64xf32, #tpu.memory_space<vmem>> -> memref<1x128x64xf32, #tpu.memory_space<vmem>>
      %dma_start3A_275 = tpu.memref_squeeze %dma_start3A_274 : memref<1x128x64xf32, #tpu.memory_space<vmem>> -> memref<128x64xf32, #tpu.memory_space<vmem>>
      %dma_start3A_276 = arith.constant 0 : i32
      %dma_start3A_277 = tpu.memref_slice %arg11[%add3A_269, %dma_start3A_276] : memref<144x128xi32, #tpu.memory_space<vmem>> -> memref<1x128xi32, #tpu.memory_space<vmem>>
      %dma_start3A_278 = tpu.memref_squeeze %dma_start3A_277 : memref<1x128xi32, #tpu.memory_space<vmem>> -> memref<128xi32, #tpu.memory_space<vmem>>
      %dma_start3A_279 = arith.constant 0 : i32
      %dma_start3A_280 = arith.constant 0 : i32
      %dma_start3A_281 = tpu.memref_slice %arg13[%dma_start3A_279, %dma_start3A_280] : memref<10240x64xf32, #tpu.memory_space<vmem_shared>> -> memref<10240x64xf32, #tpu.memory_space<vmem_shared>>
      %dma_start3A_282 = tpu.memref_slice %arg15[%dma_start3A_271] : memref<4x!tpu.dma_semaphore, #tpu.memory_space<semaphore_mem>> -> memref<1x!tpu.dma_semaphore, #tpu.memory_space<semaphore_mem>>
      %dma_start3A_283 = tpu.memref_squeeze %dma_start3A_282 : memref<1x!tpu.dma_semaphore, #tpu.memory_space<semaphore_mem>> -> memref<!tpu.dma_semaphore, #tpu.memory_space<semaphore_mem>>
      tpu.enqueue_indirect_dma source(%dma_start3A_275 : memref<128x64xf32, #tpu.memory_space<vmem>>) target(%dma_start3A_281 : memref<10240x64xf32, #tpu.memory_space<vmem_shared>>) offsets(%dma_start3A_278 : memref<128xi32, #tpu.memory_space<vmem>>) semaphore(%dma_start3A_283 : memref<!tpu.dma_semaphore, #tpu.memory_space<semaphore_mem>>) {add = true}
      %dma_wait3A_284 = arith.constant 0 : i32
      %dma_wait3A_285 = arith.constant 0 : i32
      %dma_wait3A_286 = arith.constant 0 : i32
      %dma_wait3A_287 = arith.constant 0 : i32
      %dma_wait3A_288 = tpu.memref_slice %arg12[%dma_wait3A_284, %dma_wait3A_286, %dma_wait3A_287] : memref<4x128x64xf32, #tpu.memory_space<vmem>> -> memref<1x128x64xf32, #tpu.memory_space<vmem>>
      %dma_wait3A_289 = tpu.memref_squeeze %dma_wait3A_288 : memref<1x128x64xf32, #tpu.memory_space<vmem>> -> memref<128x64xf32, #tpu.memory_space<vmem>>
      %dma_wait3A_290 = arith.constant 0 : i32
      %dma_wait3A_291 = tpu.memref_slice %arg11[%add3A_179, %dma_wait3A_290] : memref<144x128xi32, #tpu.memory_space<vmem>> -> memref<1x128xi32, #tpu.memory_space<vmem>>
      %dma_wait3A_292 = tpu.memref_squeeze %dma_wait3A_291 : memref<1x128xi32, #tpu.memory_space<vmem>> -> memref<128xi32, #tpu.memory_space<vmem>>
      %dma_wait3A_293 = arith.constant 0 : i32
      %dma_wait3A_294 = arith.constant 0 : i32
      %dma_wait3A_295 = tpu.memref_slice %arg13[%dma_wait3A_293, %dma_wait3A_294] : memref<10240x64xf32, #tpu.memory_space<vmem_shared>> -> memref<10240x64xf32, #tpu.memory_space<vmem_shared>>
      %dma_wait3A_296 = tpu.memref_slice %arg15[%dma_wait3A_285] : memref<4x!tpu.dma_semaphore, #tpu.memory_space<semaphore_mem>> -> memref<1x!tpu.dma_semaphore, #tpu.memory_space<semaphore_mem>>
      %dma_wait3A_297 = tpu.memref_squeeze %dma_wait3A_296 : memref<1x!tpu.dma_semaphore, #tpu.memory_space<semaphore_mem>> -> memref<!tpu.dma_semaphore, #tpu.memory_space<semaphore_mem>>
      tpu.wait_indirect_dma semaphore(%dma_wait3A_297 : memref<!tpu.dma_semaphore, #tpu.memory_space<semaphore_mem>>) src(%dma_wait3A_289 : memref<128x64xf32, #tpu.memory_space<vmem>>) dst(%dma_wait3A_295 : memref<10240x64xf32, #tpu.memory_space<vmem_shared>>)
      %dma_wait3A_298 = arith.constant 1 : i32
      %dma_wait3A_299 = arith.constant 1 : i32
      %dma_wait3A_300 = arith.constant 0 : i32
      %dma_wait3A_301 = arith.constant 0 : i32
      %dma_wait3A_302 = tpu.memref_slice %arg12[%dma_wait3A_298, %dma_wait3A_300, %dma_wait3A_301] : memref<4x128x64xf32, #tpu.memory_space<vmem>> -> memref<1x128x64xf32, #tpu.memory_space<vmem>>
      %dma_wait3A_303 = tpu.memref_squeeze %dma_wait3A_302 : memref<1x128x64xf32, #tpu.memory_space<vmem>> -> memref<128x64xf32, #tpu.memory_space<vmem>>
      %dma_wait3A_304 = arith.constant 0 : i32
      %dma_wait3A_305 = tpu.memref_slice %arg11[%add3A_209, %dma_wait3A_304] : memref<144x128xi32, #tpu.memory_space<vmem>> -> memref<1x128xi32, #tpu.memory_space<vmem>>
      %dma_wait3A_306 = tpu.memref_squeeze %dma_wait3A_305 : memref<1x128xi32, #tpu.memory_space<vmem>> -> memref<128xi32, #tpu.memory_space<vmem>>
      %dma_wait3A_307 = arith.constant 0 : i32
      %dma_wait3A_308 = arith.constant 0 : i32
      %dma_wait3A_309 = tpu.memref_slice %arg13[%dma_wait3A_307, %dma_wait3A_308] : memref<10240x64xf32, #tpu.memory_space<vmem_shared>> -> memref<10240x64xf32, #tpu.memory_space<vmem_shared>>
      %dma_wait3A_310 = tpu.memref_slice %arg15[%dma_wait3A_299] : memref<4x!tpu.dma_semaphore, #tpu.memory_space<semaphore_mem>> -> memref<1x!tpu.dma_semaphore, #tpu.memory_space<semaphore_mem>>
      %dma_wait3A_311 = tpu.memref_squeeze %dma_wait3A_310 : memref<1x!tpu.dma_semaphore, #tpu.memory_space<semaphore_mem>> -> memref<!tpu.dma_semaphore, #tpu.memory_space<semaphore_mem>>
      tpu.wait_indirect_dma semaphore(%dma_wait3A_311 : memref<!tpu.dma_semaphore, #tpu.memory_space<semaphore_mem>>) src(%dma_wait3A_303 : memref<128x64xf32, #tpu.memory_space<vmem>>) dst(%dma_wait3A_309 : memref<10240x64xf32, #tpu.memory_space<vmem_shared>>)
      %dma_wait3A_312 = arith.constant 2 : i32
      %dma_wait3A_313 = arith.constant 2 : i32
      %dma_wait3A_314 = arith.constant 0 : i32
      %dma_wait3A_315 = arith.constant 0 : i32
      %dma_wait3A_316 = tpu.memref_slice %arg12[%dma_wait3A_312, %dma_wait3A_314, %dma_wait3A_315] : memref<4x128x64xf32, #tpu.memory_space<vmem>> -> memref<1x128x64xf32, #tpu.memory_space<vmem>>
      %dma_wait3A_317 = tpu.memref_squeeze %dma_wait3A_316 : memref<1x128x64xf32, #tpu.memory_space<vmem>> -> memref<128x64xf32, #tpu.memory_space<vmem>>
      %dma_wait3A_318 = arith.constant 0 : i32
      %dma_wait3A_319 = tpu.memref_slice %arg11[%add3A_239, %dma_wait3A_318] : memref<144x128xi32, #tpu.memory_space<vmem>> -> memref<1x128xi32, #tpu.memory_space<vmem>>
      %dma_wait3A_320 = tpu.memref_squeeze %dma_wait3A_319 : memref<1x128xi32, #tpu.memory_space<vmem>> -> memref<128xi32, #tpu.memory_space<vmem>>
      %dma_wait3A_321 = arith.constant 0 : i32
      %dma_wait3A_322 = arith.constant 0 : i32
      %dma_wait3A_323 = tpu.memref_slice %arg13[%dma_wait3A_321, %dma_wait3A_322] : memref<10240x64xf32, #tpu.memory_space<vmem_shared>> -> memref<10240x64xf32, #tpu.memory_space<vmem_shared>>
      %dma_wait3A_324 = tpu.memref_slice %arg15[%dma_wait3A_313] : memref<4x!tpu.dma_semaphore, #tpu.memory_space<semaphore_mem>> -> memref<1x!tpu.dma_semaphore, #tpu.memory_space<semaphore_mem>>
      %dma_wait3A_325 = tpu.memref_squeeze %dma_wait3A_324 : memref<1x!tpu.dma_semaphore, #tpu.memory_space<semaphore_mem>> -> memref<!tpu.dma_semaphore, #tpu.memory_space<semaphore_mem>>
      tpu.wait_indirect_dma semaphore(%dma_wait3A_325 : memref<!tpu.dma_semaphore, #tpu.memory_space<semaphore_mem>>) src(%dma_wait3A_317 : memref<128x64xf32, #tpu.memory_space<vmem>>) dst(%dma_wait3A_323 : memref<10240x64xf32, #tpu.memory_space<vmem_shared>>)
      %dma_wait3A_326 = arith.constant 3 : i32
      %dma_wait3A_327 = arith.constant 3 : i32
      %dma_wait3A_328 = arith.constant 0 : i32
      %dma_wait3A_329 = arith.constant 0 : i32
      %dma_wait3A_330 = tpu.memref_slice %arg12[%dma_wait3A_326, %dma_wait3A_328, %dma_wait3A_329] : memref<4x128x64xf32, #tpu.memory_space<vmem>> -> memref<1x128x64xf32, #tpu.memory_space<vmem>>
      %dma_wait3A_331 = tpu.memref_squeeze %dma_wait3A_330 : memref<1x128x64xf32, #tpu.memory_space<vmem>> -> memref<128x64xf32, #tpu.memory_space<vmem>>
      %dma_wait3A_332 = arith.constant 0 : i32
      %dma_wait3A_333 = tpu.memref_slice %arg11[%add3A_269, %dma_wait3A_332] : memref<144x128xi32, #tpu.memory_space<vmem>> -> memref<1x128xi32, #tpu.memory_space<vmem>>
      %dma_wait3A_334 = tpu.memref_squeeze %dma_wait3A_333 : memref<1x128xi32, #tpu.memory_space<vmem>> -> memref<128xi32, #tpu.memory_space<vmem>>
      %dma_wait3A_335 = arith.constant 0 : i32
      %dma_wait3A_336 = arith.constant 0 : i32
      %dma_wait3A_337 = tpu.memref_slice %arg13[%dma_wait3A_335, %dma_wait3A_336] : memref<10240x64xf32, #tpu.memory_space<vmem_shared>> -> memref<10240x64xf32, #tpu.memory_space<vmem_shared>>
      %dma_wait3A_338 = tpu.memref_slice %arg15[%dma_wait3A_327] : memref<4x!tpu.dma_semaphore, #tpu.memory_space<semaphore_mem>> -> memref<1x!tpu.dma_semaphore, #tpu.memory_space<semaphore_mem>>
      %dma_wait3A_339 = tpu.memref_squeeze %dma_wait3A_338 : memref<1x!tpu.dma_semaphore, #tpu.memory_space<semaphore_mem>> -> memref<!tpu.dma_semaphore, #tpu.memory_space<semaphore_mem>>
      tpu.wait_indirect_dma semaphore(%dma_wait3A_339 : memref<!tpu.dma_semaphore, #tpu.memory_space<semaphore_mem>>) src(%dma_wait3A_331 : memref<128x64xf32, #tpu.memory_space<vmem>>) dst(%dma_wait3A_337 : memref<10240x64xf32, #tpu.memory_space<vmem_shared>>)
    }
    %while3A_96 = arith.constant 1 : i32
    scf.for %while3A_99 = %while3A_94 to %while3A_90 step %while3A_96  : i32 {
      %mul3A_100 = arith.constant 4 : i32
      %mul3A_101 = arith.muli %while3A_99, %mul3A_100 : i32
      %add3A_102 = arith.constant 0 : i32
      %add3A_103 = arith.addi %mul3A_101, %add3A_102 : i32
      %dma_start3A = arith.constant 0 : i32
      %dma_start3A_104 = arith.constant 0 : i32
      %dma_start3A_105 = arith.constant 0 : i32
      %dma_start3A_106 = arith.constant 0 : i32
      %dma_start3A_107 = tpu.memref_slice %arg12[%dma_start3A, %dma_start3A_105, %dma_start3A_106] : memref<4x128x64xf32, #tpu.memory_space<vmem>> -> memref<1x128x64xf32, #tpu.memory_space<vmem>>
      %dma_start3A_108 = tpu.memref_squeeze %dma_start3A_107 : memref<1x128x64xf32, #tpu.memory_space<vmem>> -> memref<128x64xf32, #tpu.memory_space<vmem>>
      %dma_start3A_109 = arith.constant 0 : i32
      %dma_start3A_110 = tpu.memref_slice %arg10[%add3A_103, %dma_start3A_109] : memref<144x128xi32, #tpu.memory_space<vmem>> -> memref<1x128xi32, #tpu.memory_space<vmem>>
      %dma_start3A_111 = tpu.memref_squeeze %dma_start3A_110 : memref<1x128xi32, #tpu.memory_space<vmem>> -> memref<128xi32, #tpu.memory_space<vmem>>
      %dma_start3A_112 = arith.constant 0 : i32
      %dma_start3A_113 = arith.constant 0 : i32
      %dma_start3A_114 = tpu.memref_slice %arg3[%dma_start3A_112, %dma_start3A_113] : memref<10000x64xf32, #tpu.memory_space<hbm>> -> memref<10000x64xf32, #tpu.memory_space<hbm>>
      %dma_start3A_115 = tpu.memref_slice %arg14[%dma_start3A_104] : memref<4x!tpu.dma_semaphore, #tpu.memory_space<semaphore_mem>> -> memref<1x!tpu.dma_semaphore, #tpu.memory_space<semaphore_mem>>
      %dma_start3A_116 = tpu.memref_squeeze %dma_start3A_115 : memref<1x!tpu.dma_semaphore, #tpu.memory_space<semaphore_mem>> -> memref<!tpu.dma_semaphore, #tpu.memory_space<semaphore_mem>>
      tpu.enqueue_indirect_dma source(%dma_start3A_114 : memref<10000x64xf32, #tpu.memory_space<hbm>>) target(%dma_start3A_108 : memref<128x64xf32, #tpu.memory_space<vmem>>) offsets(%dma_start3A_111 : memref<128xi32, #tpu.memory_space<vmem>>) semaphore(%dma_start3A_116 : memref<!tpu.dma_semaphore, #tpu.memory_space<semaphore_mem>>)
      %add3A_117 = arith.constant 1 : i32
      %add3A_118 = arith.addi %mul3A_101, %add3A_117 : i32
      %dma_start3A_119 = arith.constant 1 : i32
      %dma_start3A_120 = arith.constant 1 : i32
      %dma_start3A_121 = arith.constant 0 : i32
      %dma_start3A_122 = arith.constant 0 : i32
      %dma_start3A_123 = tpu.memref_slice %arg12[%dma_start3A_119, %dma_start3A_121, %dma_start3A_122] : memref<4x128x64xf32, #tpu.memory_space<vmem>> -> memref<1x128x64xf32, #tpu.memory_space<vmem>>
      %dma_start3A_124 = tpu.memref_squeeze %dma_start3A_123 : memref<1x128x64xf32, #tpu.memory_space<vmem>> -> memref<128x64xf32, #tpu.memory_space<vmem>>
      %dma_start3A_125 = arith.constant 0 : i32
      %dma_start3A_126 = tpu.memref_slice %arg10[%add3A_118, %dma_start3A_125] : memref<144x128xi32, #tpu.memory_space<vmem>> -> memref<1x128xi32, #tpu.memory_space<vmem>>
      %dma_start3A_127 = tpu.memref_squeeze %dma_start3A_126 : memref<1x128xi32, #tpu.memory_space<vmem>> -> memref<128xi32, #tpu.memory_space<vmem>>
      %dma_start3A_128 = arith.constant 0 : i32
      %dma_start3A_129 = arith.constant 0 : i32
      %dma_start3A_130 = tpu.memref_slice %arg3[%dma_start3A_128, %dma_start3A_129] : memref<10000x64xf32, #tpu.memory_space<hbm>> -> memref<10000x64xf32, #tpu.memory_space<hbm>>
      %dma_start3A_131 = tpu.memref_slice %arg14[%dma_start3A_120] : memref<4x!tpu.dma_semaphore, #tpu.memory_space<semaphore_mem>> -> memref<1x!tpu.dma_semaphore, #tpu.memory_space<semaphore_mem>>
      %dma_start3A_132 = tpu.memref_squeeze %dma_start3A_131 : memref<1x!tpu.dma_semaphore, #tpu.memory_space<semaphore_mem>> -> memref<!tpu.dma_semaphore, #tpu.memory_space<semaphore_mem>>
      tpu.enqueue_indirect_dma source(%dma_start3A_130 : memref<10000x64xf32, #tpu.memory_space<hbm>>) target(%dma_start3A_124 : memref<128x64xf32, #tpu.memory_space<vmem>>) offsets(%dma_start3A_127 : memref<128xi32, #tpu.memory_space<vmem>>) semaphore(%dma_start3A_132 : memref<!tpu.dma_semaphore, #tpu.memory_space<semaphore_mem>>)
      %add3A_133 = arith.constant 2 : i32
      %add3A_134 = arith.addi %mul3A_101, %add3A_133 : i32
      %dma_start3A_135 = arith.constant 2 : i32
      %dma_start3A_136 = arith.constant 2 : i32
      %dma_start3A_137 = arith.constant 0 : i32
      %dma_start3A_138 = arith.constant 0 : i32
      %dma_start3A_139 = tpu.memref_slice %arg12[%dma_start3A_135, %dma_start3A_137, %dma_start3A_138] : memref<4x128x64xf32, #tpu.memory_space<vmem>> -> memref<1x128x64xf32, #tpu.memory_space<vmem>>
      %dma_start3A_140 = tpu.memref_squeeze %dma_start3A_139 : memref<1x128x64xf32, #tpu.memory_space<vmem>> -> memref<128x64xf32, #tpu.memory_space<vmem>>
      %dma_start3A_141 = arith.constant 0 : i32
      %dma_start3A_142 = tpu.memref_slice %arg10[%add3A_134, %dma_start3A_141] : memref<144x128xi32, #tpu.memory_space<vmem>> -> memref<1x128xi32, #tpu.memory_space<vmem>>
      %dma_start3A_143 = tpu.memref_squeeze %dma_start3A_142 : memref<1x128xi32, #tpu.memory_space<vmem>> -> memref<128xi32, #tpu.memory_space<vmem>>
      %dma_start3A_144 = arith.constant 0 : i32
      %dma_start3A_145 = arith.constant 0 : i32
      %dma_start3A_146 = tpu.memref_slice %arg3[%dma_start3A_144, %dma_start3A_145] : memref<10000x64xf32, #tpu.memory_space<hbm>> -> memref<10000x64xf32, #tpu.memory_space<hbm>>
      %dma_start3A_147 = tpu.memref_slice %arg14[%dma_start3A_136] : memref<4x!tpu.dma_semaphore, #tpu.memory_space<semaphore_mem>> -> memref<1x!tpu.dma_semaphore, #tpu.memory_space<semaphore_mem>>
      %dma_start3A_148 = tpu.memref_squeeze %dma_start3A_147 : memref<1x!tpu.dma_semaphore, #tpu.memory_space<semaphore_mem>> -> memref<!tpu.dma_semaphore, #tpu.memory_space<semaphore_mem>>
      tpu.enqueue_indirect_dma source(%dma_start3A_146 : memref<10000x64xf32, #tpu.memory_space<hbm>>) target(%dma_start3A_140 : memref<128x64xf32, #tpu.memory_space<vmem>>) offsets(%dma_start3A_143 : memref<128xi32, #tpu.memory_space<vmem>>) semaphore(%dma_start3A_148 : memref<!tpu.dma_semaphore, #tpu.memory_space<semaphore_mem>>)
      %add3A_149 = arith.constant 3 : i32
      %add3A_150 = arith.addi %mul3A_101, %add3A_149 : i32
      %dma_start3A_151 = arith.constant 3 : i32
      %dma_start3A_152 = arith.constant 3 : i32
      %dma_start3A_153 = arith.constant 0 : i32
      %dma_start3A_154 = arith.constant 0 : i32
      %dma_start3A_155 = tpu.memref_slice %arg12[%dma_start3A_151, %dma_start3A_153, %dma_start3A_154] : memref<4x128x64xf32, #tpu.memory_space<vmem>> -> memref<1x128x64xf32, #tpu.memory_space<vmem>>
      %dma_start3A_156 = tpu.memref_squeeze %dma_start3A_155 : memref<1x128x64xf32, #tpu.memory_space<vmem>> -> memref<128x64xf32, #tpu.memory_space<vmem>>
      %dma_start3A_157 = arith.constant 0 : i32
      %dma_start3A_158 = tpu.memref_slice %arg10[%add3A_150, %dma_start3A_157] : memref<144x128xi32, #tpu.memory_space<vmem>> -> memref<1x128xi32, #tpu.memory_space<vmem>>
      %dma_start3A_159 = tpu.memref_squeeze %dma_start3A_158 : memref<1x128xi32, #tpu.memory_space<vmem>> -> memref<128xi32, #tpu.memory_space<vmem>>
      %dma_start3A_160 = arith.constant 0 : i32
      %dma_start3A_161 = arith.constant 0 : i32
      %dma_start3A_162 = tpu.memref_slice %arg3[%dma_start3A_160, %dma_start3A_161] : memref<10000x64xf32, #tpu.memory_space<hbm>> -> memref<10000x64xf32, #tpu.memory_space<hbm>>
      %dma_start3A_163 = tpu.memref_slice %arg14[%dma_start3A_152] : memref<4x!tpu.dma_semaphore, #tpu.memory_space<semaphore_mem>> -> memref<1x!tpu.dma_semaphore, #tpu.memory_space<semaphore_mem>>
      %dma_start3A_164 = tpu.memref_squeeze %dma_start3A_163 : memref<1x!tpu.dma_semaphore, #tpu.memory_space<semaphore_mem>> -> memref<!tpu.dma_semaphore, #tpu.memory_space<semaphore_mem>>
      tpu.enqueue_indirect_dma source(%dma_start3A_162 : memref<10000x64xf32, #tpu.memory_space<hbm>>) target(%dma_start3A_156 : memref<128x64xf32, #tpu.memory_space<vmem>>) offsets(%dma_start3A_159 : memref<128xi32, #tpu.memory_space<vmem>>) semaphore(%dma_start3A_164 : memref<!tpu.dma_semaphore, #tpu.memory_space<semaphore_mem>>)
      %dma_wait3A = arith.constant 0 : i32
      %dma_wait3A_165 = arith.constant 0 : i32
      %dma_wait3A_166 = arith.constant 0 : i32
      %dma_wait3A_167 = arith.constant 0 : i32
      %dma_wait3A_168 = tpu.memref_slice %arg12[%dma_wait3A, %dma_wait3A_166, %dma_wait3A_167] : memref<4x128x64xf32, #tpu.memory_space<vmem>> -> memref<1x128x64xf32, #tpu.memory_space<vmem>>
      %dma_wait3A_169 = tpu.memref_squeeze %dma_wait3A_168 : memref<1x128x64xf32, #tpu.memory_space<vmem>> -> memref<128x64xf32, #tpu.memory_space<vmem>>
      %dma_wait3A_170 = arith.constant 0 : i32
      %dma_wait3A_171 = tpu.memref_slice %arg10[%add3A_103, %dma_wait3A_170] : memref<144x128xi32, #tpu.memory_space<vmem>> -> memref<1x128xi32, #tpu.memory_space<vmem>>
      %dma_wait3A_172 = tpu.memref_squeeze %dma_wait3A_171 : memref<1x128xi32, #tpu.memory_space<vmem>> -> memref<128xi32, #tpu.memory_space<vmem>>
      %dma_wait3A_173 = arith.constant 0 : i32
      %dma_wait3A_174 = arith.constant 0 : i32
      %dma_wait3A_175 = tpu.memref_slice %arg3[%dma_wait3A_173, %dma_wait3A_174] : memref<10000x64xf32, #tpu.memory_space<hbm>> -> memref<10000x64xf32, #tpu.memory_space<hbm>>
      %dma_wait3A_176 = tpu.memref_slice %arg14[%dma_wait3A_165] : memref<4x!tpu.dma_semaphore, #tpu.memory_space<semaphore_mem>> -> memref<1x!tpu.dma_semaphore, #tpu.memory_space<semaphore_mem>>
      %dma_wait3A_177 = tpu.memref_squeeze %dma_wait3A_176 : memref<1x!tpu.dma_semaphore, #tpu.memory_space<semaphore_mem>> -> memref<!tpu.dma_semaphore, #tpu.memory_space<semaphore_mem>>
      tpu.wait_indirect_dma semaphore(%dma_wait3A_177 : memref<!tpu.dma_semaphore, #tpu.memory_space<semaphore_mem>>) src(%dma_wait3A_175 : memref<10000x64xf32, #tpu.memory_space<hbm>>) dst(%dma_wait3A_169 : memref<128x64xf32, #tpu.memory_space<vmem>>)
      %add3A_178 = arith.constant 0 : i32
      %add3A_179 = arith.addi %mul3A_101, %add3A_178 : i32
      %dma_start3A_180 = arith.constant 0 : i32
      %dma_start3A_181 = arith.constant 0 : i32
      %dma_start3A_182 = arith.constant 0 : i32
      %dma_start3A_183 = arith.constant 0 : i32
      %dma_start3A_184 = tpu.memref_slice %arg12[%dma_start3A_180, %dma_start3A_182, %dma_start3A_183] : memref<4x128x64xf32, #tpu.memory_space<vmem>> -> memref<1x128x64xf32, #tpu.memory_space<vmem>>
      %dma_start3A_185 = tpu.memref_squeeze %dma_start3A_184 : memref<1x128x64xf32, #tpu.memory_space<vmem>> -> memref<128x64xf32, #tpu.memory_space<vmem>>
      %dma_start3A_186 = arith.constant 0 : i32
      %dma_start3A_187 = tpu.memref_slice %arg11[%add3A_179, %dma_start3A_186] : memref<144x128xi32, #tpu.memory_space<vmem>> -> memref<1x128xi32, #tpu.memory_space<vmem>>
      %dma_start3A_188 = tpu.memref_squeeze %dma_start3A_187 : memref<1x128xi32, #tpu.memory_space<vmem>> -> memref<128xi32, #tpu.memory_space<vmem>>
      %dma_start3A_189 = arith.constant 0 : i32
      %dma_start3A_190 = arith.constant 0 : i32
      %dma_start3A_191 = tpu.memref_slice %arg13[%dma_start3A_189, %dma_start3A_190] : memref<10240x64xf32, #tpu.memory_space<vmem_shared>> -> memref<10240x64xf32, #tpu.memory_space<vmem_shared>>
      %dma_start3A_192 = tpu.memref_slice %arg15[%dma_start3A_181] : memref<4x!tpu.dma_semaphore, #tpu.memory_space<semaphore_mem>> -> memref<1x!tpu.dma_semaphore, #tpu.memory_space<semaphore_mem>>
      %dma_start3A_193 = tpu.memref_squeeze %dma_start3A_192 : memref<1x!tpu.dma_semaphore, #tpu.memory_space<semaphore_mem>> -> memref<!tpu.dma_semaphore, #tpu.memory_space<semaphore_mem>>
      tpu.enqueue_indirect_dma source(%dma_start3A_185 : memref<128x64xf32, #tpu.memory_space<vmem>>) target(%dma_start3A_191 : memref<10240x64xf32, #tpu.memory_space<vmem_shared>>) offsets(%dma_start3A_188 : memref<128xi32, #tpu.memory_space<vmem>>) semaphore(%dma_start3A_193 : memref<!tpu.dma_semaphore, #tpu.memory_space<semaphore_mem>>) {add = true}
      %dma_wait3A_194 = arith.constant 1 : i32
      %dma_wait3A_195 = arith.constant 1 : i32
      %dma_wait3A_196 = arith.constant 0 : i32
      %dma_wait3A_197 = arith.constant 0 : i32
      %dma_wait3A_198 = tpu.memref_slice %arg12[%dma_wait3A_194, %dma_wait3A_196, %dma_wait3A_197] : memref<4x128x64xf32, #tpu.memory_space<vmem>> -> memref<1x128x64xf32, #tpu.memory_space<vmem>>
      %dma_wait3A_199 = tpu.memref_squeeze %dma_wait3A_198 : memref<1x128x64xf32, #tpu.memory_space<vmem>> -> memref<128x64xf32, #tpu.memory_space<vmem>>
      %dma_wait3A_200 = arith.constant 0 : i32
      %dma_wait3A_201 = tpu.memref_slice %arg10[%add3A_118, %dma_wait3A_200] : memref<144x128xi32, #tpu.memory_space<vmem>> -> memref<1x128xi32, #tpu.memory_space<vmem>>
      %dma_wait3A_202 = tpu.memref_squeeze %dma_wait3A_201 : memref<1x128xi32, #tpu.memory_space<vmem>> -> memref<128xi32, #tpu.memory_space<vmem>>
      %dma_wait3A_203 = arith.constant 0 : i32
      %dma_wait3A_204 = arith.constant 0 : i32
      %dma_wait3A_205 = tpu.memref_slice %arg3[%dma_wait3A_203, %dma_wait3A_204] : memref<10000x64xf32, #tpu.memory_space<hbm>> -> memref<10000x64xf32, #tpu.memory_space<hbm>>
      %dma_wait3A_206 = tpu.memref_slice %arg14[%dma_wait3A_195] : memref<4x!tpu.dma_semaphore, #tpu.memory_space<semaphore_mem>> -> memref<1x!tpu.dma_semaphore, #tpu.memory_space<semaphore_mem>>
      %dma_wait3A_207 = tpu.memref_squeeze %dma_wait3A_206 : memref<1x!tpu.dma_semaphore, #tpu.memory_space<semaphore_mem>> -> memref<!tpu.dma_semaphore, #tpu.memory_space<semaphore_mem>>
      tpu.wait_indirect_dma semaphore(%dma_wait3A_207 : memref<!tpu.dma_semaphore, #tpu.memory_space<semaphore_mem>>) src(%dma_wait3A_205 : memref<10000x64xf32, #tpu.memory_space<hbm>>) dst(%dma_wait3A_199 : memref<128x64xf32, #tpu.memory_space<vmem>>)
      %add3A_208 = arith.constant 1 : i32
      %add3A_209 = arith.addi %mul3A_101, %add3A_208 : i32
      %dma_start3A_210 = arith.constant 1 : i32
      %dma_start3A_211 = arith.constant 1 : i32
      %dma_start3A_212 = arith.constant 0 : i32
      %dma_start3A_213 = arith.constant 0 : i32
      %dma_start3A_214 = tpu.memref_slice %arg12[%dma_start3A_210, %dma_start3A_212, %dma_start3A_213] : memref<4x128x64xf32, #tpu.memory_space<vmem>> -> memref<1x128x64xf32, #tpu.memory_space<vmem>>
      %dma_start3A_215 = tpu.memref_squeeze %dma_start3A_214 : memref<1x128x64xf32, #tpu.memory_space<vmem>> -> memref<128x64xf32, #tpu.memory_space<vmem>>
      %dma_start3A_216 = arith.constant 0 : i32
      %dma_start3A_217 = tpu.memref_slice %arg11[%add3A_209, %dma_start3A_216] : memref<144x128xi32, #tpu.memory_space<vmem>> -> memref<1x128xi32, #tpu.memory_space<vmem>>
      %dma_start3A_218 = tpu.memref_squeeze %dma_start3A_217 : memref<1x128xi32, #tpu.memory_space<vmem>> -> memref<128xi32, #tpu.memory_space<vmem>>
      %dma_start3A_219 = arith.constant 0 : i32
      %dma_start3A_220 = arith.constant 0 : i32
      %dma_start3A_221 = tpu.memref_slice %arg13[%dma_start3A_219, %dma_start3A_220] : memref<10240x64xf32, #tpu.memory_space<vmem_shared>> -> memref<10240x64xf32, #tpu.memory_space<vmem_shared>>
      %dma_start3A_222 = tpu.memref_slice %arg15[%dma_start3A_211] : memref<4x!tpu.dma_semaphore, #tpu.memory_space<semaphore_mem>> -> memref<1x!tpu.dma_semaphore, #tpu.memory_space<semaphore_mem>>
      %dma_start3A_223 = tpu.memref_squeeze %dma_start3A_222 : memref<1x!tpu.dma_semaphore, #tpu.memory_space<semaphore_mem>> -> memref<!tpu.dma_semaphore, #tpu.memory_space<semaphore_mem>>
      tpu.enqueue_indirect_dma source(%dma_start3A_215 : memref<128x64xf32, #tpu.memory_space<vmem>>) target(%dma_start3A_221 : memref<10240x64xf32, #tpu.memory_space<vmem_shared>>) offsets(%dma_start3A_218 : memref<128xi32, #tpu.memory_space<vmem>>) semaphore(%dma_start3A_223 : memref<!tpu.dma_semaphore, #tpu.memory_space<semaphore_mem>>) {add = true}
      %dma_wait3A_224 = arith.constant 2 : i32
      %dma_wait3A_225 = arith.constant 2 : i32
      %dma_wait3A_226 = arith.constant 0 : i32
      %dma_wait3A_227 = arith.constant 0 : i32
      %dma_wait3A_228 = tpu.memref_slice %arg12[%dma_wait3A_224, %dma_wait3A_226, %dma_wait3A_227] : memref<4x128x64xf32, #tpu.memory_space<vmem>> -> memref<1x128x64xf32, #tpu.memory_space<vmem>>
      %dma_wait3A_229 = tpu.memref_squeeze %dma_wait3A_228 : memref<1x128x64xf32, #tpu.memory_space<vmem>> -> memref<128x64xf32, #tpu.memory_space<vmem>>
      %dma_wait3A_230 = arith.constant 0 : i32
      %dma_wait3A_231 = tpu.memref_slice %arg10[%add3A_134, %dma_wait3A_230] : memref<144x128xi32, #tpu.memory_space<vmem>> -> memref<1x128xi32, #tpu.memory_space<vmem>>
      %dma_wait3A_232 = tpu.memref_squeeze %dma_wait3A_231 : memref<1x128xi32, #tpu.memory_space<vmem>> -> memref<128xi32, #tpu.memory_space<vmem>>
      %dma_wait3A_233 = arith.constant 0 : i32
      %dma_wait3A_234 = arith.constant 0 : i32
      %dma_wait3A_235 = tpu.memref_slice %arg3[%dma_wait3A_233, %dma_wait3A_234] : memref<10000x64xf32, #tpu.memory_space<hbm>> -> memref<10000x64xf32, #tpu.memory_space<hbm>>
      %dma_wait3A_236 = tpu.memref_slice %arg14[%dma_wait3A_225] : memref<4x!tpu.dma_semaphore, #tpu.memory_space<semaphore_mem>> -> memref<1x!tpu.dma_semaphore, #tpu.memory_space<semaphore_mem>>
      %dma_wait3A_237 = tpu.memref_squeeze %dma_wait3A_236 : memref<1x!tpu.dma_semaphore, #tpu.memory_space<semaphore_mem>> -> memref<!tpu.dma_semaphore, #tpu.memory_space<semaphore_mem>>
      tpu.wait_indirect_dma semaphore(%dma_wait3A_237 : memref<!tpu.dma_semaphore, #tpu.memory_space<semaphore_mem>>) src(%dma_wait3A_235 : memref<10000x64xf32, #tpu.memory_space<hbm>>) dst(%dma_wait3A_229 : memref<128x64xf32, #tpu.memory_space<vmem>>)
      %add3A_238 = arith.constant 2 : i32
      %add3A_239 = arith.addi %mul3A_101, %add3A_238 : i32
      %dma_start3A_240 = arith.constant 2 : i32
      %dma_start3A_241 = arith.constant 2 : i32
      %dma_start3A_242 = arith.constant 0 : i32
      %dma_start3A_243 = arith.constant 0 : i32
      %dma_start3A_244 = tpu.memref_slice %arg12[%dma_start3A_240, %dma_start3A_242, %dma_start3A_243] : memref<4x128x64xf32, #tpu.memory_space<vmem>> -> memref<1x128x64xf32, #tpu.memory_space<vmem>>
      %dma_start3A_245 = tpu.memref_squeeze %dma_start3A_244 : memref<1x128x64xf32, #tpu.memory_space<vmem>> -> memref<128x64xf32, #tpu.memory_space<vmem>>
      %dma_start3A_246 = arith.constant 0 : i32
      %dma_start3A_247 = tpu.memref_slice %arg11[%add3A_239, %dma_start3A_246] : memref<144x128xi32, #tpu.memory_space<vmem>> -> memref<1x128xi32, #tpu.memory_space<vmem>>
      %dma_start3A_248 = tpu.memref_squeeze %dma_start3A_247 : memref<1x128xi32, #tpu.memory_space<vmem>> -> memref<128xi32, #tpu.memory_space<vmem>>
      %dma_start3A_249 = arith.constant 0 : i32
      %dma_start3A_250 = arith.constant 0 : i32
      %dma_start3A_251 = tpu.memref_slice %arg13[%dma_start3A_249, %dma_start3A_250] : memref<10240x64xf32, #tpu.memory_space<vmem_shared>> -> memref<10240x64xf32, #tpu.memory_space<vmem_shared>>
      %dma_start3A_252 = tpu.memref_slice %arg15[%dma_start3A_241] : memref<4x!tpu.dma_semaphore, #tpu.memory_space<semaphore_mem>> -> memref<1x!tpu.dma_semaphore, #tpu.memory_space<semaphore_mem>>
      %dma_start3A_253 = tpu.memref_squeeze %dma_start3A_252 : memref<1x!tpu.dma_semaphore, #tpu.memory_space<semaphore_mem>> -> memref<!tpu.dma_semaphore, #tpu.memory_space<semaphore_mem>>
      tpu.enqueue_indirect_dma source(%dma_start3A_245 : memref<128x64xf32, #tpu.memory_space<vmem>>) target(%dma_start3A_251 : memref<10240x64xf32, #tpu.memory_space<vmem_shared>>) offsets(%dma_start3A_248 : memref<128xi32, #tpu.memory_space<vmem>>) semaphore(%dma_start3A_253 : memref<!tpu.dma_semaphore, #tpu.memory_space<semaphore_mem>>) {add = true}
      %dma_wait3A_254 = arith.constant 3 : i32
      %dma_wait3A_255 = arith.constant 3 : i32
      %dma_wait3A_256 = arith.constant 0 : i32
      %dma_wait3A_257 = arith.constant 0 : i32
      %dma_wait3A_258 = tpu.memref_slice %arg12[%dma_wait3A_254, %dma_wait3A_256, %dma_wait3A_257] : memref<4x128x64xf32, #tpu.memory_space<vmem>> -> memref<1x128x64xf32, #tpu.memory_space<vmem>>
      %dma_wait3A_259 = tpu.memref_squeeze %dma_wait3A_258 : memref<1x128x64xf32, #tpu.memory_space<vmem>> -> memref<128x64xf32, #tpu.memory_space<vmem>>
      %dma_wait3A_260 = arith.constant 0 : i32
      %dma_wait3A_261 = tpu.memref_slice %arg10[%add3A_150, %dma_wait3A_260] : memref<144x128xi32, #tpu.memory_space<vmem>> -> memref<1x128xi32, #tpu.memory_space<vmem>>
      %dma_wait3A_262 = tpu.memref_squeeze %dma_wait3A_261 : memref<1x128xi32, #tpu.memory_space<vmem>> -> memref<128xi32, #tpu.memory_space<vmem>>
      %dma_wait3A_263 = arith.constant 0 : i32
      %dma_wait3A_264 = arith.constant 0 : i32
      %dma_wait3A_265 = tpu.memref_slice %arg3[%dma_wait3A_263, %dma_wait3A_264] : memref<10000x64xf32, #tpu.memory_space<hbm>> -> memref<10000x64xf32, #tpu.memory_space<hbm>>
      %dma_wait3A_266 = tpu.memref_slice %arg14[%dma_wait3A_255] : memref<4x!tpu.dma_semaphore, #tpu.memory_space<semaphore_mem>> -> memref<1x!tpu.dma_semaphore, #tpu.memory_space<semaphore_mem>>
      %dma_wait3A_267 = tpu.memref_squeeze %dma_wait3A_266 : memref<1x!tpu.dma_semaphore, #tpu.memory_space<semaphore_mem>> -> memref<!tpu.dma_semaphore, #tpu.memory_space<semaphore_mem>>
      tpu.wait_indirect_dma semaphore(%dma_wait3A_267 : memref<!tpu.dma_semaphore, #tpu.memory_space<semaphore_mem>>) src(%dma_wait3A_265 : memref<10000x64xf32, #tpu.memory_space<hbm>>) dst(%dma_wait3A_259 : memref<128x64xf32, #tpu.memory_space<vmem>>)
      %add3A_268 = arith.constant 3 : i32
      %add3A_269 = arith.addi %mul3A_101, %add3A_268 : i32
      %dma_start3A_270 = arith.constant 3 : i32
      %dma_start3A_271 = arith.constant 3 : i32
      %dma_start3A_272 = arith.constant 0 : i32
      %dma_start3A_273 = arith.constant 0 : i32
      %dma_start3A_274 = tpu.memref_slice %arg12[%dma_start3A_270, %dma_start3A_272, %dma_start3A_273] : memref<4x128x64xf32, #tpu.memory_space<vmem>> -> memref<1x128x64xf32, #tpu.memory_space<vmem>>
      %dma_start3A_275 = tpu.memref_squeeze %dma_start3A_274 : memref<1x128x64xf32, #tpu.memory_space<vmem>> -> memref<128x64xf32, #tpu.memory_space<vmem>>
      %dma_start3A_276 = arith.constant 0 : i32
      %dma_start3A_277 = tpu.memref_slice %arg11[%add3A_269, %dma_start3A_276] : memref<144x128xi32, #tpu.memory_space<vmem>> -> memref<1x128xi32, #tpu.memory_space<vmem>>
      %dma_start3A_278 = tpu.memref_squeeze %dma_start3A_277 : memref<1x128xi32, #tpu.memory_space<vmem>> -> memref<128xi32, #tpu.memory_space<vmem>>
      %dma_start3A_279 = arith.constant 0 : i32
      %dma_start3A_280 = arith.constant 0 : i32
      %dma_start3A_281 = tpu.memref_slice %arg13[%dma_start3A_279, %dma_start3A_280] : memref<10240x64xf32, #tpu.memory_space<vmem_shared>> -> memref<10240x64xf32, #tpu.memory_space<vmem_shared>>
      %dma_start3A_282 = tpu.memref_slice %arg15[%dma_start3A_271] : memref<4x!tpu.dma_semaphore, #tpu.memory_space<semaphore_mem>> -> memref<1x!tpu.dma_semaphore, #tpu.memory_space<semaphore_mem>>
      %dma_start3A_283 = tpu.memref_squeeze %dma_start3A_282 : memref<1x!tpu.dma_semaphore, #tpu.memory_space<semaphore_mem>> -> memref<!tpu.dma_semaphore, #tpu.memory_space<semaphore_mem>>
      tpu.enqueue_indirect_dma source(%dma_start3A_275 : memref<128x64xf32, #tpu.memory_space<vmem>>) target(%dma_start3A_281 : memref<10240x64xf32, #tpu.memory_space<vmem_shared>>) offsets(%dma_start3A_278 : memref<128xi32, #tpu.memory_space<vmem>>) semaphore(%dma_start3A_283 : memref<!tpu.dma_semaphore, #tpu.memory_space<semaphore_mem>>) {add = true}
      %dma_wait3A_284 = arith.constant 0 : i32
      %dma_wait3A_285 = arith.constant 0 : i32
      %dma_wait3A_286 = arith.constant 0 : i32
      %dma_wait3A_287 = arith.constant 0 : i32
      %dma_wait3A_288 = tpu.memref_slice %arg12[%dma_wait3A_284, %dma_wait3A_286, %dma_wait3A_287] : memref<4x128x64xf32, #tpu.memory_space<vmem>> -> memref<1x128x64xf32, #tpu.memory_space<vmem>>
      %dma_wait3A_289 = tpu.memref_squeeze %dma_wait3A_288 : memref<1x128x64xf32, #tpu.memory_space<vmem>> -> memref<128x64xf32, #tpu.memory_space<vmem>>
      %dma_wait3A_290 = arith.constant 0 : i32
      %dma_wait3A_291 = tpu.memref_slice %arg11[%add3A_179, %dma_wait3A_290] : memref<144x128xi32, #tpu.memory_space<vmem>> -> memref<1x128xi32, #tpu.memory_space<vmem>>
      %dma_wait3A_292 = tpu.memref_squeeze %dma_wait3A_291 : memref<1x128xi32, #tpu.memory_space<vmem>> -> memref<128xi32, #tpu.memory_space<vmem>>
      %dma_wait3A_293 = arith.constant 0 : i32
      %dma_wait3A_294 = arith.constant 0 : i32
      %dma_wait3A_295 = tpu.memref_slice %arg13[%dma_wait3A_293, %dma_wait3A_294] : memref<10240x64xf32, #tpu.memory_space<vmem_shared>> -> memref<10240x64xf32, #tpu.memory_space<vmem_shared>>
      %dma_wait3A_296 = tpu.memref_slice %arg15[%dma_wait3A_285] : memref<4x!tpu.dma_semaphore, #tpu.memory_space<semaphore_mem>> -> memref<1x!tpu.dma_semaphore, #tpu.memory_space<semaphore_mem>>
      %dma_wait3A_297 = tpu.memref_squeeze %dma_wait3A_296 : memref<1x!tpu.dma_semaphore, #tpu.memory_space<semaphore_mem>> -> memref<!tpu.dma_semaphore, #tpu.memory_space<semaphore_mem>>
      tpu.wait_indirect_dma semaphore(%dma_wait3A_297 : memref<!tpu.dma_semaphore, #tpu.memory_space<semaphore_mem>>) src(%dma_wait3A_289 : memref<128x64xf32, #tpu.memory_space<vmem>>) dst(%dma_wait3A_295 : memref<10240x64xf32, #tpu.memory_space<vmem_shared>>)
      %dma_wait3A_298 = arith.constant 1 : i32
      %dma_wait3A_299 = arith.constant 1 : i32
      %dma_wait3A_300 = arith.constant 0 : i32
      %dma_wait3A_301 = arith.constant 0 : i32
      %dma_wait3A_302 = tpu.memref_slice %arg12[%dma_wait3A_298, %dma_wait3A_300, %dma_wait3A_301] : memref<4x128x64xf32, #tpu.memory_space<vmem>> -> memref<1x128x64xf32, #tpu.memory_space<vmem>>
      %dma_wait3A_303 = tpu.memref_squeeze %dma_wait3A_302 : memref<1x128x64xf32, #tpu.memory_space<vmem>> -> memref<128x64xf32, #tpu.memory_space<vmem>>
      %dma_wait3A_304 = arith.constant 0 : i32
      %dma_wait3A_305 = tpu.memref_slice %arg11[%add3A_209, %dma_wait3A_304] : memref<144x128xi32, #tpu.memory_space<vmem>> -> memref<1x128xi32, #tpu.memory_space<vmem>>
      %dma_wait3A_306 = tpu.memref_squeeze %dma_wait3A_305 : memref<1x128xi32, #tpu.memory_space<vmem>> -> memref<128xi32, #tpu.memory_space<vmem>>
      %dma_wait3A_307 = arith.constant 0 : i32
      %dma_wait3A_308 = arith.constant 0 : i32
      %dma_wait3A_309 = tpu.memref_slice %arg13[%dma_wait3A_307, %dma_wait3A_308] : memref<10240x64xf32, #tpu.memory_space<vmem_shared>> -> memref<10240x64xf32, #tpu.memory_space<vmem_shared>>
      %dma_wait3A_310 = tpu.memref_slice %arg15[%dma_wait3A_299] : memref<4x!tpu.dma_semaphore, #tpu.memory_space<semaphore_mem>> -> memref<1x!tpu.dma_semaphore, #tpu.memory_space<semaphore_mem>>
      %dma_wait3A_311 = tpu.memref_squeeze %dma_wait3A_310 : memref<1x!tpu.dma_semaphore, #tpu.memory_space<semaphore_mem>> -> memref<!tpu.dma_semaphore, #tpu.memory_space<semaphore_mem>>
      tpu.wait_indirect_dma semaphore(%dma_wait3A_311 : memref<!tpu.dma_semaphore, #tpu.memory_space<semaphore_mem>>) src(%dma_wait3A_303 : memref<128x64xf32, #tpu.memory_space<vmem>>) dst(%dma_wait3A_309 : memref<10240x64xf32, #tpu.memory_space<vmem_shared>>)
      %dma_wait3A_312 = arith.constant 2 : i32
      %dma_wait3A_313 = arith.constant 2 : i32
      %dma_wait3A_314 = arith.constant 0 : i32
      %dma_wait3A_315 = arith.constant 0 : i32
      %dma_wait3A_316 = tpu.memref_slice %arg12[%dma_wait3A_312, %dma_wait3A_314, %dma_wait3A_315] : memref<4x128x64xf32, #tpu.memory_space<vmem>> -> memref<1x128x64xf32, #tpu.memory_space<vmem>>
      %dma_wait3A_317 = tpu.memref_squeeze %dma_wait3A_316 : memref<1x128x64xf32, #tpu.memory_space<vmem>> -> memref<128x64xf32, #tpu.memory_space<vmem>>
      %dma_wait3A_318 = arith.constant 0 : i32
      %dma_wait3A_319 = tpu.memref_slice %arg11[%add3A_239, %dma_wait3A_318] : memref<144x128xi32, #tpu.memory_space<vmem>> -> memref<1x128xi32, #tpu.memory_space<vmem>>
      %dma_wait3A_320 = tpu.memref_squeeze %dma_wait3A_319 : memref<1x128xi32, #tpu.memory_space<vmem>> -> memref<128xi32, #tpu.memory_space<vmem>>
      %dma_wait3A_321 = arith.constant 0 : i32
      %dma_wait3A_322 = arith.constant 0 : i32
      %dma_wait3A_323 = tpu.memref_slice %arg13[%dma_wait3A_321, %dma_wait3A_322] : memref<10240x64xf32, #tpu.memory_space<vmem_shared>> -> memref<10240x64xf32, #tpu.memory_space<vmem_shared>>
      %dma_wait3A_324 = tpu.memref_slice %arg15[%dma_wait3A_313] : memref<4x!tpu.dma_semaphore, #tpu.memory_space<semaphore_mem>> -> memref<1x!tpu.dma_semaphore, #tpu.memory_space<semaphore_mem>>
      %dma_wait3A_325 = tpu.memref_squeeze %dma_wait3A_324 : memref<1x!tpu.dma_semaphore, #tpu.memory_space<semaphore_mem>> -> memref<!tpu.dma_semaphore, #tpu.memory_space<semaphore_mem>>
      tpu.wait_indirect_dma semaphore(%dma_wait3A_325 : memref<!tpu.dma_semaphore, #tpu.memory_space<semaphore_mem>>) src(%dma_wait3A_317 : memref<128x64xf32, #tpu.memory_space<vmem>>) dst(%dma_wait3A_323 : memref<10240x64xf32, #tpu.memory_space<vmem_shared>>)
      %dma_wait3A_326 = arith.constant 3 : i32
      %dma_wait3A_327 = arith.constant 3 : i32
      %dma_wait3A_328 = arith.constant 0 : i32
      %dma_wait3A_329 = arith.constant 0 : i32
      %dma_wait3A_330 = tpu.memref_slice %arg12[%dma_wait3A_326, %dma_wait3A_328, %dma_wait3A_329] : memref<4x128x64xf32, #tpu.memory_space<vmem>> -> memref<1x128x64xf32, #tpu.memory_space<vmem>>
      %dma_wait3A_331 = tpu.memref_squeeze %dma_wait3A_330 : memref<1x128x64xf32, #tpu.memory_space<vmem>> -> memref<128x64xf32, #tpu.memory_space<vmem>>
      %dma_wait3A_332 = arith.constant 0 : i32
      %dma_wait3A_333 = tpu.memref_slice %arg11[%add3A_269, %dma_wait3A_332] : memref<144x128xi32, #tpu.memory_space<vmem>> -> memref<1x128xi32, #tpu.memory_space<vmem>>
      %dma_wait3A_334 = tpu.memref_squeeze %dma_wait3A_333 : memref<1x128xi32, #tpu.memory_space<vmem>> -> memref<128xi32, #tpu.memory_space<vmem>>
      %dma_wait3A_335 = arith.constant 0 : i32
      %dma_wait3A_336 = arith.constant 0 : i32
      %dma_wait3A_337 = tpu.memref_slice %arg13[%dma_wait3A_335, %dma_wait3A_336] : memref<10240x64xf32, #tpu.memory_space<vmem_shared>> -> memref<10240x64xf32, #tpu.memory_space<vmem_shared>>
      %dma_wait3A_338 = tpu.memref_slice %arg15[%dma_wait3A_327] : memref<4x!tpu.dma_semaphore, #tpu.memory_space<semaphore_mem>> -> memref<1x!tpu.dma_semaphore, #tpu.memory_space<semaphore_mem>>
      %dma_wait3A_339 = tpu.memref_squeeze %dma_wait3A_338 : memref<1x!tpu.dma_semaphore, #tpu.memory_space<semaphore_mem>> -> memref<!tpu.dma_semaphore, #tpu.memory_space<semaphore_mem>>
      tpu.wait_indirect_dma semaphore(%dma_wait3A_339 : memref<!tpu.dma_semaphore, #tpu.memory_space<semaphore_mem>>) src(%dma_wait3A_331 : memref<128x64xf32, #tpu.memory_space<vmem>>) dst(%dma_wait3A_337 : memref<10240x64xf32, #tpu.memory_space<vmem_shared>>)
    }
    %barrier3A_97 = arith.constant 0 : index
    tpu.barrier barrier_id(%barrier3A_97)
    "tpu.region"() ({
      %run_scoped3A_99 = tpu.sem_alloc : memref<!tpu.dma_semaphore, #tpu.memory_space<semaphore_mem>>
      %dma_start3A = arith.constant 0 : i32
      %dma_start3A_100 = tpu.memref_slice %arg9[%arg0, %mul3A_0, %dma_start3A] : memref<2x10240x64xf32, #tpu.memory_space<hbm>> -> memref<1x640x64xf32, #tpu.memory_space<hbm>>
      %dma_start3A_101 = tpu.memref_squeeze %dma_start3A_100 : memref<1x640x64xf32, #tpu.memory_space<hbm>> -> memref<640x64xf32, #tpu.memory_space<hbm>>
      %dma_start3A_102 = arith.constant 0 : i32
      %dma_start3A_103 = tpu.memref_slice %arg13[%mul3A_0, %dma_start3A_102] : memref<10240x64xf32, #tpu.memory_space<vmem_shared>> -> memref<640x64xf32, #tpu.memory_space<vmem_shared>>
      tpu.enqueue_dma source(%dma_start3A_103 : memref<640x64xf32, #tpu.memory_space<vmem_shared>>) target(%dma_start3A_101 : memref<640x64xf32, #tpu.memory_space<hbm>>) target_semaphore(%run_scoped3A_99 : memref<!tpu.dma_semaphore, #tpu.memory_space<semaphore_mem>>)
      %dma_wait3A = arith.constant 0 : i32
      %dma_wait3A_104 = tpu.memref_slice %arg9[%arg0, %mul3A_0, %dma_wait3A] : memref<2x10240x64xf32, #tpu.memory_space<hbm>> -> memref<1x640x64xf32, #tpu.memory_space<hbm>>
      %dma_wait3A_105 = tpu.memref_squeeze %dma_wait3A_104 : memref<1x640x64xf32, #tpu.memory_space<hbm>> -> memref<640x64xf32, #tpu.memory_space<hbm>>
      %dma_wait3A_106 = arith.constant 0 : i32
      %dma_wait3A_107 = tpu.memref_slice %arg13[%mul3A_0, %dma_wait3A_106] : memref<10240x64xf32, #tpu.memory_space<vmem_shared>> -> memref<640x64xf32, #tpu.memory_space<vmem_shared>>
      tpu.wait_dma2 semaphore(%run_scoped3A_99 : memref<!tpu.dma_semaphore, #tpu.memory_space<semaphore_mem>>) src(%dma_wait3A_107 : memref<640x64xf32, #tpu.memory_space<vmem_shared>>) dst(%dma_wait3A_105 : memref<640x64xf32, #tpu.memory_space<hbm>>)
      tpu.yield
    }) : () -> ()
    %barrier3A_98 = arith.constant 0 : index
    tpu.barrier barrier_id(%barrier3A_98)
    return
  }
}

#map = affine_map<(d0, d1) -> (0, 0, 0)>
module attributes {stable_mosaic.version = 14 : i64} {
  func.func @deg(%arg0: i32, %arg1: i32, %arg2: memref<16x144x128xi32, #tpu.memory_space<hbm>>, %arg3: memref<16x16x128xi32, #tpu.memory_space<hbm>>, %arg4: memref<2x10240x16xf32, #tpu.memory_space<hbm>>, %arg5: memref<144x128xi32, #tpu.memory_space<vmem>>, %arg6: memref<128x16xf32, #tpu.memory_space<vmem>>, %arg7: memref<128x16xf32, #tpu.memory_space<vmem>>, %arg8: memref<10240x16xf32, #tpu.memory_space<vmem_shared>>, %arg9: memref<8x!tpu.dma_semaphore, #tpu.memory_space<semaphore_mem>>) attributes {dimension_semantics = [#tpu.dimension_semantics<core_parallel>, #tpu.dimension_semantics<subcore_parallel>], iteration_bounds = array<i64: 2, 16>, scalar_prefetch = 0 : i64, scratch_operands = 5 : i64, tpu.core_type = #tpu.core_type<sc_vector_subcore>, window_params = [{transform_indices = #map}, {transform_indices = #map}, {transform_indices = #map}]} {
    %mul3A = arith.constant 640 : i32
    %mul3A_0 = arith.muli %arg1, %mul3A : i32
    %eq3A = arith.constant 0 : i32
    %eq3A_1 = arith.cmpi eq, %arg0, %eq3A : i32
    %convert_element_type3A = arith.extui %eq3A_1 : i1 to i32
    %cond3A = arith.constant 0 : i32
    %cond3A_2 = arith.cmpi ne, %convert_element_type3A, %cond3A : i32
    scf.if %cond3A_2 {
      "tpu.region"() ({
        %run_scoped3A = tpu.sem_alloc : memref<!tpu.dma_semaphore, #tpu.memory_space<semaphore_mem>>
        %dma_start3A = arith.constant 0 : i32
        %dma_start3A_54 = arith.constant 0 : i32
        %dma_start3A_55 = tpu.memref_slice %arg2[%arg1, %dma_start3A, %dma_start3A_54] : memref<16x144x128xi32, #tpu.memory_space<hbm>> -> memref<1x144x128xi32, #tpu.memory_space<hbm>>
        %dma_start3A_56 = tpu.memref_squeeze %dma_start3A_55 : memref<1x144x128xi32, #tpu.memory_space<hbm>> -> memref<144x128xi32, #tpu.memory_space<hbm>>
        %dma_start3A_57 = arith.constant 0 : i32
        %dma_start3A_58 = arith.constant 0 : i32
        %dma_start3A_59 = tpu.memref_slice %arg2[%arg1, %dma_start3A_57, %dma_start3A_58] : memref<16x144x128xi32, #tpu.memory_space<hbm>> -> memref<1x144x128xi32, #tpu.memory_space<hbm>>
        %dma_start3A_60 = tpu.memref_squeeze %dma_start3A_59 : memref<1x144x128xi32, #tpu.memory_space<hbm>> -> memref<144x128xi32, #tpu.memory_space<hbm>>
        tpu.enqueue_dma source(%dma_start3A_60 : memref<144x128xi32, #tpu.memory_space<hbm>>) target(%arg5 : memref<144x128xi32, #tpu.memory_space<vmem>>) target_semaphore(%run_scoped3A : memref<!tpu.dma_semaphore, #tpu.memory_space<semaphore_mem>>)
        %dma_wait3A = arith.constant 0 : i32
        %dma_wait3A_61 = arith.constant 0 : i32
        %dma_wait3A_62 = tpu.memref_slice %arg2[%arg1, %dma_wait3A, %dma_wait3A_61] : memref<16x144x128xi32, #tpu.memory_space<hbm>> -> memref<1x144x128xi32, #tpu.memory_space<hbm>>
        %dma_wait3A_63 = tpu.memref_squeeze %dma_wait3A_62 : memref<1x144x128xi32, #tpu.memory_space<hbm>> -> memref<144x128xi32, #tpu.memory_space<hbm>>
        %dma_wait3A_64 = arith.constant 0 : i32
        %dma_wait3A_65 = arith.constant 0 : i32
        %dma_wait3A_66 = tpu.memref_slice %arg2[%arg1, %dma_wait3A_64, %dma_wait3A_65] : memref<16x144x128xi32, #tpu.memory_space<hbm>> -> memref<1x144x128xi32, #tpu.memory_space<hbm>>
        %dma_wait3A_67 = tpu.memref_squeeze %dma_wait3A_66 : memref<1x144x128xi32, #tpu.memory_space<hbm>> -> memref<144x128xi32, #tpu.memory_space<hbm>>
        tpu.wait_dma2 semaphore(%run_scoped3A : memref<!tpu.dma_semaphore, #tpu.memory_space<semaphore_mem>>) src(%dma_wait3A_67 : memref<144x128xi32, #tpu.memory_space<hbm>>) dst(%arg5 : memref<144x128xi32, #tpu.memory_space<vmem>>)
        tpu.yield
      }) : () -> ()
    } else {
    }
    %eq3A_3 = arith.constant 1 : i32
    %eq3A_4 = arith.cmpi eq, %arg0, %eq3A_3 : i32
    %convert_element_type3A_5 = arith.extui %eq3A_4 : i1 to i32
    %cond3A_6 = arith.constant 0 : i32
    %cond3A_7 = arith.cmpi ne, %convert_element_type3A_5, %cond3A_6 : i32
    scf.if %cond3A_7 {
      "tpu.region"() ({
        %run_scoped3A = tpu.sem_alloc : memref<!tpu.dma_semaphore, #tpu.memory_space<semaphore_mem>>
        %dma_start3A = arith.constant 0 : i32
        %dma_start3A_54 = arith.constant 0 : i32
        %dma_start3A_55 = tpu.memref_slice %arg5[%dma_start3A, %dma_start3A_54] : memref<144x128xi32, #tpu.memory_space<vmem>> -> memref<16x128xi32, #tpu.memory_space<vmem>>
        %dma_start3A_56 = arith.constant 0 : i32
        %dma_start3A_57 = arith.constant 0 : i32
        %dma_start3A_58 = tpu.memref_slice %arg3[%arg1, %dma_start3A_56, %dma_start3A_57] : memref<16x16x128xi32, #tpu.memory_space<hbm>> -> memref<1x16x128xi32, #tpu.memory_space<hbm>>
        %dma_start3A_59 = tpu.memref_squeeze %dma_start3A_58 : memref<1x16x128xi32, #tpu.memory_space<hbm>> -> memref<16x128xi32, #tpu.memory_space<hbm>>
        %dma_start3A_60 = arith.constant 0 : i32
        %dma_start3A_61 = arith.constant 0 : i32
        %dma_start3A_62 = tpu.memref_slice %arg5[%dma_start3A_60, %dma_start3A_61] : memref<144x128xi32, #tpu.memory_space<vmem>> -> memref<16x128xi32, #tpu.memory_space<vmem>>
        %dma_start3A_63 = arith.constant 0 : i32
        %dma_start3A_64 = arith.constant 0 : i32
        %dma_start3A_65 = tpu.memref_slice %arg3[%arg1, %dma_start3A_63, %dma_start3A_64] : memref<16x16x128xi32, #tpu.memory_space<hbm>> -> memref<1x16x128xi32, #tpu.memory_space<hbm>>
        %dma_start3A_66 = tpu.memref_squeeze %dma_start3A_65 : memref<1x16x128xi32, #tpu.memory_space<hbm>> -> memref<16x128xi32, #tpu.memory_space<hbm>>
        tpu.enqueue_dma source(%dma_start3A_66 : memref<16x128xi32, #tpu.memory_space<hbm>>) target(%dma_start3A_62 : memref<16x128xi32, #tpu.memory_space<vmem>>) target_semaphore(%run_scoped3A : memref<!tpu.dma_semaphore, #tpu.memory_space<semaphore_mem>>)
        %dma_wait3A = arith.constant 0 : i32
        %dma_wait3A_67 = arith.constant 0 : i32
        %dma_wait3A_68 = tpu.memref_slice %arg5[%dma_wait3A, %dma_wait3A_67] : memref<144x128xi32, #tpu.memory_space<vmem>> -> memref<16x128xi32, #tpu.memory_space<vmem>>
        %dma_wait3A_69 = arith.constant 0 : i32
        %dma_wait3A_70 = arith.constant 0 : i32
        %dma_wait3A_71 = tpu.memref_slice %arg3[%arg1, %dma_wait3A_69, %dma_wait3A_70] : memref<16x16x128xi32, #tpu.memory_space<hbm>> -> memref<1x16x128xi32, #tpu.memory_space<hbm>>
        %dma_wait3A_72 = tpu.memref_squeeze %dma_wait3A_71 : memref<1x16x128xi32, #tpu.memory_space<hbm>> -> memref<16x128xi32, #tpu.memory_space<hbm>>
        %dma_wait3A_73 = arith.constant 0 : i32
        %dma_wait3A_74 = arith.constant 0 : i32
        %dma_wait3A_75 = tpu.memref_slice %arg5[%dma_wait3A_73, %dma_wait3A_74] : memref<144x128xi32, #tpu.memory_space<vmem>> -> memref<16x128xi32, #tpu.memory_space<vmem>>
        %dma_wait3A_76 = arith.constant 0 : i32
        %dma_wait3A_77 = arith.constant 0 : i32
        %dma_wait3A_78 = tpu.memref_slice %arg3[%arg1, %dma_wait3A_76, %dma_wait3A_77] : memref<16x16x128xi32, #tpu.memory_space<hbm>> -> memref<1x16x128xi32, #tpu.memory_space<hbm>>
        %dma_wait3A_79 = tpu.memref_squeeze %dma_wait3A_78 : memref<1x16x128xi32, #tpu.memory_space<hbm>> -> memref<16x128xi32, #tpu.memory_space<hbm>>
        tpu.wait_dma2 semaphore(%run_scoped3A : memref<!tpu.dma_semaphore, #tpu.memory_space<semaphore_mem>>) src(%dma_wait3A_79 : memref<16x128xi32, #tpu.memory_space<hbm>>) dst(%dma_wait3A_75 : memref<16x128xi32, #tpu.memory_space<vmem>>)
        tpu.yield
      }) : () -> ()
    } else {
    }
    %eq3A_8 = arith.constant 0 : i32
    %eq3A_9 = arith.cmpi eq, %arg0, %eq3A_8 : i32
    %jit3A = arith.constant 18 : i32
    %jit3A_10 = arith.constant 2 : i32
    %select_n3A = arith.select %eq3A_9, %jit3A, %jit3A_10 : i32
    %broadcast_in_dim3A = arith.constant 1.000000e+00 : f32
    %broadcast_in_dim3A_11 = vector.broadcast %broadcast_in_dim3A : f32 to vector<16xf32>
    %scan3A = arith.constant 0 : i32
    %scan3A_12 = arith.constant 0 : i32
    %scan3A_13 = arith.constant 128 : i32
    %scan3A_14 = arith.addi %scan3A_12, %scan3A_13 : i32
    %scan3A_15 = arith.constant 1 : i32
    scf.for %scan3A_54 = %scan3A_12 to %scan3A_14 step %scan3A_15  : i32 {
      %swap3A = arith.index_cast %scan3A_54 : i32 to index
      %swap3A_55 = arith.constant 0 : index
      %swap3A_56 = tpu.vector_load %arg6[%swap3A, %swap3A_55] {strides = array<i32>} : memref<128x16xf32, #tpu.memory_space<vmem>>, vector<1x16xf32>,
      %swap3A_57 = vector.shape_cast %swap3A_56 : vector<1x16xf32> to vector<16xf32>
      %swap3A_58 = vector.shape_cast %broadcast_in_dim3A_11 : vector<16xf32> to vector<1x16xf32>
      tpu.vector_store %arg6[%swap3A, %swap3A_55], %swap3A_58 {strides = array<i32>} : memref<128x16xf32, #tpu.memory_space<vmem>>, vector<1x16xf32>,
    }
    %scan3A_16 = arith.constant 128 : i32
    %broadcast_in_dim3A_17 = arith.constant 0.000000e+00 : f32
    %broadcast_in_dim3A_18 = vector.broadcast %broadcast_in_dim3A_17 : f32 to vector<16xf32>
    %scan3A_19 = arith.constant 0 : i32
    %scan3A_20 = arith.constant 0 : i32
    %scan3A_21 = arith.constant 128 : i32
    %scan3A_22 = arith.addi %scan3A_20, %scan3A_21 : i32
    %scan3A_23 = arith.constant 1 : i32
    scf.for %scan3A_54 = %scan3A_20 to %scan3A_22 step %scan3A_23  : i32 {
      %swap3A = arith.index_cast %scan3A_54 : i32 to index
      %swap3A_55 = arith.constant 0 : index
      %swap3A_56 = tpu.vector_load %arg7[%swap3A, %swap3A_55] {strides = array<i32>} : memref<128x16xf32, #tpu.memory_space<vmem>>, vector<1x16xf32>,
      %swap3A_57 = vector.shape_cast %swap3A_56 : vector<1x16xf32> to vector<16xf32>
      %swap3A_58 = vector.shape_cast %broadcast_in_dim3A_18 : vector<16xf32> to vector<1x16xf32>
      tpu.vector_store %arg7[%swap3A, %swap3A_55], %swap3A_58 {strides = array<i32>} : memref<128x16xf32, #tpu.memory_space<vmem>>, vector<1x16xf32>,
    }
    %scan3A_24 = arith.constant 128 : i32
    %mul3A_25 = arith.constant 640 : i32
    %mul3A_26 = arith.muli %arg1, %mul3A_25 : i32
    %add3A = arith.constant 0 : i32
    %add3A_27 = arith.addi %mul3A_26, %add3A : i32
    "tpu.region"() ({
      %run_scoped3A = tpu.sem_alloc : memref<!tpu.dma_semaphore, #tpu.memory_space<semaphore_mem>>
      %dma_start3A = arith.constant 0 : i32
      %dma_start3A_54 = tpu.memref_slice %arg8[%add3A_27, %dma_start3A] : memref<10240x16xf32, #tpu.memory_space<vmem_shared>> -> memref<128x16xf32, #tpu.memory_space<vmem_shared>>
      %dma_start3A_55 = arith.constant 0 : i32
      %dma_start3A_56 = tpu.memref_slice %arg8[%add3A_27, %dma_start3A_55] : memref<10240x16xf32, #tpu.memory_space<vmem_shared>> -> memref<128x16xf32, #tpu.memory_space<vmem_shared>>
      tpu.enqueue_dma source(%arg7 : memref<128x16xf32, #tpu.memory_space<vmem>>) target(%dma_start3A_56 : memref<128x16xf32, #tpu.memory_space<vmem_shared>>) target_semaphore(%run_scoped3A : memref<!tpu.dma_semaphore, #tpu.memory_space<semaphore_mem>>)
      %dma_wait3A = arith.constant 0 : i32
      %dma_wait3A_57 = tpu.memref_slice %arg8[%add3A_27, %dma_wait3A] : memref<10240x16xf32, #tpu.memory_space<vmem_shared>> -> memref<128x16xf32, #tpu.memory_space<vmem_shared>>
      %dma_wait3A_58 = arith.constant 0 : i32
      %dma_wait3A_59 = tpu.memref_slice %arg8[%add3A_27, %dma_wait3A_58] : memref<10240x16xf32, #tpu.memory_space<vmem_shared>> -> memref<128x16xf32, #tpu.memory_space<vmem_shared>>
      tpu.wait_dma2 semaphore(%run_scoped3A : memref<!tpu.dma_semaphore, #tpu.memory_space<semaphore_mem>>) src(%arg7 : memref<128x16xf32, #tpu.memory_space<vmem>>) dst(%dma_wait3A_59 : memref<128x16xf32, #tpu.memory_space<vmem_shared>>)
      tpu.yield
    }) : () -> ()
    %mul3A_28 = arith.constant 640 : i32
    %mul3A_29 = arith.muli %arg1, %mul3A_28 : i32
    %add3A_30 = arith.constant 128 : i32
    %add3A_31 = arith.addi %mul3A_29, %add3A_30 : i32
    "tpu.region"() ({
      %run_scoped3A = tpu.sem_alloc : memref<!tpu.dma_semaphore, #tpu.memory_space<semaphore_mem>>
      %dma_start3A = arith.constant 0 : i32
      %dma_start3A_54 = tpu.memref_slice %arg8[%add3A_31, %dma_start3A] : memref<10240x16xf32, #tpu.memory_space<vmem_shared>> -> memref<128x16xf32, #tpu.memory_space<vmem_shared>>
      %dma_start3A_55 = arith.constant 0 : i32
      %dma_start3A_56 = tpu.memref_slice %arg8[%add3A_31, %dma_start3A_55] : memref<10240x16xf32, #tpu.memory_space<vmem_shared>> -> memref<128x16xf32, #tpu.memory_space<vmem_shared>>
      tpu.enqueue_dma source(%arg7 : memref<128x16xf32, #tpu.memory_space<vmem>>) target(%dma_start3A_56 : memref<128x16xf32, #tpu.memory_space<vmem_shared>>) target_semaphore(%run_scoped3A : memref<!tpu.dma_semaphore, #tpu.memory_space<semaphore_mem>>)
      %dma_wait3A = arith.constant 0 : i32
      %dma_wait3A_57 = tpu.memref_slice %arg8[%add3A_31, %dma_wait3A] : memref<10240x16xf32, #tpu.memory_space<vmem_shared>> -> memref<128x16xf32, #tpu.memory_space<vmem_shared>>
      %dma_wait3A_58 = arith.constant 0 : i32
      %dma_wait3A_59 = tpu.memref_slice %arg8[%add3A_31, %dma_wait3A_58] : memref<10240x16xf32, #tpu.memory_space<vmem_shared>> -> memref<128x16xf32, #tpu.memory_space<vmem_shared>>
      tpu.wait_dma2 semaphore(%run_scoped3A : memref<!tpu.dma_semaphore, #tpu.memory_space<semaphore_mem>>) src(%arg7 : memref<128x16xf32, #tpu.memory_space<vmem>>) dst(%dma_wait3A_59 : memref<128x16xf32, #tpu.memory_space<vmem_shared>>)
      tpu.yield
    }) : () -> ()
    %mul3A_32 = arith.constant 640 : i32
    %mul3A_33 = arith.muli %arg1, %mul3A_32 : i32
    %add3A_34 = arith.constant 256 : i32
    %add3A_35 = arith.addi %mul3A_33, %add3A_34 : i32
    "tpu.region"() ({
      %run_scoped3A = tpu.sem_alloc : memref<!tpu.dma_semaphore, #tpu.memory_space<semaphore_mem>>
      %dma_start3A = arith.constant 0 : i32
      %dma_start3A_54 = tpu.memref_slice %arg8[%add3A_35, %dma_start3A] : memref<10240x16xf32, #tpu.memory_space<vmem_shared>> -> memref<128x16xf32, #tpu.memory_space<vmem_shared>>
      %dma_start3A_55 = arith.constant 0 : i32
      %dma_start3A_56 = tpu.memref_slice %arg8[%add3A_35, %dma_start3A_55] : memref<10240x16xf32, #tpu.memory_space<vmem_shared>> -> memref<128x16xf32, #tpu.memory_space<vmem_shared>>
      tpu.enqueue_dma source(%arg7 : memref<128x16xf32, #tpu.memory_space<vmem>>) target(%dma_start3A_56 : memref<128x16xf32, #tpu.memory_space<vmem_shared>>) target_semaphore(%run_scoped3A : memref<!tpu.dma_semaphore, #tpu.memory_space<semaphore_mem>>)
      %dma_wait3A = arith.constant 0 : i32
      %dma_wait3A_57 = tpu.memref_slice %arg8[%add3A_35, %dma_wait3A] : memref<10240x16xf32, #tpu.memory_space<vmem_shared>> -> memref<128x16xf32, #tpu.memory_space<vmem_shared>>
      %dma_wait3A_58 = arith.constant 0 : i32
      %dma_wait3A_59 = tpu.memref_slice %arg8[%add3A_35, %dma_wait3A_58] : memref<10240x16xf32, #tpu.memory_space<vmem_shared>> -> memref<128x16xf32, #tpu.memory_space<vmem_shared>>
      tpu.wait_dma2 semaphore(%run_scoped3A : memref<!tpu.dma_semaphore, #tpu.memory_space<semaphore_mem>>) src(%arg7 : memref<128x16xf32, #tpu.memory_space<vmem>>) dst(%dma_wait3A_59 : memref<128x16xf32, #tpu.memory_space<vmem_shared>>)
      tpu.yield
    }) : () -> ()
    %mul3A_36 = arith.constant 640 : i32
    %mul3A_37 = arith.muli %arg1, %mul3A_36 : i32
    %add3A_38 = arith.constant 384 : i32
    %add3A_39 = arith.addi %mul3A_37, %add3A_38 : i32
    "tpu.region"() ({
      %run_scoped3A = tpu.sem_alloc : memref<!tpu.dma_semaphore, #tpu.memory_space<semaphore_mem>>
      %dma_start3A = arith.constant 0 : i32
      %dma_start3A_54 = tpu.memref_slice %arg8[%add3A_39, %dma_start3A] : memref<10240x16xf32, #tpu.memory_space<vmem_shared>> -> memref<128x16xf32, #tpu.memory_space<vmem_shared>>
      %dma_start3A_55 = arith.constant 0 : i32
      %dma_start3A_56 = tpu.memref_slice %arg8[%add3A_39, %dma_start3A_55] : memref<10240x16xf32, #tpu.memory_space<vmem_shared>> -> memref<128x16xf32, #tpu.memory_space<vmem_shared>>
      tpu.enqueue_dma source(%arg7 : memref<128x16xf32, #tpu.memory_space<vmem>>) target(%dma_start3A_56 : memref<128x16xf32, #tpu.memory_space<vmem_shared>>) target_semaphore(%run_scoped3A : memref<!tpu.dma_semaphore, #tpu.memory_space<semaphore_mem>>)
      %dma_wait3A = arith.constant 0 : i32
      %dma_wait3A_57 = tpu.memref_slice %arg8[%add3A_39, %dma_wait3A] : memref<10240x16xf32, #tpu.memory_space<vmem_shared>> -> memref<128x16xf32, #tpu.memory_space<vmem_shared>>
      %dma_wait3A_58 = arith.constant 0 : i32
      %dma_wait3A_59 = tpu.memref_slice %arg8[%add3A_39, %dma_wait3A_58] : memref<10240x16xf32, #tpu.memory_space<vmem_shared>> -> memref<128x16xf32, #tpu.memory_space<vmem_shared>>
      tpu.wait_dma2 semaphore(%run_scoped3A : memref<!tpu.dma_semaphore, #tpu.memory_space<semaphore_mem>>) src(%arg7 : memref<128x16xf32, #tpu.memory_space<vmem>>) dst(%dma_wait3A_59 : memref<128x16xf32, #tpu.memory_space<vmem_shared>>)
      tpu.yield
    }) : () -> ()
    %mul3A_40 = arith.constant 640 : i32
    %mul3A_41 = arith.muli %arg1, %mul3A_40 : i32
    %add3A_42 = arith.constant 512 : i32
    %add3A_43 = arith.addi %mul3A_41, %add3A_42 : i32
    "tpu.region"() ({
      %run_scoped3A = tpu.sem_alloc : memref<!tpu.dma_semaphore, #tpu.memory_space<semaphore_mem>>
      %dma_start3A = arith.constant 0 : i32
      %dma_start3A_54 = tpu.memref_slice %arg8[%add3A_43, %dma_start3A] : memref<10240x16xf32, #tpu.memory_space<vmem_shared>> -> memref<128x16xf32, #tpu.memory_space<vmem_shared>>
      %dma_start3A_55 = arith.constant 0 : i32
      %dma_start3A_56 = tpu.memref_slice %arg8[%add3A_43, %dma_start3A_55] : memref<10240x16xf32, #tpu.memory_space<vmem_shared>> -> memref<128x16xf32, #tpu.memory_space<vmem_shared>>
      tpu.enqueue_dma source(%arg7 : memref<128x16xf32, #tpu.memory_space<vmem>>) target(%dma_start3A_56 : memref<128x16xf32, #tpu.memory_space<vmem_shared>>) target_semaphore(%run_scoped3A : memref<!tpu.dma_semaphore, #tpu.memory_space<semaphore_mem>>)
      %dma_wait3A = arith.constant 0 : i32
      %dma_wait3A_57 = tpu.memref_slice %arg8[%add3A_43, %dma_wait3A] : memref<10240x16xf32, #tpu.memory_space<vmem_shared>> -> memref<128x16xf32, #tpu.memory_space<vmem_shared>>
      %dma_wait3A_58 = arith.constant 0 : i32
      %dma_wait3A_59 = tpu.memref_slice %arg8[%add3A_43, %dma_wait3A_58] : memref<10240x16xf32, #tpu.memory_space<vmem_shared>> -> memref<128x16xf32, #tpu.memory_space<vmem_shared>>
      tpu.wait_dma2 semaphore(%run_scoped3A : memref<!tpu.dma_semaphore, #tpu.memory_space<semaphore_mem>>) src(%arg7 : memref<128x16xf32, #tpu.memory_space<vmem>>) dst(%dma_wait3A_59 : memref<128x16xf32, #tpu.memory_space<vmem_shared>>)
      tpu.yield
    }) : () -> ()
    %barrier3A = arith.constant 0 : index
    tpu.barrier barrier_id(%barrier3A)
    %while3A = arith.constant 0 : i32
    %while3A_44 = arith.constant 0 : i32
    %while3A_45 = arith.subi %select_n3A, %while3A_44 : i32
    %while3A_46 = arith.addi %while3A_44, %while3A_45 : i32
    %while3A_47 = arith.constant 1 : i32
    %while3A_48 = arith.divsi %while3A_45, %while3A_47 : i32
    %while3A_49 = arith.muli %while3A_48, %while3A_47 : i32
    %while3A_50 = arith.addi %while3A_44, %while3A_49 : i32
    %while3A_51 = arith.constant 1 : i32
    scf.for %while3A_54 = %while3A_44 to %while3A_50 step %while3A_51  : i32 {
      %mul3A_55 = arith.constant 8 : i32
      %mul3A_56 = arith.muli %while3A_54, %mul3A_55 : i32
      %add3A_57 = arith.constant 0 : i32
      %add3A_58 = arith.addi %mul3A_56, %add3A_57 : i32
      %dma_start3A = arith.constant 0 : i32
      %dma_start3A_59 = arith.constant 0 : i32
      %dma_start3A_60 = tpu.memref_slice %arg5[%add3A_58, %dma_start3A_59] : memref<144x128xi32, #tpu.memory_space<vmem>> -> memref<1x128xi32, #tpu.memory_space<vmem>>
      %dma_start3A_61 = tpu.memref_squeeze %dma_start3A_60 : memref<1x128xi32, #tpu.memory_space<vmem>> -> memref<128xi32, #tpu.memory_space<vmem>>
      %dma_start3A_62 = arith.constant 0 : i32
      %dma_start3A_63 = arith.constant 0 : i32
      %dma_start3A_64 = tpu.memref_slice %arg8[%dma_start3A_62, %dma_start3A_63] : memref<10240x16xf32, #tpu.memory_space<vmem_shared>> -> memref<10240x16xf32, #tpu.memory_space<vmem_shared>>
      %dma_start3A_65 = tpu.memref_slice %arg9[%dma_start3A] : memref<8x!tpu.dma_semaphore, #tpu.memory_space<semaphore_mem>> -> memref<1x!tpu.dma_semaphore, #tpu.memory_space<semaphore_mem>>
      %dma_start3A_66 = tpu.memref_squeeze %dma_start3A_65 : memref<1x!tpu.dma_semaphore, #tpu.memory_space<semaphore_mem>> -> memref<!tpu.dma_semaphore, #tpu.memory_space<semaphore_mem>>
      tpu.enqueue_indirect_dma source(%arg6 : memref<128x16xf32, #tpu.memory_space<vmem>>) target(%dma_start3A_64 : memref<10240x16xf32, #tpu.memory_space<vmem_shared>>) offsets(%dma_start3A_61 : memref<128xi32, #tpu.memory_space<vmem>>) semaphore(%dma_start3A_66 : memref<!tpu.dma_semaphore, #tpu.memory_space<semaphore_mem>>) {add = true}
      %add3A_67 = arith.constant 1 : i32
      %add3A_68 = arith.addi %mul3A_56, %add3A_67 : i32
      %dma_start3A_69 = arith.constant 1 : i32
      %dma_start3A_70 = arith.constant 0 : i32
      %dma_start3A_71 = tpu.memref_slice %arg5[%add3A_68, %dma_start3A_70] : memref<144x128xi32, #tpu.memory_space<vmem>> -> memref<1x128xi32, #tpu.memory_space<vmem>>
      %dma_start3A_72 = tpu.memref_squeeze %dma_start3A_71 : memref<1x128xi32, #tpu.memory_space<vmem>> -> memref<128xi32, #tpu.memory_space<vmem>>
      %dma_start3A_73 = arith.constant 0 : i32
      %dma_start3A_74 = arith.constant 0 : i32
      %dma_start3A_75 = tpu.memref_slice %arg8[%dma_start3A_73, %dma_start3A_74] : memref<10240x16xf32, #tpu.memory_space<vmem_shared>> -> memref<10240x16xf32, #tpu.memory_space<vmem_shared>>
      %dma_start3A_76 = tpu.memref_slice %arg9[%dma_start3A_69] : memref<8x!tpu.dma_semaphore, #tpu.memory_space<semaphore_mem>> -> memref<1x!tpu.dma_semaphore, #tpu.memory_space<semaphore_mem>>
      %dma_start3A_77 = tpu.memref_squeeze %dma_start3A_76 : memref<1x!tpu.dma_semaphore, #tpu.memory_space<semaphore_mem>> -> memref<!tpu.dma_semaphore, #tpu.memory_space<semaphore_mem>>
      tpu.enqueue_indirect_dma source(%arg6 : memref<128x16xf32, #tpu.memory_space<vmem>>) target(%dma_start3A_75 : memref<10240x16xf32, #tpu.memory_space<vmem_shared>>) offsets(%dma_start3A_72 : memref<128xi32, #tpu.memory_space<vmem>>) semaphore(%dma_start3A_77 : memref<!tpu.dma_semaphore, #tpu.memory_space<semaphore_mem>>) {add = true}
      %add3A_78 = arith.constant 2 : i32
      %add3A_79 = arith.addi %mul3A_56, %add3A_78 : i32
      %dma_start3A_80 = arith.constant 2 : i32
      %dma_start3A_81 = arith.constant 0 : i32
      %dma_start3A_82 = tpu.memref_slice %arg5[%add3A_79, %dma_start3A_81] : memref<144x128xi32, #tpu.memory_space<vmem>> -> memref<1x128xi32, #tpu.memory_space<vmem>>
      %dma_start3A_83 = tpu.memref_squeeze %dma_start3A_82 : memref<1x128xi32, #tpu.memory_space<vmem>> -> memref<128xi32, #tpu.memory_space<vmem>>
      %dma_start3A_84 = arith.constant 0 : i32
      %dma_start3A_85 = arith.constant 0 : i32
      %dma_start3A_86 = tpu.memref_slice %arg8[%dma_start3A_84, %dma_start3A_85] : memref<10240x16xf32, #tpu.memory_space<vmem_shared>> -> memref<10240x16xf32, #tpu.memory_space<vmem_shared>>
      %dma_start3A_87 = tpu.memref_slice %arg9[%dma_start3A_80] : memref<8x!tpu.dma_semaphore, #tpu.memory_space<semaphore_mem>> -> memref<1x!tpu.dma_semaphore, #tpu.memory_space<semaphore_mem>>
      %dma_start3A_88 = tpu.memref_squeeze %dma_start3A_87 : memref<1x!tpu.dma_semaphore, #tpu.memory_space<semaphore_mem>> -> memref<!tpu.dma_semaphore, #tpu.memory_space<semaphore_mem>>
      tpu.enqueue_indirect_dma source(%arg6 : memref<128x16xf32, #tpu.memory_space<vmem>>) target(%dma_start3A_86 : memref<10240x16xf32, #tpu.memory_space<vmem_shared>>) offsets(%dma_start3A_83 : memref<128xi32, #tpu.memory_space<vmem>>) semaphore(%dma_start3A_88 : memref<!tpu.dma_semaphore, #tpu.memory_space<semaphore_mem>>) {add = true}
      %add3A_89 = arith.constant 3 : i32
      %add3A_90 = arith.addi %mul3A_56, %add3A_89 : i32
      %dma_start3A_91 = arith.constant 3 : i32
      %dma_start3A_92 = arith.constant 0 : i32
      %dma_start3A_93 = tpu.memref_slice %arg5[%add3A_90, %dma_start3A_92] : memref<144x128xi32, #tpu.memory_space<vmem>> -> memref<1x128xi32, #tpu.memory_space<vmem>>
      %dma_start3A_94 = tpu.memref_squeeze %dma_start3A_93 : memref<1x128xi32, #tpu.memory_space<vmem>> -> memref<128xi32, #tpu.memory_space<vmem>>
      %dma_start3A_95 = arith.constant 0 : i32
      %dma_start3A_96 = arith.constant 0 : i32
      %dma_start3A_97 = tpu.memref_slice %arg8[%dma_start3A_95, %dma_start3A_96] : memref<10240x16xf32, #tpu.memory_space<vmem_shared>> -> memref<10240x16xf32, #tpu.memory_space<vmem_shared>>
      %dma_start3A_98 = tpu.memref_slice %arg9[%dma_start3A_91] : memref<8x!tpu.dma_semaphore, #tpu.memory_space<semaphore_mem>> -> memref<1x!tpu.dma_semaphore, #tpu.memory_space<semaphore_mem>>
      %dma_start3A_99 = tpu.memref_squeeze %dma_start3A_98 : memref<1x!tpu.dma_semaphore, #tpu.memory_space<semaphore_mem>> -> memref<!tpu.dma_semaphore, #tpu.memory_space<semaphore_mem>>
      tpu.enqueue_indirect_dma source(%arg6 : memref<128x16xf32, #tpu.memory_space<vmem>>) target(%dma_start3A_97 : memref<10240x16xf32, #tpu.memory_space<vmem_shared>>) offsets(%dma_start3A_94 : memref<128xi32, #tpu.memory_space<vmem>>) semaphore(%dma_start3A_99 : memref<!tpu.dma_semaphore, #tpu.memory_space<semaphore_mem>>) {add = true}
      %add3A_100 = arith.constant 4 : i32
      %add3A_101 = arith.addi %mul3A_56, %add3A_100 : i32
      %dma_start3A_102 = arith.constant 4 : i32
      %dma_start3A_103 = arith.constant 0 : i32
      %dma_start3A_104 = tpu.memref_slice %arg5[%add3A_101, %dma_start3A_103] : memref<144x128xi32, #tpu.memory_space<vmem>> -> memref<1x128xi32, #tpu.memory_space<vmem>>
      %dma_start3A_105 = tpu.memref_squeeze %dma_start3A_104 : memref<1x128xi32, #tpu.memory_space<vmem>> -> memref<128xi32, #tpu.memory_space<vmem>>
      %dma_start3A_106 = arith.constant 0 : i32
      %dma_start3A_107 = arith.constant 0 : i32
      %dma_start3A_108 = tpu.memref_slice %arg8[%dma_start3A_106, %dma_start3A_107] : memref<10240x16xf32, #tpu.memory_space<vmem_shared>> -> memref<10240x16xf32, #tpu.memory_space<vmem_shared>>
      %dma_start3A_109 = tpu.memref_slice %arg9[%dma_start3A_102] : memref<8x!tpu.dma_semaphore, #tpu.memory_space<semaphore_mem>> -> memref<1x!tpu.dma_semaphore, #tpu.memory_space<semaphore_mem>>
      %dma_start3A_110 = tpu.memref_squeeze %dma_start3A_109 : memref<1x!tpu.dma_semaphore, #tpu.memory_space<semaphore_mem>> -> memref<!tpu.dma_semaphore, #tpu.memory_space<semaphore_mem>>
      tpu.enqueue_indirect_dma source(%arg6 : memref<128x16xf32, #tpu.memory_space<vmem>>) target(%dma_start3A_108 : memref<10240x16xf32, #tpu.memory_space<vmem_shared>>) offsets(%dma_start3A_105 : memref<128xi32, #tpu.memory_space<vmem>>) semaphore(%dma_start3A_110 : memref<!tpu.dma_semaphore, #tpu.memory_space<semaphore_mem>>) {add = true}
      %add3A_111 = arith.constant 5 : i32
      %add3A_112 = arith.addi %mul3A_56, %add3A_111 : i32
      %dma_start3A_113 = arith.constant 5 : i32
      %dma_start3A_114 = arith.constant 0 : i32
      %dma_start3A_115 = tpu.memref_slice %arg5[%add3A_112, %dma_start3A_114] : memref<144x128xi32, #tpu.memory_space<vmem>> -> memref<1x128xi32, #tpu.memory_space<vmem>>
      %dma_start3A_116 = tpu.memref_squeeze %dma_start3A_115 : memref<1x128xi32, #tpu.memory_space<vmem>> -> memref<128xi32, #tpu.memory_space<vmem>>
      %dma_start3A_117 = arith.constant 0 : i32
      %dma_start3A_118 = arith.constant 0 : i32
      %dma_start3A_119 = tpu.memref_slice %arg8[%dma_start3A_117, %dma_start3A_118] : memref<10240x16xf32, #tpu.memory_space<vmem_shared>> -> memref<10240x16xf32, #tpu.memory_space<vmem_shared>>
      %dma_start3A_120 = tpu.memref_slice %arg9[%dma_start3A_113] : memref<8x!tpu.dma_semaphore, #tpu.memory_space<semaphore_mem>> -> memref<1x!tpu.dma_semaphore, #tpu.memory_space<semaphore_mem>>
      %dma_start3A_121 = tpu.memref_squeeze %dma_start3A_120 : memref<1x!tpu.dma_semaphore, #tpu.memory_space<semaphore_mem>> -> memref<!tpu.dma_semaphore, #tpu.memory_space<semaphore_mem>>
      tpu.enqueue_indirect_dma source(%arg6 : memref<128x16xf32, #tpu.memory_space<vmem>>) target(%dma_start3A_119 : memref<10240x16xf32, #tpu.memory_space<vmem_shared>>) offsets(%dma_start3A_116 : memref<128xi32, #tpu.memory_space<vmem>>) semaphore(%dma_start3A_121 : memref<!tpu.dma_semaphore, #tpu.memory_space<semaphore_mem>>) {add = true}
      %add3A_122 = arith.constant 6 : i32
      %add3A_123 = arith.addi %mul3A_56, %add3A_122 : i32
      %dma_start3A_124 = arith.constant 6 : i32
      %dma_start3A_125 = arith.constant 0 : i32
      %dma_start3A_126 = tpu.memref_slice %arg5[%add3A_123, %dma_start3A_125] : memref<144x128xi32, #tpu.memory_space<vmem>> -> memref<1x128xi32, #tpu.memory_space<vmem>>
      %dma_start3A_127 = tpu.memref_squeeze %dma_start3A_126 : memref<1x128xi32, #tpu.memory_space<vmem>> -> memref<128xi32, #tpu.memory_space<vmem>>
      %dma_start3A_128 = arith.constant 0 : i32
      %dma_start3A_129 = arith.constant 0 : i32
      %dma_start3A_130 = tpu.memref_slice %arg8[%dma_start3A_128, %dma_start3A_129] : memref<10240x16xf32, #tpu.memory_space<vmem_shared>> -> memref<10240x16xf32, #tpu.memory_space<vmem_shared>>
      %dma_start3A_131 = tpu.memref_slice %arg9[%dma_start3A_124] : memref<8x!tpu.dma_semaphore, #tpu.memory_space<semaphore_mem>> -> memref<1x!tpu.dma_semaphore, #tpu.memory_space<semaphore_mem>>
      %dma_start3A_132 = tpu.memref_squeeze %dma_start3A_131 : memref<1x!tpu.dma_semaphore, #tpu.memory_space<semaphore_mem>> -> memref<!tpu.dma_semaphore, #tpu.memory_space<semaphore_mem>>
      tpu.enqueue_indirect_dma source(%arg6 : memref<128x16xf32, #tpu.memory_space<vmem>>) target(%dma_start3A_130 : memref<10240x16xf32, #tpu.memory_space<vmem_shared>>) offsets(%dma_start3A_127 : memref<128xi32, #tpu.memory_space<vmem>>) semaphore(%dma_start3A_132 : memref<!tpu.dma_semaphore, #tpu.memory_space<semaphore_mem>>) {add = true}
      %add3A_133 = arith.constant 7 : i32
      %add3A_134 = arith.addi %mul3A_56, %add3A_133 : i32
      %dma_start3A_135 = arith.constant 7 : i32
      %dma_start3A_136 = arith.constant 0 : i32
      %dma_start3A_137 = tpu.memref_slice %arg5[%add3A_134, %dma_start3A_136] : memref<144x128xi32, #tpu.memory_space<vmem>> -> memref<1x128xi32, #tpu.memory_space<vmem>>
      %dma_start3A_138 = tpu.memref_squeeze %dma_start3A_137 : memref<1x128xi32, #tpu.memory_space<vmem>> -> memref<128xi32, #tpu.memory_space<vmem>>
      %dma_start3A_139 = arith.constant 0 : i32
      %dma_start3A_140 = arith.constant 0 : i32
      %dma_start3A_141 = tpu.memref_slice %arg8[%dma_start3A_139, %dma_start3A_140] : memref<10240x16xf32, #tpu.memory_space<vmem_shared>> -> memref<10240x16xf32, #tpu.memory_space<vmem_shared>>
      %dma_start3A_142 = tpu.memref_slice %arg9[%dma_start3A_135] : memref<8x!tpu.dma_semaphore, #tpu.memory_space<semaphore_mem>> -> memref<1x!tpu.dma_semaphore, #tpu.memory_space<semaphore_mem>>
      %dma_start3A_143 = tpu.memref_squeeze %dma_start3A_142 : memref<1x!tpu.dma_semaphore, #tpu.memory_space<semaphore_mem>> -> memref<!tpu.dma_semaphore, #tpu.memory_space<semaphore_mem>>
      tpu.enqueue_indirect_dma source(%arg6 : memref<128x16xf32, #tpu.memory_space<vmem>>) target(%dma_start3A_141 : memref<10240x16xf32, #tpu.memory_space<vmem_shared>>) offsets(%dma_start3A_138 : memref<128xi32, #tpu.memory_space<vmem>>) semaphore(%dma_start3A_143 : memref<!tpu.dma_semaphore, #tpu.memory_space<semaphore_mem>>) {add = true}
      %dma_wait3A = arith.constant 0 : i32
      %dma_wait3A_144 = arith.constant 0 : i32
      %dma_wait3A_145 = tpu.memref_slice %arg5[%add3A_58, %dma_wait3A_144] : memref<144x128xi32, #tpu.memory_space<vmem>> -> memref<1x128xi32, #tpu.memory_space<vmem>>
      %dma_wait3A_146 = tpu.memref_squeeze %dma_wait3A_145 : memref<1x128xi32, #tpu.memory_space<vmem>> -> memref<128xi32, #tpu.memory_space<vmem>>
      %dma_wait3A_147 = arith.constant 0 : i32
      %dma_wait3A_148 = arith.constant 0 : i32
      %dma_wait3A_149 = tpu.memref_slice %arg8[%dma_wait3A_147, %dma_wait3A_148] : memref<10240x16xf32, #tpu.memory_space<vmem_shared>> -> memref<10240x16xf32, #tpu.memory_space<vmem_shared>>
      %dma_wait3A_150 = tpu.memref_slice %arg9[%dma_wait3A] : memref<8x!tpu.dma_semaphore, #tpu.memory_space<semaphore_mem>> -> memref<1x!tpu.dma_semaphore, #tpu.memory_space<semaphore_mem>>
      %dma_wait3A_151 = tpu.memref_squeeze %dma_wait3A_150 : memref<1x!tpu.dma_semaphore, #tpu.memory_space<semaphore_mem>> -> memref<!tpu.dma_semaphore, #tpu.memory_space<semaphore_mem>>
      tpu.wait_indirect_dma semaphore(%dma_wait3A_151 : memref<!tpu.dma_semaphore, #tpu.memory_space<semaphore_mem>>) src(%arg6 : memref<128x16xf32, #tpu.memory_space<vmem>>) dst(%dma_wait3A_149 : memref<10240x16xf32, #tpu.memory_space<vmem_shared>>)
      %dma_wait3A_152 = arith.constant 1 : i32
      %dma_wait3A_153 = arith.constant 0 : i32
      %dma_wait3A_154 = tpu.memref_slice %arg5[%add3A_68, %dma_wait3A_153] : memref<144x128xi32, #tpu.memory_space<vmem>> -> memref<1x128xi32, #tpu.memory_space<vmem>>
      %dma_wait3A_155 = tpu.memref_squeeze %dma_wait3A_154 : memref<1x128xi32, #tpu.memory_space<vmem>> -> memref<128xi32, #tpu.memory_space<vmem>>
      %dma_wait3A_156 = arith.constant 0 : i32
      %dma_wait3A_157 = arith.constant 0 : i32
      %dma_wait3A_158 = tpu.memref_slice %arg8[%dma_wait3A_156, %dma_wait3A_157] : memref<10240x16xf32, #tpu.memory_space<vmem_shared>> -> memref<10240x16xf32, #tpu.memory_space<vmem_shared>>
      %dma_wait3A_159 = tpu.memref_slice %arg9[%dma_wait3A_152] : memref<8x!tpu.dma_semaphore, #tpu.memory_space<semaphore_mem>> -> memref<1x!tpu.dma_semaphore, #tpu.memory_space<semaphore_mem>>
      %dma_wait3A_160 = tpu.memref_squeeze %dma_wait3A_159 : memref<1x!tpu.dma_semaphore, #tpu.memory_space<semaphore_mem>> -> memref<!tpu.dma_semaphore, #tpu.memory_space<semaphore_mem>>
      tpu.wait_indirect_dma semaphore(%dma_wait3A_160 : memref<!tpu.dma_semaphore, #tpu.memory_space<semaphore_mem>>) src(%arg6 : memref<128x16xf32, #tpu.memory_space<vmem>>) dst(%dma_wait3A_158 : memref<10240x16xf32, #tpu.memory_space<vmem_shared>>)
      %dma_wait3A_161 = arith.constant 2 : i32
      %dma_wait3A_162 = arith.constant 0 : i32
      %dma_wait3A_163 = tpu.memref_slice %arg5[%add3A_79, %dma_wait3A_162] : memref<144x128xi32, #tpu.memory_space<vmem>> -> memref<1x128xi32, #tpu.memory_space<vmem>>
      %dma_wait3A_164 = tpu.memref_squeeze %dma_wait3A_163 : memref<1x128xi32, #tpu.memory_space<vmem>> -> memref<128xi32, #tpu.memory_space<vmem>>
      %dma_wait3A_165 = arith.constant 0 : i32
      %dma_wait3A_166 = arith.constant 0 : i32
      %dma_wait3A_167 = tpu.memref_slice %arg8[%dma_wait3A_165, %dma_wait3A_166] : memref<10240x16xf32, #tpu.memory_space<vmem_shared>> -> memref<10240x16xf32, #tpu.memory_space<vmem_shared>>
      %dma_wait3A_168 = tpu.memref_slice %arg9[%dma_wait3A_161] : memref<8x!tpu.dma_semaphore, #tpu.memory_space<semaphore_mem>> -> memref<1x!tpu.dma_semaphore, #tpu.memory_space<semaphore_mem>>
      %dma_wait3A_169 = tpu.memref_squeeze %dma_wait3A_168 : memref<1x!tpu.dma_semaphore, #tpu.memory_space<semaphore_mem>> -> memref<!tpu.dma_semaphore, #tpu.memory_space<semaphore_mem>>
      tpu.wait_indirect_dma semaphore(%dma_wait3A_169 : memref<!tpu.dma_semaphore, #tpu.memory_space<semaphore_mem>>) src(%arg6 : memref<128x16xf32, #tpu.memory_space<vmem>>) dst(%dma_wait3A_167 : memref<10240x16xf32, #tpu.memory_space<vmem_shared>>)
      %dma_wait3A_170 = arith.constant 3 : i32
      %dma_wait3A_171 = arith.constant 0 : i32
      %dma_wait3A_172 = tpu.memref_slice %arg5[%add3A_90, %dma_wait3A_171] : memref<144x128xi32, #tpu.memory_space<vmem>> -> memref<1x128xi32, #tpu.memory_space<vmem>>
      %dma_wait3A_173 = tpu.memref_squeeze %dma_wait3A_172 : memref<1x128xi32, #tpu.memory_space<vmem>> -> memref<128xi32, #tpu.memory_space<vmem>>
      %dma_wait3A_174 = arith.constant 0 : i32
      %dma_wait3A_175 = arith.constant 0 : i32
      %dma_wait3A_176 = tpu.memref_slice %arg8[%dma_wait3A_174, %dma_wait3A_175] : memref<10240x16xf32, #tpu.memory_space<vmem_shared>> -> memref<10240x16xf32, #tpu.memory_space<vmem_shared>>
      %dma_wait3A_177 = tpu.memref_slice %arg9[%dma_wait3A_170] : memref<8x!tpu.dma_semaphore, #tpu.memory_space<semaphore_mem>> -> memref<1x!tpu.dma_semaphore, #tpu.memory_space<semaphore_mem>>
      %dma_wait3A_178 = tpu.memref_squeeze %dma_wait3A_177 : memref<1x!tpu.dma_semaphore, #tpu.memory_space<semaphore_mem>> -> memref<!tpu.dma_semaphore, #tpu.memory_space<semaphore_mem>>
      tpu.wait_indirect_dma semaphore(%dma_wait3A_178 : memref<!tpu.dma_semaphore, #tpu.memory_space<semaphore_mem>>) src(%arg6 : memref<128x16xf32, #tpu.memory_space<vmem>>) dst(%dma_wait3A_176 : memref<10240x16xf32, #tpu.memory_space<vmem_shared>>)
      %dma_wait3A_179 = arith.constant 4 : i32
      %dma_wait3A_180 = arith.constant 0 : i32
      %dma_wait3A_181 = tpu.memref_slice %arg5[%add3A_101, %dma_wait3A_180] : memref<144x128xi32, #tpu.memory_space<vmem>> -> memref<1x128xi32, #tpu.memory_space<vmem>>
      %dma_wait3A_182 = tpu.memref_squeeze %dma_wait3A_181 : memref<1x128xi32, #tpu.memory_space<vmem>> -> memref<128xi32, #tpu.memory_space<vmem>>
      %dma_wait3A_183 = arith.constant 0 : i32
      %dma_wait3A_184 = arith.constant 0 : i32
      %dma_wait3A_185 = tpu.memref_slice %arg8[%dma_wait3A_183, %dma_wait3A_184] : memref<10240x16xf32, #tpu.memory_space<vmem_shared>> -> memref<10240x16xf32, #tpu.memory_space<vmem_shared>>
      %dma_wait3A_186 = tpu.memref_slice %arg9[%dma_wait3A_179] : memref<8x!tpu.dma_semaphore, #tpu.memory_space<semaphore_mem>> -> memref<1x!tpu.dma_semaphore, #tpu.memory_space<semaphore_mem>>
      %dma_wait3A_187 = tpu.memref_squeeze %dma_wait3A_186 : memref<1x!tpu.dma_semaphore, #tpu.memory_space<semaphore_mem>> -> memref<!tpu.dma_semaphore, #tpu.memory_space<semaphore_mem>>
      tpu.wait_indirect_dma semaphore(%dma_wait3A_187 : memref<!tpu.dma_semaphore, #tpu.memory_space<semaphore_mem>>) src(%arg6 : memref<128x16xf32, #tpu.memory_space<vmem>>) dst(%dma_wait3A_185 : memref<10240x16xf32, #tpu.memory_space<vmem_shared>>)
      %dma_wait3A_188 = arith.constant 5 : i32
      %dma_wait3A_189 = arith.constant 0 : i32
      %dma_wait3A_190 = tpu.memref_slice %arg5[%add3A_112, %dma_wait3A_189] : memref<144x128xi32, #tpu.memory_space<vmem>> -> memref<1x128xi32, #tpu.memory_space<vmem>>
      %dma_wait3A_191 = tpu.memref_squeeze %dma_wait3A_190 : memref<1x128xi32, #tpu.memory_space<vmem>> -> memref<128xi32, #tpu.memory_space<vmem>>
      %dma_wait3A_192 = arith.constant 0 : i32
      %dma_wait3A_193 = arith.constant 0 : i32
      %dma_wait3A_194 = tpu.memref_slice %arg8[%dma_wait3A_192, %dma_wait3A_193] : memref<10240x16xf32, #tpu.memory_space<vmem_shared>> -> memref<10240x16xf32, #tpu.memory_space<vmem_shared>>
      %dma_wait3A_195 = tpu.memref_slice %arg9[%dma_wait3A_188] : memref<8x!tpu.dma_semaphore, #tpu.memory_space<semaphore_mem>> -> memref<1x!tpu.dma_semaphore, #tpu.memory_space<semaphore_mem>>
      %dma_wait3A_196 = tpu.memref_squeeze %dma_wait3A_195 : memref<1x!tpu.dma_semaphore, #tpu.memory_space<semaphore_mem>> -> memref<!tpu.dma_semaphore, #tpu.memory_space<semaphore_mem>>
      tpu.wait_indirect_dma semaphore(%dma_wait3A_196 : memref<!tpu.dma_semaphore, #tpu.memory_space<semaphore_mem>>) src(%arg6 : memref<128x16xf32, #tpu.memory_space<vmem>>) dst(%dma_wait3A_194 : memref<10240x16xf32, #tpu.memory_space<vmem_shared>>)
      %dma_wait3A_197 = arith.constant 6 : i32
      %dma_wait3A_198 = arith.constant 0 : i32
      %dma_wait3A_199 = tpu.memref_slice %arg5[%add3A_123, %dma_wait3A_198] : memref<144x128xi32, #tpu.memory_space<vmem>> -> memref<1x128xi32, #tpu.memory_space<vmem>>
      %dma_wait3A_200 = tpu.memref_squeeze %dma_wait3A_199 : memref<1x128xi32, #tpu.memory_space<vmem>> -> memref<128xi32, #tpu.memory_space<vmem>>
      %dma_wait3A_201 = arith.constant 0 : i32
      %dma_wait3A_202 = arith.constant 0 : i32
      %dma_wait3A_203 = tpu.memref_slice %arg8[%dma_wait3A_201, %dma_wait3A_202] : memref<10240x16xf32, #tpu.memory_space<vmem_shared>> -> memref<10240x16xf32, #tpu.memory_space<vmem_shared>>
      %dma_wait3A_204 = tpu.memref_slice %arg9[%dma_wait3A_197] : memref<8x!tpu.dma_semaphore, #tpu.memory_space<semaphore_mem>> -> memref<1x!tpu.dma_semaphore, #tpu.memory_space<semaphore_mem>>
      %dma_wait3A_205 = tpu.memref_squeeze %dma_wait3A_204 : memref<1x!tpu.dma_semaphore, #tpu.memory_space<semaphore_mem>> -> memref<!tpu.dma_semaphore, #tpu.memory_space<semaphore_mem>>
      tpu.wait_indirect_dma semaphore(%dma_wait3A_205 : memref<!tpu.dma_semaphore, #tpu.memory_space<semaphore_mem>>) src(%arg6 : memref<128x16xf32, #tpu.memory_space<vmem>>) dst(%dma_wait3A_203 : memref<10240x16xf32, #tpu.memory_space<vmem_shared>>)
      %dma_wait3A_206 = arith.constant 7 : i32
      %dma_wait3A_207 = arith.constant 0 : i32
      %dma_wait3A_208 = tpu.memref_slice %arg5[%add3A_134, %dma_wait3A_207] : memref<144x128xi32, #tpu.memory_space<vmem>> -> memref<1x128xi32, #tpu.memory_space<vmem>>
      %dma_wait3A_209 = tpu.memref_squeeze %dma_wait3A_208 : memref<1x128xi32, #tpu.memory_space<vmem>> -> memref<128xi32, #tpu.memory_space<vmem>>
      %dma_wait3A_210 = arith.constant 0 : i32
      %dma_wait3A_211 = arith.constant 0 : i32
      %dma_wait3A_212 = tpu.memref_slice %arg8[%dma_wait3A_210, %dma_wait3A_211] : memref<10240x16xf32, #tpu.memory_space<vmem_shared>> -> memref<10240x16xf32, #tpu.memory_space<vmem_shared>>
      %dma_wait3A_213 = tpu.memref_slice %arg9[%dma_wait3A_206] : memref<8x!tpu.dma_semaphore, #tpu.memory_space<semaphore_mem>> -> memref<1x!tpu.dma_semaphore, #tpu.memory_space<semaphore_mem>>
      %dma_wait3A_214 = tpu.memref_squeeze %dma_wait3A_213 : memref<1x!tpu.dma_semaphore, #tpu.memory_space<semaphore_mem>> -> memref<!tpu.dma_semaphore, #tpu.memory_space<semaphore_mem>>
      tpu.wait_indirect_dma semaphore(%dma_wait3A_214 : memref<!tpu.dma_semaphore, #tpu.memory_space<semaphore_mem>>) src(%arg6 : memref<128x16xf32, #tpu.memory_space<vmem>>) dst(%dma_wait3A_212 : memref<10240x16xf32, #tpu.memory_space<vmem_shared>>)
    }
    %while3A_52 = arith.constant 1 : i32
    scf.for %while3A_54 = %while3A_50 to %while3A_46 step %while3A_52  : i32 {
      %mul3A_55 = arith.constant 8 : i32
      %mul3A_56 = arith.muli %while3A_54, %mul3A_55 : i32
      %add3A_57 = arith.constant 0 : i32
      %add3A_58 = arith.addi %mul3A_56, %add3A_57 : i32
      %dma_start3A = arith.constant 0 : i32
      %dma_start3A_59 = arith.constant 0 : i32
      %dma_start3A_60 = tpu.memref_slice %arg5[%add3A_58, %dma_start3A_59] : memref<144x128xi32, #tpu.memory_space<vmem>> -> memref<1x128xi32, #tpu.memory_space<vmem>>
      %dma_start3A_61 = tpu.memref_squeeze %dma_start3A_60 : memref<1x128xi32, #tpu.memory_space<vmem>> -> memref<128xi32, #tpu.memory_space<vmem>>
      %dma_start3A_62 = arith.constant 0 : i32
      %dma_start3A_63 = arith.constant 0 : i32
      %dma_start3A_64 = tpu.memref_slice %arg8[%dma_start3A_62, %dma_start3A_63] : memref<10240x16xf32, #tpu.memory_space<vmem_shared>> -> memref<10240x16xf32, #tpu.memory_space<vmem_shared>>
      %dma_start3A_65 = tpu.memref_slice %arg9[%dma_start3A] : memref<8x!tpu.dma_semaphore, #tpu.memory_space<semaphore_mem>> -> memref<1x!tpu.dma_semaphore, #tpu.memory_space<semaphore_mem>>
      %dma_start3A_66 = tpu.memref_squeeze %dma_start3A_65 : memref<1x!tpu.dma_semaphore, #tpu.memory_space<semaphore_mem>> -> memref<!tpu.dma_semaphore, #tpu.memory_space<semaphore_mem>>
      tpu.enqueue_indirect_dma source(%arg6 : memref<128x16xf32, #tpu.memory_space<vmem>>) target(%dma_start3A_64 : memref<10240x16xf32, #tpu.memory_space<vmem_shared>>) offsets(%dma_start3A_61 : memref<128xi32, #tpu.memory_space<vmem>>) semaphore(%dma_start3A_66 : memref<!tpu.dma_semaphore, #tpu.memory_space<semaphore_mem>>) {add = true}
      %add3A_67 = arith.constant 1 : i32
      %add3A_68 = arith.addi %mul3A_56, %add3A_67 : i32
      %dma_start3A_69 = arith.constant 1 : i32
      %dma_start3A_70 = arith.constant 0 : i32
      %dma_start3A_71 = tpu.memref_slice %arg5[%add3A_68, %dma_start3A_70] : memref<144x128xi32, #tpu.memory_space<vmem>> -> memref<1x128xi32, #tpu.memory_space<vmem>>
      %dma_start3A_72 = tpu.memref_squeeze %dma_start3A_71 : memref<1x128xi32, #tpu.memory_space<vmem>> -> memref<128xi32, #tpu.memory_space<vmem>>
      %dma_start3A_73 = arith.constant 0 : i32
      %dma_start3A_74 = arith.constant 0 : i32
      %dma_start3A_75 = tpu.memref_slice %arg8[%dma_start3A_73, %dma_start3A_74] : memref<10240x16xf32, #tpu.memory_space<vmem_shared>> -> memref<10240x16xf32, #tpu.memory_space<vmem_shared>>
      %dma_start3A_76 = tpu.memref_slice %arg9[%dma_start3A_69] : memref<8x!tpu.dma_semaphore, #tpu.memory_space<semaphore_mem>> -> memref<1x!tpu.dma_semaphore, #tpu.memory_space<semaphore_mem>>
      %dma_start3A_77 = tpu.memref_squeeze %dma_start3A_76 : memref<1x!tpu.dma_semaphore, #tpu.memory_space<semaphore_mem>> -> memref<!tpu.dma_semaphore, #tpu.memory_space<semaphore_mem>>
      tpu.enqueue_indirect_dma source(%arg6 : memref<128x16xf32, #tpu.memory_space<vmem>>) target(%dma_start3A_75 : memref<10240x16xf32, #tpu.memory_space<vmem_shared>>) offsets(%dma_start3A_72 : memref<128xi32, #tpu.memory_space<vmem>>) semaphore(%dma_start3A_77 : memref<!tpu.dma_semaphore, #tpu.memory_space<semaphore_mem>>) {add = true}
      %add3A_78 = arith.constant 2 : i32
      %add3A_79 = arith.addi %mul3A_56, %add3A_78 : i32
      %dma_start3A_80 = arith.constant 2 : i32
      %dma_start3A_81 = arith.constant 0 : i32
      %dma_start3A_82 = tpu.memref_slice %arg5[%add3A_79, %dma_start3A_81] : memref<144x128xi32, #tpu.memory_space<vmem>> -> memref<1x128xi32, #tpu.memory_space<vmem>>
      %dma_start3A_83 = tpu.memref_squeeze %dma_start3A_82 : memref<1x128xi32, #tpu.memory_space<vmem>> -> memref<128xi32, #tpu.memory_space<vmem>>
      %dma_start3A_84 = arith.constant 0 : i32
      %dma_start3A_85 = arith.constant 0 : i32
      %dma_start3A_86 = tpu.memref_slice %arg8[%dma_start3A_84, %dma_start3A_85] : memref<10240x16xf32, #tpu.memory_space<vmem_shared>> -> memref<10240x16xf32, #tpu.memory_space<vmem_shared>>
      %dma_start3A_87 = tpu.memref_slice %arg9[%dma_start3A_80] : memref<8x!tpu.dma_semaphore, #tpu.memory_space<semaphore_mem>> -> memref<1x!tpu.dma_semaphore, #tpu.memory_space<semaphore_mem>>
      %dma_start3A_88 = tpu.memref_squeeze %dma_start3A_87 : memref<1x!tpu.dma_semaphore, #tpu.memory_space<semaphore_mem>> -> memref<!tpu.dma_semaphore, #tpu.memory_space<semaphore_mem>>
      tpu.enqueue_indirect_dma source(%arg6 : memref<128x16xf32, #tpu.memory_space<vmem>>) target(%dma_start3A_86 : memref<10240x16xf32, #tpu.memory_space<vmem_shared>>) offsets(%dma_start3A_83 : memref<128xi32, #tpu.memory_space<vmem>>) semaphore(%dma_start3A_88 : memref<!tpu.dma_semaphore, #tpu.memory_space<semaphore_mem>>) {add = true}
      %add3A_89 = arith.constant 3 : i32
      %add3A_90 = arith.addi %mul3A_56, %add3A_89 : i32
      %dma_start3A_91 = arith.constant 3 : i32
      %dma_start3A_92 = arith.constant 0 : i32
      %dma_start3A_93 = tpu.memref_slice %arg5[%add3A_90, %dma_start3A_92] : memref<144x128xi32, #tpu.memory_space<vmem>> -> memref<1x128xi32, #tpu.memory_space<vmem>>
      %dma_start3A_94 = tpu.memref_squeeze %dma_start3A_93 : memref<1x128xi32, #tpu.memory_space<vmem>> -> memref<128xi32, #tpu.memory_space<vmem>>
      %dma_start3A_95 = arith.constant 0 : i32
      %dma_start3A_96 = arith.constant 0 : i32
      %dma_start3A_97 = tpu.memref_slice %arg8[%dma_start3A_95, %dma_start3A_96] : memref<10240x16xf32, #tpu.memory_space<vmem_shared>> -> memref<10240x16xf32, #tpu.memory_space<vmem_shared>>
      %dma_start3A_98 = tpu.memref_slice %arg9[%dma_start3A_91] : memref<8x!tpu.dma_semaphore, #tpu.memory_space<semaphore_mem>> -> memref<1x!tpu.dma_semaphore, #tpu.memory_space<semaphore_mem>>
      %dma_start3A_99 = tpu.memref_squeeze %dma_start3A_98 : memref<1x!tpu.dma_semaphore, #tpu.memory_space<semaphore_mem>> -> memref<!tpu.dma_semaphore, #tpu.memory_space<semaphore_mem>>
      tpu.enqueue_indirect_dma source(%arg6 : memref<128x16xf32, #tpu.memory_space<vmem>>) target(%dma_start3A_97 : memref<10240x16xf32, #tpu.memory_space<vmem_shared>>) offsets(%dma_start3A_94 : memref<128xi32, #tpu.memory_space<vmem>>) semaphore(%dma_start3A_99 : memref<!tpu.dma_semaphore, #tpu.memory_space<semaphore_mem>>) {add = true}
      %add3A_100 = arith.constant 4 : i32
      %add3A_101 = arith.addi %mul3A_56, %add3A_100 : i32
      %dma_start3A_102 = arith.constant 4 : i32
      %dma_start3A_103 = arith.constant 0 : i32
      %dma_start3A_104 = tpu.memref_slice %arg5[%add3A_101, %dma_start3A_103] : memref<144x128xi32, #tpu.memory_space<vmem>> -> memref<1x128xi32, #tpu.memory_space<vmem>>
      %dma_start3A_105 = tpu.memref_squeeze %dma_start3A_104 : memref<1x128xi32, #tpu.memory_space<vmem>> -> memref<128xi32, #tpu.memory_space<vmem>>
      %dma_start3A_106 = arith.constant 0 : i32
      %dma_start3A_107 = arith.constant 0 : i32
      %dma_start3A_108 = tpu.memref_slice %arg8[%dma_start3A_106, %dma_start3A_107] : memref<10240x16xf32, #tpu.memory_space<vmem_shared>> -> memref<10240x16xf32, #tpu.memory_space<vmem_shared>>
      %dma_start3A_109 = tpu.memref_slice %arg9[%dma_start3A_102] : memref<8x!tpu.dma_semaphore, #tpu.memory_space<semaphore_mem>> -> memref<1x!tpu.dma_semaphore, #tpu.memory_space<semaphore_mem>>
      %dma_start3A_110 = tpu.memref_squeeze %dma_start3A_109 : memref<1x!tpu.dma_semaphore, #tpu.memory_space<semaphore_mem>> -> memref<!tpu.dma_semaphore, #tpu.memory_space<semaphore_mem>>
      tpu.enqueue_indirect_dma source(%arg6 : memref<128x16xf32, #tpu.memory_space<vmem>>) target(%dma_start3A_108 : memref<10240x16xf32, #tpu.memory_space<vmem_shared>>) offsets(%dma_start3A_105 : memref<128xi32, #tpu.memory_space<vmem>>) semaphore(%dma_start3A_110 : memref<!tpu.dma_semaphore, #tpu.memory_space<semaphore_mem>>) {add = true}
      %add3A_111 = arith.constant 5 : i32
      %add3A_112 = arith.addi %mul3A_56, %add3A_111 : i32
      %dma_start3A_113 = arith.constant 5 : i32
      %dma_start3A_114 = arith.constant 0 : i32
      %dma_start3A_115 = tpu.memref_slice %arg5[%add3A_112, %dma_start3A_114] : memref<144x128xi32, #tpu.memory_space<vmem>> -> memref<1x128xi32, #tpu.memory_space<vmem>>
      %dma_start3A_116 = tpu.memref_squeeze %dma_start3A_115 : memref<1x128xi32, #tpu.memory_space<vmem>> -> memref<128xi32, #tpu.memory_space<vmem>>
      %dma_start3A_117 = arith.constant 0 : i32
      %dma_start3A_118 = arith.constant 0 : i32
      %dma_start3A_119 = tpu.memref_slice %arg8[%dma_start3A_117, %dma_start3A_118] : memref<10240x16xf32, #tpu.memory_space<vmem_shared>> -> memref<10240x16xf32, #tpu.memory_space<vmem_shared>>
      %dma_start3A_120 = tpu.memref_slice %arg9[%dma_start3A_113] : memref<8x!tpu.dma_semaphore, #tpu.memory_space<semaphore_mem>> -> memref<1x!tpu.dma_semaphore, #tpu.memory_space<semaphore_mem>>
      %dma_start3A_121 = tpu.memref_squeeze %dma_start3A_120 : memref<1x!tpu.dma_semaphore, #tpu.memory_space<semaphore_mem>> -> memref<!tpu.dma_semaphore, #tpu.memory_space<semaphore_mem>>
      tpu.enqueue_indirect_dma source(%arg6 : memref<128x16xf32, #tpu.memory_space<vmem>>) target(%dma_start3A_119 : memref<10240x16xf32, #tpu.memory_space<vmem_shared>>) offsets(%dma_start3A_116 : memref<128xi32, #tpu.memory_space<vmem>>) semaphore(%dma_start3A_121 : memref<!tpu.dma_semaphore, #tpu.memory_space<semaphore_mem>>) {add = true}
      %add3A_122 = arith.constant 6 : i32
      %add3A_123 = arith.addi %mul3A_56, %add3A_122 : i32
      %dma_start3A_124 = arith.constant 6 : i32
      %dma_start3A_125 = arith.constant 0 : i32
      %dma_start3A_126 = tpu.memref_slice %arg5[%add3A_123, %dma_start3A_125] : memref<144x128xi32, #tpu.memory_space<vmem>> -> memref<1x128xi32, #tpu.memory_space<vmem>>
      %dma_start3A_127 = tpu.memref_squeeze %dma_start3A_126 : memref<1x128xi32, #tpu.memory_space<vmem>> -> memref<128xi32, #tpu.memory_space<vmem>>
      %dma_start3A_128 = arith.constant 0 : i32
      %dma_start3A_129 = arith.constant 0 : i32
      %dma_start3A_130 = tpu.memref_slice %arg8[%dma_start3A_128, %dma_start3A_129] : memref<10240x16xf32, #tpu.memory_space<vmem_shared>> -> memref<10240x16xf32, #tpu.memory_space<vmem_shared>>
      %dma_start3A_131 = tpu.memref_slice %arg9[%dma_start3A_124] : memref<8x!tpu.dma_semaphore, #tpu.memory_space<semaphore_mem>> -> memref<1x!tpu.dma_semaphore, #tpu.memory_space<semaphore_mem>>
      %dma_start3A_132 = tpu.memref_squeeze %dma_start3A_131 : memref<1x!tpu.dma_semaphore, #tpu.memory_space<semaphore_mem>> -> memref<!tpu.dma_semaphore, #tpu.memory_space<semaphore_mem>>
      tpu.enqueue_indirect_dma source(%arg6 : memref<128x16xf32, #tpu.memory_space<vmem>>) target(%dma_start3A_130 : memref<10240x16xf32, #tpu.memory_space<vmem_shared>>) offsets(%dma_start3A_127 : memref<128xi32, #tpu.memory_space<vmem>>) semaphore(%dma_start3A_132 : memref<!tpu.dma_semaphore, #tpu.memory_space<semaphore_mem>>) {add = true}
      %add3A_133 = arith.constant 7 : i32
      %add3A_134 = arith.addi %mul3A_56, %add3A_133 : i32
      %dma_start3A_135 = arith.constant 7 : i32
      %dma_start3A_136 = arith.constant 0 : i32
      %dma_start3A_137 = tpu.memref_slice %arg5[%add3A_134, %dma_start3A_136] : memref<144x128xi32, #tpu.memory_space<vmem>> -> memref<1x128xi32, #tpu.memory_space<vmem>>
      %dma_start3A_138 = tpu.memref_squeeze %dma_start3A_137 : memref<1x128xi32, #tpu.memory_space<vmem>> -> memref<128xi32, #tpu.memory_space<vmem>>
      %dma_start3A_139 = arith.constant 0 : i32
      %dma_start3A_140 = arith.constant 0 : i32
      %dma_start3A_141 = tpu.memref_slice %arg8[%dma_start3A_139, %dma_start3A_140] : memref<10240x16xf32, #tpu.memory_space<vmem_shared>> -> memref<10240x16xf32, #tpu.memory_space<vmem_shared>>
      %dma_start3A_142 = tpu.memref_slice %arg9[%dma_start3A_135] : memref<8x!tpu.dma_semaphore, #tpu.memory_space<semaphore_mem>> -> memref<1x!tpu.dma_semaphore, #tpu.memory_space<semaphore_mem>>
      %dma_start3A_143 = tpu.memref_squeeze %dma_start3A_142 : memref<1x!tpu.dma_semaphore, #tpu.memory_space<semaphore_mem>> -> memref<!tpu.dma_semaphore, #tpu.memory_space<semaphore_mem>>
      tpu.enqueue_indirect_dma source(%arg6 : memref<128x16xf32, #tpu.memory_space<vmem>>) target(%dma_start3A_141 : memref<10240x16xf32, #tpu.memory_space<vmem_shared>>) offsets(%dma_start3A_138 : memref<128xi32, #tpu.memory_space<vmem>>) semaphore(%dma_start3A_143 : memref<!tpu.dma_semaphore, #tpu.memory_space<semaphore_mem>>) {add = true}
      %dma_wait3A = arith.constant 0 : i32
      %dma_wait3A_144 = arith.constant 0 : i32
      %dma_wait3A_145 = tpu.memref_slice %arg5[%add3A_58, %dma_wait3A_144] : memref<144x128xi32, #tpu.memory_space<vmem>> -> memref<1x128xi32, #tpu.memory_space<vmem>>
      %dma_wait3A_146 = tpu.memref_squeeze %dma_wait3A_145 : memref<1x128xi32, #tpu.memory_space<vmem>> -> memref<128xi32, #tpu.memory_space<vmem>>
      %dma_wait3A_147 = arith.constant 0 : i32
      %dma_wait3A_148 = arith.constant 0 : i32
      %dma_wait3A_149 = tpu.memref_slice %arg8[%dma_wait3A_147, %dma_wait3A_148] : memref<10240x16xf32, #tpu.memory_space<vmem_shared>> -> memref<10240x16xf32, #tpu.memory_space<vmem_shared>>
      %dma_wait3A_150 = tpu.memref_slice %arg9[%dma_wait3A] : memref<8x!tpu.dma_semaphore, #tpu.memory_space<semaphore_mem>> -> memref<1x!tpu.dma_semaphore, #tpu.memory_space<semaphore_mem>>
      %dma_wait3A_151 = tpu.memref_squeeze %dma_wait3A_150 : memref<1x!tpu.dma_semaphore, #tpu.memory_space<semaphore_mem>> -> memref<!tpu.dma_semaphore, #tpu.memory_space<semaphore_mem>>
      tpu.wait_indirect_dma semaphore(%dma_wait3A_151 : memref<!tpu.dma_semaphore, #tpu.memory_space<semaphore_mem>>) src(%arg6 : memref<128x16xf32, #tpu.memory_space<vmem>>) dst(%dma_wait3A_149 : memref<10240x16xf32, #tpu.memory_space<vmem_shared>>)
      %dma_wait3A_152 = arith.constant 1 : i32
      %dma_wait3A_153 = arith.constant 0 : i32
      %dma_wait3A_154 = tpu.memref_slice %arg5[%add3A_68, %dma_wait3A_153] : memref<144x128xi32, #tpu.memory_space<vmem>> -> memref<1x128xi32, #tpu.memory_space<vmem>>
      %dma_wait3A_155 = tpu.memref_squeeze %dma_wait3A_154 : memref<1x128xi32, #tpu.memory_space<vmem>> -> memref<128xi32, #tpu.memory_space<vmem>>
      %dma_wait3A_156 = arith.constant 0 : i32
      %dma_wait3A_157 = arith.constant 0 : i32
      %dma_wait3A_158 = tpu.memref_slice %arg8[%dma_wait3A_156, %dma_wait3A_157] : memref<10240x16xf32, #tpu.memory_space<vmem_shared>> -> memref<10240x16xf32, #tpu.memory_space<vmem_shared>>
      %dma_wait3A_159 = tpu.memref_slice %arg9[%dma_wait3A_152] : memref<8x!tpu.dma_semaphore, #tpu.memory_space<semaphore_mem>> -> memref<1x!tpu.dma_semaphore, #tpu.memory_space<semaphore_mem>>
      %dma_wait3A_160 = tpu.memref_squeeze %dma_wait3A_159 : memref<1x!tpu.dma_semaphore, #tpu.memory_space<semaphore_mem>> -> memref<!tpu.dma_semaphore, #tpu.memory_space<semaphore_mem>>
      tpu.wait_indirect_dma semaphore(%dma_wait3A_160 : memref<!tpu.dma_semaphore, #tpu.memory_space<semaphore_mem>>) src(%arg6 : memref<128x16xf32, #tpu.memory_space<vmem>>) dst(%dma_wait3A_158 : memref<10240x16xf32, #tpu.memory_space<vmem_shared>>)
      %dma_wait3A_161 = arith.constant 2 : i32
      %dma_wait3A_162 = arith.constant 0 : i32
      %dma_wait3A_163 = tpu.memref_slice %arg5[%add3A_79, %dma_wait3A_162] : memref<144x128xi32, #tpu.memory_space<vmem>> -> memref<1x128xi32, #tpu.memory_space<vmem>>
      %dma_wait3A_164 = tpu.memref_squeeze %dma_wait3A_163 : memref<1x128xi32, #tpu.memory_space<vmem>> -> memref<128xi32, #tpu.memory_space<vmem>>
      %dma_wait3A_165 = arith.constant 0 : i32
      %dma_wait3A_166 = arith.constant 0 : i32
      %dma_wait3A_167 = tpu.memref_slice %arg8[%dma_wait3A_165, %dma_wait3A_166] : memref<10240x16xf32, #tpu.memory_space<vmem_shared>> -> memref<10240x16xf32, #tpu.memory_space<vmem_shared>>
      %dma_wait3A_168 = tpu.memref_slice %arg9[%dma_wait3A_161] : memref<8x!tpu.dma_semaphore, #tpu.memory_space<semaphore_mem>> -> memref<1x!tpu.dma_semaphore, #tpu.memory_space<semaphore_mem>>
      %dma_wait3A_169 = tpu.memref_squeeze %dma_wait3A_168 : memref<1x!tpu.dma_semaphore, #tpu.memory_space<semaphore_mem>> -> memref<!tpu.dma_semaphore, #tpu.memory_space<semaphore_mem>>
      tpu.wait_indirect_dma semaphore(%dma_wait3A_169 : memref<!tpu.dma_semaphore, #tpu.memory_space<semaphore_mem>>) src(%arg6 : memref<128x16xf32, #tpu.memory_space<vmem>>) dst(%dma_wait3A_167 : memref<10240x16xf32, #tpu.memory_space<vmem_shared>>)
      %dma_wait3A_170 = arith.constant 3 : i32
      %dma_wait3A_171 = arith.constant 0 : i32
      %dma_wait3A_172 = tpu.memref_slice %arg5[%add3A_90, %dma_wait3A_171] : memref<144x128xi32, #tpu.memory_space<vmem>> -> memref<1x128xi32, #tpu.memory_space<vmem>>
      %dma_wait3A_173 = tpu.memref_squeeze %dma_wait3A_172 : memref<1x128xi32, #tpu.memory_space<vmem>> -> memref<128xi32, #tpu.memory_space<vmem>>
      %dma_wait3A_174 = arith.constant 0 : i32
      %dma_wait3A_175 = arith.constant 0 : i32
      %dma_wait3A_176 = tpu.memref_slice %arg8[%dma_wait3A_174, %dma_wait3A_175] : memref<10240x16xf32, #tpu.memory_space<vmem_shared>> -> memref<10240x16xf32, #tpu.memory_space<vmem_shared>>
      %dma_wait3A_177 = tpu.memref_slice %arg9[%dma_wait3A_170] : memref<8x!tpu.dma_semaphore, #tpu.memory_space<semaphore_mem>> -> memref<1x!tpu.dma_semaphore, #tpu.memory_space<semaphore_mem>>
      %dma_wait3A_178 = tpu.memref_squeeze %dma_wait3A_177 : memref<1x!tpu.dma_semaphore, #tpu.memory_space<semaphore_mem>> -> memref<!tpu.dma_semaphore, #tpu.memory_space<semaphore_mem>>
      tpu.wait_indirect_dma semaphore(%dma_wait3A_178 : memref<!tpu.dma_semaphore, #tpu.memory_space<semaphore_mem>>) src(%arg6 : memref<128x16xf32, #tpu.memory_space<vmem>>) dst(%dma_wait3A_176 : memref<10240x16xf32, #tpu.memory_space<vmem_shared>>)
      %dma_wait3A_179 = arith.constant 4 : i32
      %dma_wait3A_180 = arith.constant 0 : i32
      %dma_wait3A_181 = tpu.memref_slice %arg5[%add3A_101, %dma_wait3A_180] : memref<144x128xi32, #tpu.memory_space<vmem>> -> memref<1x128xi32, #tpu.memory_space<vmem>>
      %dma_wait3A_182 = tpu.memref_squeeze %dma_wait3A_181 : memref<1x128xi32, #tpu.memory_space<vmem>> -> memref<128xi32, #tpu.memory_space<vmem>>
      %dma_wait3A_183 = arith.constant 0 : i32
      %dma_wait3A_184 = arith.constant 0 : i32
      %dma_wait3A_185 = tpu.memref_slice %arg8[%dma_wait3A_183, %dma_wait3A_184] : memref<10240x16xf32, #tpu.memory_space<vmem_shared>> -> memref<10240x16xf32, #tpu.memory_space<vmem_shared>>
      %dma_wait3A_186 = tpu.memref_slice %arg9[%dma_wait3A_179] : memref<8x!tpu.dma_semaphore, #tpu.memory_space<semaphore_mem>> -> memref<1x!tpu.dma_semaphore, #tpu.memory_space<semaphore_mem>>
      %dma_wait3A_187 = tpu.memref_squeeze %dma_wait3A_186 : memref<1x!tpu.dma_semaphore, #tpu.memory_space<semaphore_mem>> -> memref<!tpu.dma_semaphore, #tpu.memory_space<semaphore_mem>>
      tpu.wait_indirect_dma semaphore(%dma_wait3A_187 : memref<!tpu.dma_semaphore, #tpu.memory_space<semaphore_mem>>) src(%arg6 : memref<128x16xf32, #tpu.memory_space<vmem>>) dst(%dma_wait3A_185 : memref<10240x16xf32, #tpu.memory_space<vmem_shared>>)
      %dma_wait3A_188 = arith.constant 5 : i32
      %dma_wait3A_189 = arith.constant 0 : i32
      %dma_wait3A_190 = tpu.memref_slice %arg5[%add3A_112, %dma_wait3A_189] : memref<144x128xi32, #tpu.memory_space<vmem>> -> memref<1x128xi32, #tpu.memory_space<vmem>>
      %dma_wait3A_191 = tpu.memref_squeeze %dma_wait3A_190 : memref<1x128xi32, #tpu.memory_space<vmem>> -> memref<128xi32, #tpu.memory_space<vmem>>
      %dma_wait3A_192 = arith.constant 0 : i32
      %dma_wait3A_193 = arith.constant 0 : i32
      %dma_wait3A_194 = tpu.memref_slice %arg8[%dma_wait3A_192, %dma_wait3A_193] : memref<10240x16xf32, #tpu.memory_space<vmem_shared>> -> memref<10240x16xf32, #tpu.memory_space<vmem_shared>>
      %dma_wait3A_195 = tpu.memref_slice %arg9[%dma_wait3A_188] : memref<8x!tpu.dma_semaphore, #tpu.memory_space<semaphore_mem>> -> memref<1x!tpu.dma_semaphore, #tpu.memory_space<semaphore_mem>>
      %dma_wait3A_196 = tpu.memref_squeeze %dma_wait3A_195 : memref<1x!tpu.dma_semaphore, #tpu.memory_space<semaphore_mem>> -> memref<!tpu.dma_semaphore, #tpu.memory_space<semaphore_mem>>
      tpu.wait_indirect_dma semaphore(%dma_wait3A_196 : memref<!tpu.dma_semaphore, #tpu.memory_space<semaphore_mem>>) src(%arg6 : memref<128x16xf32, #tpu.memory_space<vmem>>) dst(%dma_wait3A_194 : memref<10240x16xf32, #tpu.memory_space<vmem_shared>>)
      %dma_wait3A_197 = arith.constant 6 : i32
      %dma_wait3A_198 = arith.constant 0 : i32
      %dma_wait3A_199 = tpu.memref_slice %arg5[%add3A_123, %dma_wait3A_198] : memref<144x128xi32, #tpu.memory_space<vmem>> -> memref<1x128xi32, #tpu.memory_space<vmem>>
      %dma_wait3A_200 = tpu.memref_squeeze %dma_wait3A_199 : memref<1x128xi32, #tpu.memory_space<vmem>> -> memref<128xi32, #tpu.memory_space<vmem>>
      %dma_wait3A_201 = arith.constant 0 : i32
      %dma_wait3A_202 = arith.constant 0 : i32
      %dma_wait3A_203 = tpu.memref_slice %arg8[%dma_wait3A_201, %dma_wait3A_202] : memref<10240x16xf32, #tpu.memory_space<vmem_shared>> -> memref<10240x16xf32, #tpu.memory_space<vmem_shared>>
      %dma_wait3A_204 = tpu.memref_slice %arg9[%dma_wait3A_197] : memref<8x!tpu.dma_semaphore, #tpu.memory_space<semaphore_mem>> -> memref<1x!tpu.dma_semaphore, #tpu.memory_space<semaphore_mem>>
      %dma_wait3A_205 = tpu.memref_squeeze %dma_wait3A_204 : memref<1x!tpu.dma_semaphore, #tpu.memory_space<semaphore_mem>> -> memref<!tpu.dma_semaphore, #tpu.memory_space<semaphore_mem>>
      tpu.wait_indirect_dma semaphore(%dma_wait3A_205 : memref<!tpu.dma_semaphore, #tpu.memory_space<semaphore_mem>>) src(%arg6 : memref<128x16xf32, #tpu.memory_space<vmem>>) dst(%dma_wait3A_203 : memref<10240x16xf32, #tpu.memory_space<vmem_shared>>)
      %dma_wait3A_206 = arith.constant 7 : i32
      %dma_wait3A_207 = arith.constant 0 : i32
      %dma_wait3A_208 = tpu.memref_slice %arg5[%add3A_134, %dma_wait3A_207] : memref<144x128xi32, #tpu.memory_space<vmem>> -> memref<1x128xi32, #tpu.memory_space<vmem>>
      %dma_wait3A_209 = tpu.memref_squeeze %dma_wait3A_208 : memref<1x128xi32, #tpu.memory_space<vmem>> -> memref<128xi32, #tpu.memory_space<vmem>>
      %dma_wait3A_210 = arith.constant 0 : i32
      %dma_wait3A_211 = arith.constant 0 : i32
      %dma_wait3A_212 = tpu.memref_slice %arg8[%dma_wait3A_210, %dma_wait3A_211] : memref<10240x16xf32, #tpu.memory_space<vmem_shared>> -> memref<10240x16xf32, #tpu.memory_space<vmem_shared>>
      %dma_wait3A_213 = tpu.memref_slice %arg9[%dma_wait3A_206] : memref<8x!tpu.dma_semaphore, #tpu.memory_space<semaphore_mem>> -> memref<1x!tpu.dma_semaphore, #tpu.memory_space<semaphore_mem>>
      %dma_wait3A_214 = tpu.memref_squeeze %dma_wait3A_213 : memref<1x!tpu.dma_semaphore, #tpu.memory_space<semaphore_mem>> -> memref<!tpu.dma_semaphore, #tpu.memory_space<semaphore_mem>>
      tpu.wait_indirect_dma semaphore(%dma_wait3A_214 : memref<!tpu.dma_semaphore, #tpu.memory_space<semaphore_mem>>) src(%arg6 : memref<128x16xf32, #tpu.memory_space<vmem>>) dst(%dma_wait3A_212 : memref<10240x16xf32, #tpu.memory_space<vmem_shared>>)
    }
    %barrier3A_53 = arith.constant 0 : index
    tpu.barrier barrier_id(%barrier3A_53)
    "tpu.region"() ({
      %run_scoped3A = tpu.sem_alloc : memref<!tpu.dma_semaphore, #tpu.memory_space<semaphore_mem>>
      %dma_start3A = arith.constant 0 : i32
      %dma_start3A_54 = tpu.memref_slice %arg4[%arg0, %mul3A_0, %dma_start3A] : memref<2x10240x16xf32, #tpu.memory_space<hbm>> -> memref<1x640x16xf32, #tpu.memory_space<hbm>>
      %dma_start3A_55 = tpu.memref_squeeze %dma_start3A_54 : memref<1x640x16xf32, #tpu.memory_space<hbm>> -> memref<640x16xf32, #tpu.memory_space<hbm>>
      %dma_start3A_56 = arith.constant 0 : i32
      %dma_start3A_57 = tpu.memref_slice %arg8[%mul3A_0, %dma_start3A_56] : memref<10240x16xf32, #tpu.memory_space<vmem_shared>> -> memref<640x16xf32, #tpu.memory_space<vmem_shared>>
      tpu.enqueue_dma source(%dma_start3A_57 : memref<640x16xf32, #tpu.memory_space<vmem_shared>>) target(%dma_start3A_55 : memref<640x16xf32, #tpu.memory_space<hbm>>) target_semaphore(%run_scoped3A : memref<!tpu.dma_semaphore, #tpu.memory_space<semaphore_mem>>)
      %dma_wait3A = arith.constant 0 : i32
      %dma_wait3A_58 = tpu.memref_slice %arg4[%arg0, %mul3A_0, %dma_wait3A] : memref<2x10240x16xf32, #tpu.memory_space<hbm>> -> memref<1x640x16xf32, #tpu.memory_space<hbm>>
      %dma_wait3A_59 = tpu.memref_squeeze %dma_wait3A_58 : memref<1x640x16xf32, #tpu.memory_space<hbm>> -> memref<640x16xf32, #tpu.memory_space<hbm>>
      %dma_wait3A_60 = arith.constant 0 : i32
      %dma_wait3A_61 = tpu.memref_slice %arg8[%mul3A_0, %dma_wait3A_60] : memref<10240x16xf32, #tpu.memory_space<vmem_shared>> -> memref<640x16xf32, #tpu.memory_space<vmem_shared>>
      tpu.wait_dma2 semaphore(%run_scoped3A : memref<!tpu.dma_semaphore, #tpu.memory_space<semaphore_mem>>) src(%dma_wait3A_61 : memref<640x16xf32, #tpu.memory_space<vmem_shared>>) dst(%dma_wait3A_59 : memref<640x16xf32, #tpu.memory_space<hbm>>)
      tpu.yield
    }) : () -> ()
    return
  }
}

#map = affine_map<(d0, d1) -> (0, 0)>
#map1 = affine_map<(d0, d1) -> (0, 0, 0)>
module attributes {stable_mosaic.version = 14 : i64} {
  func.func @agg(%arg0: i32, %arg1: i32, %arg2: memref<10000x16xf32, #tpu.memory_space<hbm>>, %arg3: memref<16x144x128xi32, #tpu.memory_space<hbm>>, %arg4: memref<16x144x128xi32, #tpu.memory_space<hbm>>, %arg5: memref<16x16x128xi32, #tpu.memory_space<hbm>>, %arg6: memref<16x16x128xi32, #tpu.memory_space<hbm>>, %arg7: memref<2x10240x16xf32, #tpu.memory_space<hbm>>, %arg8: memref<144x128xi32, #tpu.memory_space<vmem>>, %arg9: memref<144x128xi32, #tpu.memory_space<vmem>>, %arg10: memref<8x128x16xf32, #tpu.memory_space<vmem>>, %arg11: memref<10240x16xf32, #tpu.memory_space<vmem_shared>>, %arg12: memref<8x!tpu.dma_semaphore, #tpu.memory_space<semaphore_mem>>, %arg13: memref<8x!tpu.dma_semaphore, #tpu.memory_space<semaphore_mem>>) attributes {dimension_semantics = [#tpu.dimension_semantics<core_parallel>, #tpu.dimension_semantics<subcore_parallel>], iteration_bounds = array<i64: 2, 16>, scalar_prefetch = 0 : i64, scratch_operands = 6 : i64, tpu.core_type = #tpu.core_type<sc_vector_subcore>, window_params = [{transform_indices = #map}, {transform_indices = #map1}, {transform_indices = #map1}, {transform_indices = #map1}, {transform_indices = #map1}, {transform_indices = #map1}]} {
    %mul3A = arith.constant 640 : i32
    %mul3A_0 = arith.muli %arg1, %mul3A : i32
    %eq3A = arith.constant 0 : i32
    %eq3A_1 = arith.cmpi eq, %arg0, %eq3A : i32
    %convert_element_type3A = arith.extui %eq3A_1 : i1 to i32
    %cond3A = arith.constant 0 : i32
    %cond3A_2 = arith.cmpi ne, %convert_element_type3A, %cond3A : i32
    scf.if %cond3A_2 {
      "tpu.region"() ({
        %run_scoped3A_51 = tpu.sem_alloc : memref<!tpu.dma_semaphore, #tpu.memory_space<semaphore_mem>>
        %dma_start3A = arith.constant 0 : i32
        %dma_start3A_52 = arith.constant 0 : i32
        %dma_start3A_53 = tpu.memref_slice %arg3[%arg1, %dma_start3A, %dma_start3A_52] : memref<16x144x128xi32, #tpu.memory_space<hbm>> -> memref<1x144x128xi32, #tpu.memory_space<hbm>>
        %dma_start3A_54 = tpu.memref_squeeze %dma_start3A_53 : memref<1x144x128xi32, #tpu.memory_space<hbm>> -> memref<144x128xi32, #tpu.memory_space<hbm>>
        %dma_start3A_55 = arith.constant 0 : i32
        %dma_start3A_56 = arith.constant 0 : i32
        %dma_start3A_57 = tpu.memref_slice %arg3[%arg1, %dma_start3A_55, %dma_start3A_56] : memref<16x144x128xi32, #tpu.memory_space<hbm>> -> memref<1x144x128xi32, #tpu.memory_space<hbm>>
        %dma_start3A_58 = tpu.memref_squeeze %dma_start3A_57 : memref<1x144x128xi32, #tpu.memory_space<hbm>> -> memref<144x128xi32, #tpu.memory_space<hbm>>
        tpu.enqueue_dma source(%dma_start3A_58 : memref<144x128xi32, #tpu.memory_space<hbm>>) target(%arg8 : memref<144x128xi32, #tpu.memory_space<vmem>>) target_semaphore(%run_scoped3A_51 : memref<!tpu.dma_semaphore, #tpu.memory_space<semaphore_mem>>)
        %dma_wait3A = arith.constant 0 : i32
        %dma_wait3A_59 = arith.constant 0 : i32
        %dma_wait3A_60 = tpu.memref_slice %arg3[%arg1, %dma_wait3A, %dma_wait3A_59] : memref<16x144x128xi32, #tpu.memory_space<hbm>> -> memref<1x144x128xi32, #tpu.memory_space<hbm>>
        %dma_wait3A_61 = tpu.memref_squeeze %dma_wait3A_60 : memref<1x144x128xi32, #tpu.memory_space<hbm>> -> memref<144x128xi32, #tpu.memory_space<hbm>>
        %dma_wait3A_62 = arith.constant 0 : i32
        %dma_wait3A_63 = arith.constant 0 : i32
        %dma_wait3A_64 = tpu.memref_slice %arg3[%arg1, %dma_wait3A_62, %dma_wait3A_63] : memref<16x144x128xi32, #tpu.memory_space<hbm>> -> memref<1x144x128xi32, #tpu.memory_space<hbm>>
        %dma_wait3A_65 = tpu.memref_squeeze %dma_wait3A_64 : memref<1x144x128xi32, #tpu.memory_space<hbm>> -> memref<144x128xi32, #tpu.memory_space<hbm>>
        tpu.wait_dma2 semaphore(%run_scoped3A_51 : memref<!tpu.dma_semaphore, #tpu.memory_space<semaphore_mem>>) src(%dma_wait3A_65 : memref<144x128xi32, #tpu.memory_space<hbm>>) dst(%arg8 : memref<144x128xi32, #tpu.memory_space<vmem>>)
        tpu.yield
      }) : () -> ()
      "tpu.region"() ({
        %run_scoped3A_51 = tpu.sem_alloc : memref<!tpu.dma_semaphore, #tpu.memory_space<semaphore_mem>>
        %dma_start3A = arith.constant 0 : i32
        %dma_start3A_52 = arith.constant 0 : i32
        %dma_start3A_53 = tpu.memref_slice %arg4[%arg1, %dma_start3A, %dma_start3A_52] : memref<16x144x128xi32, #tpu.memory_space<hbm>> -> memref<1x144x128xi32, #tpu.memory_space<hbm>>
        %dma_start3A_54 = tpu.memref_squeeze %dma_start3A_53 : memref<1x144x128xi32, #tpu.memory_space<hbm>> -> memref<144x128xi32, #tpu.memory_space<hbm>>
        %dma_start3A_55 = arith.constant 0 : i32
        %dma_start3A_56 = arith.constant 0 : i32
        %dma_start3A_57 = tpu.memref_slice %arg4[%arg1, %dma_start3A_55, %dma_start3A_56] : memref<16x144x128xi32, #tpu.memory_space<hbm>> -> memref<1x144x128xi32, #tpu.memory_space<hbm>>
        %dma_start3A_58 = tpu.memref_squeeze %dma_start3A_57 : memref<1x144x128xi32, #tpu.memory_space<hbm>> -> memref<144x128xi32, #tpu.memory_space<hbm>>
        tpu.enqueue_dma source(%dma_start3A_58 : memref<144x128xi32, #tpu.memory_space<hbm>>) target(%arg9 : memref<144x128xi32, #tpu.memory_space<vmem>>) target_semaphore(%run_scoped3A_51 : memref<!tpu.dma_semaphore, #tpu.memory_space<semaphore_mem>>)
        %dma_wait3A = arith.constant 0 : i32
        %dma_wait3A_59 = arith.constant 0 : i32
        %dma_wait3A_60 = tpu.memref_slice %arg4[%arg1, %dma_wait3A, %dma_wait3A_59] : memref<16x144x128xi32, #tpu.memory_space<hbm>> -> memref<1x144x128xi32, #tpu.memory_space<hbm>>
        %dma_wait3A_61 = tpu.memref_squeeze %dma_wait3A_60 : memref<1x144x128xi32, #tpu.memory_space<hbm>> -> memref<144x128xi32, #tpu.memory_space<hbm>>
        %dma_wait3A_62 = arith.constant 0 : i32
        %dma_wait3A_63 = arith.constant 0 : i32
        %dma_wait3A_64 = tpu.memref_slice %arg4[%arg1, %dma_wait3A_62, %dma_wait3A_63] : memref<16x144x128xi32, #tpu.memory_space<hbm>> -> memref<1x144x128xi32, #tpu.memory_space<hbm>>
        %dma_wait3A_65 = tpu.memref_squeeze %dma_wait3A_64 : memref<1x144x128xi32, #tpu.memory_space<hbm>> -> memref<144x128xi32, #tpu.memory_space<hbm>>
        tpu.wait_dma2 semaphore(%run_scoped3A_51 : memref<!tpu.dma_semaphore, #tpu.memory_space<semaphore_mem>>) src(%dma_wait3A_65 : memref<144x128xi32, #tpu.memory_space<hbm>>) dst(%arg9 : memref<144x128xi32, #tpu.memory_space<vmem>>)
        tpu.yield
      }) : () -> ()
    } else {
    }
    %eq3A_3 = arith.constant 1 : i32
    %eq3A_4 = arith.cmpi eq, %arg0, %eq3A_3 : i32
    %convert_element_type3A_5 = arith.extui %eq3A_4 : i1 to i32
    %cond3A_6 = arith.constant 0 : i32
    %cond3A_7 = arith.cmpi ne, %convert_element_type3A_5, %cond3A_6 : i32
    scf.if %cond3A_7 {
      "tpu.region"() ({
        %run_scoped3A_51 = tpu.sem_alloc : memref<!tpu.dma_semaphore, #tpu.memory_space<semaphore_mem>>
        %dma_start3A = arith.constant 0 : i32
        %dma_start3A_52 = arith.constant 0 : i32
        %dma_start3A_53 = tpu.memref_slice %arg8[%dma_start3A, %dma_start3A_52] : memref<144x128xi32, #tpu.memory_space<vmem>> -> memref<16x128xi32, #tpu.memory_space<vmem>>
        %dma_start3A_54 = arith.constant 0 : i32
        %dma_start3A_55 = arith.constant 0 : i32
        %dma_start3A_56 = tpu.memref_slice %arg5[%arg1, %dma_start3A_54, %dma_start3A_55] : memref<16x16x128xi32, #tpu.memory_space<hbm>> -> memref<1x16x128xi32, #tpu.memory_space<hbm>>
        %dma_start3A_57 = tpu.memref_squeeze %dma_start3A_56 : memref<1x16x128xi32, #tpu.memory_space<hbm>> -> memref<16x128xi32, #tpu.memory_space<hbm>>
        %dma_start3A_58 = arith.constant 0 : i32
        %dma_start3A_59 = arith.constant 0 : i32
        %dma_start3A_60 = tpu.memref_slice %arg8[%dma_start3A_58, %dma_start3A_59] : memref<144x128xi32, #tpu.memory_space<vmem>> -> memref<16x128xi32, #tpu.memory_space<vmem>>
        %dma_start3A_61 = arith.constant 0 : i32
        %dma_start3A_62 = arith.constant 0 : i32
        %dma_start3A_63 = tpu.memref_slice %arg5[%arg1, %dma_start3A_61, %dma_start3A_62] : memref<16x16x128xi32, #tpu.memory_space<hbm>> -> memref<1x16x128xi32, #tpu.memory_space<hbm>>
        %dma_start3A_64 = tpu.memref_squeeze %dma_start3A_63 : memref<1x16x128xi32, #tpu.memory_space<hbm>> -> memref<16x128xi32, #tpu.memory_space<hbm>>
        tpu.enqueue_dma source(%dma_start3A_64 : memref<16x128xi32, #tpu.memory_space<hbm>>) target(%dma_start3A_60 : memref<16x128xi32, #tpu.memory_space<vmem>>) target_semaphore(%run_scoped3A_51 : memref<!tpu.dma_semaphore, #tpu.memory_space<semaphore_mem>>)
        %dma_wait3A = arith.constant 0 : i32
        %dma_wait3A_65 = arith.constant 0 : i32
        %dma_wait3A_66 = tpu.memref_slice %arg8[%dma_wait3A, %dma_wait3A_65] : memref<144x128xi32, #tpu.memory_space<vmem>> -> memref<16x128xi32, #tpu.memory_space<vmem>>
        %dma_wait3A_67 = arith.constant 0 : i32
        %dma_wait3A_68 = arith.constant 0 : i32
        %dma_wait3A_69 = tpu.memref_slice %arg5[%arg1, %dma_wait3A_67, %dma_wait3A_68] : memref<16x16x128xi32, #tpu.memory_space<hbm>> -> memref<1x16x128xi32, #tpu.memory_space<hbm>>
        %dma_wait3A_70 = tpu.memref_squeeze %dma_wait3A_69 : memref<1x16x128xi32, #tpu.memory_space<hbm>> -> memref<16x128xi32, #tpu.memory_space<hbm>>
        %dma_wait3A_71 = arith.constant 0 : i32
        %dma_wait3A_72 = arith.constant 0 : i32
        %dma_wait3A_73 = tpu.memref_slice %arg8[%dma_wait3A_71, %dma_wait3A_72] : memref<144x128xi32, #tpu.memory_space<vmem>> -> memref<16x128xi32, #tpu.memory_space<vmem>>
        %dma_wait3A_74 = arith.constant 0 : i32
        %dma_wait3A_75 = arith.constant 0 : i32
        %dma_wait3A_76 = tpu.memref_slice %arg5[%arg1, %dma_wait3A_74, %dma_wait3A_75] : memref<16x16x128xi32, #tpu.memory_space<hbm>> -> memref<1x16x128xi32, #tpu.memory_space<hbm>>
        %dma_wait3A_77 = tpu.memref_squeeze %dma_wait3A_76 : memref<1x16x128xi32, #tpu.memory_space<hbm>> -> memref<16x128xi32, #tpu.memory_space<hbm>>
        tpu.wait_dma2 semaphore(%run_scoped3A_51 : memref<!tpu.dma_semaphore, #tpu.memory_space<semaphore_mem>>) src(%dma_wait3A_77 : memref<16x128xi32, #tpu.memory_space<hbm>>) dst(%dma_wait3A_73 : memref<16x128xi32, #tpu.memory_space<vmem>>)
        tpu.yield
      }) : () -> ()
      "tpu.region"() ({
        %run_scoped3A_51 = tpu.sem_alloc : memref<!tpu.dma_semaphore, #tpu.memory_space<semaphore_mem>>
        %dma_start3A = arith.constant 0 : i32
        %dma_start3A_52 = arith.constant 0 : i32
        %dma_start3A_53 = tpu.memref_slice %arg9[%dma_start3A, %dma_start3A_52] : memref<144x128xi32, #tpu.memory_space<vmem>> -> memref<16x128xi32, #tpu.memory_space<vmem>>
        %dma_start3A_54 = arith.constant 0 : i32
        %dma_start3A_55 = arith.constant 0 : i32
        %dma_start3A_56 = tpu.memref_slice %arg6[%arg1, %dma_start3A_54, %dma_start3A_55] : memref<16x16x128xi32, #tpu.memory_space<hbm>> -> memref<1x16x128xi32, #tpu.memory_space<hbm>>
        %dma_start3A_57 = tpu.memref_squeeze %dma_start3A_56 : memref<1x16x128xi32, #tpu.memory_space<hbm>> -> memref<16x128xi32, #tpu.memory_space<hbm>>
        %dma_start3A_58 = arith.constant 0 : i32
        %dma_start3A_59 = arith.constant 0 : i32
        %dma_start3A_60 = tpu.memref_slice %arg9[%dma_start3A_58, %dma_start3A_59] : memref<144x128xi32, #tpu.memory_space<vmem>> -> memref<16x128xi32, #tpu.memory_space<vmem>>
        %dma_start3A_61 = arith.constant 0 : i32
        %dma_start3A_62 = arith.constant 0 : i32
        %dma_start3A_63 = tpu.memref_slice %arg6[%arg1, %dma_start3A_61, %dma_start3A_62] : memref<16x16x128xi32, #tpu.memory_space<hbm>> -> memref<1x16x128xi32, #tpu.memory_space<hbm>>
        %dma_start3A_64 = tpu.memref_squeeze %dma_start3A_63 : memref<1x16x128xi32, #tpu.memory_space<hbm>> -> memref<16x128xi32, #tpu.memory_space<hbm>>
        tpu.enqueue_dma source(%dma_start3A_64 : memref<16x128xi32, #tpu.memory_space<hbm>>) target(%dma_start3A_60 : memref<16x128xi32, #tpu.memory_space<vmem>>) target_semaphore(%run_scoped3A_51 : memref<!tpu.dma_semaphore, #tpu.memory_space<semaphore_mem>>)
        %dma_wait3A = arith.constant 0 : i32
        %dma_wait3A_65 = arith.constant 0 : i32
        %dma_wait3A_66 = tpu.memref_slice %arg9[%dma_wait3A, %dma_wait3A_65] : memref<144x128xi32, #tpu.memory_space<vmem>> -> memref<16x128xi32, #tpu.memory_space<vmem>>
        %dma_wait3A_67 = arith.constant 0 : i32
        %dma_wait3A_68 = arith.constant 0 : i32
        %dma_wait3A_69 = tpu.memref_slice %arg6[%arg1, %dma_wait3A_67, %dma_wait3A_68] : memref<16x16x128xi32, #tpu.memory_space<hbm>> -> memref<1x16x128xi32, #tpu.memory_space<hbm>>
        %dma_wait3A_70 = tpu.memref_squeeze %dma_wait3A_69 : memref<1x16x128xi32, #tpu.memory_space<hbm>> -> memref<16x128xi32, #tpu.memory_space<hbm>>
        %dma_wait3A_71 = arith.constant 0 : i32
        %dma_wait3A_72 = arith.constant 0 : i32
        %dma_wait3A_73 = tpu.memref_slice %arg9[%dma_wait3A_71, %dma_wait3A_72] : memref<144x128xi32, #tpu.memory_space<vmem>> -> memref<16x128xi32, #tpu.memory_space<vmem>>
        %dma_wait3A_74 = arith.constant 0 : i32
        %dma_wait3A_75 = arith.constant 0 : i32
        %dma_wait3A_76 = tpu.memref_slice %arg6[%arg1, %dma_wait3A_74, %dma_wait3A_75] : memref<16x16x128xi32, #tpu.memory_space<hbm>> -> memref<1x16x128xi32, #tpu.memory_space<hbm>>
        %dma_wait3A_77 = tpu.memref_squeeze %dma_wait3A_76 : memref<1x16x128xi32, #tpu.memory_space<hbm>> -> memref<16x128xi32, #tpu.memory_space<hbm>>
        tpu.wait_dma2 semaphore(%run_scoped3A_51 : memref<!tpu.dma_semaphore, #tpu.memory_space<semaphore_mem>>) src(%dma_wait3A_77 : memref<16x128xi32, #tpu.memory_space<hbm>>) dst(%dma_wait3A_73 : memref<16x128xi32, #tpu.memory_space<vmem>>)
        tpu.yield
      }) : () -> ()
    } else {
    }
    %eq3A_8 = arith.constant 0 : i32
    %eq3A_9 = arith.cmpi eq, %arg0, %eq3A_8 : i32
    %jit3A = arith.constant 18 : i32
    %jit3A_10 = arith.constant 2 : i32
    %select_n3A = arith.select %eq3A_9, %jit3A, %jit3A_10 : i32
    %broadcast_in_dim3A = arith.constant 0.000000e+00 : f32
    %broadcast_in_dim3A_11 = vector.broadcast %broadcast_in_dim3A : f32 to vector<16xf32>
    %scan3A = arith.constant 0 : i32
    %scan3A_12 = arith.constant 0 : i32
    %scan3A_13 = arith.constant 0 : i32
    %scan3A_14 = arith.constant 128 : i32
    %scan3A_15 = arith.addi %scan3A_13, %scan3A_14 : i32
    %scan3A_16 = arith.constant 1 : i32
    scf.for %scan3A_51 = %scan3A_13 to %scan3A_15 step %scan3A_16  : i32 {
      %swap3A = arith.constant 0 : i32
      %swap3A_52 = arith.constant 0 : i32
      %swap3A_53 = tpu.memref_slice %arg10[%scan3A_12, %swap3A, %swap3A_52] : memref<8x128x16xf32, #tpu.memory_space<vmem>> -> memref<1x128x16xf32, #tpu.memory_space<vmem>>
      %swap3A_54 = tpu.memref_squeeze %swap3A_53 : memref<1x128x16xf32, #tpu.memory_space<vmem>> -> memref<128x16xf32, #tpu.memory_space<vmem>>
      %swap3A_55 = arith.index_cast %scan3A_51 : i32 to index
      %swap3A_56 = arith.constant 0 : index
      %swap3A_57 = tpu.vector_load %swap3A_54[%swap3A_55, %swap3A_56] {strides = array<i32>} : memref<128x16xf32, #tpu.memory_space<vmem>>, vector<1x16xf32>,
      %swap3A_58 = vector.shape_cast %swap3A_57 : vector<1x16xf32> to vector<16xf32>
      %swap3A_59 = vector.shape_cast %broadcast_in_dim3A_11 : vector<16xf32> to vector<1x16xf32>
      tpu.vector_store %swap3A_54[%swap3A_55, %swap3A_56], %swap3A_59 {strides = array<i32>} : memref<128x16xf32, #tpu.memory_space<vmem>>, vector<1x16xf32>,
    }
    %scan3A_17 = arith.constant 128 : i32
    %mul3A_18 = arith.constant 640 : i32
    %mul3A_19 = arith.muli %arg1, %mul3A_18 : i32
    %add3A = arith.constant 0 : i32
    %add3A_20 = arith.addi %mul3A_19, %add3A : i32
    %run_scoped3A = arith.constant 0 : i32
    "tpu.region"() ({
      %run_scoped3A_51 = tpu.sem_alloc : memref<!tpu.dma_semaphore, #tpu.memory_space<semaphore_mem>>
      %dma_start3A = arith.constant 0 : i32
      %dma_start3A_52 = arith.constant 0 : i32
      %dma_start3A_53 = tpu.memref_slice %arg10[%run_scoped3A, %dma_start3A, %dma_start3A_52] : memref<8x128x16xf32, #tpu.memory_space<vmem>> -> memref<1x128x16xf32, #tpu.memory_space<vmem>>
      %dma_start3A_54 = tpu.memref_squeeze %dma_start3A_53 : memref<1x128x16xf32, #tpu.memory_space<vmem>> -> memref<128x16xf32, #tpu.memory_space<vmem>>
      %dma_start3A_55 = arith.constant 0 : i32
      %dma_start3A_56 = tpu.memref_slice %arg11[%add3A_20, %dma_start3A_55] : memref<10240x16xf32, #tpu.memory_space<vmem_shared>> -> memref<128x16xf32, #tpu.memory_space<vmem_shared>>
      %dma_start3A_57 = arith.constant 0 : i32
      %dma_start3A_58 = tpu.memref_slice %arg11[%add3A_20, %dma_start3A_57] : memref<10240x16xf32, #tpu.memory_space<vmem_shared>> -> memref<128x16xf32, #tpu.memory_space<vmem_shared>>
      %dma_start3A_59 = arith.constant 0 : i32
      %dma_start3A_60 = arith.constant 0 : i32
      %dma_start3A_61 = tpu.memref_slice %arg10[%run_scoped3A, %dma_start3A_59, %dma_start3A_60] : memref<8x128x16xf32, #tpu.memory_space<vmem>> -> memref<1x128x16xf32, #tpu.memory_space<vmem>>
      %dma_start3A_62 = tpu.memref_squeeze %dma_start3A_61 : memref<1x128x16xf32, #tpu.memory_space<vmem>> -> memref<128x16xf32, #tpu.memory_space<vmem>>
      tpu.enqueue_dma source(%dma_start3A_62 : memref<128x16xf32, #tpu.memory_space<vmem>>) target(%dma_start3A_58 : memref<128x16xf32, #tpu.memory_space<vmem_shared>>) target_semaphore(%run_scoped3A_51 : memref<!tpu.dma_semaphore, #tpu.memory_space<semaphore_mem>>)
      %dma_wait3A = arith.constant 0 : i32
      %dma_wait3A_63 = arith.constant 0 : i32
      %dma_wait3A_64 = tpu.memref_slice %arg10[%run_scoped3A, %dma_wait3A, %dma_wait3A_63] : memref<8x128x16xf32, #tpu.memory_space<vmem>> -> memref<1x128x16xf32, #tpu.memory_space<vmem>>
      %dma_wait3A_65 = tpu.memref_squeeze %dma_wait3A_64 : memref<1x128x16xf32, #tpu.memory_space<vmem>> -> memref<128x16xf32, #tpu.memory_space<vmem>>
      %dma_wait3A_66 = arith.constant 0 : i32
      %dma_wait3A_67 = tpu.memref_slice %arg11[%add3A_20, %dma_wait3A_66] : memref<10240x16xf32, #tpu.memory_space<vmem_shared>> -> memref<128x16xf32, #tpu.memory_space<vmem_shared>>
      %dma_wait3A_68 = arith.constant 0 : i32
      %dma_wait3A_69 = tpu.memref_slice %arg11[%add3A_20, %dma_wait3A_68] : memref<10240x16xf32, #tpu.memory_space<vmem_shared>> -> memref<128x16xf32, #tpu.memory_space<vmem_shared>>
      %dma_wait3A_70 = arith.constant 0 : i32
      %dma_wait3A_71 = arith.constant 0 : i32
      %dma_wait3A_72 = tpu.memref_slice %arg10[%run_scoped3A, %dma_wait3A_70, %dma_wait3A_71] : memref<8x128x16xf32, #tpu.memory_space<vmem>> -> memref<1x128x16xf32, #tpu.memory_space<vmem>>
      %dma_wait3A_73 = tpu.memref_squeeze %dma_wait3A_72 : memref<1x128x16xf32, #tpu.memory_space<vmem>> -> memref<128x16xf32, #tpu.memory_space<vmem>>
      tpu.wait_dma2 semaphore(%run_scoped3A_51 : memref<!tpu.dma_semaphore, #tpu.memory_space<semaphore_mem>>) src(%dma_wait3A_73 : memref<128x16xf32, #tpu.memory_space<vmem>>) dst(%dma_wait3A_69 : memref<128x16xf32, #tpu.memory_space<vmem_shared>>)
      tpu.yield
    }) : () -> ()
    %mul3A_21 = arith.constant 640 : i32
    %mul3A_22 = arith.muli %arg1, %mul3A_21 : i32
    %add3A_23 = arith.constant 128 : i32
    %add3A_24 = arith.addi %mul3A_22, %add3A_23 : i32
    %run_scoped3A_25 = arith.constant 0 : i32
    "tpu.region"() ({
      %run_scoped3A_51 = tpu.sem_alloc : memref<!tpu.dma_semaphore, #tpu.memory_space<semaphore_mem>>
      %dma_start3A = arith.constant 0 : i32
      %dma_start3A_52 = arith.constant 0 : i32
      %dma_start3A_53 = tpu.memref_slice %arg10[%run_scoped3A_25, %dma_start3A, %dma_start3A_52] : memref<8x128x16xf32, #tpu.memory_space<vmem>> -> memref<1x128x16xf32, #tpu.memory_space<vmem>>
      %dma_start3A_54 = tpu.memref_squeeze %dma_start3A_53 : memref<1x128x16xf32, #tpu.memory_space<vmem>> -> memref<128x16xf32, #tpu.memory_space<vmem>>
      %dma_start3A_55 = arith.constant 0 : i32
      %dma_start3A_56 = tpu.memref_slice %arg11[%add3A_24, %dma_start3A_55] : memref<10240x16xf32, #tpu.memory_space<vmem_shared>> -> memref<128x16xf32, #tpu.memory_space<vmem_shared>>
      %dma_start3A_57 = arith.constant 0 : i32
      %dma_start3A_58 = tpu.memref_slice %arg11[%add3A_24, %dma_start3A_57] : memref<10240x16xf32, #tpu.memory_space<vmem_shared>> -> memref<128x16xf32, #tpu.memory_space<vmem_shared>>
      %dma_start3A_59 = arith.constant 0 : i32
      %dma_start3A_60 = arith.constant 0 : i32
      %dma_start3A_61 = tpu.memref_slice %arg10[%run_scoped3A_25, %dma_start3A_59, %dma_start3A_60] : memref<8x128x16xf32, #tpu.memory_space<vmem>> -> memref<1x128x16xf32, #tpu.memory_space<vmem>>
      %dma_start3A_62 = tpu.memref_squeeze %dma_start3A_61 : memref<1x128x16xf32, #tpu.memory_space<vmem>> -> memref<128x16xf32, #tpu.memory_space<vmem>>
      tpu.enqueue_dma source(%dma_start3A_62 : memref<128x16xf32, #tpu.memory_space<vmem>>) target(%dma_start3A_58 : memref<128x16xf32, #tpu.memory_space<vmem_shared>>) target_semaphore(%run_scoped3A_51 : memref<!tpu.dma_semaphore, #tpu.memory_space<semaphore_mem>>)
      %dma_wait3A = arith.constant 0 : i32
      %dma_wait3A_63 = arith.constant 0 : i32
      %dma_wait3A_64 = tpu.memref_slice %arg10[%run_scoped3A_25, %dma_wait3A, %dma_wait3A_63] : memref<8x128x16xf32, #tpu.memory_space<vmem>> -> memref<1x128x16xf32, #tpu.memory_space<vmem>>
      %dma_wait3A_65 = tpu.memref_squeeze %dma_wait3A_64 : memref<1x128x16xf32, #tpu.memory_space<vmem>> -> memref<128x16xf32, #tpu.memory_space<vmem>>
      %dma_wait3A_66 = arith.constant 0 : i32
      %dma_wait3A_67 = tpu.memref_slice %arg11[%add3A_24, %dma_wait3A_66] : memref<10240x16xf32, #tpu.memory_space<vmem_shared>> -> memref<128x16xf32, #tpu.memory_space<vmem_shared>>
      %dma_wait3A_68 = arith.constant 0 : i32
      %dma_wait3A_69 = tpu.memref_slice %arg11[%add3A_24, %dma_wait3A_68] : memref<10240x16xf32, #tpu.memory_space<vmem_shared>> -> memref<128x16xf32, #tpu.memory_space<vmem_shared>>
      %dma_wait3A_70 = arith.constant 0 : i32
      %dma_wait3A_71 = arith.constant 0 : i32
      %dma_wait3A_72 = tpu.memref_slice %arg10[%run_scoped3A_25, %dma_wait3A_70, %dma_wait3A_71] : memref<8x128x16xf32, #tpu.memory_space<vmem>> -> memref<1x128x16xf32, #tpu.memory_space<vmem>>
      %dma_wait3A_73 = tpu.memref_squeeze %dma_wait3A_72 : memref<1x128x16xf32, #tpu.memory_space<vmem>> -> memref<128x16xf32, #tpu.memory_space<vmem>>
      tpu.wait_dma2 semaphore(%run_scoped3A_51 : memref<!tpu.dma_semaphore, #tpu.memory_space<semaphore_mem>>) src(%dma_wait3A_73 : memref<128x16xf32, #tpu.memory_space<vmem>>) dst(%dma_wait3A_69 : memref<128x16xf32, #tpu.memory_space<vmem_shared>>)
      tpu.yield
    }) : () -> ()
    %mul3A_26 = arith.constant 640 : i32
    %mul3A_27 = arith.muli %arg1, %mul3A_26 : i32
    %add3A_28 = arith.constant 256 : i32
    %add3A_29 = arith.addi %mul3A_27, %add3A_28 : i32
    %run_scoped3A_30 = arith.constant 0 : i32
    "tpu.region"() ({
      %run_scoped3A_51 = tpu.sem_alloc : memref<!tpu.dma_semaphore, #tpu.memory_space<semaphore_mem>>
      %dma_start3A = arith.constant 0 : i32
      %dma_start3A_52 = arith.constant 0 : i32
      %dma_start3A_53 = tpu.memref_slice %arg10[%run_scoped3A_30, %dma_start3A, %dma_start3A_52] : memref<8x128x16xf32, #tpu.memory_space<vmem>> -> memref<1x128x16xf32, #tpu.memory_space<vmem>>
      %dma_start3A_54 = tpu.memref_squeeze %dma_start3A_53 : memref<1x128x16xf32, #tpu.memory_space<vmem>> -> memref<128x16xf32, #tpu.memory_space<vmem>>
      %dma_start3A_55 = arith.constant 0 : i32
      %dma_start3A_56 = tpu.memref_slice %arg11[%add3A_29, %dma_start3A_55] : memref<10240x16xf32, #tpu.memory_space<vmem_shared>> -> memref<128x16xf32, #tpu.memory_space<vmem_shared>>
      %dma_start3A_57 = arith.constant 0 : i32
      %dma_start3A_58 = tpu.memref_slice %arg11[%add3A_29, %dma_start3A_57] : memref<10240x16xf32, #tpu.memory_space<vmem_shared>> -> memref<128x16xf32, #tpu.memory_space<vmem_shared>>
      %dma_start3A_59 = arith.constant 0 : i32
      %dma_start3A_60 = arith.constant 0 : i32
      %dma_start3A_61 = tpu.memref_slice %arg10[%run_scoped3A_30, %dma_start3A_59, %dma_start3A_60] : memref<8x128x16xf32, #tpu.memory_space<vmem>> -> memref<1x128x16xf32, #tpu.memory_space<vmem>>
      %dma_start3A_62 = tpu.memref_squeeze %dma_start3A_61 : memref<1x128x16xf32, #tpu.memory_space<vmem>> -> memref<128x16xf32, #tpu.memory_space<vmem>>
      tpu.enqueue_dma source(%dma_start3A_62 : memref<128x16xf32, #tpu.memory_space<vmem>>) target(%dma_start3A_58 : memref<128x16xf32, #tpu.memory_space<vmem_shared>>) target_semaphore(%run_scoped3A_51 : memref<!tpu.dma_semaphore, #tpu.memory_space<semaphore_mem>>)
      %dma_wait3A = arith.constant 0 : i32
      %dma_wait3A_63 = arith.constant 0 : i32
      %dma_wait3A_64 = tpu.memref_slice %arg10[%run_scoped3A_30, %dma_wait3A, %dma_wait3A_63] : memref<8x128x16xf32, #tpu.memory_space<vmem>> -> memref<1x128x16xf32, #tpu.memory_space<vmem>>
      %dma_wait3A_65 = tpu.memref_squeeze %dma_wait3A_64 : memref<1x128x16xf32, #tpu.memory_space<vmem>> -> memref<128x16xf32, #tpu.memory_space<vmem>>
      %dma_wait3A_66 = arith.constant 0 : i32
      %dma_wait3A_67 = tpu.memref_slice %arg11[%add3A_29, %dma_wait3A_66] : memref<10240x16xf32, #tpu.memory_space<vmem_shared>> -> memref<128x16xf32, #tpu.memory_space<vmem_shared>>
      %dma_wait3A_68 = arith.constant 0 : i32
      %dma_wait3A_69 = tpu.memref_slice %arg11[%add3A_29, %dma_wait3A_68] : memref<10240x16xf32, #tpu.memory_space<vmem_shared>> -> memref<128x16xf32, #tpu.memory_space<vmem_shared>>
      %dma_wait3A_70 = arith.constant 0 : i32
      %dma_wait3A_71 = arith.constant 0 : i32
      %dma_wait3A_72 = tpu.memref_slice %arg10[%run_scoped3A_30, %dma_wait3A_70, %dma_wait3A_71] : memref<8x128x16xf32, #tpu.memory_space<vmem>> -> memref<1x128x16xf32, #tpu.memory_space<vmem>>
      %dma_wait3A_73 = tpu.memref_squeeze %dma_wait3A_72 : memref<1x128x16xf32, #tpu.memory_space<vmem>> -> memref<128x16xf32, #tpu.memory_space<vmem>>
      tpu.wait_dma2 semaphore(%run_scoped3A_51 : memref<!tpu.dma_semaphore, #tpu.memory_space<semaphore_mem>>) src(%dma_wait3A_73 : memref<128x16xf32, #tpu.memory_space<vmem>>) dst(%dma_wait3A_69 : memref<128x16xf32, #tpu.memory_space<vmem_shared>>)
      tpu.yield
    }) : () -> ()
    %mul3A_31 = arith.constant 640 : i32
    %mul3A_32 = arith.muli %arg1, %mul3A_31 : i32
    %add3A_33 = arith.constant 384 : i32
    %add3A_34 = arith.addi %mul3A_32, %add3A_33 : i32
    %run_scoped3A_35 = arith.constant 0 : i32
    "tpu.region"() ({
      %run_scoped3A_51 = tpu.sem_alloc : memref<!tpu.dma_semaphore, #tpu.memory_space<semaphore_mem>>
      %dma_start3A = arith.constant 0 : i32
      %dma_start3A_52 = arith.constant 0 : i32
      %dma_start3A_53 = tpu.memref_slice %arg10[%run_scoped3A_35, %dma_start3A, %dma_start3A_52] : memref<8x128x16xf32, #tpu.memory_space<vmem>> -> memref<1x128x16xf32, #tpu.memory_space<vmem>>
      %dma_start3A_54 = tpu.memref_squeeze %dma_start3A_53 : memref<1x128x16xf32, #tpu.memory_space<vmem>> -> memref<128x16xf32, #tpu.memory_space<vmem>>
      %dma_start3A_55 = arith.constant 0 : i32
      %dma_start3A_56 = tpu.memref_slice %arg11[%add3A_34, %dma_start3A_55] : memref<10240x16xf32, #tpu.memory_space<vmem_shared>> -> memref<128x16xf32, #tpu.memory_space<vmem_shared>>
      %dma_start3A_57 = arith.constant 0 : i32
      %dma_start3A_58 = tpu.memref_slice %arg11[%add3A_34, %dma_start3A_57] : memref<10240x16xf32, #tpu.memory_space<vmem_shared>> -> memref<128x16xf32, #tpu.memory_space<vmem_shared>>
      %dma_start3A_59 = arith.constant 0 : i32
      %dma_start3A_60 = arith.constant 0 : i32
      %dma_start3A_61 = tpu.memref_slice %arg10[%run_scoped3A_35, %dma_start3A_59, %dma_start3A_60] : memref<8x128x16xf32, #tpu.memory_space<vmem>> -> memref<1x128x16xf32, #tpu.memory_space<vmem>>
      %dma_start3A_62 = tpu.memref_squeeze %dma_start3A_61 : memref<1x128x16xf32, #tpu.memory_space<vmem>> -> memref<128x16xf32, #tpu.memory_space<vmem>>
      tpu.enqueue_dma source(%dma_start3A_62 : memref<128x16xf32, #tpu.memory_space<vmem>>) target(%dma_start3A_58 : memref<128x16xf32, #tpu.memory_space<vmem_shared>>) target_semaphore(%run_scoped3A_51 : memref<!tpu.dma_semaphore, #tpu.memory_space<semaphore_mem>>)
      %dma_wait3A = arith.constant 0 : i32
      %dma_wait3A_63 = arith.constant 0 : i32
      %dma_wait3A_64 = tpu.memref_slice %arg10[%run_scoped3A_35, %dma_wait3A, %dma_wait3A_63] : memref<8x128x16xf32, #tpu.memory_space<vmem>> -> memref<1x128x16xf32, #tpu.memory_space<vmem>>
      %dma_wait3A_65 = tpu.memref_squeeze %dma_wait3A_64 : memref<1x128x16xf32, #tpu.memory_space<vmem>> -> memref<128x16xf32, #tpu.memory_space<vmem>>
      %dma_wait3A_66 = arith.constant 0 : i32
      %dma_wait3A_67 = tpu.memref_slice %arg11[%add3A_34, %dma_wait3A_66] : memref<10240x16xf32, #tpu.memory_space<vmem_shared>> -> memref<128x16xf32, #tpu.memory_space<vmem_shared>>
      %dma_wait3A_68 = arith.constant 0 : i32
      %dma_wait3A_69 = tpu.memref_slice %arg11[%add3A_34, %dma_wait3A_68] : memref<10240x16xf32, #tpu.memory_space<vmem_shared>> -> memref<128x16xf32, #tpu.memory_space<vmem_shared>>
      %dma_wait3A_70 = arith.constant 0 : i32
      %dma_wait3A_71 = arith.constant 0 : i32
      %dma_wait3A_72 = tpu.memref_slice %arg10[%run_scoped3A_35, %dma_wait3A_70, %dma_wait3A_71] : memref<8x128x16xf32, #tpu.memory_space<vmem>> -> memref<1x128x16xf32, #tpu.memory_space<vmem>>
      %dma_wait3A_73 = tpu.memref_squeeze %dma_wait3A_72 : memref<1x128x16xf32, #tpu.memory_space<vmem>> -> memref<128x16xf32, #tpu.memory_space<vmem>>
      tpu.wait_dma2 semaphore(%run_scoped3A_51 : memref<!tpu.dma_semaphore, #tpu.memory_space<semaphore_mem>>) src(%dma_wait3A_73 : memref<128x16xf32, #tpu.memory_space<vmem>>) dst(%dma_wait3A_69 : memref<128x16xf32, #tpu.memory_space<vmem_shared>>)
      tpu.yield
    }) : () -> ()
    %mul3A_36 = arith.constant 640 : i32
    %mul3A_37 = arith.muli %arg1, %mul3A_36 : i32
    %add3A_38 = arith.constant 512 : i32
    %add3A_39 = arith.addi %mul3A_37, %add3A_38 : i32
    %run_scoped3A_40 = arith.constant 0 : i32
    "tpu.region"() ({
      %run_scoped3A_51 = tpu.sem_alloc : memref<!tpu.dma_semaphore, #tpu.memory_space<semaphore_mem>>
      %dma_start3A = arith.constant 0 : i32
      %dma_start3A_52 = arith.constant 0 : i32
      %dma_start3A_53 = tpu.memref_slice %arg10[%run_scoped3A_40, %dma_start3A, %dma_start3A_52] : memref<8x128x16xf32, #tpu.memory_space<vmem>> -> memref<1x128x16xf32, #tpu.memory_space<vmem>>
      %dma_start3A_54 = tpu.memref_squeeze %dma_start3A_53 : memref<1x128x16xf32, #tpu.memory_space<vmem>> -> memref<128x16xf32, #tpu.memory_space<vmem>>
      %dma_start3A_55 = arith.constant 0 : i32
      %dma_start3A_56 = tpu.memref_slice %arg11[%add3A_39, %dma_start3A_55] : memref<10240x16xf32, #tpu.memory_space<vmem_shared>> -> memref<128x16xf32, #tpu.memory_space<vmem_shared>>
      %dma_start3A_57 = arith.constant 0 : i32
      %dma_start3A_58 = tpu.memref_slice %arg11[%add3A_39, %dma_start3A_57] : memref<10240x16xf32, #tpu.memory_space<vmem_shared>> -> memref<128x16xf32, #tpu.memory_space<vmem_shared>>
      %dma_start3A_59 = arith.constant 0 : i32
      %dma_start3A_60 = arith.constant 0 : i32
      %dma_start3A_61 = tpu.memref_slice %arg10[%run_scoped3A_40, %dma_start3A_59, %dma_start3A_60] : memref<8x128x16xf32, #tpu.memory_space<vmem>> -> memref<1x128x16xf32, #tpu.memory_space<vmem>>
      %dma_start3A_62 = tpu.memref_squeeze %dma_start3A_61 : memref<1x128x16xf32, #tpu.memory_space<vmem>> -> memref<128x16xf32, #tpu.memory_space<vmem>>
      tpu.enqueue_dma source(%dma_start3A_62 : memref<128x16xf32, #tpu.memory_space<vmem>>) target(%dma_start3A_58 : memref<128x16xf32, #tpu.memory_space<vmem_shared>>) target_semaphore(%run_scoped3A_51 : memref<!tpu.dma_semaphore, #tpu.memory_space<semaphore_mem>>)
      %dma_wait3A = arith.constant 0 : i32
      %dma_wait3A_63 = arith.constant 0 : i32
      %dma_wait3A_64 = tpu.memref_slice %arg10[%run_scoped3A_40, %dma_wait3A, %dma_wait3A_63] : memref<8x128x16xf32, #tpu.memory_space<vmem>> -> memref<1x128x16xf32, #tpu.memory_space<vmem>>
      %dma_wait3A_65 = tpu.memref_squeeze %dma_wait3A_64 : memref<1x128x16xf32, #tpu.memory_space<vmem>> -> memref<128x16xf32, #tpu.memory_space<vmem>>
      %dma_wait3A_66 = arith.constant 0 : i32
      %dma_wait3A_67 = tpu.memref_slice %arg11[%add3A_39, %dma_wait3A_66] : memref<10240x16xf32, #tpu.memory_space<vmem_shared>> -> memref<128x16xf32, #tpu.memory_space<vmem_shared>>
      %dma_wait3A_68 = arith.constant 0 : i32
      %dma_wait3A_69 = tpu.memref_slice %arg11[%add3A_39, %dma_wait3A_68] : memref<10240x16xf32, #tpu.memory_space<vmem_shared>> -> memref<128x16xf32, #tpu.memory_space<vmem_shared>>
      %dma_wait3A_70 = arith.constant 0 : i32
      %dma_wait3A_71 = arith.constant 0 : i32
      %dma_wait3A_72 = tpu.memref_slice %arg10[%run_scoped3A_40, %dma_wait3A_70, %dma_wait3A_71] : memref<8x128x16xf32, #tpu.memory_space<vmem>> -> memref<1x128x16xf32, #tpu.memory_space<vmem>>
      %dma_wait3A_73 = tpu.memref_squeeze %dma_wait3A_72 : memref<1x128x16xf32, #tpu.memory_space<vmem>> -> memref<128x16xf32, #tpu.memory_space<vmem>>
      tpu.wait_dma2 semaphore(%run_scoped3A_51 : memref<!tpu.dma_semaphore, #tpu.memory_space<semaphore_mem>>) src(%dma_wait3A_73 : memref<128x16xf32, #tpu.memory_space<vmem>>) dst(%dma_wait3A_69 : memref<128x16xf32, #tpu.memory_space<vmem_shared>>)
      tpu.yield
    }) : () -> ()
    %barrier3A = arith.constant 0 : index
    tpu.barrier barrier_id(%barrier3A)
    %while3A = arith.constant 0 : i32
    %while3A_41 = arith.constant 0 : i32
    %while3A_42 = arith.subi %select_n3A, %while3A_41 : i32
    %while3A_43 = arith.addi %while3A_41, %while3A_42 : i32
    %while3A_44 = arith.constant 1 : i32
    %while3A_45 = arith.divsi %while3A_42, %while3A_44 : i32
    %while3A_46 = arith.muli %while3A_45, %while3A_44 : i32
    %while3A_47 = arith.addi %while3A_41, %while3A_46 : i32
    %while3A_48 = arith.constant 1 : i32
    scf.for %while3A_51 = %while3A_41 to %while3A_47 step %while3A_48  : i32 {
      %mul3A_52 = arith.constant 8 : i32
      %mul3A_53 = arith.muli %while3A_51, %mul3A_52 : i32
      %add3A_54 = arith.constant 0 : i32
      %add3A_55 = arith.addi %mul3A_53, %add3A_54 : i32
      %dma_start3A = arith.constant 0 : i32
      %dma_start3A_56 = arith.constant 0 : i32
      %dma_start3A_57 = arith.constant 0 : i32
      %dma_start3A_58 = arith.constant 0 : i32
      %dma_start3A_59 = tpu.memref_slice %arg10[%dma_start3A, %dma_start3A_57, %dma_start3A_58] : memref<8x128x16xf32, #tpu.memory_space<vmem>> -> memref<1x128x16xf32, #tpu.memory_space<vmem>>
      %dma_start3A_60 = tpu.memref_squeeze %dma_start3A_59 : memref<1x128x16xf32, #tpu.memory_space<vmem>> -> memref<128x16xf32, #tpu.memory_space<vmem>>
      %dma_start3A_61 = arith.constant 0 : i32
      %dma_start3A_62 = tpu.memref_slice %arg8[%add3A_55, %dma_start3A_61] : memref<144x128xi32, #tpu.memory_space<vmem>> -> memref<1x128xi32, #tpu.memory_space<vmem>>
      %dma_start3A_63 = tpu.memref_squeeze %dma_start3A_62 : memref<1x128xi32, #tpu.memory_space<vmem>> -> memref<128xi32, #tpu.memory_space<vmem>>
      %dma_start3A_64 = arith.constant 0 : i32
      %dma_start3A_65 = arith.constant 0 : i32
      %dma_start3A_66 = tpu.memref_slice %arg2[%dma_start3A_64, %dma_start3A_65] : memref<10000x16xf32, #tpu.memory_space<hbm>> -> memref<10000x16xf32, #tpu.memory_space<hbm>>
      %dma_start3A_67 = tpu.memref_slice %arg12[%dma_start3A_56] : memref<8x!tpu.dma_semaphore, #tpu.memory_space<semaphore_mem>> -> memref<1x!tpu.dma_semaphore, #tpu.memory_space<semaphore_mem>>
      %dma_start3A_68 = tpu.memref_squeeze %dma_start3A_67 : memref<1x!tpu.dma_semaphore, #tpu.memory_space<semaphore_mem>> -> memref<!tpu.dma_semaphore, #tpu.memory_space<semaphore_mem>>
      tpu.enqueue_indirect_dma source(%dma_start3A_66 : memref<10000x16xf32, #tpu.memory_space<hbm>>) target(%dma_start3A_60 : memref<128x16xf32, #tpu.memory_space<vmem>>) offsets(%dma_start3A_63 : memref<128xi32, #tpu.memory_space<vmem>>) semaphore(%dma_start3A_68 : memref<!tpu.dma_semaphore, #tpu.memory_space<semaphore_mem>>)
      %add3A_69 = arith.constant 1 : i32
      %add3A_70 = arith.addi %mul3A_53, %add3A_69 : i32
      %dma_start3A_71 = arith.constant 1 : i32
      %dma_start3A_72 = arith.constant 1 : i32
      %dma_start3A_73 = arith.constant 0 : i32
      %dma_start3A_74 = arith.constant 0 : i32
      %dma_start3A_75 = tpu.memref_slice %arg10[%dma_start3A_71, %dma_start3A_73, %dma_start3A_74] : memref<8x128x16xf32, #tpu.memory_space<vmem>> -> memref<1x128x16xf32, #tpu.memory_space<vmem>>
      %dma_start3A_76 = tpu.memref_squeeze %dma_start3A_75 : memref<1x128x16xf32, #tpu.memory_space<vmem>> -> memref<128x16xf32, #tpu.memory_space<vmem>>
      %dma_start3A_77 = arith.constant 0 : i32
      %dma_start3A_78 = tpu.memref_slice %arg8[%add3A_70, %dma_start3A_77] : memref<144x128xi32, #tpu.memory_space<vmem>> -> memref<1x128xi32, #tpu.memory_space<vmem>>
      %dma_start3A_79 = tpu.memref_squeeze %dma_start3A_78 : memref<1x128xi32, #tpu.memory_space<vmem>> -> memref<128xi32, #tpu.memory_space<vmem>>
      %dma_start3A_80 = arith.constant 0 : i32
      %dma_start3A_81 = arith.constant 0 : i32
      %dma_start3A_82 = tpu.memref_slice %arg2[%dma_start3A_80, %dma_start3A_81] : memref<10000x16xf32, #tpu.memory_space<hbm>> -> memref<10000x16xf32, #tpu.memory_space<hbm>>
      %dma_start3A_83 = tpu.memref_slice %arg12[%dma_start3A_72] : memref<8x!tpu.dma_semaphore, #tpu.memory_space<semaphore_mem>> -> memref<1x!tpu.dma_semaphore, #tpu.memory_space<semaphore_mem>>
      %dma_start3A_84 = tpu.memref_squeeze %dma_start3A_83 : memref<1x!tpu.dma_semaphore, #tpu.memory_space<semaphore_mem>> -> memref<!tpu.dma_semaphore, #tpu.memory_space<semaphore_mem>>
      tpu.enqueue_indirect_dma source(%dma_start3A_82 : memref<10000x16xf32, #tpu.memory_space<hbm>>) target(%dma_start3A_76 : memref<128x16xf32, #tpu.memory_space<vmem>>) offsets(%dma_start3A_79 : memref<128xi32, #tpu.memory_space<vmem>>) semaphore(%dma_start3A_84 : memref<!tpu.dma_semaphore, #tpu.memory_space<semaphore_mem>>)
      %add3A_85 = arith.constant 2 : i32
      %add3A_86 = arith.addi %mul3A_53, %add3A_85 : i32
      %dma_start3A_87 = arith.constant 2 : i32
      %dma_start3A_88 = arith.constant 2 : i32
      %dma_start3A_89 = arith.constant 0 : i32
      %dma_start3A_90 = arith.constant 0 : i32
      %dma_start3A_91 = tpu.memref_slice %arg10[%dma_start3A_87, %dma_start3A_89, %dma_start3A_90] : memref<8x128x16xf32, #tpu.memory_space<vmem>> -> memref<1x128x16xf32, #tpu.memory_space<vmem>>
      %dma_start3A_92 = tpu.memref_squeeze %dma_start3A_91 : memref<1x128x16xf32, #tpu.memory_space<vmem>> -> memref<128x16xf32, #tpu.memory_space<vmem>>
      %dma_start3A_93 = arith.constant 0 : i32
      %dma_start3A_94 = tpu.memref_slice %arg8[%add3A_86, %dma_start3A_93] : memref<144x128xi32, #tpu.memory_space<vmem>> -> memref<1x128xi32, #tpu.memory_space<vmem>>
      %dma_start3A_95 = tpu.memref_squeeze %dma_start3A_94 : memref<1x128xi32, #tpu.memory_space<vmem>> -> memref<128xi32, #tpu.memory_space<vmem>>
      %dma_start3A_96 = arith.constant 0 : i32
      %dma_start3A_97 = arith.constant 0 : i32
      %dma_start3A_98 = tpu.memref_slice %arg2[%dma_start3A_96, %dma_start3A_97] : memref<10000x16xf32, #tpu.memory_space<hbm>> -> memref<10000x16xf32, #tpu.memory_space<hbm>>
      %dma_start3A_99 = tpu.memref_slice %arg12[%dma_start3A_88] : memref<8x!tpu.dma_semaphore, #tpu.memory_space<semaphore_mem>> -> memref<1x!tpu.dma_semaphore, #tpu.memory_space<semaphore_mem>>
      %dma_start3A_100 = tpu.memref_squeeze %dma_start3A_99 : memref<1x!tpu.dma_semaphore, #tpu.memory_space<semaphore_mem>> -> memref<!tpu.dma_semaphore, #tpu.memory_space<semaphore_mem>>
      tpu.enqueue_indirect_dma source(%dma_start3A_98 : memref<10000x16xf32, #tpu.memory_space<hbm>>) target(%dma_start3A_92 : memref<128x16xf32, #tpu.memory_space<vmem>>) offsets(%dma_start3A_95 : memref<128xi32, #tpu.memory_space<vmem>>) semaphore(%dma_start3A_100 : memref<!tpu.dma_semaphore, #tpu.memory_space<semaphore_mem>>)
      %add3A_101 = arith.constant 3 : i32
      %add3A_102 = arith.addi %mul3A_53, %add3A_101 : i32
      %dma_start3A_103 = arith.constant 3 : i32
      %dma_start3A_104 = arith.constant 3 : i32
      %dma_start3A_105 = arith.constant 0 : i32
      %dma_start3A_106 = arith.constant 0 : i32
      %dma_start3A_107 = tpu.memref_slice %arg10[%dma_start3A_103, %dma_start3A_105, %dma_start3A_106] : memref<8x128x16xf32, #tpu.memory_space<vmem>> -> memref<1x128x16xf32, #tpu.memory_space<vmem>>
      %dma_start3A_108 = tpu.memref_squeeze %dma_start3A_107 : memref<1x128x16xf32, #tpu.memory_space<vmem>> -> memref<128x16xf32, #tpu.memory_space<vmem>>
      %dma_start3A_109 = arith.constant 0 : i32
      %dma_start3A_110 = tpu.memref_slice %arg8[%add3A_102, %dma_start3A_109] : memref<144x128xi32, #tpu.memory_space<vmem>> -> memref<1x128xi32, #tpu.memory_space<vmem>>
      %dma_start3A_111 = tpu.memref_squeeze %dma_start3A_110 : memref<1x128xi32, #tpu.memory_space<vmem>> -> memref<128xi32, #tpu.memory_space<vmem>>
      %dma_start3A_112 = arith.constant 0 : i32
      %dma_start3A_113 = arith.constant 0 : i32
      %dma_start3A_114 = tpu.memref_slice %arg2[%dma_start3A_112, %dma_start3A_113] : memref<10000x16xf32, #tpu.memory_space<hbm>> -> memref<10000x16xf32, #tpu.memory_space<hbm>>
      %dma_start3A_115 = tpu.memref_slice %arg12[%dma_start3A_104] : memref<8x!tpu.dma_semaphore, #tpu.memory_space<semaphore_mem>> -> memref<1x!tpu.dma_semaphore, #tpu.memory_space<semaphore_mem>>
      %dma_start3A_116 = tpu.memref_squeeze %dma_start3A_115 : memref<1x!tpu.dma_semaphore, #tpu.memory_space<semaphore_mem>> -> memref<!tpu.dma_semaphore, #tpu.memory_space<semaphore_mem>>
      tpu.enqueue_indirect_dma source(%dma_start3A_114 : memref<10000x16xf32, #tpu.memory_space<hbm>>) target(%dma_start3A_108 : memref<128x16xf32, #tpu.memory_space<vmem>>) offsets(%dma_start3A_111 : memref<128xi32, #tpu.memory_space<vmem>>) semaphore(%dma_start3A_116 : memref<!tpu.dma_semaphore, #tpu.memory_space<semaphore_mem>>)
      %add3A_117 = arith.constant 4 : i32
      %add3A_118 = arith.addi %mul3A_53, %add3A_117 : i32
      %dma_start3A_119 = arith.constant 4 : i32
      %dma_start3A_120 = arith.constant 4 : i32
      %dma_start3A_121 = arith.constant 0 : i32
      %dma_start3A_122 = arith.constant 0 : i32
      %dma_start3A_123 = tpu.memref_slice %arg10[%dma_start3A_119, %dma_start3A_121, %dma_start3A_122] : memref<8x128x16xf32, #tpu.memory_space<vmem>> -> memref<1x128x16xf32, #tpu.memory_space<vmem>>
      %dma_start3A_124 = tpu.memref_squeeze %dma_start3A_123 : memref<1x128x16xf32, #tpu.memory_space<vmem>> -> memref<128x16xf32, #tpu.memory_space<vmem>>
      %dma_start3A_125 = arith.constant 0 : i32
      %dma_start3A_126 = tpu.memref_slice %arg8[%add3A_118, %dma_start3A_125] : memref<144x128xi32, #tpu.memory_space<vmem>> -> memref<1x128xi32, #tpu.memory_space<vmem>>
      %dma_start3A_127 = tpu.memref_squeeze %dma_start3A_126 : memref<1x128xi32, #tpu.memory_space<vmem>> -> memref<128xi32, #tpu.memory_space<vmem>>
      %dma_start3A_128 = arith.constant 0 : i32
      %dma_start3A_129 = arith.constant 0 : i32
      %dma_start3A_130 = tpu.memref_slice %arg2[%dma_start3A_128, %dma_start3A_129] : memref<10000x16xf32, #tpu.memory_space<hbm>> -> memref<10000x16xf32, #tpu.memory_space<hbm>>
      %dma_start3A_131 = tpu.memref_slice %arg12[%dma_start3A_120] : memref<8x!tpu.dma_semaphore, #tpu.memory_space<semaphore_mem>> -> memref<1x!tpu.dma_semaphore, #tpu.memory_space<semaphore_mem>>
      %dma_start3A_132 = tpu.memref_squeeze %dma_start3A_131 : memref<1x!tpu.dma_semaphore, #tpu.memory_space<semaphore_mem>> -> memref<!tpu.dma_semaphore, #tpu.memory_space<semaphore_mem>>
      tpu.enqueue_indirect_dma source(%dma_start3A_130 : memref<10000x16xf32, #tpu.memory_space<hbm>>) target(%dma_start3A_124 : memref<128x16xf32, #tpu.memory_space<vmem>>) offsets(%dma_start3A_127 : memref<128xi32, #tpu.memory_space<vmem>>) semaphore(%dma_start3A_132 : memref<!tpu.dma_semaphore, #tpu.memory_space<semaphore_mem>>)
      %add3A_133 = arith.constant 5 : i32
      %add3A_134 = arith.addi %mul3A_53, %add3A_133 : i32
      %dma_start3A_135 = arith.constant 5 : i32
      %dma_start3A_136 = arith.constant 5 : i32
      %dma_start3A_137 = arith.constant 0 : i32
      %dma_start3A_138 = arith.constant 0 : i32
      %dma_start3A_139 = tpu.memref_slice %arg10[%dma_start3A_135, %dma_start3A_137, %dma_start3A_138] : memref<8x128x16xf32, #tpu.memory_space<vmem>> -> memref<1x128x16xf32, #tpu.memory_space<vmem>>
      %dma_start3A_140 = tpu.memref_squeeze %dma_start3A_139 : memref<1x128x16xf32, #tpu.memory_space<vmem>> -> memref<128x16xf32, #tpu.memory_space<vmem>>
      %dma_start3A_141 = arith.constant 0 : i32
      %dma_start3A_142 = tpu.memref_slice %arg8[%add3A_134, %dma_start3A_141] : memref<144x128xi32, #tpu.memory_space<vmem>> -> memref<1x128xi32, #tpu.memory_space<vmem>>
      %dma_start3A_143 = tpu.memref_squeeze %dma_start3A_142 : memref<1x128xi32, #tpu.memory_space<vmem>> -> memref<128xi32, #tpu.memory_space<vmem>>
      %dma_start3A_144 = arith.constant 0 : i32
      %dma_start3A_145 = arith.constant 0 : i32
      %dma_start3A_146 = tpu.memref_slice %arg2[%dma_start3A_144, %dma_start3A_145] : memref<10000x16xf32, #tpu.memory_space<hbm>> -> memref<10000x16xf32, #tpu.memory_space<hbm>>
      %dma_start3A_147 = tpu.memref_slice %arg12[%dma_start3A_136] : memref<8x!tpu.dma_semaphore, #tpu.memory_space<semaphore_mem>> -> memref<1x!tpu.dma_semaphore, #tpu.memory_space<semaphore_mem>>
      %dma_start3A_148 = tpu.memref_squeeze %dma_start3A_147 : memref<1x!tpu.dma_semaphore, #tpu.memory_space<semaphore_mem>> -> memref<!tpu.dma_semaphore, #tpu.memory_space<semaphore_mem>>
      tpu.enqueue_indirect_dma source(%dma_start3A_146 : memref<10000x16xf32, #tpu.memory_space<hbm>>) target(%dma_start3A_140 : memref<128x16xf32, #tpu.memory_space<vmem>>) offsets(%dma_start3A_143 : memref<128xi32, #tpu.memory_space<vmem>>) semaphore(%dma_start3A_148 : memref<!tpu.dma_semaphore, #tpu.memory_space<semaphore_mem>>)
      %add3A_149 = arith.constant 6 : i32
      %add3A_150 = arith.addi %mul3A_53, %add3A_149 : i32
      %dma_start3A_151 = arith.constant 6 : i32
      %dma_start3A_152 = arith.constant 6 : i32
      %dma_start3A_153 = arith.constant 0 : i32
      %dma_start3A_154 = arith.constant 0 : i32
      %dma_start3A_155 = tpu.memref_slice %arg10[%dma_start3A_151, %dma_start3A_153, %dma_start3A_154] : memref<8x128x16xf32, #tpu.memory_space<vmem>> -> memref<1x128x16xf32, #tpu.memory_space<vmem>>
      %dma_start3A_156 = tpu.memref_squeeze %dma_start3A_155 : memref<1x128x16xf32, #tpu.memory_space<vmem>> -> memref<128x16xf32, #tpu.memory_space<vmem>>
      %dma_start3A_157 = arith.constant 0 : i32
      %dma_start3A_158 = tpu.memref_slice %arg8[%add3A_150, %dma_start3A_157] : memref<144x128xi32, #tpu.memory_space<vmem>> -> memref<1x128xi32, #tpu.memory_space<vmem>>
      %dma_start3A_159 = tpu.memref_squeeze %dma_start3A_158 : memref<1x128xi32, #tpu.memory_space<vmem>> -> memref<128xi32, #tpu.memory_space<vmem>>
      %dma_start3A_160 = arith.constant 0 : i32
      %dma_start3A_161 = arith.constant 0 : i32
      %dma_start3A_162 = tpu.memref_slice %arg2[%dma_start3A_160, %dma_start3A_161] : memref<10000x16xf32, #tpu.memory_space<hbm>> -> memref<10000x16xf32, #tpu.memory_space<hbm>>
      %dma_start3A_163 = tpu.memref_slice %arg12[%dma_start3A_152] : memref<8x!tpu.dma_semaphore, #tpu.memory_space<semaphore_mem>> -> memref<1x!tpu.dma_semaphore, #tpu.memory_space<semaphore_mem>>
      %dma_start3A_164 = tpu.memref_squeeze %dma_start3A_163 : memref<1x!tpu.dma_semaphore, #tpu.memory_space<semaphore_mem>> -> memref<!tpu.dma_semaphore, #tpu.memory_space<semaphore_mem>>
      tpu.enqueue_indirect_dma source(%dma_start3A_162 : memref<10000x16xf32, #tpu.memory_space<hbm>>) target(%dma_start3A_156 : memref<128x16xf32, #tpu.memory_space<vmem>>) offsets(%dma_start3A_159 : memref<128xi32, #tpu.memory_space<vmem>>) semaphore(%dma_start3A_164 : memref<!tpu.dma_semaphore, #tpu.memory_space<semaphore_mem>>)
      %add3A_165 = arith.constant 7 : i32
      %add3A_166 = arith.addi %mul3A_53, %add3A_165 : i32
      %dma_start3A_167 = arith.constant 7 : i32
      %dma_start3A_168 = arith.constant 7 : i32
      %dma_start3A_169 = arith.constant 0 : i32
      %dma_start3A_170 = arith.constant 0 : i32
      %dma_start3A_171 = tpu.memref_slice %arg10[%dma_start3A_167, %dma_start3A_169, %dma_start3A_170] : memref<8x128x16xf32, #tpu.memory_space<vmem>> -> memref<1x128x16xf32, #tpu.memory_space<vmem>>
      %dma_start3A_172 = tpu.memref_squeeze %dma_start3A_171 : memref<1x128x16xf32, #tpu.memory_space<vmem>> -> memref<128x16xf32, #tpu.memory_space<vmem>>
      %dma_start3A_173 = arith.constant 0 : i32
      %dma_start3A_174 = tpu.memref_slice %arg8[%add3A_166, %dma_start3A_173] : memref<144x128xi32, #tpu.memory_space<vmem>> -> memref<1x128xi32, #tpu.memory_space<vmem>>
      %dma_start3A_175 = tpu.memref_squeeze %dma_start3A_174 : memref<1x128xi32, #tpu.memory_space<vmem>> -> memref<128xi32, #tpu.memory_space<vmem>>
      %dma_start3A_176 = arith.constant 0 : i32
      %dma_start3A_177 = arith.constant 0 : i32
      %dma_start3A_178 = tpu.memref_slice %arg2[%dma_start3A_176, %dma_start3A_177] : memref<10000x16xf32, #tpu.memory_space<hbm>> -> memref<10000x16xf32, #tpu.memory_space<hbm>>
      %dma_start3A_179 = tpu.memref_slice %arg12[%dma_start3A_168] : memref<8x!tpu.dma_semaphore, #tpu.memory_space<semaphore_mem>> -> memref<1x!tpu.dma_semaphore, #tpu.memory_space<semaphore_mem>>
      %dma_start3A_180 = tpu.memref_squeeze %dma_start3A_179 : memref<1x!tpu.dma_semaphore, #tpu.memory_space<semaphore_mem>> -> memref<!tpu.dma_semaphore, #tpu.memory_space<semaphore_mem>>
      tpu.enqueue_indirect_dma source(%dma_start3A_178 : memref<10000x16xf32, #tpu.memory_space<hbm>>) target(%dma_start3A_172 : memref<128x16xf32, #tpu.memory_space<vmem>>) offsets(%dma_start3A_175 : memref<128xi32, #tpu.memory_space<vmem>>) semaphore(%dma_start3A_180 : memref<!tpu.dma_semaphore, #tpu.memory_space<semaphore_mem>>)
      %dma_wait3A = arith.constant 0 : i32
      %dma_wait3A_181 = arith.constant 0 : i32
      %dma_wait3A_182 = arith.constant 0 : i32
      %dma_wait3A_183 = arith.constant 0 : i32
      %dma_wait3A_184 = tpu.memref_slice %arg10[%dma_wait3A, %dma_wait3A_182, %dma_wait3A_183] : memref<8x128x16xf32, #tpu.memory_space<vmem>> -> memref<1x128x16xf32, #tpu.memory_space<vmem>>
      %dma_wait3A_185 = tpu.memref_squeeze %dma_wait3A_184 : memref<1x128x16xf32, #tpu.memory_space<vmem>> -> memref<128x16xf32, #tpu.memory_space<vmem>>
      %dma_wait3A_186 = arith.constant 0 : i32
      %dma_wait3A_187 = tpu.memref_slice %arg8[%add3A_55, %dma_wait3A_186] : memref<144x128xi32, #tpu.memory_space<vmem>> -> memref<1x128xi32, #tpu.memory_space<vmem>>
      %dma_wait3A_188 = tpu.memref_squeeze %dma_wait3A_187 : memref<1x128xi32, #tpu.memory_space<vmem>> -> memref<128xi32, #tpu.memory_space<vmem>>
      %dma_wait3A_189 = arith.constant 0 : i32
      %dma_wait3A_190 = arith.constant 0 : i32
      %dma_wait3A_191 = tpu.memref_slice %arg2[%dma_wait3A_189, %dma_wait3A_190] : memref<10000x16xf32, #tpu.memory_space<hbm>> -> memref<10000x16xf32, #tpu.memory_space<hbm>>
      %dma_wait3A_192 = tpu.memref_slice %arg12[%dma_wait3A_181] : memref<8x!tpu.dma_semaphore, #tpu.memory_space<semaphore_mem>> -> memref<1x!tpu.dma_semaphore, #tpu.memory_space<semaphore_mem>>
      %dma_wait3A_193 = tpu.memref_squeeze %dma_wait3A_192 : memref<1x!tpu.dma_semaphore, #tpu.memory_space<semaphore_mem>> -> memref<!tpu.dma_semaphore, #tpu.memory_space<semaphore_mem>>
      tpu.wait_indirect_dma semaphore(%dma_wait3A_193 : memref<!tpu.dma_semaphore, #tpu.memory_space<semaphore_mem>>) src(%dma_wait3A_191 : memref<10000x16xf32, #tpu.memory_space<hbm>>) dst(%dma_wait3A_185 : memref<128x16xf32, #tpu.memory_space<vmem>>)
      %add3A_194 = arith.constant 0 : i32
      %add3A_195 = arith.addi %mul3A_53, %add3A_194 : i32
      %dma_start3A_196 = arith.constant 0 : i32
      %dma_start3A_197 = arith.constant 0 : i32
      %dma_start3A_198 = arith.constant 0 : i32
      %dma_start3A_199 = arith.constant 0 : i32
      %dma_start3A_200 = tpu.memref_slice %arg10[%dma_start3A_196, %dma_start3A_198, %dma_start3A_199] : memref<8x128x16xf32, #tpu.memory_space<vmem>> -> memref<1x128x16xf32, #tpu.memory_space<vmem>>
      %dma_start3A_201 = tpu.memref_squeeze %dma_start3A_200 : memref<1x128x16xf32, #tpu.memory_space<vmem>> -> memref<128x16xf32, #tpu.memory_space<vmem>>
      %dma_start3A_202 = arith.constant 0 : i32
      %dma_start3A_203 = tpu.memref_slice %arg9[%add3A_195, %dma_start3A_202] : memref<144x128xi32, #tpu.memory_space<vmem>> -> memref<1x128xi32, #tpu.memory_space<vmem>>
      %dma_start3A_204 = tpu.memref_squeeze %dma_start3A_203 : memref<1x128xi32, #tpu.memory_space<vmem>> -> memref<128xi32, #tpu.memory_space<vmem>>
      %dma_start3A_205 = arith.constant 0 : i32
      %dma_start3A_206 = arith.constant 0 : i32
      %dma_start3A_207 = tpu.memref_slice %arg11[%dma_start3A_205, %dma_start3A_206] : memref<10240x16xf32, #tpu.memory_space<vmem_shared>> -> memref<10240x16xf32, #tpu.memory_space<vmem_shared>>
      %dma_start3A_208 = tpu.memref_slice %arg13[%dma_start3A_197] : memref<8x!tpu.dma_semaphore, #tpu.memory_space<semaphore_mem>> -> memref<1x!tpu.dma_semaphore, #tpu.memory_space<semaphore_mem>>
      %dma_start3A_209 = tpu.memref_squeeze %dma_start3A_208 : memref<1x!tpu.dma_semaphore, #tpu.memory_space<semaphore_mem>> -> memref<!tpu.dma_semaphore, #tpu.memory_space<semaphore_mem>>
      tpu.enqueue_indirect_dma source(%dma_start3A_201 : memref<128x16xf32, #tpu.memory_space<vmem>>) target(%dma_start3A_207 : memref<10240x16xf32, #tpu.memory_space<vmem_shared>>) offsets(%dma_start3A_204 : memref<128xi32, #tpu.memory_space<vmem>>) semaphore(%dma_start3A_209 : memref<!tpu.dma_semaphore, #tpu.memory_space<semaphore_mem>>) {add = true}
      %dma_wait3A_210 = arith.constant 1 : i32
      %dma_wait3A_211 = arith.constant 1 : i32
      %dma_wait3A_212 = arith.constant 0 : i32
      %dma_wait3A_213 = arith.constant 0 : i32
      %dma_wait3A_214 = tpu.memref_slice %arg10[%dma_wait3A_210, %dma_wait3A_212, %dma_wait3A_213] : memref<8x128x16xf32, #tpu.memory_space<vmem>> -> memref<1x128x16xf32, #tpu.memory_space<vmem>>
      %dma_wait3A_215 = tpu.memref_squeeze %dma_wait3A_214 : memref<1x128x16xf32, #tpu.memory_space<vmem>> -> memref<128x16xf32, #tpu.memory_space<vmem>>
      %dma_wait3A_216 = arith.constant 0 : i32
      %dma_wait3A_217 = tpu.memref_slice %arg8[%add3A_70, %dma_wait3A_216] : memref<144x128xi32, #tpu.memory_space<vmem>> -> memref<1x128xi32, #tpu.memory_space<vmem>>
      %dma_wait3A_218 = tpu.memref_squeeze %dma_wait3A_217 : memref<1x128xi32, #tpu.memory_space<vmem>> -> memref<128xi32, #tpu.memory_space<vmem>>
      %dma_wait3A_219 = arith.constant 0 : i32
      %dma_wait3A_220 = arith.constant 0 : i32
      %dma_wait3A_221 = tpu.memref_slice %arg2[%dma_wait3A_219, %dma_wait3A_220] : memref<10000x16xf32, #tpu.memory_space<hbm>> -> memref<10000x16xf32, #tpu.memory_space<hbm>>
      %dma_wait3A_222 = tpu.memref_slice %arg12[%dma_wait3A_211] : memref<8x!tpu.dma_semaphore, #tpu.memory_space<semaphore_mem>> -> memref<1x!tpu.dma_semaphore, #tpu.memory_space<semaphore_mem>>
      %dma_wait3A_223 = tpu.memref_squeeze %dma_wait3A_222 : memref<1x!tpu.dma_semaphore, #tpu.memory_space<semaphore_mem>> -> memref<!tpu.dma_semaphore, #tpu.memory_space<semaphore_mem>>
      tpu.wait_indirect_dma semaphore(%dma_wait3A_223 : memref<!tpu.dma_semaphore, #tpu.memory_space<semaphore_mem>>) src(%dma_wait3A_221 : memref<10000x16xf32, #tpu.memory_space<hbm>>) dst(%dma_wait3A_215 : memref<128x16xf32, #tpu.memory_space<vmem>>)
      %add3A_224 = arith.constant 1 : i32
      %add3A_225 = arith.addi %mul3A_53, %add3A_224 : i32
      %dma_start3A_226 = arith.constant 1 : i32
      %dma_start3A_227 = arith.constant 1 : i32
      %dma_start3A_228 = arith.constant 0 : i32
      %dma_start3A_229 = arith.constant 0 : i32
      %dma_start3A_230 = tpu.memref_slice %arg10[%dma_start3A_226, %dma_start3A_228, %dma_start3A_229] : memref<8x128x16xf32, #tpu.memory_space<vmem>> -> memref<1x128x16xf32, #tpu.memory_space<vmem>>
      %dma_start3A_231 = tpu.memref_squeeze %dma_start3A_230 : memref<1x128x16xf32, #tpu.memory_space<vmem>> -> memref<128x16xf32, #tpu.memory_space<vmem>>
      %dma_start3A_232 = arith.constant 0 : i32
      %dma_start3A_233 = tpu.memref_slice %arg9[%add3A_225, %dma_start3A_232] : memref<144x128xi32, #tpu.memory_space<vmem>> -> memref<1x128xi32, #tpu.memory_space<vmem>>
      %dma_start3A_234 = tpu.memref_squeeze %dma_start3A_233 : memref<1x128xi32, #tpu.memory_space<vmem>> -> memref<128xi32, #tpu.memory_space<vmem>>
      %dma_start3A_235 = arith.constant 0 : i32
      %dma_start3A_236 = arith.constant 0 : i32
      %dma_start3A_237 = tpu.memref_slice %arg11[%dma_start3A_235, %dma_start3A_236] : memref<10240x16xf32, #tpu.memory_space<vmem_shared>> -> memref<10240x16xf32, #tpu.memory_space<vmem_shared>>
      %dma_start3A_238 = tpu.memref_slice %arg13[%dma_start3A_227] : memref<8x!tpu.dma_semaphore, #tpu.memory_space<semaphore_mem>> -> memref<1x!tpu.dma_semaphore, #tpu.memory_space<semaphore_mem>>
      %dma_start3A_239 = tpu.memref_squeeze %dma_start3A_238 : memref<1x!tpu.dma_semaphore, #tpu.memory_space<semaphore_mem>> -> memref<!tpu.dma_semaphore, #tpu.memory_space<semaphore_mem>>
      tpu.enqueue_indirect_dma source(%dma_start3A_231 : memref<128x16xf32, #tpu.memory_space<vmem>>) target(%dma_start3A_237 : memref<10240x16xf32, #tpu.memory_space<vmem_shared>>) offsets(%dma_start3A_234 : memref<128xi32, #tpu.memory_space<vmem>>) semaphore(%dma_start3A_239 : memref<!tpu.dma_semaphore, #tpu.memory_space<semaphore_mem>>) {add = true}
      %dma_wait3A_240 = arith.constant 2 : i32
      %dma_wait3A_241 = arith.constant 2 : i32
      %dma_wait3A_242 = arith.constant 0 : i32
      %dma_wait3A_243 = arith.constant 0 : i32
      %dma_wait3A_244 = tpu.memref_slice %arg10[%dma_wait3A_240, %dma_wait3A_242, %dma_wait3A_243] : memref<8x128x16xf32, #tpu.memory_space<vmem>> -> memref<1x128x16xf32, #tpu.memory_space<vmem>>
      %dma_wait3A_245 = tpu.memref_squeeze %dma_wait3A_244 : memref<1x128x16xf32, #tpu.memory_space<vmem>> -> memref<128x16xf32, #tpu.memory_space<vmem>>
      %dma_wait3A_246 = arith.constant 0 : i32
      %dma_wait3A_247 = tpu.memref_slice %arg8[%add3A_86, %dma_wait3A_246] : memref<144x128xi32, #tpu.memory_space<vmem>> -> memref<1x128xi32, #tpu.memory_space<vmem>>
      %dma_wait3A_248 = tpu.memref_squeeze %dma_wait3A_247 : memref<1x128xi32, #tpu.memory_space<vmem>> -> memref<128xi32, #tpu.memory_space<vmem>>
      %dma_wait3A_249 = arith.constant 0 : i32
      %dma_wait3A_250 = arith.constant 0 : i32
      %dma_wait3A_251 = tpu.memref_slice %arg2[%dma_wait3A_249, %dma_wait3A_250] : memref<10000x16xf32, #tpu.memory_space<hbm>> -> memref<10000x16xf32, #tpu.memory_space<hbm>>
      %dma_wait3A_252 = tpu.memref_slice %arg12[%dma_wait3A_241] : memref<8x!tpu.dma_semaphore, #tpu.memory_space<semaphore_mem>> -> memref<1x!tpu.dma_semaphore, #tpu.memory_space<semaphore_mem>>
      %dma_wait3A_253 = tpu.memref_squeeze %dma_wait3A_252 : memref<1x!tpu.dma_semaphore, #tpu.memory_space<semaphore_mem>> -> memref<!tpu.dma_semaphore, #tpu.memory_space<semaphore_mem>>
      tpu.wait_indirect_dma semaphore(%dma_wait3A_253 : memref<!tpu.dma_semaphore, #tpu.memory_space<semaphore_mem>>) src(%dma_wait3A_251 : memref<10000x16xf32, #tpu.memory_space<hbm>>) dst(%dma_wait3A_245 : memref<128x16xf32, #tpu.memory_space<vmem>>)
      %add3A_254 = arith.constant 2 : i32
      %add3A_255 = arith.addi %mul3A_53, %add3A_254 : i32
      %dma_start3A_256 = arith.constant 2 : i32
      %dma_start3A_257 = arith.constant 2 : i32
      %dma_start3A_258 = arith.constant 0 : i32
      %dma_start3A_259 = arith.constant 0 : i32
      %dma_start3A_260 = tpu.memref_slice %arg10[%dma_start3A_256, %dma_start3A_258, %dma_start3A_259] : memref<8x128x16xf32, #tpu.memory_space<vmem>> -> memref<1x128x16xf32, #tpu.memory_space<vmem>>
      %dma_start3A_261 = tpu.memref_squeeze %dma_start3A_260 : memref<1x128x16xf32, #tpu.memory_space<vmem>> -> memref<128x16xf32, #tpu.memory_space<vmem>>
      %dma_start3A_262 = arith.constant 0 : i32
      %dma_start3A_263 = tpu.memref_slice %arg9[%add3A_255, %dma_start3A_262] : memref<144x128xi32, #tpu.memory_space<vmem>> -> memref<1x128xi32, #tpu.memory_space<vmem>>
      %dma_start3A_264 = tpu.memref_squeeze %dma_start3A_263 : memref<1x128xi32, #tpu.memory_space<vmem>> -> memref<128xi32, #tpu.memory_space<vmem>>
      %dma_start3A_265 = arith.constant 0 : i32
      %dma_start3A_266 = arith.constant 0 : i32
      %dma_start3A_267 = tpu.memref_slice %arg11[%dma_start3A_265, %dma_start3A_266] : memref<10240x16xf32, #tpu.memory_space<vmem_shared>> -> memref<10240x16xf32, #tpu.memory_space<vmem_shared>>
      %dma_start3A_268 = tpu.memref_slice %arg13[%dma_start3A_257] : memref<8x!tpu.dma_semaphore, #tpu.memory_space<semaphore_mem>> -> memref<1x!tpu.dma_semaphore, #tpu.memory_space<semaphore_mem>>
      %dma_start3A_269 = tpu.memref_squeeze %dma_start3A_268 : memref<1x!tpu.dma_semaphore, #tpu.memory_space<semaphore_mem>> -> memref<!tpu.dma_semaphore, #tpu.memory_space<semaphore_mem>>
      tpu.enqueue_indirect_dma source(%dma_start3A_261 : memref<128x16xf32, #tpu.memory_space<vmem>>) target(%dma_start3A_267 : memref<10240x16xf32, #tpu.memory_space<vmem_shared>>) offsets(%dma_start3A_264 : memref<128xi32, #tpu.memory_space<vmem>>) semaphore(%dma_start3A_269 : memref<!tpu.dma_semaphore, #tpu.memory_space<semaphore_mem>>) {add = true}
      %dma_wait3A_270 = arith.constant 3 : i32
      %dma_wait3A_271 = arith.constant 3 : i32
      %dma_wait3A_272 = arith.constant 0 : i32
      %dma_wait3A_273 = arith.constant 0 : i32
      %dma_wait3A_274 = tpu.memref_slice %arg10[%dma_wait3A_270, %dma_wait3A_272, %dma_wait3A_273] : memref<8x128x16xf32, #tpu.memory_space<vmem>> -> memref<1x128x16xf32, #tpu.memory_space<vmem>>
      %dma_wait3A_275 = tpu.memref_squeeze %dma_wait3A_274 : memref<1x128x16xf32, #tpu.memory_space<vmem>> -> memref<128x16xf32, #tpu.memory_space<vmem>>
      %dma_wait3A_276 = arith.constant 0 : i32
      %dma_wait3A_277 = tpu.memref_slice %arg8[%add3A_102, %dma_wait3A_276] : memref<144x128xi32, #tpu.memory_space<vmem>> -> memref<1x128xi32, #tpu.memory_space<vmem>>
      %dma_wait3A_278 = tpu.memref_squeeze %dma_wait3A_277 : memref<1x128xi32, #tpu.memory_space<vmem>> -> memref<128xi32, #tpu.memory_space<vmem>>
      %dma_wait3A_279 = arith.constant 0 : i32
      %dma_wait3A_280 = arith.constant 0 : i32
      %dma_wait3A_281 = tpu.memref_slice %arg2[%dma_wait3A_279, %dma_wait3A_280] : memref<10000x16xf32, #tpu.memory_space<hbm>> -> memref<10000x16xf32, #tpu.memory_space<hbm>>
      %dma_wait3A_282 = tpu.memref_slice %arg12[%dma_wait3A_271] : memref<8x!tpu.dma_semaphore, #tpu.memory_space<semaphore_mem>> -> memref<1x!tpu.dma_semaphore, #tpu.memory_space<semaphore_mem>>
      %dma_wait3A_283 = tpu.memref_squeeze %dma_wait3A_282 : memref<1x!tpu.dma_semaphore, #tpu.memory_space<semaphore_mem>> -> memref<!tpu.dma_semaphore, #tpu.memory_space<semaphore_mem>>
      tpu.wait_indirect_dma semaphore(%dma_wait3A_283 : memref<!tpu.dma_semaphore, #tpu.memory_space<semaphore_mem>>) src(%dma_wait3A_281 : memref<10000x16xf32, #tpu.memory_space<hbm>>) dst(%dma_wait3A_275 : memref<128x16xf32, #tpu.memory_space<vmem>>)
      %add3A_284 = arith.constant 3 : i32
      %add3A_285 = arith.addi %mul3A_53, %add3A_284 : i32
      %dma_start3A_286 = arith.constant 3 : i32
      %dma_start3A_287 = arith.constant 3 : i32
      %dma_start3A_288 = arith.constant 0 : i32
      %dma_start3A_289 = arith.constant 0 : i32
      %dma_start3A_290 = tpu.memref_slice %arg10[%dma_start3A_286, %dma_start3A_288, %dma_start3A_289] : memref<8x128x16xf32, #tpu.memory_space<vmem>> -> memref<1x128x16xf32, #tpu.memory_space<vmem>>
      %dma_start3A_291 = tpu.memref_squeeze %dma_start3A_290 : memref<1x128x16xf32, #tpu.memory_space<vmem>> -> memref<128x16xf32, #tpu.memory_space<vmem>>
      %dma_start3A_292 = arith.constant 0 : i32
      %dma_start3A_293 = tpu.memref_slice %arg9[%add3A_285, %dma_start3A_292] : memref<144x128xi32, #tpu.memory_space<vmem>> -> memref<1x128xi32, #tpu.memory_space<vmem>>
      %dma_start3A_294 = tpu.memref_squeeze %dma_start3A_293 : memref<1x128xi32, #tpu.memory_space<vmem>> -> memref<128xi32, #tpu.memory_space<vmem>>
      %dma_start3A_295 = arith.constant 0 : i32
      %dma_start3A_296 = arith.constant 0 : i32
      %dma_start3A_297 = tpu.memref_slice %arg11[%dma_start3A_295, %dma_start3A_296] : memref<10240x16xf32, #tpu.memory_space<vmem_shared>> -> memref<10240x16xf32, #tpu.memory_space<vmem_shared>>
      %dma_start3A_298 = tpu.memref_slice %arg13[%dma_start3A_287] : memref<8x!tpu.dma_semaphore, #tpu.memory_space<semaphore_mem>> -> memref<1x!tpu.dma_semaphore, #tpu.memory_space<semaphore_mem>>
      %dma_start3A_299 = tpu.memref_squeeze %dma_start3A_298 : memref<1x!tpu.dma_semaphore, #tpu.memory_space<semaphore_mem>> -> memref<!tpu.dma_semaphore, #tpu.memory_space<semaphore_mem>>
      tpu.enqueue_indirect_dma source(%dma_start3A_291 : memref<128x16xf32, #tpu.memory_space<vmem>>) target(%dma_start3A_297 : memref<10240x16xf32, #tpu.memory_space<vmem_shared>>) offsets(%dma_start3A_294 : memref<128xi32, #tpu.memory_space<vmem>>) semaphore(%dma_start3A_299 : memref<!tpu.dma_semaphore, #tpu.memory_space<semaphore_mem>>) {add = true}
      %dma_wait3A_300 = arith.constant 4 : i32
      %dma_wait3A_301 = arith.constant 4 : i32
      %dma_wait3A_302 = arith.constant 0 : i32
      %dma_wait3A_303 = arith.constant 0 : i32
      %dma_wait3A_304 = tpu.memref_slice %arg10[%dma_wait3A_300, %dma_wait3A_302, %dma_wait3A_303] : memref<8x128x16xf32, #tpu.memory_space<vmem>> -> memref<1x128x16xf32, #tpu.memory_space<vmem>>
      %dma_wait3A_305 = tpu.memref_squeeze %dma_wait3A_304 : memref<1x128x16xf32, #tpu.memory_space<vmem>> -> memref<128x16xf32, #tpu.memory_space<vmem>>
      %dma_wait3A_306 = arith.constant 0 : i32
      %dma_wait3A_307 = tpu.memref_slice %arg8[%add3A_118, %dma_wait3A_306] : memref<144x128xi32, #tpu.memory_space<vmem>> -> memref<1x128xi32, #tpu.memory_space<vmem>>
      %dma_wait3A_308 = tpu.memref_squeeze %dma_wait3A_307 : memref<1x128xi32, #tpu.memory_space<vmem>> -> memref<128xi32, #tpu.memory_space<vmem>>
      %dma_wait3A_309 = arith.constant 0 : i32
      %dma_wait3A_310 = arith.constant 0 : i32
      %dma_wait3A_311 = tpu.memref_slice %arg2[%dma_wait3A_309, %dma_wait3A_310] : memref<10000x16xf32, #tpu.memory_space<hbm>> -> memref<10000x16xf32, #tpu.memory_space<hbm>>
      %dma_wait3A_312 = tpu.memref_slice %arg12[%dma_wait3A_301] : memref<8x!tpu.dma_semaphore, #tpu.memory_space<semaphore_mem>> -> memref<1x!tpu.dma_semaphore, #tpu.memory_space<semaphore_mem>>
      %dma_wait3A_313 = tpu.memref_squeeze %dma_wait3A_312 : memref<1x!tpu.dma_semaphore, #tpu.memory_space<semaphore_mem>> -> memref<!tpu.dma_semaphore, #tpu.memory_space<semaphore_mem>>
      tpu.wait_indirect_dma semaphore(%dma_wait3A_313 : memref<!tpu.dma_semaphore, #tpu.memory_space<semaphore_mem>>) src(%dma_wait3A_311 : memref<10000x16xf32, #tpu.memory_space<hbm>>) dst(%dma_wait3A_305 : memref<128x16xf32, #tpu.memory_space<vmem>>)
      %add3A_314 = arith.constant 4 : i32
      %add3A_315 = arith.addi %mul3A_53, %add3A_314 : i32
      %dma_start3A_316 = arith.constant 4 : i32
      %dma_start3A_317 = arith.constant 4 : i32
      %dma_start3A_318 = arith.constant 0 : i32
      %dma_start3A_319 = arith.constant 0 : i32
      %dma_start3A_320 = tpu.memref_slice %arg10[%dma_start3A_316, %dma_start3A_318, %dma_start3A_319] : memref<8x128x16xf32, #tpu.memory_space<vmem>> -> memref<1x128x16xf32, #tpu.memory_space<vmem>>
      %dma_start3A_321 = tpu.memref_squeeze %dma_start3A_320 : memref<1x128x16xf32, #tpu.memory_space<vmem>> -> memref<128x16xf32, #tpu.memory_space<vmem>>
      %dma_start3A_322 = arith.constant 0 : i32
      %dma_start3A_323 = tpu.memref_slice %arg9[%add3A_315, %dma_start3A_322] : memref<144x128xi32, #tpu.memory_space<vmem>> -> memref<1x128xi32, #tpu.memory_space<vmem>>
      %dma_start3A_324 = tpu.memref_squeeze %dma_start3A_323 : memref<1x128xi32, #tpu.memory_space<vmem>> -> memref<128xi32, #tpu.memory_space<vmem>>
      %dma_start3A_325 = arith.constant 0 : i32
      %dma_start3A_326 = arith.constant 0 : i32
      %dma_start3A_327 = tpu.memref_slice %arg11[%dma_start3A_325, %dma_start3A_326] : memref<10240x16xf32, #tpu.memory_space<vmem_shared>> -> memref<10240x16xf32, #tpu.memory_space<vmem_shared>>
      %dma_start3A_328 = tpu.memref_slice %arg13[%dma_start3A_317] : memref<8x!tpu.dma_semaphore, #tpu.memory_space<semaphore_mem>> -> memref<1x!tpu.dma_semaphore, #tpu.memory_space<semaphore_mem>>
      %dma_start3A_329 = tpu.memref_squeeze %dma_start3A_328 : memref<1x!tpu.dma_semaphore, #tpu.memory_space<semaphore_mem>> -> memref<!tpu.dma_semaphore, #tpu.memory_space<semaphore_mem>>
      tpu.enqueue_indirect_dma source(%dma_start3A_321 : memref<128x16xf32, #tpu.memory_space<vmem>>) target(%dma_start3A_327 : memref<10240x16xf32, #tpu.memory_space<vmem_shared>>) offsets(%dma_start3A_324 : memref<128xi32, #tpu.memory_space<vmem>>) semaphore(%dma_start3A_329 : memref<!tpu.dma_semaphore, #tpu.memory_space<semaphore_mem>>) {add = true}
      %dma_wait3A_330 = arith.constant 5 : i32
      %dma_wait3A_331 = arith.constant 5 : i32
      %dma_wait3A_332 = arith.constant 0 : i32
      %dma_wait3A_333 = arith.constant 0 : i32
      %dma_wait3A_334 = tpu.memref_slice %arg10[%dma_wait3A_330, %dma_wait3A_332, %dma_wait3A_333] : memref<8x128x16xf32, #tpu.memory_space<vmem>> -> memref<1x128x16xf32, #tpu.memory_space<vmem>>
      %dma_wait3A_335 = tpu.memref_squeeze %dma_wait3A_334 : memref<1x128x16xf32, #tpu.memory_space<vmem>> -> memref<128x16xf32, #tpu.memory_space<vmem>>
      %dma_wait3A_336 = arith.constant 0 : i32
      %dma_wait3A_337 = tpu.memref_slice %arg8[%add3A_134, %dma_wait3A_336] : memref<144x128xi32, #tpu.memory_space<vmem>> -> memref<1x128xi32, #tpu.memory_space<vmem>>
      %dma_wait3A_338 = tpu.memref_squeeze %dma_wait3A_337 : memref<1x128xi32, #tpu.memory_space<vmem>> -> memref<128xi32, #tpu.memory_space<vmem>>
      %dma_wait3A_339 = arith.constant 0 : i32
      %dma_wait3A_340 = arith.constant 0 : i32
      %dma_wait3A_341 = tpu.memref_slice %arg2[%dma_wait3A_339, %dma_wait3A_340] : memref<10000x16xf32, #tpu.memory_space<hbm>> -> memref<10000x16xf32, #tpu.memory_space<hbm>>
      %dma_wait3A_342 = tpu.memref_slice %arg12[%dma_wait3A_331] : memref<8x!tpu.dma_semaphore, #tpu.memory_space<semaphore_mem>> -> memref<1x!tpu.dma_semaphore, #tpu.memory_space<semaphore_mem>>
      %dma_wait3A_343 = tpu.memref_squeeze %dma_wait3A_342 : memref<1x!tpu.dma_semaphore, #tpu.memory_space<semaphore_mem>> -> memref<!tpu.dma_semaphore, #tpu.memory_space<semaphore_mem>>
      tpu.wait_indirect_dma semaphore(%dma_wait3A_343 : memref<!tpu.dma_semaphore, #tpu.memory_space<semaphore_mem>>) src(%dma_wait3A_341 : memref<10000x16xf32, #tpu.memory_space<hbm>>) dst(%dma_wait3A_335 : memref<128x16xf32, #tpu.memory_space<vmem>>)
      %add3A_344 = arith.constant 5 : i32
      %add3A_345 = arith.addi %mul3A_53, %add3A_344 : i32
      %dma_start3A_346 = arith.constant 5 : i32
      %dma_start3A_347 = arith.constant 5 : i32
      %dma_start3A_348 = arith.constant 0 : i32
      %dma_start3A_349 = arith.constant 0 : i32
      %dma_start3A_350 = tpu.memref_slice %arg10[%dma_start3A_346, %dma_start3A_348, %dma_start3A_349] : memref<8x128x16xf32, #tpu.memory_space<vmem>> -> memref<1x128x16xf32, #tpu.memory_space<vmem>>
      %dma_start3A_351 = tpu.memref_squeeze %dma_start3A_350 : memref<1x128x16xf32, #tpu.memory_space<vmem>> -> memref<128x16xf32, #tpu.memory_space<vmem>>
      %dma_start3A_352 = arith.constant 0 : i32
      %dma_start3A_353 = tpu.memref_slice %arg9[%add3A_345, %dma_start3A_352] : memref<144x128xi32, #tpu.memory_space<vmem>> -> memref<1x128xi32, #tpu.memory_space<vmem>>
      %dma_start3A_354 = tpu.memref_squeeze %dma_start3A_353 : memref<1x128xi32, #tpu.memory_space<vmem>> -> memref<128xi32, #tpu.memory_space<vmem>>
      %dma_start3A_355 = arith.constant 0 : i32
      %dma_start3A_356 = arith.constant 0 : i32
      %dma_start3A_357 = tpu.memref_slice %arg11[%dma_start3A_355, %dma_start3A_356] : memref<10240x16xf32, #tpu.memory_space<vmem_shared>> -> memref<10240x16xf32, #tpu.memory_space<vmem_shared>>
      %dma_start3A_358 = tpu.memref_slice %arg13[%dma_start3A_347] : memref<8x!tpu.dma_semaphore, #tpu.memory_space<semaphore_mem>> -> memref<1x!tpu.dma_semaphore, #tpu.memory_space<semaphore_mem>>
      %dma_start3A_359 = tpu.memref_squeeze %dma_start3A_358 : memref<1x!tpu.dma_semaphore, #tpu.memory_space<semaphore_mem>> -> memref<!tpu.dma_semaphore, #tpu.memory_space<semaphore_mem>>
      tpu.enqueue_indirect_dma source(%dma_start3A_351 : memref<128x16xf32, #tpu.memory_space<vmem>>) target(%dma_start3A_357 : memref<10240x16xf32, #tpu.memory_space<vmem_shared>>) offsets(%dma_start3A_354 : memref<128xi32, #tpu.memory_space<vmem>>) semaphore(%dma_start3A_359 : memref<!tpu.dma_semaphore, #tpu.memory_space<semaphore_mem>>) {add = true}
      %dma_wait3A_360 = arith.constant 6 : i32
      %dma_wait3A_361 = arith.constant 6 : i32
      %dma_wait3A_362 = arith.constant 0 : i32
      %dma_wait3A_363 = arith.constant 0 : i32
      %dma_wait3A_364 = tpu.memref_slice %arg10[%dma_wait3A_360, %dma_wait3A_362, %dma_wait3A_363] : memref<8x128x16xf32, #tpu.memory_space<vmem>> -> memref<1x128x16xf32, #tpu.memory_space<vmem>>
      %dma_wait3A_365 = tpu.memref_squeeze %dma_wait3A_364 : memref<1x128x16xf32, #tpu.memory_space<vmem>> -> memref<128x16xf32, #tpu.memory_space<vmem>>
      %dma_wait3A_366 = arith.constant 0 : i32
      %dma_wait3A_367 = tpu.memref_slice %arg8[%add3A_150, %dma_wait3A_366] : memref<144x128xi32, #tpu.memory_space<vmem>> -> memref<1x128xi32, #tpu.memory_space<vmem>>
      %dma_wait3A_368 = tpu.memref_squeeze %dma_wait3A_367 : memref<1x128xi32, #tpu.memory_space<vmem>> -> memref<128xi32, #tpu.memory_space<vmem>>
      %dma_wait3A_369 = arith.constant 0 : i32
      %dma_wait3A_370 = arith.constant 0 : i32
      %dma_wait3A_371 = tpu.memref_slice %arg2[%dma_wait3A_369, %dma_wait3A_370] : memref<10000x16xf32, #tpu.memory_space<hbm>> -> memref<10000x16xf32, #tpu.memory_space<hbm>>
      %dma_wait3A_372 = tpu.memref_slice %arg12[%dma_wait3A_361] : memref<8x!tpu.dma_semaphore, #tpu.memory_space<semaphore_mem>> -> memref<1x!tpu.dma_semaphore, #tpu.memory_space<semaphore_mem>>
      %dma_wait3A_373 = tpu.memref_squeeze %dma_wait3A_372 : memref<1x!tpu.dma_semaphore, #tpu.memory_space<semaphore_mem>> -> memref<!tpu.dma_semaphore, #tpu.memory_space<semaphore_mem>>
      tpu.wait_indirect_dma semaphore(%dma_wait3A_373 : memref<!tpu.dma_semaphore, #tpu.memory_space<semaphore_mem>>) src(%dma_wait3A_371 : memref<10000x16xf32, #tpu.memory_space<hbm>>) dst(%dma_wait3A_365 : memref<128x16xf32, #tpu.memory_space<vmem>>)
      %add3A_374 = arith.constant 6 : i32
      %add3A_375 = arith.addi %mul3A_53, %add3A_374 : i32
      %dma_start3A_376 = arith.constant 6 : i32
      %dma_start3A_377 = arith.constant 6 : i32
      %dma_start3A_378 = arith.constant 0 : i32
      %dma_start3A_379 = arith.constant 0 : i32
      %dma_start3A_380 = tpu.memref_slice %arg10[%dma_start3A_376, %dma_start3A_378, %dma_start3A_379] : memref<8x128x16xf32, #tpu.memory_space<vmem>> -> memref<1x128x16xf32, #tpu.memory_space<vmem>>
      %dma_start3A_381 = tpu.memref_squeeze %dma_start3A_380 : memref<1x128x16xf32, #tpu.memory_space<vmem>> -> memref<128x16xf32, #tpu.memory_space<vmem>>
      %dma_start3A_382 = arith.constant 0 : i32
      %dma_start3A_383 = tpu.memref_slice %arg9[%add3A_375, %dma_start3A_382] : memref<144x128xi32, #tpu.memory_space<vmem>> -> memref<1x128xi32, #tpu.memory_space<vmem>>
      %dma_start3A_384 = tpu.memref_squeeze %dma_start3A_383 : memref<1x128xi32, #tpu.memory_space<vmem>> -> memref<128xi32, #tpu.memory_space<vmem>>
      %dma_start3A_385 = arith.constant 0 : i32
      %dma_start3A_386 = arith.constant 0 : i32
      %dma_start3A_387 = tpu.memref_slice %arg11[%dma_start3A_385, %dma_start3A_386] : memref<10240x16xf32, #tpu.memory_space<vmem_shared>> -> memref<10240x16xf32, #tpu.memory_space<vmem_shared>>
      %dma_start3A_388 = tpu.memref_slice %arg13[%dma_start3A_377] : memref<8x!tpu.dma_semaphore, #tpu.memory_space<semaphore_mem>> -> memref<1x!tpu.dma_semaphore, #tpu.memory_space<semaphore_mem>>
      %dma_start3A_389 = tpu.memref_squeeze %dma_start3A_388 : memref<1x!tpu.dma_semaphore, #tpu.memory_space<semaphore_mem>> -> memref<!tpu.dma_semaphore, #tpu.memory_space<semaphore_mem>>
      tpu.enqueue_indirect_dma source(%dma_start3A_381 : memref<128x16xf32, #tpu.memory_space<vmem>>) target(%dma_start3A_387 : memref<10240x16xf32, #tpu.memory_space<vmem_shared>>) offsets(%dma_start3A_384 : memref<128xi32, #tpu.memory_space<vmem>>) semaphore(%dma_start3A_389 : memref<!tpu.dma_semaphore, #tpu.memory_space<semaphore_mem>>) {add = true}
      %dma_wait3A_390 = arith.constant 7 : i32
      %dma_wait3A_391 = arith.constant 7 : i32
      %dma_wait3A_392 = arith.constant 0 : i32
      %dma_wait3A_393 = arith.constant 0 : i32
      %dma_wait3A_394 = tpu.memref_slice %arg10[%dma_wait3A_390, %dma_wait3A_392, %dma_wait3A_393] : memref<8x128x16xf32, #tpu.memory_space<vmem>> -> memref<1x128x16xf32, #tpu.memory_space<vmem>>
      %dma_wait3A_395 = tpu.memref_squeeze %dma_wait3A_394 : memref<1x128x16xf32, #tpu.memory_space<vmem>> -> memref<128x16xf32, #tpu.memory_space<vmem>>
      %dma_wait3A_396 = arith.constant 0 : i32
      %dma_wait3A_397 = tpu.memref_slice %arg8[%add3A_166, %dma_wait3A_396] : memref<144x128xi32, #tpu.memory_space<vmem>> -> memref<1x128xi32, #tpu.memory_space<vmem>>
      %dma_wait3A_398 = tpu.memref_squeeze %dma_wait3A_397 : memref<1x128xi32, #tpu.memory_space<vmem>> -> memref<128xi32, #tpu.memory_space<vmem>>
      %dma_wait3A_399 = arith.constant 0 : i32
      %dma_wait3A_400 = arith.constant 0 : i32
      %dma_wait3A_401 = tpu.memref_slice %arg2[%dma_wait3A_399, %dma_wait3A_400] : memref<10000x16xf32, #tpu.memory_space<hbm>> -> memref<10000x16xf32, #tpu.memory_space<hbm>>
      %dma_wait3A_402 = tpu.memref_slice %arg12[%dma_wait3A_391] : memref<8x!tpu.dma_semaphore, #tpu.memory_space<semaphore_mem>> -> memref<1x!tpu.dma_semaphore, #tpu.memory_space<semaphore_mem>>
      %dma_wait3A_403 = tpu.memref_squeeze %dma_wait3A_402 : memref<1x!tpu.dma_semaphore, #tpu.memory_space<semaphore_mem>> -> memref<!tpu.dma_semaphore, #tpu.memory_space<semaphore_mem>>
      tpu.wait_indirect_dma semaphore(%dma_wait3A_403 : memref<!tpu.dma_semaphore, #tpu.memory_space<semaphore_mem>>) src(%dma_wait3A_401 : memref<10000x16xf32, #tpu.memory_space<hbm>>) dst(%dma_wait3A_395 : memref<128x16xf32, #tpu.memory_space<vmem>>)
      %add3A_404 = arith.constant 7 : i32
      %add3A_405 = arith.addi %mul3A_53, %add3A_404 : i32
      %dma_start3A_406 = arith.constant 7 : i32
      %dma_start3A_407 = arith.constant 7 : i32
      %dma_start3A_408 = arith.constant 0 : i32
      %dma_start3A_409 = arith.constant 0 : i32
      %dma_start3A_410 = tpu.memref_slice %arg10[%dma_start3A_406, %dma_start3A_408, %dma_start3A_409] : memref<8x128x16xf32, #tpu.memory_space<vmem>> -> memref<1x128x16xf32, #tpu.memory_space<vmem>>
      %dma_start3A_411 = tpu.memref_squeeze %dma_start3A_410 : memref<1x128x16xf32, #tpu.memory_space<vmem>> -> memref<128x16xf32, #tpu.memory_space<vmem>>
      %dma_start3A_412 = arith.constant 0 : i32
      %dma_start3A_413 = tpu.memref_slice %arg9[%add3A_405, %dma_start3A_412] : memref<144x128xi32, #tpu.memory_space<vmem>> -> memref<1x128xi32, #tpu.memory_space<vmem>>
      %dma_start3A_414 = tpu.memref_squeeze %dma_start3A_413 : memref<1x128xi32, #tpu.memory_space<vmem>> -> memref<128xi32, #tpu.memory_space<vmem>>
      %dma_start3A_415 = arith.constant 0 : i32
      %dma_start3A_416 = arith.constant 0 : i32
      %dma_start3A_417 = tpu.memref_slice %arg11[%dma_start3A_415, %dma_start3A_416] : memref<10240x16xf32, #tpu.memory_space<vmem_shared>> -> memref<10240x16xf32, #tpu.memory_space<vmem_shared>>
      %dma_start3A_418 = tpu.memref_slice %arg13[%dma_start3A_407] : memref<8x!tpu.dma_semaphore, #tpu.memory_space<semaphore_mem>> -> memref<1x!tpu.dma_semaphore, #tpu.memory_space<semaphore_mem>>
      %dma_start3A_419 = tpu.memref_squeeze %dma_start3A_418 : memref<1x!tpu.dma_semaphore, #tpu.memory_space<semaphore_mem>> -> memref<!tpu.dma_semaphore, #tpu.memory_space<semaphore_mem>>
      tpu.enqueue_indirect_dma source(%dma_start3A_411 : memref<128x16xf32, #tpu.memory_space<vmem>>) target(%dma_start3A_417 : memref<10240x16xf32, #tpu.memory_space<vmem_shared>>) offsets(%dma_start3A_414 : memref<128xi32, #tpu.memory_space<vmem>>) semaphore(%dma_start3A_419 : memref<!tpu.dma_semaphore, #tpu.memory_space<semaphore_mem>>) {add = true}
      %dma_wait3A_420 = arith.constant 0 : i32
      %dma_wait3A_421 = arith.constant 0 : i32
      %dma_wait3A_422 = arith.constant 0 : i32
      %dma_wait3A_423 = arith.constant 0 : i32
      %dma_wait3A_424 = tpu.memref_slice %arg10[%dma_wait3A_420, %dma_wait3A_422, %dma_wait3A_423] : memref<8x128x16xf32, #tpu.memory_space<vmem>> -> memref<1x128x16xf32, #tpu.memory_space<vmem>>
      %dma_wait3A_425 = tpu.memref_squeeze %dma_wait3A_424 : memref<1x128x16xf32, #tpu.memory_space<vmem>> -> memref<128x16xf32, #tpu.memory_space<vmem>>
      %dma_wait3A_426 = arith.constant 0 : i32
      %dma_wait3A_427 = tpu.memref_slice %arg9[%add3A_195, %dma_wait3A_426] : memref<144x128xi32, #tpu.memory_space<vmem>> -> memref<1x128xi32, #tpu.memory_space<vmem>>
      %dma_wait3A_428 = tpu.memref_squeeze %dma_wait3A_427 : memref<1x128xi32, #tpu.memory_space<vmem>> -> memref<128xi32, #tpu.memory_space<vmem>>
      %dma_wait3A_429 = arith.constant 0 : i32
      %dma_wait3A_430 = arith.constant 0 : i32
      %dma_wait3A_431 = tpu.memref_slice %arg11[%dma_wait3A_429, %dma_wait3A_430] : memref<10240x16xf32, #tpu.memory_space<vmem_shared>> -> memref<10240x16xf32, #tpu.memory_space<vmem_shared>>
      %dma_wait3A_432 = tpu.memref_slice %arg13[%dma_wait3A_421] : memref<8x!tpu.dma_semaphore, #tpu.memory_space<semaphore_mem>> -> memref<1x!tpu.dma_semaphore, #tpu.memory_space<semaphore_mem>>
      %dma_wait3A_433 = tpu.memref_squeeze %dma_wait3A_432 : memref<1x!tpu.dma_semaphore, #tpu.memory_space<semaphore_mem>> -> memref<!tpu.dma_semaphore, #tpu.memory_space<semaphore_mem>>
      tpu.wait_indirect_dma semaphore(%dma_wait3A_433 : memref<!tpu.dma_semaphore, #tpu.memory_space<semaphore_mem>>) src(%dma_wait3A_425 : memref<128x16xf32, #tpu.memory_space<vmem>>) dst(%dma_wait3A_431 : memref<10240x16xf32, #tpu.memory_space<vmem_shared>>)
      %dma_wait3A_434 = arith.constant 1 : i32
      %dma_wait3A_435 = arith.constant 1 : i32
      %dma_wait3A_436 = arith.constant 0 : i32
      %dma_wait3A_437 = arith.constant 0 : i32
      %dma_wait3A_438 = tpu.memref_slice %arg10[%dma_wait3A_434, %dma_wait3A_436, %dma_wait3A_437] : memref<8x128x16xf32, #tpu.memory_space<vmem>> -> memref<1x128x16xf32, #tpu.memory_space<vmem>>
      %dma_wait3A_439 = tpu.memref_squeeze %dma_wait3A_438 : memref<1x128x16xf32, #tpu.memory_space<vmem>> -> memref<128x16xf32, #tpu.memory_space<vmem>>
      %dma_wait3A_440 = arith.constant 0 : i32
      %dma_wait3A_441 = tpu.memref_slice %arg9[%add3A_225, %dma_wait3A_440] : memref<144x128xi32, #tpu.memory_space<vmem>> -> memref<1x128xi32, #tpu.memory_space<vmem>>
      %dma_wait3A_442 = tpu.memref_squeeze %dma_wait3A_441 : memref<1x128xi32, #tpu.memory_space<vmem>> -> memref<128xi32, #tpu.memory_space<vmem>>
      %dma_wait3A_443 = arith.constant 0 : i32
      %dma_wait3A_444 = arith.constant 0 : i32
      %dma_wait3A_445 = tpu.memref_slice %arg11[%dma_wait3A_443, %dma_wait3A_444] : memref<10240x16xf32, #tpu.memory_space<vmem_shared>> -> memref<10240x16xf32, #tpu.memory_space<vmem_shared>>
      %dma_wait3A_446 = tpu.memref_slice %arg13[%dma_wait3A_435] : memref<8x!tpu.dma_semaphore, #tpu.memory_space<semaphore_mem>> -> memref<1x!tpu.dma_semaphore, #tpu.memory_space<semaphore_mem>>
      %dma_wait3A_447 = tpu.memref_squeeze %dma_wait3A_446 : memref<1x!tpu.dma_semaphore, #tpu.memory_space<semaphore_mem>> -> memref<!tpu.dma_semaphore, #tpu.memory_space<semaphore_mem>>
      tpu.wait_indirect_dma semaphore(%dma_wait3A_447 : memref<!tpu.dma_semaphore, #tpu.memory_space<semaphore_mem>>) src(%dma_wait3A_439 : memref<128x16xf32, #tpu.memory_space<vmem>>) dst(%dma_wait3A_445 : memref<10240x16xf32, #tpu.memory_space<vmem_shared>>)
      %dma_wait3A_448 = arith.constant 2 : i32
      %dma_wait3A_449 = arith.constant 2 : i32
      %dma_wait3A_450 = arith.constant 0 : i32
      %dma_wait3A_451 = arith.constant 0 : i32
      %dma_wait3A_452 = tpu.memref_slice %arg10[%dma_wait3A_448, %dma_wait3A_450, %dma_wait3A_451] : memref<8x128x16xf32, #tpu.memory_space<vmem>> -> memref<1x128x16xf32, #tpu.memory_space<vmem>>
      %dma_wait3A_453 = tpu.memref_squeeze %dma_wait3A_452 : memref<1x128x16xf32, #tpu.memory_space<vmem>> -> memref<128x16xf32, #tpu.memory_space<vmem>>
      %dma_wait3A_454 = arith.constant 0 : i32
      %dma_wait3A_455 = tpu.memref_slice %arg9[%add3A_255, %dma_wait3A_454] : memref<144x128xi32, #tpu.memory_space<vmem>> -> memref<1x128xi32, #tpu.memory_space<vmem>>
      %dma_wait3A_456 = tpu.memref_squeeze %dma_wait3A_455 : memref<1x128xi32, #tpu.memory_space<vmem>> -> memref<128xi32, #tpu.memory_space<vmem>>
      %dma_wait3A_457 = arith.constant 0 : i32
      %dma_wait3A_458 = arith.constant 0 : i32
      %dma_wait3A_459 = tpu.memref_slice %arg11[%dma_wait3A_457, %dma_wait3A_458] : memref<10240x16xf32, #tpu.memory_space<vmem_shared>> -> memref<10240x16xf32, #tpu.memory_space<vmem_shared>>
      %dma_wait3A_460 = tpu.memref_slice %arg13[%dma_wait3A_449] : memref<8x!tpu.dma_semaphore, #tpu.memory_space<semaphore_mem>> -> memref<1x!tpu.dma_semaphore, #tpu.memory_space<semaphore_mem>>
      %dma_wait3A_461 = tpu.memref_squeeze %dma_wait3A_460 : memref<1x!tpu.dma_semaphore, #tpu.memory_space<semaphore_mem>> -> memref<!tpu.dma_semaphore, #tpu.memory_space<semaphore_mem>>
      tpu.wait_indirect_dma semaphore(%dma_wait3A_461 : memref<!tpu.dma_semaphore, #tpu.memory_space<semaphore_mem>>) src(%dma_wait3A_453 : memref<128x16xf32, #tpu.memory_space<vmem>>) dst(%dma_wait3A_459 : memref<10240x16xf32, #tpu.memory_space<vmem_shared>>)
      %dma_wait3A_462 = arith.constant 3 : i32
      %dma_wait3A_463 = arith.constant 3 : i32
      %dma_wait3A_464 = arith.constant 0 : i32
      %dma_wait3A_465 = arith.constant 0 : i32
      %dma_wait3A_466 = tpu.memref_slice %arg10[%dma_wait3A_462, %dma_wait3A_464, %dma_wait3A_465] : memref<8x128x16xf32, #tpu.memory_space<vmem>> -> memref<1x128x16xf32, #tpu.memory_space<vmem>>
      %dma_wait3A_467 = tpu.memref_squeeze %dma_wait3A_466 : memref<1x128x16xf32, #tpu.memory_space<vmem>> -> memref<128x16xf32, #tpu.memory_space<vmem>>
      %dma_wait3A_468 = arith.constant 0 : i32
      %dma_wait3A_469 = tpu.memref_slice %arg9[%add3A_285, %dma_wait3A_468] : memref<144x128xi32, #tpu.memory_space<vmem>> -> memref<1x128xi32, #tpu.memory_space<vmem>>
      %dma_wait3A_470 = tpu.memref_squeeze %dma_wait3A_469 : memref<1x128xi32, #tpu.memory_space<vmem>> -> memref<128xi32, #tpu.memory_space<vmem>>
      %dma_wait3A_471 = arith.constant 0 : i32
      %dma_wait3A_472 = arith.constant 0 : i32
      %dma_wait3A_473 = tpu.memref_slice %arg11[%dma_wait3A_471, %dma_wait3A_472] : memref<10240x16xf32, #tpu.memory_space<vmem_shared>> -> memref<10240x16xf32, #tpu.memory_space<vmem_shared>>
      %dma_wait3A_474 = tpu.memref_slice %arg13[%dma_wait3A_463] : memref<8x!tpu.dma_semaphore, #tpu.memory_space<semaphore_mem>> -> memref<1x!tpu.dma_semaphore, #tpu.memory_space<semaphore_mem>>
      %dma_wait3A_475 = tpu.memref_squeeze %dma_wait3A_474 : memref<1x!tpu.dma_semaphore, #tpu.memory_space<semaphore_mem>> -> memref<!tpu.dma_semaphore, #tpu.memory_space<semaphore_mem>>
      tpu.wait_indirect_dma semaphore(%dma_wait3A_475 : memref<!tpu.dma_semaphore, #tpu.memory_space<semaphore_mem>>) src(%dma_wait3A_467 : memref<128x16xf32, #tpu.memory_space<vmem>>) dst(%dma_wait3A_473 : memref<10240x16xf32, #tpu.memory_space<vmem_shared>>)
      %dma_wait3A_476 = arith.constant 4 : i32
      %dma_wait3A_477 = arith.constant 4 : i32
      %dma_wait3A_478 = arith.constant 0 : i32
      %dma_wait3A_479 = arith.constant 0 : i32
      %dma_wait3A_480 = tpu.memref_slice %arg10[%dma_wait3A_476, %dma_wait3A_478, %dma_wait3A_479] : memref<8x128x16xf32, #tpu.memory_space<vmem>> -> memref<1x128x16xf32, #tpu.memory_space<vmem>>
      %dma_wait3A_481 = tpu.memref_squeeze %dma_wait3A_480 : memref<1x128x16xf32, #tpu.memory_space<vmem>> -> memref<128x16xf32, #tpu.memory_space<vmem>>
      %dma_wait3A_482 = arith.constant 0 : i32
      %dma_wait3A_483 = tpu.memref_slice %arg9[%add3A_315, %dma_wait3A_482] : memref<144x128xi32, #tpu.memory_space<vmem>> -> memref<1x128xi32, #tpu.memory_space<vmem>>
      %dma_wait3A_484 = tpu.memref_squeeze %dma_wait3A_483 : memref<1x128xi32, #tpu.memory_space<vmem>> -> memref<128xi32, #tpu.memory_space<vmem>>
      %dma_wait3A_485 = arith.constant 0 : i32
      %dma_wait3A_486 = arith.constant 0 : i32
      %dma_wait3A_487 = tpu.memref_slice %arg11[%dma_wait3A_485, %dma_wait3A_486] : memref<10240x16xf32, #tpu.memory_space<vmem_shared>> -> memref<10240x16xf32, #tpu.memory_space<vmem_shared>>
      %dma_wait3A_488 = tpu.memref_slice %arg13[%dma_wait3A_477] : memref<8x!tpu.dma_semaphore, #tpu.memory_space<semaphore_mem>> -> memref<1x!tpu.dma_semaphore, #tpu.memory_space<semaphore_mem>>
      %dma_wait3A_489 = tpu.memref_squeeze %dma_wait3A_488 : memref<1x!tpu.dma_semaphore, #tpu.memory_space<semaphore_mem>> -> memref<!tpu.dma_semaphore, #tpu.memory_space<semaphore_mem>>
      tpu.wait_indirect_dma semaphore(%dma_wait3A_489 : memref<!tpu.dma_semaphore, #tpu.memory_space<semaphore_mem>>) src(%dma_wait3A_481 : memref<128x16xf32, #tpu.memory_space<vmem>>) dst(%dma_wait3A_487 : memref<10240x16xf32, #tpu.memory_space<vmem_shared>>)
      %dma_wait3A_490 = arith.constant 5 : i32
      %dma_wait3A_491 = arith.constant 5 : i32
      %dma_wait3A_492 = arith.constant 0 : i32
      %dma_wait3A_493 = arith.constant 0 : i32
      %dma_wait3A_494 = tpu.memref_slice %arg10[%dma_wait3A_490, %dma_wait3A_492, %dma_wait3A_493] : memref<8x128x16xf32, #tpu.memory_space<vmem>> -> memref<1x128x16xf32, #tpu.memory_space<vmem>>
      %dma_wait3A_495 = tpu.memref_squeeze %dma_wait3A_494 : memref<1x128x16xf32, #tpu.memory_space<vmem>> -> memref<128x16xf32, #tpu.memory_space<vmem>>
      %dma_wait3A_496 = arith.constant 0 : i32
      %dma_wait3A_497 = tpu.memref_slice %arg9[%add3A_345, %dma_wait3A_496] : memref<144x128xi32, #tpu.memory_space<vmem>> -> memref<1x128xi32, #tpu.memory_space<vmem>>
      %dma_wait3A_498 = tpu.memref_squeeze %dma_wait3A_497 : memref<1x128xi32, #tpu.memory_space<vmem>> -> memref<128xi32, #tpu.memory_space<vmem>>
      %dma_wait3A_499 = arith.constant 0 : i32
      %dma_wait3A_500 = arith.constant 0 : i32
      %dma_wait3A_501 = tpu.memref_slice %arg11[%dma_wait3A_499, %dma_wait3A_500] : memref<10240x16xf32, #tpu.memory_space<vmem_shared>> -> memref<10240x16xf32, #tpu.memory_space<vmem_shared>>
      %dma_wait3A_502 = tpu.memref_slice %arg13[%dma_wait3A_491] : memref<8x!tpu.dma_semaphore, #tpu.memory_space<semaphore_mem>> -> memref<1x!tpu.dma_semaphore, #tpu.memory_space<semaphore_mem>>
      %dma_wait3A_503 = tpu.memref_squeeze %dma_wait3A_502 : memref<1x!tpu.dma_semaphore, #tpu.memory_space<semaphore_mem>> -> memref<!tpu.dma_semaphore, #tpu.memory_space<semaphore_mem>>
      tpu.wait_indirect_dma semaphore(%dma_wait3A_503 : memref<!tpu.dma_semaphore, #tpu.memory_space<semaphore_mem>>) src(%dma_wait3A_495 : memref<128x16xf32, #tpu.memory_space<vmem>>) dst(%dma_wait3A_501 : memref<10240x16xf32, #tpu.memory_space<vmem_shared>>)
      %dma_wait3A_504 = arith.constant 6 : i32
      %dma_wait3A_505 = arith.constant 6 : i32
      %dma_wait3A_506 = arith.constant 0 : i32
      %dma_wait3A_507 = arith.constant 0 : i32
      %dma_wait3A_508 = tpu.memref_slice %arg10[%dma_wait3A_504, %dma_wait3A_506, %dma_wait3A_507] : memref<8x128x16xf32, #tpu.memory_space<vmem>> -> memref<1x128x16xf32, #tpu.memory_space<vmem>>
      %dma_wait3A_509 = tpu.memref_squeeze %dma_wait3A_508 : memref<1x128x16xf32, #tpu.memory_space<vmem>> -> memref<128x16xf32, #tpu.memory_space<vmem>>
      %dma_wait3A_510 = arith.constant 0 : i32
      %dma_wait3A_511 = tpu.memref_slice %arg9[%add3A_375, %dma_wait3A_510] : memref<144x128xi32, #tpu.memory_space<vmem>> -> memref<1x128xi32, #tpu.memory_space<vmem>>
      %dma_wait3A_512 = tpu.memref_squeeze %dma_wait3A_511 : memref<1x128xi32, #tpu.memory_space<vmem>> -> memref<128xi32, #tpu.memory_space<vmem>>
      %dma_wait3A_513 = arith.constant 0 : i32
      %dma_wait3A_514 = arith.constant 0 : i32
      %dma_wait3A_515 = tpu.memref_slice %arg11[%dma_wait3A_513, %dma_wait3A_514] : memref<10240x16xf32, #tpu.memory_space<vmem_shared>> -> memref<10240x16xf32, #tpu.memory_space<vmem_shared>>
      %dma_wait3A_516 = tpu.memref_slice %arg13[%dma_wait3A_505] : memref<8x!tpu.dma_semaphore, #tpu.memory_space<semaphore_mem>> -> memref<1x!tpu.dma_semaphore, #tpu.memory_space<semaphore_mem>>
      %dma_wait3A_517 = tpu.memref_squeeze %dma_wait3A_516 : memref<1x!tpu.dma_semaphore, #tpu.memory_space<semaphore_mem>> -> memref<!tpu.dma_semaphore, #tpu.memory_space<semaphore_mem>>
      tpu.wait_indirect_dma semaphore(%dma_wait3A_517 : memref<!tpu.dma_semaphore, #tpu.memory_space<semaphore_mem>>) src(%dma_wait3A_509 : memref<128x16xf32, #tpu.memory_space<vmem>>) dst(%dma_wait3A_515 : memref<10240x16xf32, #tpu.memory_space<vmem_shared>>)
      %dma_wait3A_518 = arith.constant 7 : i32
      %dma_wait3A_519 = arith.constant 7 : i32
      %dma_wait3A_520 = arith.constant 0 : i32
      %dma_wait3A_521 = arith.constant 0 : i32
      %dma_wait3A_522 = tpu.memref_slice %arg10[%dma_wait3A_518, %dma_wait3A_520, %dma_wait3A_521] : memref<8x128x16xf32, #tpu.memory_space<vmem>> -> memref<1x128x16xf32, #tpu.memory_space<vmem>>
      %dma_wait3A_523 = tpu.memref_squeeze %dma_wait3A_522 : memref<1x128x16xf32, #tpu.memory_space<vmem>> -> memref<128x16xf32, #tpu.memory_space<vmem>>
      %dma_wait3A_524 = arith.constant 0 : i32
      %dma_wait3A_525 = tpu.memref_slice %arg9[%add3A_405, %dma_wait3A_524] : memref<144x128xi32, #tpu.memory_space<vmem>> -> memref<1x128xi32, #tpu.memory_space<vmem>>
      %dma_wait3A_526 = tpu.memref_squeeze %dma_wait3A_525 : memref<1x128xi32, #tpu.memory_space<vmem>> -> memref<128xi32, #tpu.memory_space<vmem>>
      %dma_wait3A_527 = arith.constant 0 : i32
      %dma_wait3A_528 = arith.constant 0 : i32
      %dma_wait3A_529 = tpu.memref_slice %arg11[%dma_wait3A_527, %dma_wait3A_528] : memref<10240x16xf32, #tpu.memory_space<vmem_shared>> -> memref<10240x16xf32, #tpu.memory_space<vmem_shared>>
      %dma_wait3A_530 = tpu.memref_slice %arg13[%dma_wait3A_519] : memref<8x!tpu.dma_semaphore, #tpu.memory_space<semaphore_mem>> -> memref<1x!tpu.dma_semaphore, #tpu.memory_space<semaphore_mem>>
      %dma_wait3A_531 = tpu.memref_squeeze %dma_wait3A_530 : memref<1x!tpu.dma_semaphore, #tpu.memory_space<semaphore_mem>> -> memref<!tpu.dma_semaphore, #tpu.memory_space<semaphore_mem>>
      tpu.wait_indirect_dma semaphore(%dma_wait3A_531 : memref<!tpu.dma_semaphore, #tpu.memory_space<semaphore_mem>>) src(%dma_wait3A_523 : memref<128x16xf32, #tpu.memory_space<vmem>>) dst(%dma_wait3A_529 : memref<10240x16xf32, #tpu.memory_space<vmem_shared>>)
    }
    %while3A_49 = arith.constant 1 : i32
    scf.for %while3A_51 = %while3A_47 to %while3A_43 step %while3A_49  : i32 {
      %mul3A_52 = arith.constant 8 : i32
      %mul3A_53 = arith.muli %while3A_51, %mul3A_52 : i32
      %add3A_54 = arith.constant 0 : i32
      %add3A_55 = arith.addi %mul3A_53, %add3A_54 : i32
      %dma_start3A = arith.constant 0 : i32
      %dma_start3A_56 = arith.constant 0 : i32
      %dma_start3A_57 = arith.constant 0 : i32
      %dma_start3A_58 = arith.constant 0 : i32
      %dma_start3A_59 = tpu.memref_slice %arg10[%dma_start3A, %dma_start3A_57, %dma_start3A_58] : memref<8x128x16xf32, #tpu.memory_space<vmem>> -> memref<1x128x16xf32, #tpu.memory_space<vmem>>
      %dma_start3A_60 = tpu.memref_squeeze %dma_start3A_59 : memref<1x128x16xf32, #tpu.memory_space<vmem>> -> memref<128x16xf32, #tpu.memory_space<vmem>>
      %dma_start3A_61 = arith.constant 0 : i32
      %dma_start3A_62 = tpu.memref_slice %arg8[%add3A_55, %dma_start3A_61] : memref<144x128xi32, #tpu.memory_space<vmem>> -> memref<1x128xi32, #tpu.memory_space<vmem>>
      %dma_start3A_63 = tpu.memref_squeeze %dma_start3A_62 : memref<1x128xi32, #tpu.memory_space<vmem>> -> memref<128xi32, #tpu.memory_space<vmem>>
      %dma_start3A_64 = arith.constant 0 : i32
      %dma_start3A_65 = arith.constant 0 : i32
      %dma_start3A_66 = tpu.memref_slice %arg2[%dma_start3A_64, %dma_start3A_65] : memref<10000x16xf32, #tpu.memory_space<hbm>> -> memref<10000x16xf32, #tpu.memory_space<hbm>>
      %dma_start3A_67 = tpu.memref_slice %arg12[%dma_start3A_56] : memref<8x!tpu.dma_semaphore, #tpu.memory_space<semaphore_mem>> -> memref<1x!tpu.dma_semaphore, #tpu.memory_space<semaphore_mem>>
      %dma_start3A_68 = tpu.memref_squeeze %dma_start3A_67 : memref<1x!tpu.dma_semaphore, #tpu.memory_space<semaphore_mem>> -> memref<!tpu.dma_semaphore, #tpu.memory_space<semaphore_mem>>
      tpu.enqueue_indirect_dma source(%dma_start3A_66 : memref<10000x16xf32, #tpu.memory_space<hbm>>) target(%dma_start3A_60 : memref<128x16xf32, #tpu.memory_space<vmem>>) offsets(%dma_start3A_63 : memref<128xi32, #tpu.memory_space<vmem>>) semaphore(%dma_start3A_68 : memref<!tpu.dma_semaphore, #tpu.memory_space<semaphore_mem>>)
      %add3A_69 = arith.constant 1 : i32
      %add3A_70 = arith.addi %mul3A_53, %add3A_69 : i32
      %dma_start3A_71 = arith.constant 1 : i32
      %dma_start3A_72 = arith.constant 1 : i32
      %dma_start3A_73 = arith.constant 0 : i32
      %dma_start3A_74 = arith.constant 0 : i32
      %dma_start3A_75 = tpu.memref_slice %arg10[%dma_start3A_71, %dma_start3A_73, %dma_start3A_74] : memref<8x128x16xf32, #tpu.memory_space<vmem>> -> memref<1x128x16xf32, #tpu.memory_space<vmem>>
      %dma_start3A_76 = tpu.memref_squeeze %dma_start3A_75 : memref<1x128x16xf32, #tpu.memory_space<vmem>> -> memref<128x16xf32, #tpu.memory_space<vmem>>
      %dma_start3A_77 = arith.constant 0 : i32
      %dma_start3A_78 = tpu.memref_slice %arg8[%add3A_70, %dma_start3A_77] : memref<144x128xi32, #tpu.memory_space<vmem>> -> memref<1x128xi32, #tpu.memory_space<vmem>>
      %dma_start3A_79 = tpu.memref_squeeze %dma_start3A_78 : memref<1x128xi32, #tpu.memory_space<vmem>> -> memref<128xi32, #tpu.memory_space<vmem>>
      %dma_start3A_80 = arith.constant 0 : i32
      %dma_start3A_81 = arith.constant 0 : i32
      %dma_start3A_82 = tpu.memref_slice %arg2[%dma_start3A_80, %dma_start3A_81] : memref<10000x16xf32, #tpu.memory_space<hbm>> -> memref<10000x16xf32, #tpu.memory_space<hbm>>
      %dma_start3A_83 = tpu.memref_slice %arg12[%dma_start3A_72] : memref<8x!tpu.dma_semaphore, #tpu.memory_space<semaphore_mem>> -> memref<1x!tpu.dma_semaphore, #tpu.memory_space<semaphore_mem>>
      %dma_start3A_84 = tpu.memref_squeeze %dma_start3A_83 : memref<1x!tpu.dma_semaphore, #tpu.memory_space<semaphore_mem>> -> memref<!tpu.dma_semaphore, #tpu.memory_space<semaphore_mem>>
      tpu.enqueue_indirect_dma source(%dma_start3A_82 : memref<10000x16xf32, #tpu.memory_space<hbm>>) target(%dma_start3A_76 : memref<128x16xf32, #tpu.memory_space<vmem>>) offsets(%dma_start3A_79 : memref<128xi32, #tpu.memory_space<vmem>>) semaphore(%dma_start3A_84 : memref<!tpu.dma_semaphore, #tpu.memory_space<semaphore_mem>>)
      %add3A_85 = arith.constant 2 : i32
      %add3A_86 = arith.addi %mul3A_53, %add3A_85 : i32
      %dma_start3A_87 = arith.constant 2 : i32
      %dma_start3A_88 = arith.constant 2 : i32
      %dma_start3A_89 = arith.constant 0 : i32
      %dma_start3A_90 = arith.constant 0 : i32
      %dma_start3A_91 = tpu.memref_slice %arg10[%dma_start3A_87, %dma_start3A_89, %dma_start3A_90] : memref<8x128x16xf32, #tpu.memory_space<vmem>> -> memref<1x128x16xf32, #tpu.memory_space<vmem>>
      %dma_start3A_92 = tpu.memref_squeeze %dma_start3A_91 : memref<1x128x16xf32, #tpu.memory_space<vmem>> -> memref<128x16xf32, #tpu.memory_space<vmem>>
      %dma_start3A_93 = arith.constant 0 : i32
      %dma_start3A_94 = tpu.memref_slice %arg8[%add3A_86, %dma_start3A_93] : memref<144x128xi32, #tpu.memory_space<vmem>> -> memref<1x128xi32, #tpu.memory_space<vmem>>
      %dma_start3A_95 = tpu.memref_squeeze %dma_start3A_94 : memref<1x128xi32, #tpu.memory_space<vmem>> -> memref<128xi32, #tpu.memory_space<vmem>>
      %dma_start3A_96 = arith.constant 0 : i32
      %dma_start3A_97 = arith.constant 0 : i32
      %dma_start3A_98 = tpu.memref_slice %arg2[%dma_start3A_96, %dma_start3A_97] : memref<10000x16xf32, #tpu.memory_space<hbm>> -> memref<10000x16xf32, #tpu.memory_space<hbm>>
      %dma_start3A_99 = tpu.memref_slice %arg12[%dma_start3A_88] : memref<8x!tpu.dma_semaphore, #tpu.memory_space<semaphore_mem>> -> memref<1x!tpu.dma_semaphore, #tpu.memory_space<semaphore_mem>>
      %dma_start3A_100 = tpu.memref_squeeze %dma_start3A_99 : memref<1x!tpu.dma_semaphore, #tpu.memory_space<semaphore_mem>> -> memref<!tpu.dma_semaphore, #tpu.memory_space<semaphore_mem>>
      tpu.enqueue_indirect_dma source(%dma_start3A_98 : memref<10000x16xf32, #tpu.memory_space<hbm>>) target(%dma_start3A_92 : memref<128x16xf32, #tpu.memory_space<vmem>>) offsets(%dma_start3A_95 : memref<128xi32, #tpu.memory_space<vmem>>) semaphore(%dma_start3A_100 : memref<!tpu.dma_semaphore, #tpu.memory_space<semaphore_mem>>)
      %add3A_101 = arith.constant 3 : i32
      %add3A_102 = arith.addi %mul3A_53, %add3A_101 : i32
      %dma_start3A_103 = arith.constant 3 : i32
      %dma_start3A_104 = arith.constant 3 : i32
      %dma_start3A_105 = arith.constant 0 : i32
      %dma_start3A_106 = arith.constant 0 : i32
      %dma_start3A_107 = tpu.memref_slice %arg10[%dma_start3A_103, %dma_start3A_105, %dma_start3A_106] : memref<8x128x16xf32, #tpu.memory_space<vmem>> -> memref<1x128x16xf32, #tpu.memory_space<vmem>>
      %dma_start3A_108 = tpu.memref_squeeze %dma_start3A_107 : memref<1x128x16xf32, #tpu.memory_space<vmem>> -> memref<128x16xf32, #tpu.memory_space<vmem>>
      %dma_start3A_109 = arith.constant 0 : i32
      %dma_start3A_110 = tpu.memref_slice %arg8[%add3A_102, %dma_start3A_109] : memref<144x128xi32, #tpu.memory_space<vmem>> -> memref<1x128xi32, #tpu.memory_space<vmem>>
      %dma_start3A_111 = tpu.memref_squeeze %dma_start3A_110 : memref<1x128xi32, #tpu.memory_space<vmem>> -> memref<128xi32, #tpu.memory_space<vmem>>
      %dma_start3A_112 = arith.constant 0 : i32
      %dma_start3A_113 = arith.constant 0 : i32
      %dma_start3A_114 = tpu.memref_slice %arg2[%dma_start3A_112, %dma_start3A_113] : memref<10000x16xf32, #tpu.memory_space<hbm>> -> memref<10000x16xf32, #tpu.memory_space<hbm>>
      %dma_start3A_115 = tpu.memref_slice %arg12[%dma_start3A_104] : memref<8x!tpu.dma_semaphore, #tpu.memory_space<semaphore_mem>> -> memref<1x!tpu.dma_semaphore, #tpu.memory_space<semaphore_mem>>
      %dma_start3A_116 = tpu.memref_squeeze %dma_start3A_115 : memref<1x!tpu.dma_semaphore, #tpu.memory_space<semaphore_mem>> -> memref<!tpu.dma_semaphore, #tpu.memory_space<semaphore_mem>>
      tpu.enqueue_indirect_dma source(%dma_start3A_114 : memref<10000x16xf32, #tpu.memory_space<hbm>>) target(%dma_start3A_108 : memref<128x16xf32, #tpu.memory_space<vmem>>) offsets(%dma_start3A_111 : memref<128xi32, #tpu.memory_space<vmem>>) semaphore(%dma_start3A_116 : memref<!tpu.dma_semaphore, #tpu.memory_space<semaphore_mem>>)
      %add3A_117 = arith.constant 4 : i32
      %add3A_118 = arith.addi %mul3A_53, %add3A_117 : i32
      %dma_start3A_119 = arith.constant 4 : i32
      %dma_start3A_120 = arith.constant 4 : i32
      %dma_start3A_121 = arith.constant 0 : i32
      %dma_start3A_122 = arith.constant 0 : i32
      %dma_start3A_123 = tpu.memref_slice %arg10[%dma_start3A_119, %dma_start3A_121, %dma_start3A_122] : memref<8x128x16xf32, #tpu.memory_space<vmem>> -> memref<1x128x16xf32, #tpu.memory_space<vmem>>
      %dma_start3A_124 = tpu.memref_squeeze %dma_start3A_123 : memref<1x128x16xf32, #tpu.memory_space<vmem>> -> memref<128x16xf32, #tpu.memory_space<vmem>>
      %dma_start3A_125 = arith.constant 0 : i32
      %dma_start3A_126 = tpu.memref_slice %arg8[%add3A_118, %dma_start3A_125] : memref<144x128xi32, #tpu.memory_space<vmem>> -> memref<1x128xi32, #tpu.memory_space<vmem>>
      %dma_start3A_127 = tpu.memref_squeeze %dma_start3A_126 : memref<1x128xi32, #tpu.memory_space<vmem>> -> memref<128xi32, #tpu.memory_space<vmem>>
      %dma_start3A_128 = arith.constant 0 : i32
      %dma_start3A_129 = arith.constant 0 : i32
      %dma_start3A_130 = tpu.memref_slice %arg2[%dma_start3A_128, %dma_start3A_129] : memref<10000x16xf32, #tpu.memory_space<hbm>> -> memref<10000x16xf32, #tpu.memory_space<hbm>>
      %dma_start3A_131 = tpu.memref_slice %arg12[%dma_start3A_120] : memref<8x!tpu.dma_semaphore, #tpu.memory_space<semaphore_mem>> -> memref<1x!tpu.dma_semaphore, #tpu.memory_space<semaphore_mem>>
      %dma_start3A_132 = tpu.memref_squeeze %dma_start3A_131 : memref<1x!tpu.dma_semaphore, #tpu.memory_space<semaphore_mem>> -> memref<!tpu.dma_semaphore, #tpu.memory_space<semaphore_mem>>
      tpu.enqueue_indirect_dma source(%dma_start3A_130 : memref<10000x16xf32, #tpu.memory_space<hbm>>) target(%dma_start3A_124 : memref<128x16xf32, #tpu.memory_space<vmem>>) offsets(%dma_start3A_127 : memref<128xi32, #tpu.memory_space<vmem>>) semaphore(%dma_start3A_132 : memref<!tpu.dma_semaphore, #tpu.memory_space<semaphore_mem>>)
      %add3A_133 = arith.constant 5 : i32
      %add3A_134 = arith.addi %mul3A_53, %add3A_133 : i32
      %dma_start3A_135 = arith.constant 5 : i32
      %dma_start3A_136 = arith.constant 5 : i32
      %dma_start3A_137 = arith.constant 0 : i32
      %dma_start3A_138 = arith.constant 0 : i32
      %dma_start3A_139 = tpu.memref_slice %arg10[%dma_start3A_135, %dma_start3A_137, %dma_start3A_138] : memref<8x128x16xf32, #tpu.memory_space<vmem>> -> memref<1x128x16xf32, #tpu.memory_space<vmem>>
      %dma_start3A_140 = tpu.memref_squeeze %dma_start3A_139 : memref<1x128x16xf32, #tpu.memory_space<vmem>> -> memref<128x16xf32, #tpu.memory_space<vmem>>
      %dma_start3A_141 = arith.constant 0 : i32
      %dma_start3A_142 = tpu.memref_slice %arg8[%add3A_134, %dma_start3A_141] : memref<144x128xi32, #tpu.memory_space<vmem>> -> memref<1x128xi32, #tpu.memory_space<vmem>>
      %dma_start3A_143 = tpu.memref_squeeze %dma_start3A_142 : memref<1x128xi32, #tpu.memory_space<vmem>> -> memref<128xi32, #tpu.memory_space<vmem>>
      %dma_start3A_144 = arith.constant 0 : i32
      %dma_start3A_145 = arith.constant 0 : i32
      %dma_start3A_146 = tpu.memref_slice %arg2[%dma_start3A_144, %dma_start3A_145] : memref<10000x16xf32, #tpu.memory_space<hbm>> -> memref<10000x16xf32, #tpu.memory_space<hbm>>
      %dma_start3A_147 = tpu.memref_slice %arg12[%dma_start3A_136] : memref<8x!tpu.dma_semaphore, #tpu.memory_space<semaphore_mem>> -> memref<1x!tpu.dma_semaphore, #tpu.memory_space<semaphore_mem>>
      %dma_start3A_148 = tpu.memref_squeeze %dma_start3A_147 : memref<1x!tpu.dma_semaphore, #tpu.memory_space<semaphore_mem>> -> memref<!tpu.dma_semaphore, #tpu.memory_space<semaphore_mem>>
      tpu.enqueue_indirect_dma source(%dma_start3A_146 : memref<10000x16xf32, #tpu.memory_space<hbm>>) target(%dma_start3A_140 : memref<128x16xf32, #tpu.memory_space<vmem>>) offsets(%dma_start3A_143 : memref<128xi32, #tpu.memory_space<vmem>>) semaphore(%dma_start3A_148 : memref<!tpu.dma_semaphore, #tpu.memory_space<semaphore_mem>>)
      %add3A_149 = arith.constant 6 : i32
      %add3A_150 = arith.addi %mul3A_53, %add3A_149 : i32
      %dma_start3A_151 = arith.constant 6 : i32
      %dma_start3A_152 = arith.constant 6 : i32
      %dma_start3A_153 = arith.constant 0 : i32
      %dma_start3A_154 = arith.constant 0 : i32
      %dma_start3A_155 = tpu.memref_slice %arg10[%dma_start3A_151, %dma_start3A_153, %dma_start3A_154] : memref<8x128x16xf32, #tpu.memory_space<vmem>> -> memref<1x128x16xf32, #tpu.memory_space<vmem>>
      %dma_start3A_156 = tpu.memref_squeeze %dma_start3A_155 : memref<1x128x16xf32, #tpu.memory_space<vmem>> -> memref<128x16xf32, #tpu.memory_space<vmem>>
      %dma_start3A_157 = arith.constant 0 : i32
      %dma_start3A_158 = tpu.memref_slice %arg8[%add3A_150, %dma_start3A_157] : memref<144x128xi32, #tpu.memory_space<vmem>> -> memref<1x128xi32, #tpu.memory_space<vmem>>
      %dma_start3A_159 = tpu.memref_squeeze %dma_start3A_158 : memref<1x128xi32, #tpu.memory_space<vmem>> -> memref<128xi32, #tpu.memory_space<vmem>>
      %dma_start3A_160 = arith.constant 0 : i32
      %dma_start3A_161 = arith.constant 0 : i32
      %dma_start3A_162 = tpu.memref_slice %arg2[%dma_start3A_160, %dma_start3A_161] : memref<10000x16xf32, #tpu.memory_space<hbm>> -> memref<10000x16xf32, #tpu.memory_space<hbm>>
      %dma_start3A_163 = tpu.memref_slice %arg12[%dma_start3A_152] : memref<8x!tpu.dma_semaphore, #tpu.memory_space<semaphore_mem>> -> memref<1x!tpu.dma_semaphore, #tpu.memory_space<semaphore_mem>>
      %dma_start3A_164 = tpu.memref_squeeze %dma_start3A_163 : memref<1x!tpu.dma_semaphore, #tpu.memory_space<semaphore_mem>> -> memref<!tpu.dma_semaphore, #tpu.memory_space<semaphore_mem>>
      tpu.enqueue_indirect_dma source(%dma_start3A_162 : memref<10000x16xf32, #tpu.memory_space<hbm>>) target(%dma_start3A_156 : memref<128x16xf32, #tpu.memory_space<vmem>>) offsets(%dma_start3A_159 : memref<128xi32, #tpu.memory_space<vmem>>) semaphore(%dma_start3A_164 : memref<!tpu.dma_semaphore, #tpu.memory_space<semaphore_mem>>)
      %add3A_165 = arith.constant 7 : i32
      %add3A_166 = arith.addi %mul3A_53, %add3A_165 : i32
      %dma_start3A_167 = arith.constant 7 : i32
      %dma_start3A_168 = arith.constant 7 : i32
      %dma_start3A_169 = arith.constant 0 : i32
      %dma_start3A_170 = arith.constant 0 : i32
      %dma_start3A_171 = tpu.memref_slice %arg10[%dma_start3A_167, %dma_start3A_169, %dma_start3A_170] : memref<8x128x16xf32, #tpu.memory_space<vmem>> -> memref<1x128x16xf32, #tpu.memory_space<vmem>>
      %dma_start3A_172 = tpu.memref_squeeze %dma_start3A_171 : memref<1x128x16xf32, #tpu.memory_space<vmem>> -> memref<128x16xf32, #tpu.memory_space<vmem>>
      %dma_start3A_173 = arith.constant 0 : i32
      %dma_start3A_174 = tpu.memref_slice %arg8[%add3A_166, %dma_start3A_173] : memref<144x128xi32, #tpu.memory_space<vmem>> -> memref<1x128xi32, #tpu.memory_space<vmem>>
      %dma_start3A_175 = tpu.memref_squeeze %dma_start3A_174 : memref<1x128xi32, #tpu.memory_space<vmem>> -> memref<128xi32, #tpu.memory_space<vmem>>
      %dma_start3A_176 = arith.constant 0 : i32
      %dma_start3A_177 = arith.constant 0 : i32
      %dma_start3A_178 = tpu.memref_slice %arg2[%dma_start3A_176, %dma_start3A_177] : memref<10000x16xf32, #tpu.memory_space<hbm>> -> memref<10000x16xf32, #tpu.memory_space<hbm>>
      %dma_start3A_179 = tpu.memref_slice %arg12[%dma_start3A_168] : memref<8x!tpu.dma_semaphore, #tpu.memory_space<semaphore_mem>> -> memref<1x!tpu.dma_semaphore, #tpu.memory_space<semaphore_mem>>
      %dma_start3A_180 = tpu.memref_squeeze %dma_start3A_179 : memref<1x!tpu.dma_semaphore, #tpu.memory_space<semaphore_mem>> -> memref<!tpu.dma_semaphore, #tpu.memory_space<semaphore_mem>>
      tpu.enqueue_indirect_dma source(%dma_start3A_178 : memref<10000x16xf32, #tpu.memory_space<hbm>>) target(%dma_start3A_172 : memref<128x16xf32, #tpu.memory_space<vmem>>) offsets(%dma_start3A_175 : memref<128xi32, #tpu.memory_space<vmem>>) semaphore(%dma_start3A_180 : memref<!tpu.dma_semaphore, #tpu.memory_space<semaphore_mem>>)
      %dma_wait3A = arith.constant 0 : i32
      %dma_wait3A_181 = arith.constant 0 : i32
      %dma_wait3A_182 = arith.constant 0 : i32
      %dma_wait3A_183 = arith.constant 0 : i32
      %dma_wait3A_184 = tpu.memref_slice %arg10[%dma_wait3A, %dma_wait3A_182, %dma_wait3A_183] : memref<8x128x16xf32, #tpu.memory_space<vmem>> -> memref<1x128x16xf32, #tpu.memory_space<vmem>>
      %dma_wait3A_185 = tpu.memref_squeeze %dma_wait3A_184 : memref<1x128x16xf32, #tpu.memory_space<vmem>> -> memref<128x16xf32, #tpu.memory_space<vmem>>
      %dma_wait3A_186 = arith.constant 0 : i32
      %dma_wait3A_187 = tpu.memref_slice %arg8[%add3A_55, %dma_wait3A_186] : memref<144x128xi32, #tpu.memory_space<vmem>> -> memref<1x128xi32, #tpu.memory_space<vmem>>
      %dma_wait3A_188 = tpu.memref_squeeze %dma_wait3A_187 : memref<1x128xi32, #tpu.memory_space<vmem>> -> memref<128xi32, #tpu.memory_space<vmem>>
      %dma_wait3A_189 = arith.constant 0 : i32
      %dma_wait3A_190 = arith.constant 0 : i32
      %dma_wait3A_191 = tpu.memref_slice %arg2[%dma_wait3A_189, %dma_wait3A_190] : memref<10000x16xf32, #tpu.memory_space<hbm>> -> memref<10000x16xf32, #tpu.memory_space<hbm>>
      %dma_wait3A_192 = tpu.memref_slice %arg12[%dma_wait3A_181] : memref<8x!tpu.dma_semaphore, #tpu.memory_space<semaphore_mem>> -> memref<1x!tpu.dma_semaphore, #tpu.memory_space<semaphore_mem>>
      %dma_wait3A_193 = tpu.memref_squeeze %dma_wait3A_192 : memref<1x!tpu.dma_semaphore, #tpu.memory_space<semaphore_mem>> -> memref<!tpu.dma_semaphore, #tpu.memory_space<semaphore_mem>>
      tpu.wait_indirect_dma semaphore(%dma_wait3A_193 : memref<!tpu.dma_semaphore, #tpu.memory_space<semaphore_mem>>) src(%dma_wait3A_191 : memref<10000x16xf32, #tpu.memory_space<hbm>>) dst(%dma_wait3A_185 : memref<128x16xf32, #tpu.memory_space<vmem>>)
      %add3A_194 = arith.constant 0 : i32
      %add3A_195 = arith.addi %mul3A_53, %add3A_194 : i32
      %dma_start3A_196 = arith.constant 0 : i32
      %dma_start3A_197 = arith.constant 0 : i32
      %dma_start3A_198 = arith.constant 0 : i32
      %dma_start3A_199 = arith.constant 0 : i32
      %dma_start3A_200 = tpu.memref_slice %arg10[%dma_start3A_196, %dma_start3A_198, %dma_start3A_199] : memref<8x128x16xf32, #tpu.memory_space<vmem>> -> memref<1x128x16xf32, #tpu.memory_space<vmem>>
      %dma_start3A_201 = tpu.memref_squeeze %dma_start3A_200 : memref<1x128x16xf32, #tpu.memory_space<vmem>> -> memref<128x16xf32, #tpu.memory_space<vmem>>
      %dma_start3A_202 = arith.constant 0 : i32
      %dma_start3A_203 = tpu.memref_slice %arg9[%add3A_195, %dma_start3A_202] : memref<144x128xi32, #tpu.memory_space<vmem>> -> memref<1x128xi32, #tpu.memory_space<vmem>>
      %dma_start3A_204 = tpu.memref_squeeze %dma_start3A_203 : memref<1x128xi32, #tpu.memory_space<vmem>> -> memref<128xi32, #tpu.memory_space<vmem>>
      %dma_start3A_205 = arith.constant 0 : i32
      %dma_start3A_206 = arith.constant 0 : i32
      %dma_start3A_207 = tpu.memref_slice %arg11[%dma_start3A_205, %dma_start3A_206] : memref<10240x16xf32, #tpu.memory_space<vmem_shared>> -> memref<10240x16xf32, #tpu.memory_space<vmem_shared>>
      %dma_start3A_208 = tpu.memref_slice %arg13[%dma_start3A_197] : memref<8x!tpu.dma_semaphore, #tpu.memory_space<semaphore_mem>> -> memref<1x!tpu.dma_semaphore, #tpu.memory_space<semaphore_mem>>
      %dma_start3A_209 = tpu.memref_squeeze %dma_start3A_208 : memref<1x!tpu.dma_semaphore, #tpu.memory_space<semaphore_mem>> -> memref<!tpu.dma_semaphore, #tpu.memory_space<semaphore_mem>>
      tpu.enqueue_indirect_dma source(%dma_start3A_201 : memref<128x16xf32, #tpu.memory_space<vmem>>) target(%dma_start3A_207 : memref<10240x16xf32, #tpu.memory_space<vmem_shared>>) offsets(%dma_start3A_204 : memref<128xi32, #tpu.memory_space<vmem>>) semaphore(%dma_start3A_209 : memref<!tpu.dma_semaphore, #tpu.memory_space<semaphore_mem>>) {add = true}
      %dma_wait3A_210 = arith.constant 1 : i32
      %dma_wait3A_211 = arith.constant 1 : i32
      %dma_wait3A_212 = arith.constant 0 : i32
      %dma_wait3A_213 = arith.constant 0 : i32
      %dma_wait3A_214 = tpu.memref_slice %arg10[%dma_wait3A_210, %dma_wait3A_212, %dma_wait3A_213] : memref<8x128x16xf32, #tpu.memory_space<vmem>> -> memref<1x128x16xf32, #tpu.memory_space<vmem>>
      %dma_wait3A_215 = tpu.memref_squeeze %dma_wait3A_214 : memref<1x128x16xf32, #tpu.memory_space<vmem>> -> memref<128x16xf32, #tpu.memory_space<vmem>>
      %dma_wait3A_216 = arith.constant 0 : i32
      %dma_wait3A_217 = tpu.memref_slice %arg8[%add3A_70, %dma_wait3A_216] : memref<144x128xi32, #tpu.memory_space<vmem>> -> memref<1x128xi32, #tpu.memory_space<vmem>>
      %dma_wait3A_218 = tpu.memref_squeeze %dma_wait3A_217 : memref<1x128xi32, #tpu.memory_space<vmem>> -> memref<128xi32, #tpu.memory_space<vmem>>
      %dma_wait3A_219 = arith.constant 0 : i32
      %dma_wait3A_220 = arith.constant 0 : i32
      %dma_wait3A_221 = tpu.memref_slice %arg2[%dma_wait3A_219, %dma_wait3A_220] : memref<10000x16xf32, #tpu.memory_space<hbm>> -> memref<10000x16xf32, #tpu.memory_space<hbm>>
      %dma_wait3A_222 = tpu.memref_slice %arg12[%dma_wait3A_211] : memref<8x!tpu.dma_semaphore, #tpu.memory_space<semaphore_mem>> -> memref<1x!tpu.dma_semaphore, #tpu.memory_space<semaphore_mem>>
      %dma_wait3A_223 = tpu.memref_squeeze %dma_wait3A_222 : memref<1x!tpu.dma_semaphore, #tpu.memory_space<semaphore_mem>> -> memref<!tpu.dma_semaphore, #tpu.memory_space<semaphore_mem>>
      tpu.wait_indirect_dma semaphore(%dma_wait3A_223 : memref<!tpu.dma_semaphore, #tpu.memory_space<semaphore_mem>>) src(%dma_wait3A_221 : memref<10000x16xf32, #tpu.memory_space<hbm>>) dst(%dma_wait3A_215 : memref<128x16xf32, #tpu.memory_space<vmem>>)
      %add3A_224 = arith.constant 1 : i32
      %add3A_225 = arith.addi %mul3A_53, %add3A_224 : i32
      %dma_start3A_226 = arith.constant 1 : i32
      %dma_start3A_227 = arith.constant 1 : i32
      %dma_start3A_228 = arith.constant 0 : i32
      %dma_start3A_229 = arith.constant 0 : i32
      %dma_start3A_230 = tpu.memref_slice %arg10[%dma_start3A_226, %dma_start3A_228, %dma_start3A_229] : memref<8x128x16xf32, #tpu.memory_space<vmem>> -> memref<1x128x16xf32, #tpu.memory_space<vmem>>
      %dma_start3A_231 = tpu.memref_squeeze %dma_start3A_230 : memref<1x128x16xf32, #tpu.memory_space<vmem>> -> memref<128x16xf32, #tpu.memory_space<vmem>>
      %dma_start3A_232 = arith.constant 0 : i32
      %dma_start3A_233 = tpu.memref_slice %arg9[%add3A_225, %dma_start3A_232] : memref<144x128xi32, #tpu.memory_space<vmem>> -> memref<1x128xi32, #tpu.memory_space<vmem>>
      %dma_start3A_234 = tpu.memref_squeeze %dma_start3A_233 : memref<1x128xi32, #tpu.memory_space<vmem>> -> memref<128xi32, #tpu.memory_space<vmem>>
      %dma_start3A_235 = arith.constant 0 : i32
      %dma_start3A_236 = arith.constant 0 : i32
      %dma_start3A_237 = tpu.memref_slice %arg11[%dma_start3A_235, %dma_start3A_236] : memref<10240x16xf32, #tpu.memory_space<vmem_shared>> -> memref<10240x16xf32, #tpu.memory_space<vmem_shared>>
      %dma_start3A_238 = tpu.memref_slice %arg13[%dma_start3A_227] : memref<8x!tpu.dma_semaphore, #tpu.memory_space<semaphore_mem>> -> memref<1x!tpu.dma_semaphore, #tpu.memory_space<semaphore_mem>>
      %dma_start3A_239 = tpu.memref_squeeze %dma_start3A_238 : memref<1x!tpu.dma_semaphore, #tpu.memory_space<semaphore_mem>> -> memref<!tpu.dma_semaphore, #tpu.memory_space<semaphore_mem>>
      tpu.enqueue_indirect_dma source(%dma_start3A_231 : memref<128x16xf32, #tpu.memory_space<vmem>>) target(%dma_start3A_237 : memref<10240x16xf32, #tpu.memory_space<vmem_shared>>) offsets(%dma_start3A_234 : memref<128xi32, #tpu.memory_space<vmem>>) semaphore(%dma_start3A_239 : memref<!tpu.dma_semaphore, #tpu.memory_space<semaphore_mem>>) {add = true}
      %dma_wait3A_240 = arith.constant 2 : i32
      %dma_wait3A_241 = arith.constant 2 : i32
      %dma_wait3A_242 = arith.constant 0 : i32
      %dma_wait3A_243 = arith.constant 0 : i32
      %dma_wait3A_244 = tpu.memref_slice %arg10[%dma_wait3A_240, %dma_wait3A_242, %dma_wait3A_243] : memref<8x128x16xf32, #tpu.memory_space<vmem>> -> memref<1x128x16xf32, #tpu.memory_space<vmem>>
      %dma_wait3A_245 = tpu.memref_squeeze %dma_wait3A_244 : memref<1x128x16xf32, #tpu.memory_space<vmem>> -> memref<128x16xf32, #tpu.memory_space<vmem>>
      %dma_wait3A_246 = arith.constant 0 : i32
      %dma_wait3A_247 = tpu.memref_slice %arg8[%add3A_86, %dma_wait3A_246] : memref<144x128xi32, #tpu.memory_space<vmem>> -> memref<1x128xi32, #tpu.memory_space<vmem>>
      %dma_wait3A_248 = tpu.memref_squeeze %dma_wait3A_247 : memref<1x128xi32, #tpu.memory_space<vmem>> -> memref<128xi32, #tpu.memory_space<vmem>>
      %dma_wait3A_249 = arith.constant 0 : i32
      %dma_wait3A_250 = arith.constant 0 : i32
      %dma_wait3A_251 = tpu.memref_slice %arg2[%dma_wait3A_249, %dma_wait3A_250] : memref<10000x16xf32, #tpu.memory_space<hbm>> -> memref<10000x16xf32, #tpu.memory_space<hbm>>
      %dma_wait3A_252 = tpu.memref_slice %arg12[%dma_wait3A_241] : memref<8x!tpu.dma_semaphore, #tpu.memory_space<semaphore_mem>> -> memref<1x!tpu.dma_semaphore, #tpu.memory_space<semaphore_mem>>
      %dma_wait3A_253 = tpu.memref_squeeze %dma_wait3A_252 : memref<1x!tpu.dma_semaphore, #tpu.memory_space<semaphore_mem>> -> memref<!tpu.dma_semaphore, #tpu.memory_space<semaphore_mem>>
      tpu.wait_indirect_dma semaphore(%dma_wait3A_253 : memref<!tpu.dma_semaphore, #tpu.memory_space<semaphore_mem>>) src(%dma_wait3A_251 : memref<10000x16xf32, #tpu.memory_space<hbm>>) dst(%dma_wait3A_245 : memref<128x16xf32, #tpu.memory_space<vmem>>)
      %add3A_254 = arith.constant 2 : i32
      %add3A_255 = arith.addi %mul3A_53, %add3A_254 : i32
      %dma_start3A_256 = arith.constant 2 : i32
      %dma_start3A_257 = arith.constant 2 : i32
      %dma_start3A_258 = arith.constant 0 : i32
      %dma_start3A_259 = arith.constant 0 : i32
      %dma_start3A_260 = tpu.memref_slice %arg10[%dma_start3A_256, %dma_start3A_258, %dma_start3A_259] : memref<8x128x16xf32, #tpu.memory_space<vmem>> -> memref<1x128x16xf32, #tpu.memory_space<vmem>>
      %dma_start3A_261 = tpu.memref_squeeze %dma_start3A_260 : memref<1x128x16xf32, #tpu.memory_space<vmem>> -> memref<128x16xf32, #tpu.memory_space<vmem>>
      %dma_start3A_262 = arith.constant 0 : i32
      %dma_start3A_263 = tpu.memref_slice %arg9[%add3A_255, %dma_start3A_262] : memref<144x128xi32, #tpu.memory_space<vmem>> -> memref<1x128xi32, #tpu.memory_space<vmem>>
      %dma_start3A_264 = tpu.memref_squeeze %dma_start3A_263 : memref<1x128xi32, #tpu.memory_space<vmem>> -> memref<128xi32, #tpu.memory_space<vmem>>
      %dma_start3A_265 = arith.constant 0 : i32
      %dma_start3A_266 = arith.constant 0 : i32
      %dma_start3A_267 = tpu.memref_slice %arg11[%dma_start3A_265, %dma_start3A_266] : memref<10240x16xf32, #tpu.memory_space<vmem_shared>> -> memref<10240x16xf32, #tpu.memory_space<vmem_shared>>
      %dma_start3A_268 = tpu.memref_slice %arg13[%dma_start3A_257] : memref<8x!tpu.dma_semaphore, #tpu.memory_space<semaphore_mem>> -> memref<1x!tpu.dma_semaphore, #tpu.memory_space<semaphore_mem>>
      %dma_start3A_269 = tpu.memref_squeeze %dma_start3A_268 : memref<1x!tpu.dma_semaphore, #tpu.memory_space<semaphore_mem>> -> memref<!tpu.dma_semaphore, #tpu.memory_space<semaphore_mem>>
      tpu.enqueue_indirect_dma source(%dma_start3A_261 : memref<128x16xf32, #tpu.memory_space<vmem>>) target(%dma_start3A_267 : memref<10240x16xf32, #tpu.memory_space<vmem_shared>>) offsets(%dma_start3A_264 : memref<128xi32, #tpu.memory_space<vmem>>) semaphore(%dma_start3A_269 : memref<!tpu.dma_semaphore, #tpu.memory_space<semaphore_mem>>) {add = true}
      %dma_wait3A_270 = arith.constant 3 : i32
      %dma_wait3A_271 = arith.constant 3 : i32
      %dma_wait3A_272 = arith.constant 0 : i32
      %dma_wait3A_273 = arith.constant 0 : i32
      %dma_wait3A_274 = tpu.memref_slice %arg10[%dma_wait3A_270, %dma_wait3A_272, %dma_wait3A_273] : memref<8x128x16xf32, #tpu.memory_space<vmem>> -> memref<1x128x16xf32, #tpu.memory_space<vmem>>
      %dma_wait3A_275 = tpu.memref_squeeze %dma_wait3A_274 : memref<1x128x16xf32, #tpu.memory_space<vmem>> -> memref<128x16xf32, #tpu.memory_space<vmem>>
      %dma_wait3A_276 = arith.constant 0 : i32
      %dma_wait3A_277 = tpu.memref_slice %arg8[%add3A_102, %dma_wait3A_276] : memref<144x128xi32, #tpu.memory_space<vmem>> -> memref<1x128xi32, #tpu.memory_space<vmem>>
      %dma_wait3A_278 = tpu.memref_squeeze %dma_wait3A_277 : memref<1x128xi32, #tpu.memory_space<vmem>> -> memref<128xi32, #tpu.memory_space<vmem>>
      %dma_wait3A_279 = arith.constant 0 : i32
      %dma_wait3A_280 = arith.constant 0 : i32
      %dma_wait3A_281 = tpu.memref_slice %arg2[%dma_wait3A_279, %dma_wait3A_280] : memref<10000x16xf32, #tpu.memory_space<hbm>> -> memref<10000x16xf32, #tpu.memory_space<hbm>>
      %dma_wait3A_282 = tpu.memref_slice %arg12[%dma_wait3A_271] : memref<8x!tpu.dma_semaphore, #tpu.memory_space<semaphore_mem>> -> memref<1x!tpu.dma_semaphore, #tpu.memory_space<semaphore_mem>>
      %dma_wait3A_283 = tpu.memref_squeeze %dma_wait3A_282 : memref<1x!tpu.dma_semaphore, #tpu.memory_space<semaphore_mem>> -> memref<!tpu.dma_semaphore, #tpu.memory_space<semaphore_mem>>
      tpu.wait_indirect_dma semaphore(%dma_wait3A_283 : memref<!tpu.dma_semaphore, #tpu.memory_space<semaphore_mem>>) src(%dma_wait3A_281 : memref<10000x16xf32, #tpu.memory_space<hbm>>) dst(%dma_wait3A_275 : memref<128x16xf32, #tpu.memory_space<vmem>>)
      %add3A_284 = arith.constant 3 : i32
      %add3A_285 = arith.addi %mul3A_53, %add3A_284 : i32
      %dma_start3A_286 = arith.constant 3 : i32
      %dma_start3A_287 = arith.constant 3 : i32
      %dma_start3A_288 = arith.constant 0 : i32
      %dma_start3A_289 = arith.constant 0 : i32
      %dma_start3A_290 = tpu.memref_slice %arg10[%dma_start3A_286, %dma_start3A_288, %dma_start3A_289] : memref<8x128x16xf32, #tpu.memory_space<vmem>> -> memref<1x128x16xf32, #tpu.memory_space<vmem>>
      %dma_start3A_291 = tpu.memref_squeeze %dma_start3A_290 : memref<1x128x16xf32, #tpu.memory_space<vmem>> -> memref<128x16xf32, #tpu.memory_space<vmem>>
      %dma_start3A_292 = arith.constant 0 : i32
      %dma_start3A_293 = tpu.memref_slice %arg9[%add3A_285, %dma_start3A_292] : memref<144x128xi32, #tpu.memory_space<vmem>> -> memref<1x128xi32, #tpu.memory_space<vmem>>
      %dma_start3A_294 = tpu.memref_squeeze %dma_start3A_293 : memref<1x128xi32, #tpu.memory_space<vmem>> -> memref<128xi32, #tpu.memory_space<vmem>>
      %dma_start3A_295 = arith.constant 0 : i32
      %dma_start3A_296 = arith.constant 0 : i32
      %dma_start3A_297 = tpu.memref_slice %arg11[%dma_start3A_295, %dma_start3A_296] : memref<10240x16xf32, #tpu.memory_space<vmem_shared>> -> memref<10240x16xf32, #tpu.memory_space<vmem_shared>>
      %dma_start3A_298 = tpu.memref_slice %arg13[%dma_start3A_287] : memref<8x!tpu.dma_semaphore, #tpu.memory_space<semaphore_mem>> -> memref<1x!tpu.dma_semaphore, #tpu.memory_space<semaphore_mem>>
      %dma_start3A_299 = tpu.memref_squeeze %dma_start3A_298 : memref<1x!tpu.dma_semaphore, #tpu.memory_space<semaphore_mem>> -> memref<!tpu.dma_semaphore, #tpu.memory_space<semaphore_mem>>
      tpu.enqueue_indirect_dma source(%dma_start3A_291 : memref<128x16xf32, #tpu.memory_space<vmem>>) target(%dma_start3A_297 : memref<10240x16xf32, #tpu.memory_space<vmem_shared>>) offsets(%dma_start3A_294 : memref<128xi32, #tpu.memory_space<vmem>>) semaphore(%dma_start3A_299 : memref<!tpu.dma_semaphore, #tpu.memory_space<semaphore_mem>>) {add = true}
      %dma_wait3A_300 = arith.constant 4 : i32
      %dma_wait3A_301 = arith.constant 4 : i32
      %dma_wait3A_302 = arith.constant 0 : i32
      %dma_wait3A_303 = arith.constant 0 : i32
      %dma_wait3A_304 = tpu.memref_slice %arg10[%dma_wait3A_300, %dma_wait3A_302, %dma_wait3A_303] : memref<8x128x16xf32, #tpu.memory_space<vmem>> -> memref<1x128x16xf32, #tpu.memory_space<vmem>>
      %dma_wait3A_305 = tpu.memref_squeeze %dma_wait3A_304 : memref<1x128x16xf32, #tpu.memory_space<vmem>> -> memref<128x16xf32, #tpu.memory_space<vmem>>
      %dma_wait3A_306 = arith.constant 0 : i32
      %dma_wait3A_307 = tpu.memref_slice %arg8[%add3A_118, %dma_wait3A_306] : memref<144x128xi32, #tpu.memory_space<vmem>> -> memref<1x128xi32, #tpu.memory_space<vmem>>
      %dma_wait3A_308 = tpu.memref_squeeze %dma_wait3A_307 : memref<1x128xi32, #tpu.memory_space<vmem>> -> memref<128xi32, #tpu.memory_space<vmem>>
      %dma_wait3A_309 = arith.constant 0 : i32
      %dma_wait3A_310 = arith.constant 0 : i32
      %dma_wait3A_311 = tpu.memref_slice %arg2[%dma_wait3A_309, %dma_wait3A_310] : memref<10000x16xf32, #tpu.memory_space<hbm>> -> memref<10000x16xf32, #tpu.memory_space<hbm>>
      %dma_wait3A_312 = tpu.memref_slice %arg12[%dma_wait3A_301] : memref<8x!tpu.dma_semaphore, #tpu.memory_space<semaphore_mem>> -> memref<1x!tpu.dma_semaphore, #tpu.memory_space<semaphore_mem>>
      %dma_wait3A_313 = tpu.memref_squeeze %dma_wait3A_312 : memref<1x!tpu.dma_semaphore, #tpu.memory_space<semaphore_mem>> -> memref<!tpu.dma_semaphore, #tpu.memory_space<semaphore_mem>>
      tpu.wait_indirect_dma semaphore(%dma_wait3A_313 : memref<!tpu.dma_semaphore, #tpu.memory_space<semaphore_mem>>) src(%dma_wait3A_311 : memref<10000x16xf32, #tpu.memory_space<hbm>>) dst(%dma_wait3A_305 : memref<128x16xf32, #tpu.memory_space<vmem>>)
      %add3A_314 = arith.constant 4 : i32
      %add3A_315 = arith.addi %mul3A_53, %add3A_314 : i32
      %dma_start3A_316 = arith.constant 4 : i32
      %dma_start3A_317 = arith.constant 4 : i32
      %dma_start3A_318 = arith.constant 0 : i32
      %dma_start3A_319 = arith.constant 0 : i32
      %dma_start3A_320 = tpu.memref_slice %arg10[%dma_start3A_316, %dma_start3A_318, %dma_start3A_319] : memref<8x128x16xf32, #tpu.memory_space<vmem>> -> memref<1x128x16xf32, #tpu.memory_space<vmem>>
      %dma_start3A_321 = tpu.memref_squeeze %dma_start3A_320 : memref<1x128x16xf32, #tpu.memory_space<vmem>> -> memref<128x16xf32, #tpu.memory_space<vmem>>
      %dma_start3A_322 = arith.constant 0 : i32
      %dma_start3A_323 = tpu.memref_slice %arg9[%add3A_315, %dma_start3A_322] : memref<144x128xi32, #tpu.memory_space<vmem>> -> memref<1x128xi32, #tpu.memory_space<vmem>>
      %dma_start3A_324 = tpu.memref_squeeze %dma_start3A_323 : memref<1x128xi32, #tpu.memory_space<vmem>> -> memref<128xi32, #tpu.memory_space<vmem>>
      %dma_start3A_325 = arith.constant 0 : i32
      %dma_start3A_326 = arith.constant 0 : i32
      %dma_start3A_327 = tpu.memref_slice %arg11[%dma_start3A_325, %dma_start3A_326] : memref<10240x16xf32, #tpu.memory_space<vmem_shared>> -> memref<10240x16xf32, #tpu.memory_space<vmem_shared>>
      %dma_start3A_328 = tpu.memref_slice %arg13[%dma_start3A_317] : memref<8x!tpu.dma_semaphore, #tpu.memory_space<semaphore_mem>> -> memref<1x!tpu.dma_semaphore, #tpu.memory_space<semaphore_mem>>
      %dma_start3A_329 = tpu.memref_squeeze %dma_start3A_328 : memref<1x!tpu.dma_semaphore, #tpu.memory_space<semaphore_mem>> -> memref<!tpu.dma_semaphore, #tpu.memory_space<semaphore_mem>>
      tpu.enqueue_indirect_dma source(%dma_start3A_321 : memref<128x16xf32, #tpu.memory_space<vmem>>) target(%dma_start3A_327 : memref<10240x16xf32, #tpu.memory_space<vmem_shared>>) offsets(%dma_start3A_324 : memref<128xi32, #tpu.memory_space<vmem>>) semaphore(%dma_start3A_329 : memref<!tpu.dma_semaphore, #tpu.memory_space<semaphore_mem>>) {add = true}
      %dma_wait3A_330 = arith.constant 5 : i32
      %dma_wait3A_331 = arith.constant 5 : i32
      %dma_wait3A_332 = arith.constant 0 : i32
      %dma_wait3A_333 = arith.constant 0 : i32
      %dma_wait3A_334 = tpu.memref_slice %arg10[%dma_wait3A_330, %dma_wait3A_332, %dma_wait3A_333] : memref<8x128x16xf32, #tpu.memory_space<vmem>> -> memref<1x128x16xf32, #tpu.memory_space<vmem>>
      %dma_wait3A_335 = tpu.memref_squeeze %dma_wait3A_334 : memref<1x128x16xf32, #tpu.memory_space<vmem>> -> memref<128x16xf32, #tpu.memory_space<vmem>>
      %dma_wait3A_336 = arith.constant 0 : i32
      %dma_wait3A_337 = tpu.memref_slice %arg8[%add3A_134, %dma_wait3A_336] : memref<144x128xi32, #tpu.memory_space<vmem>> -> memref<1x128xi32, #tpu.memory_space<vmem>>
      %dma_wait3A_338 = tpu.memref_squeeze %dma_wait3A_337 : memref<1x128xi32, #tpu.memory_space<vmem>> -> memref<128xi32, #tpu.memory_space<vmem>>
      %dma_wait3A_339 = arith.constant 0 : i32
      %dma_wait3A_340 = arith.constant 0 : i32
      %dma_wait3A_341 = tpu.memref_slice %arg2[%dma_wait3A_339, %dma_wait3A_340] : memref<10000x16xf32, #tpu.memory_space<hbm>> -> memref<10000x16xf32, #tpu.memory_space<hbm>>
      %dma_wait3A_342 = tpu.memref_slice %arg12[%dma_wait3A_331] : memref<8x!tpu.dma_semaphore, #tpu.memory_space<semaphore_mem>> -> memref<1x!tpu.dma_semaphore, #tpu.memory_space<semaphore_mem>>
      %dma_wait3A_343 = tpu.memref_squeeze %dma_wait3A_342 : memref<1x!tpu.dma_semaphore, #tpu.memory_space<semaphore_mem>> -> memref<!tpu.dma_semaphore, #tpu.memory_space<semaphore_mem>>
      tpu.wait_indirect_dma semaphore(%dma_wait3A_343 : memref<!tpu.dma_semaphore, #tpu.memory_space<semaphore_mem>>) src(%dma_wait3A_341 : memref<10000x16xf32, #tpu.memory_space<hbm>>) dst(%dma_wait3A_335 : memref<128x16xf32, #tpu.memory_space<vmem>>)
      %add3A_344 = arith.constant 5 : i32
      %add3A_345 = arith.addi %mul3A_53, %add3A_344 : i32
      %dma_start3A_346 = arith.constant 5 : i32
      %dma_start3A_347 = arith.constant 5 : i32
      %dma_start3A_348 = arith.constant 0 : i32
      %dma_start3A_349 = arith.constant 0 : i32
      %dma_start3A_350 = tpu.memref_slice %arg10[%dma_start3A_346, %dma_start3A_348, %dma_start3A_349] : memref<8x128x16xf32, #tpu.memory_space<vmem>> -> memref<1x128x16xf32, #tpu.memory_space<vmem>>
      %dma_start3A_351 = tpu.memref_squeeze %dma_start3A_350 : memref<1x128x16xf32, #tpu.memory_space<vmem>> -> memref<128x16xf32, #tpu.memory_space<vmem>>
      %dma_start3A_352 = arith.constant 0 : i32
      %dma_start3A_353 = tpu.memref_slice %arg9[%add3A_345, %dma_start3A_352] : memref<144x128xi32, #tpu.memory_space<vmem>> -> memref<1x128xi32, #tpu.memory_space<vmem>>
      %dma_start3A_354 = tpu.memref_squeeze %dma_start3A_353 : memref<1x128xi32, #tpu.memory_space<vmem>> -> memref<128xi32, #tpu.memory_space<vmem>>
      %dma_start3A_355 = arith.constant 0 : i32
      %dma_start3A_356 = arith.constant 0 : i32
      %dma_start3A_357 = tpu.memref_slice %arg11[%dma_start3A_355, %dma_start3A_356] : memref<10240x16xf32, #tpu.memory_space<vmem_shared>> -> memref<10240x16xf32, #tpu.memory_space<vmem_shared>>
      %dma_start3A_358 = tpu.memref_slice %arg13[%dma_start3A_347] : memref<8x!tpu.dma_semaphore, #tpu.memory_space<semaphore_mem>> -> memref<1x!tpu.dma_semaphore, #tpu.memory_space<semaphore_mem>>
      %dma_start3A_359 = tpu.memref_squeeze %dma_start3A_358 : memref<1x!tpu.dma_semaphore, #tpu.memory_space<semaphore_mem>> -> memref<!tpu.dma_semaphore, #tpu.memory_space<semaphore_mem>>
      tpu.enqueue_indirect_dma source(%dma_start3A_351 : memref<128x16xf32, #tpu.memory_space<vmem>>) target(%dma_start3A_357 : memref<10240x16xf32, #tpu.memory_space<vmem_shared>>) offsets(%dma_start3A_354 : memref<128xi32, #tpu.memory_space<vmem>>) semaphore(%dma_start3A_359 : memref<!tpu.dma_semaphore, #tpu.memory_space<semaphore_mem>>) {add = true}
      %dma_wait3A_360 = arith.constant 6 : i32
      %dma_wait3A_361 = arith.constant 6 : i32
      %dma_wait3A_362 = arith.constant 0 : i32
      %dma_wait3A_363 = arith.constant 0 : i32
      %dma_wait3A_364 = tpu.memref_slice %arg10[%dma_wait3A_360, %dma_wait3A_362, %dma_wait3A_363] : memref<8x128x16xf32, #tpu.memory_space<vmem>> -> memref<1x128x16xf32, #tpu.memory_space<vmem>>
      %dma_wait3A_365 = tpu.memref_squeeze %dma_wait3A_364 : memref<1x128x16xf32, #tpu.memory_space<vmem>> -> memref<128x16xf32, #tpu.memory_space<vmem>>
      %dma_wait3A_366 = arith.constant 0 : i32
      %dma_wait3A_367 = tpu.memref_slice %arg8[%add3A_150, %dma_wait3A_366] : memref<144x128xi32, #tpu.memory_space<vmem>> -> memref<1x128xi32, #tpu.memory_space<vmem>>
      %dma_wait3A_368 = tpu.memref_squeeze %dma_wait3A_367 : memref<1x128xi32, #tpu.memory_space<vmem>> -> memref<128xi32, #tpu.memory_space<vmem>>
      %dma_wait3A_369 = arith.constant 0 : i32
      %dma_wait3A_370 = arith.constant 0 : i32
      %dma_wait3A_371 = tpu.memref_slice %arg2[%dma_wait3A_369, %dma_wait3A_370] : memref<10000x16xf32, #tpu.memory_space<hbm>> -> memref<10000x16xf32, #tpu.memory_space<hbm>>
      %dma_wait3A_372 = tpu.memref_slice %arg12[%dma_wait3A_361] : memref<8x!tpu.dma_semaphore, #tpu.memory_space<semaphore_mem>> -> memref<1x!tpu.dma_semaphore, #tpu.memory_space<semaphore_mem>>
      %dma_wait3A_373 = tpu.memref_squeeze %dma_wait3A_372 : memref<1x!tpu.dma_semaphore, #tpu.memory_space<semaphore_mem>> -> memref<!tpu.dma_semaphore, #tpu.memory_space<semaphore_mem>>
      tpu.wait_indirect_dma semaphore(%dma_wait3A_373 : memref<!tpu.dma_semaphore, #tpu.memory_space<semaphore_mem>>) src(%dma_wait3A_371 : memref<10000x16xf32, #tpu.memory_space<hbm>>) dst(%dma_wait3A_365 : memref<128x16xf32, #tpu.memory_space<vmem>>)
      %add3A_374 = arith.constant 6 : i32
      %add3A_375 = arith.addi %mul3A_53, %add3A_374 : i32
      %dma_start3A_376 = arith.constant 6 : i32
      %dma_start3A_377 = arith.constant 6 : i32
      %dma_start3A_378 = arith.constant 0 : i32
      %dma_start3A_379 = arith.constant 0 : i32
      %dma_start3A_380 = tpu.memref_slice %arg10[%dma_start3A_376, %dma_start3A_378, %dma_start3A_379] : memref<8x128x16xf32, #tpu.memory_space<vmem>> -> memref<1x128x16xf32, #tpu.memory_space<vmem>>
      %dma_start3A_381 = tpu.memref_squeeze %dma_start3A_380 : memref<1x128x16xf32, #tpu.memory_space<vmem>> -> memref<128x16xf32, #tpu.memory_space<vmem>>
      %dma_start3A_382 = arith.constant 0 : i32
      %dma_start3A_383 = tpu.memref_slice %arg9[%add3A_375, %dma_start3A_382] : memref<144x128xi32, #tpu.memory_space<vmem>> -> memref<1x128xi32, #tpu.memory_space<vmem>>
      %dma_start3A_384 = tpu.memref_squeeze %dma_start3A_383 : memref<1x128xi32, #tpu.memory_space<vmem>> -> memref<128xi32, #tpu.memory_space<vmem>>
      %dma_start3A_385 = arith.constant 0 : i32
      %dma_start3A_386 = arith.constant 0 : i32
      %dma_start3A_387 = tpu.memref_slice %arg11[%dma_start3A_385, %dma_start3A_386] : memref<10240x16xf32, #tpu.memory_space<vmem_shared>> -> memref<10240x16xf32, #tpu.memory_space<vmem_shared>>
      %dma_start3A_388 = tpu.memref_slice %arg13[%dma_start3A_377] : memref<8x!tpu.dma_semaphore, #tpu.memory_space<semaphore_mem>> -> memref<1x!tpu.dma_semaphore, #tpu.memory_space<semaphore_mem>>
      %dma_start3A_389 = tpu.memref_squeeze %dma_start3A_388 : memref<1x!tpu.dma_semaphore, #tpu.memory_space<semaphore_mem>> -> memref<!tpu.dma_semaphore, #tpu.memory_space<semaphore_mem>>
      tpu.enqueue_indirect_dma source(%dma_start3A_381 : memref<128x16xf32, #tpu.memory_space<vmem>>) target(%dma_start3A_387 : memref<10240x16xf32, #tpu.memory_space<vmem_shared>>) offsets(%dma_start3A_384 : memref<128xi32, #tpu.memory_space<vmem>>) semaphore(%dma_start3A_389 : memref<!tpu.dma_semaphore, #tpu.memory_space<semaphore_mem>>) {add = true}
      %dma_wait3A_390 = arith.constant 7 : i32
      %dma_wait3A_391 = arith.constant 7 : i32
      %dma_wait3A_392 = arith.constant 0 : i32
      %dma_wait3A_393 = arith.constant 0 : i32
      %dma_wait3A_394 = tpu.memref_slice %arg10[%dma_wait3A_390, %dma_wait3A_392, %dma_wait3A_393] : memref<8x128x16xf32, #tpu.memory_space<vmem>> -> memref<1x128x16xf32, #tpu.memory_space<vmem>>
      %dma_wait3A_395 = tpu.memref_squeeze %dma_wait3A_394 : memref<1x128x16xf32, #tpu.memory_space<vmem>> -> memref<128x16xf32, #tpu.memory_space<vmem>>
      %dma_wait3A_396 = arith.constant 0 : i32
      %dma_wait3A_397 = tpu.memref_slice %arg8[%add3A_166, %dma_wait3A_396] : memref<144x128xi32, #tpu.memory_space<vmem>> -> memref<1x128xi32, #tpu.memory_space<vmem>>
      %dma_wait3A_398 = tpu.memref_squeeze %dma_wait3A_397 : memref<1x128xi32, #tpu.memory_space<vmem>> -> memref<128xi32, #tpu.memory_space<vmem>>
      %dma_wait3A_399 = arith.constant 0 : i32
      %dma_wait3A_400 = arith.constant 0 : i32
      %dma_wait3A_401 = tpu.memref_slice %arg2[%dma_wait3A_399, %dma_wait3A_400] : memref<10000x16xf32, #tpu.memory_space<hbm>> -> memref<10000x16xf32, #tpu.memory_space<hbm>>
      %dma_wait3A_402 = tpu.memref_slice %arg12[%dma_wait3A_391] : memref<8x!tpu.dma_semaphore, #tpu.memory_space<semaphore_mem>> -> memref<1x!tpu.dma_semaphore, #tpu.memory_space<semaphore_mem>>
      %dma_wait3A_403 = tpu.memref_squeeze %dma_wait3A_402 : memref<1x!tpu.dma_semaphore, #tpu.memory_space<semaphore_mem>> -> memref<!tpu.dma_semaphore, #tpu.memory_space<semaphore_mem>>
      tpu.wait_indirect_dma semaphore(%dma_wait3A_403 : memref<!tpu.dma_semaphore, #tpu.memory_space<semaphore_mem>>) src(%dma_wait3A_401 : memref<10000x16xf32, #tpu.memory_space<hbm>>) dst(%dma_wait3A_395 : memref<128x16xf32, #tpu.memory_space<vmem>>)
      %add3A_404 = arith.constant 7 : i32
      %add3A_405 = arith.addi %mul3A_53, %add3A_404 : i32
      %dma_start3A_406 = arith.constant 7 : i32
      %dma_start3A_407 = arith.constant 7 : i32
      %dma_start3A_408 = arith.constant 0 : i32
      %dma_start3A_409 = arith.constant 0 : i32
      %dma_start3A_410 = tpu.memref_slice %arg10[%dma_start3A_406, %dma_start3A_408, %dma_start3A_409] : memref<8x128x16xf32, #tpu.memory_space<vmem>> -> memref<1x128x16xf32, #tpu.memory_space<vmem>>
      %dma_start3A_411 = tpu.memref_squeeze %dma_start3A_410 : memref<1x128x16xf32, #tpu.memory_space<vmem>> -> memref<128x16xf32, #tpu.memory_space<vmem>>
      %dma_start3A_412 = arith.constant 0 : i32
      %dma_start3A_413 = tpu.memref_slice %arg9[%add3A_405, %dma_start3A_412] : memref<144x128xi32, #tpu.memory_space<vmem>> -> memref<1x128xi32, #tpu.memory_space<vmem>>
      %dma_start3A_414 = tpu.memref_squeeze %dma_start3A_413 : memref<1x128xi32, #tpu.memory_space<vmem>> -> memref<128xi32, #tpu.memory_space<vmem>>
      %dma_start3A_415 = arith.constant 0 : i32
      %dma_start3A_416 = arith.constant 0 : i32
      %dma_start3A_417 = tpu.memref_slice %arg11[%dma_start3A_415, %dma_start3A_416] : memref<10240x16xf32, #tpu.memory_space<vmem_shared>> -> memref<10240x16xf32, #tpu.memory_space<vmem_shared>>
      %dma_start3A_418 = tpu.memref_slice %arg13[%dma_start3A_407] : memref<8x!tpu.dma_semaphore, #tpu.memory_space<semaphore_mem>> -> memref<1x!tpu.dma_semaphore, #tpu.memory_space<semaphore_mem>>
      %dma_start3A_419 = tpu.memref_squeeze %dma_start3A_418 : memref<1x!tpu.dma_semaphore, #tpu.memory_space<semaphore_mem>> -> memref<!tpu.dma_semaphore, #tpu.memory_space<semaphore_mem>>
      tpu.enqueue_indirect_dma source(%dma_start3A_411 : memref<128x16xf32, #tpu.memory_space<vmem>>) target(%dma_start3A_417 : memref<10240x16xf32, #tpu.memory_space<vmem_shared>>) offsets(%dma_start3A_414 : memref<128xi32, #tpu.memory_space<vmem>>) semaphore(%dma_start3A_419 : memref<!tpu.dma_semaphore, #tpu.memory_space<semaphore_mem>>) {add = true}
      %dma_wait3A_420 = arith.constant 0 : i32
      %dma_wait3A_421 = arith.constant 0 : i32
      %dma_wait3A_422 = arith.constant 0 : i32
      %dma_wait3A_423 = arith.constant 0 : i32
      %dma_wait3A_424 = tpu.memref_slice %arg10[%dma_wait3A_420, %dma_wait3A_422, %dma_wait3A_423] : memref<8x128x16xf32, #tpu.memory_space<vmem>> -> memref<1x128x16xf32, #tpu.memory_space<vmem>>
      %dma_wait3A_425 = tpu.memref_squeeze %dma_wait3A_424 : memref<1x128x16xf32, #tpu.memory_space<vmem>> -> memref<128x16xf32, #tpu.memory_space<vmem>>
      %dma_wait3A_426 = arith.constant 0 : i32
      %dma_wait3A_427 = tpu.memref_slice %arg9[%add3A_195, %dma_wait3A_426] : memref<144x128xi32, #tpu.memory_space<vmem>> -> memref<1x128xi32, #tpu.memory_space<vmem>>
      %dma_wait3A_428 = tpu.memref_squeeze %dma_wait3A_427 : memref<1x128xi32, #tpu.memory_space<vmem>> -> memref<128xi32, #tpu.memory_space<vmem>>
      %dma_wait3A_429 = arith.constant 0 : i32
      %dma_wait3A_430 = arith.constant 0 : i32
      %dma_wait3A_431 = tpu.memref_slice %arg11[%dma_wait3A_429, %dma_wait3A_430] : memref<10240x16xf32, #tpu.memory_space<vmem_shared>> -> memref<10240x16xf32, #tpu.memory_space<vmem_shared>>
      %dma_wait3A_432 = tpu.memref_slice %arg13[%dma_wait3A_421] : memref<8x!tpu.dma_semaphore, #tpu.memory_space<semaphore_mem>> -> memref<1x!tpu.dma_semaphore, #tpu.memory_space<semaphore_mem>>
      %dma_wait3A_433 = tpu.memref_squeeze %dma_wait3A_432 : memref<1x!tpu.dma_semaphore, #tpu.memory_space<semaphore_mem>> -> memref<!tpu.dma_semaphore, #tpu.memory_space<semaphore_mem>>
      tpu.wait_indirect_dma semaphore(%dma_wait3A_433 : memref<!tpu.dma_semaphore, #tpu.memory_space<semaphore_mem>>) src(%dma_wait3A_425 : memref<128x16xf32, #tpu.memory_space<vmem>>) dst(%dma_wait3A_431 : memref<10240x16xf32, #tpu.memory_space<vmem_shared>>)
      %dma_wait3A_434 = arith.constant 1 : i32
      %dma_wait3A_435 = arith.constant 1 : i32
      %dma_wait3A_436 = arith.constant 0 : i32
      %dma_wait3A_437 = arith.constant 0 : i32
      %dma_wait3A_438 = tpu.memref_slice %arg10[%dma_wait3A_434, %dma_wait3A_436, %dma_wait3A_437] : memref<8x128x16xf32, #tpu.memory_space<vmem>> -> memref<1x128x16xf32, #tpu.memory_space<vmem>>
      %dma_wait3A_439 = tpu.memref_squeeze %dma_wait3A_438 : memref<1x128x16xf32, #tpu.memory_space<vmem>> -> memref<128x16xf32, #tpu.memory_space<vmem>>
      %dma_wait3A_440 = arith.constant 0 : i32
      %dma_wait3A_441 = tpu.memref_slice %arg9[%add3A_225, %dma_wait3A_440] : memref<144x128xi32, #tpu.memory_space<vmem>> -> memref<1x128xi32, #tpu.memory_space<vmem>>
      %dma_wait3A_442 = tpu.memref_squeeze %dma_wait3A_441 : memref<1x128xi32, #tpu.memory_space<vmem>> -> memref<128xi32, #tpu.memory_space<vmem>>
      %dma_wait3A_443 = arith.constant 0 : i32
      %dma_wait3A_444 = arith.constant 0 : i32
      %dma_wait3A_445 = tpu.memref_slice %arg11[%dma_wait3A_443, %dma_wait3A_444] : memref<10240x16xf32, #tpu.memory_space<vmem_shared>> -> memref<10240x16xf32, #tpu.memory_space<vmem_shared>>
      %dma_wait3A_446 = tpu.memref_slice %arg13[%dma_wait3A_435] : memref<8x!tpu.dma_semaphore, #tpu.memory_space<semaphore_mem>> -> memref<1x!tpu.dma_semaphore, #tpu.memory_space<semaphore_mem>>
      %dma_wait3A_447 = tpu.memref_squeeze %dma_wait3A_446 : memref<1x!tpu.dma_semaphore, #tpu.memory_space<semaphore_mem>> -> memref<!tpu.dma_semaphore, #tpu.memory_space<semaphore_mem>>
      tpu.wait_indirect_dma semaphore(%dma_wait3A_447 : memref<!tpu.dma_semaphore, #tpu.memory_space<semaphore_mem>>) src(%dma_wait3A_439 : memref<128x16xf32, #tpu.memory_space<vmem>>) dst(%dma_wait3A_445 : memref<10240x16xf32, #tpu.memory_space<vmem_shared>>)
      %dma_wait3A_448 = arith.constant 2 : i32
      %dma_wait3A_449 = arith.constant 2 : i32
      %dma_wait3A_450 = arith.constant 0 : i32
      %dma_wait3A_451 = arith.constant 0 : i32
      %dma_wait3A_452 = tpu.memref_slice %arg10[%dma_wait3A_448, %dma_wait3A_450, %dma_wait3A_451] : memref<8x128x16xf32, #tpu.memory_space<vmem>> -> memref<1x128x16xf32, #tpu.memory_space<vmem>>
      %dma_wait3A_453 = tpu.memref_squeeze %dma_wait3A_452 : memref<1x128x16xf32, #tpu.memory_space<vmem>> -> memref<128x16xf32, #tpu.memory_space<vmem>>
      %dma_wait3A_454 = arith.constant 0 : i32
      %dma_wait3A_455 = tpu.memref_slice %arg9[%add3A_255, %dma_wait3A_454] : memref<144x128xi32, #tpu.memory_space<vmem>> -> memref<1x128xi32, #tpu.memory_space<vmem>>
      %dma_wait3A_456 = tpu.memref_squeeze %dma_wait3A_455 : memref<1x128xi32, #tpu.memory_space<vmem>> -> memref<128xi32, #tpu.memory_space<vmem>>
      %dma_wait3A_457 = arith.constant 0 : i32
      %dma_wait3A_458 = arith.constant 0 : i32
      %dma_wait3A_459 = tpu.memref_slice %arg11[%dma_wait3A_457, %dma_wait3A_458] : memref<10240x16xf32, #tpu.memory_space<vmem_shared>> -> memref<10240x16xf32, #tpu.memory_space<vmem_shared>>
      %dma_wait3A_460 = tpu.memref_slice %arg13[%dma_wait3A_449] : memref<8x!tpu.dma_semaphore, #tpu.memory_space<semaphore_mem>> -> memref<1x!tpu.dma_semaphore, #tpu.memory_space<semaphore_mem>>
      %dma_wait3A_461 = tpu.memref_squeeze %dma_wait3A_460 : memref<1x!tpu.dma_semaphore, #tpu.memory_space<semaphore_mem>> -> memref<!tpu.dma_semaphore, #tpu.memory_space<semaphore_mem>>
      tpu.wait_indirect_dma semaphore(%dma_wait3A_461 : memref<!tpu.dma_semaphore, #tpu.memory_space<semaphore_mem>>) src(%dma_wait3A_453 : memref<128x16xf32, #tpu.memory_space<vmem>>) dst(%dma_wait3A_459 : memref<10240x16xf32, #tpu.memory_space<vmem_shared>>)
      %dma_wait3A_462 = arith.constant 3 : i32
      %dma_wait3A_463 = arith.constant 3 : i32
      %dma_wait3A_464 = arith.constant 0 : i32
      %dma_wait3A_465 = arith.constant 0 : i32
      %dma_wait3A_466 = tpu.memref_slice %arg10[%dma_wait3A_462, %dma_wait3A_464, %dma_wait3A_465] : memref<8x128x16xf32, #tpu.memory_space<vmem>> -> memref<1x128x16xf32, #tpu.memory_space<vmem>>
      %dma_wait3A_467 = tpu.memref_squeeze %dma_wait3A_466 : memref<1x128x16xf32, #tpu.memory_space<vmem>> -> memref<128x16xf32, #tpu.memory_space<vmem>>
      %dma_wait3A_468 = arith.constant 0 : i32
      %dma_wait3A_469 = tpu.memref_slice %arg9[%add3A_285, %dma_wait3A_468] : memref<144x128xi32, #tpu.memory_space<vmem>> -> memref<1x128xi32, #tpu.memory_space<vmem>>
      %dma_wait3A_470 = tpu.memref_squeeze %dma_wait3A_469 : memref<1x128xi32, #tpu.memory_space<vmem>> -> memref<128xi32, #tpu.memory_space<vmem>>
      %dma_wait3A_471 = arith.constant 0 : i32
      %dma_wait3A_472 = arith.constant 0 : i32
      %dma_wait3A_473 = tpu.memref_slice %arg11[%dma_wait3A_471, %dma_wait3A_472] : memref<10240x16xf32, #tpu.memory_space<vmem_shared>> -> memref<10240x16xf32, #tpu.memory_space<vmem_shared>>
      %dma_wait3A_474 = tpu.memref_slice %arg13[%dma_wait3A_463] : memref<8x!tpu.dma_semaphore, #tpu.memory_space<semaphore_mem>> -> memref<1x!tpu.dma_semaphore, #tpu.memory_space<semaphore_mem>>
      %dma_wait3A_475 = tpu.memref_squeeze %dma_wait3A_474 : memref<1x!tpu.dma_semaphore, #tpu.memory_space<semaphore_mem>> -> memref<!tpu.dma_semaphore, #tpu.memory_space<semaphore_mem>>
      tpu.wait_indirect_dma semaphore(%dma_wait3A_475 : memref<!tpu.dma_semaphore, #tpu.memory_space<semaphore_mem>>) src(%dma_wait3A_467 : memref<128x16xf32, #tpu.memory_space<vmem>>) dst(%dma_wait3A_473 : memref<10240x16xf32, #tpu.memory_space<vmem_shared>>)
      %dma_wait3A_476 = arith.constant 4 : i32
      %dma_wait3A_477 = arith.constant 4 : i32
      %dma_wait3A_478 = arith.constant 0 : i32
      %dma_wait3A_479 = arith.constant 0 : i32
      %dma_wait3A_480 = tpu.memref_slice %arg10[%dma_wait3A_476, %dma_wait3A_478, %dma_wait3A_479] : memref<8x128x16xf32, #tpu.memory_space<vmem>> -> memref<1x128x16xf32, #tpu.memory_space<vmem>>
      %dma_wait3A_481 = tpu.memref_squeeze %dma_wait3A_480 : memref<1x128x16xf32, #tpu.memory_space<vmem>> -> memref<128x16xf32, #tpu.memory_space<vmem>>
      %dma_wait3A_482 = arith.constant 0 : i32
      %dma_wait3A_483 = tpu.memref_slice %arg9[%add3A_315, %dma_wait3A_482] : memref<144x128xi32, #tpu.memory_space<vmem>> -> memref<1x128xi32, #tpu.memory_space<vmem>>
      %dma_wait3A_484 = tpu.memref_squeeze %dma_wait3A_483 : memref<1x128xi32, #tpu.memory_space<vmem>> -> memref<128xi32, #tpu.memory_space<vmem>>
      %dma_wait3A_485 = arith.constant 0 : i32
      %dma_wait3A_486 = arith.constant 0 : i32
      %dma_wait3A_487 = tpu.memref_slice %arg11[%dma_wait3A_485, %dma_wait3A_486] : memref<10240x16xf32, #tpu.memory_space<vmem_shared>> -> memref<10240x16xf32, #tpu.memory_space<vmem_shared>>
      %dma_wait3A_488 = tpu.memref_slice %arg13[%dma_wait3A_477] : memref<8x!tpu.dma_semaphore, #tpu.memory_space<semaphore_mem>> -> memref<1x!tpu.dma_semaphore, #tpu.memory_space<semaphore_mem>>
      %dma_wait3A_489 = tpu.memref_squeeze %dma_wait3A_488 : memref<1x!tpu.dma_semaphore, #tpu.memory_space<semaphore_mem>> -> memref<!tpu.dma_semaphore, #tpu.memory_space<semaphore_mem>>
      tpu.wait_indirect_dma semaphore(%dma_wait3A_489 : memref<!tpu.dma_semaphore, #tpu.memory_space<semaphore_mem>>) src(%dma_wait3A_481 : memref<128x16xf32, #tpu.memory_space<vmem>>) dst(%dma_wait3A_487 : memref<10240x16xf32, #tpu.memory_space<vmem_shared>>)
      %dma_wait3A_490 = arith.constant 5 : i32
      %dma_wait3A_491 = arith.constant 5 : i32
      %dma_wait3A_492 = arith.constant 0 : i32
      %dma_wait3A_493 = arith.constant 0 : i32
      %dma_wait3A_494 = tpu.memref_slice %arg10[%dma_wait3A_490, %dma_wait3A_492, %dma_wait3A_493] : memref<8x128x16xf32, #tpu.memory_space<vmem>> -> memref<1x128x16xf32, #tpu.memory_space<vmem>>
      %dma_wait3A_495 = tpu.memref_squeeze %dma_wait3A_494 : memref<1x128x16xf32, #tpu.memory_space<vmem>> -> memref<128x16xf32, #tpu.memory_space<vmem>>
      %dma_wait3A_496 = arith.constant 0 : i32
      %dma_wait3A_497 = tpu.memref_slice %arg9[%add3A_345, %dma_wait3A_496] : memref<144x128xi32, #tpu.memory_space<vmem>> -> memref<1x128xi32, #tpu.memory_space<vmem>>
      %dma_wait3A_498 = tpu.memref_squeeze %dma_wait3A_497 : memref<1x128xi32, #tpu.memory_space<vmem>> -> memref<128xi32, #tpu.memory_space<vmem>>
      %dma_wait3A_499 = arith.constant 0 : i32
      %dma_wait3A_500 = arith.constant 0 : i32
      %dma_wait3A_501 = tpu.memref_slice %arg11[%dma_wait3A_499, %dma_wait3A_500] : memref<10240x16xf32, #tpu.memory_space<vmem_shared>> -> memref<10240x16xf32, #tpu.memory_space<vmem_shared>>
      %dma_wait3A_502 = tpu.memref_slice %arg13[%dma_wait3A_491] : memref<8x!tpu.dma_semaphore, #tpu.memory_space<semaphore_mem>> -> memref<1x!tpu.dma_semaphore, #tpu.memory_space<semaphore_mem>>
      %dma_wait3A_503 = tpu.memref_squeeze %dma_wait3A_502 : memref<1x!tpu.dma_semaphore, #tpu.memory_space<semaphore_mem>> -> memref<!tpu.dma_semaphore, #tpu.memory_space<semaphore_mem>>
      tpu.wait_indirect_dma semaphore(%dma_wait3A_503 : memref<!tpu.dma_semaphore, #tpu.memory_space<semaphore_mem>>) src(%dma_wait3A_495 : memref<128x16xf32, #tpu.memory_space<vmem>>) dst(%dma_wait3A_501 : memref<10240x16xf32, #tpu.memory_space<vmem_shared>>)
      %dma_wait3A_504 = arith.constant 6 : i32
      %dma_wait3A_505 = arith.constant 6 : i32
      %dma_wait3A_506 = arith.constant 0 : i32
      %dma_wait3A_507 = arith.constant 0 : i32
      %dma_wait3A_508 = tpu.memref_slice %arg10[%dma_wait3A_504, %dma_wait3A_506, %dma_wait3A_507] : memref<8x128x16xf32, #tpu.memory_space<vmem>> -> memref<1x128x16xf32, #tpu.memory_space<vmem>>
      %dma_wait3A_509 = tpu.memref_squeeze %dma_wait3A_508 : memref<1x128x16xf32, #tpu.memory_space<vmem>> -> memref<128x16xf32, #tpu.memory_space<vmem>>
      %dma_wait3A_510 = arith.constant 0 : i32
      %dma_wait3A_511 = tpu.memref_slice %arg9[%add3A_375, %dma_wait3A_510] : memref<144x128xi32, #tpu.memory_space<vmem>> -> memref<1x128xi32, #tpu.memory_space<vmem>>
      %dma_wait3A_512 = tpu.memref_squeeze %dma_wait3A_511 : memref<1x128xi32, #tpu.memory_space<vmem>> -> memref<128xi32, #tpu.memory_space<vmem>>
      %dma_wait3A_513 = arith.constant 0 : i32
      %dma_wait3A_514 = arith.constant 0 : i32
      %dma_wait3A_515 = tpu.memref_slice %arg11[%dma_wait3A_513, %dma_wait3A_514] : memref<10240x16xf32, #tpu.memory_space<vmem_shared>> -> memref<10240x16xf32, #tpu.memory_space<vmem_shared>>
      %dma_wait3A_516 = tpu.memref_slice %arg13[%dma_wait3A_505] : memref<8x!tpu.dma_semaphore, #tpu.memory_space<semaphore_mem>> -> memref<1x!tpu.dma_semaphore, #tpu.memory_space<semaphore_mem>>
      %dma_wait3A_517 = tpu.memref_squeeze %dma_wait3A_516 : memref<1x!tpu.dma_semaphore, #tpu.memory_space<semaphore_mem>> -> memref<!tpu.dma_semaphore, #tpu.memory_space<semaphore_mem>>
      tpu.wait_indirect_dma semaphore(%dma_wait3A_517 : memref<!tpu.dma_semaphore, #tpu.memory_space<semaphore_mem>>) src(%dma_wait3A_509 : memref<128x16xf32, #tpu.memory_space<vmem>>) dst(%dma_wait3A_515 : memref<10240x16xf32, #tpu.memory_space<vmem_shared>>)
      %dma_wait3A_518 = arith.constant 7 : i32
      %dma_wait3A_519 = arith.constant 7 : i32
      %dma_wait3A_520 = arith.constant 0 : i32
      %dma_wait3A_521 = arith.constant 0 : i32
      %dma_wait3A_522 = tpu.memref_slice %arg10[%dma_wait3A_518, %dma_wait3A_520, %dma_wait3A_521] : memref<8x128x16xf32, #tpu.memory_space<vmem>> -> memref<1x128x16xf32, #tpu.memory_space<vmem>>
      %dma_wait3A_523 = tpu.memref_squeeze %dma_wait3A_522 : memref<1x128x16xf32, #tpu.memory_space<vmem>> -> memref<128x16xf32, #tpu.memory_space<vmem>>
      %dma_wait3A_524 = arith.constant 0 : i32
      %dma_wait3A_525 = tpu.memref_slice %arg9[%add3A_405, %dma_wait3A_524] : memref<144x128xi32, #tpu.memory_space<vmem>> -> memref<1x128xi32, #tpu.memory_space<vmem>>
      %dma_wait3A_526 = tpu.memref_squeeze %dma_wait3A_525 : memref<1x128xi32, #tpu.memory_space<vmem>> -> memref<128xi32, #tpu.memory_space<vmem>>
      %dma_wait3A_527 = arith.constant 0 : i32
      %dma_wait3A_528 = arith.constant 0 : i32
      %dma_wait3A_529 = tpu.memref_slice %arg11[%dma_wait3A_527, %dma_wait3A_528] : memref<10240x16xf32, #tpu.memory_space<vmem_shared>> -> memref<10240x16xf32, #tpu.memory_space<vmem_shared>>
      %dma_wait3A_530 = tpu.memref_slice %arg13[%dma_wait3A_519] : memref<8x!tpu.dma_semaphore, #tpu.memory_space<semaphore_mem>> -> memref<1x!tpu.dma_semaphore, #tpu.memory_space<semaphore_mem>>
      %dma_wait3A_531 = tpu.memref_squeeze %dma_wait3A_530 : memref<1x!tpu.dma_semaphore, #tpu.memory_space<semaphore_mem>> -> memref<!tpu.dma_semaphore, #tpu.memory_space<semaphore_mem>>
      tpu.wait_indirect_dma semaphore(%dma_wait3A_531 : memref<!tpu.dma_semaphore, #tpu.memory_space<semaphore_mem>>) src(%dma_wait3A_523 : memref<128x16xf32, #tpu.memory_space<vmem>>) dst(%dma_wait3A_529 : memref<10240x16xf32, #tpu.memory_space<vmem_shared>>)
    }
    %barrier3A_50 = arith.constant 0 : index
    tpu.barrier barrier_id(%barrier3A_50)
    "tpu.region"() ({
      %run_scoped3A_51 = tpu.sem_alloc : memref<!tpu.dma_semaphore, #tpu.memory_space<semaphore_mem>>
      %dma_start3A = arith.constant 0 : i32
      %dma_start3A_52 = tpu.memref_slice %arg7[%arg0, %mul3A_0, %dma_start3A] : memref<2x10240x16xf32, #tpu.memory_space<hbm>> -> memref<1x640x16xf32, #tpu.memory_space<hbm>>
      %dma_start3A_53 = tpu.memref_squeeze %dma_start3A_52 : memref<1x640x16xf32, #tpu.memory_space<hbm>> -> memref<640x16xf32, #tpu.memory_space<hbm>>
      %dma_start3A_54 = arith.constant 0 : i32
      %dma_start3A_55 = tpu.memref_slice %arg11[%mul3A_0, %dma_start3A_54] : memref<10240x16xf32, #tpu.memory_space<vmem_shared>> -> memref<640x16xf32, #tpu.memory_space<vmem_shared>>
      tpu.enqueue_dma source(%dma_start3A_55 : memref<640x16xf32, #tpu.memory_space<vmem_shared>>) target(%dma_start3A_53 : memref<640x16xf32, #tpu.memory_space<hbm>>) target_semaphore(%run_scoped3A_51 : memref<!tpu.dma_semaphore, #tpu.memory_space<semaphore_mem>>)
      %dma_wait3A = arith.constant 0 : i32
      %dma_wait3A_56 = tpu.memref_slice %arg7[%arg0, %mul3A_0, %dma_wait3A] : memref<2x10240x16xf32, #tpu.memory_space<hbm>> -> memref<1x640x16xf32, #tpu.memory_space<hbm>>
      %dma_wait3A_57 = tpu.memref_squeeze %dma_wait3A_56 : memref<1x640x16xf32, #tpu.memory_space<hbm>> -> memref<640x16xf32, #tpu.memory_space<hbm>>
      %dma_wait3A_58 = arith.constant 0 : i32
      %dma_wait3A_59 = tpu.memref_slice %arg11[%mul3A_0, %dma_wait3A_58] : memref<10240x16xf32, #tpu.memory_space<vmem_shared>> -> memref<640x16xf32, #tpu.memory_space<vmem_shared>>
      tpu.wait_dma2 semaphore(%run_scoped3A_51 : memref<!tpu.dma_semaphore, #tpu.memory_space<semaphore_mem>>) src(%dma_wait3A_59 : memref<640x16xf32, #tpu.memory_space<vmem_shared>>) dst(%dma_wait3A_57 : memref<640x16xf32, #tpu.memory_space<hbm>>)
      tpu.yield
    }) : () -> ()
    return
  }
}

module attributes {stable_mosaic.version = 14 : i64} {
  func.func @_tc_mm_body(%arg0: i32, %arg1: memref<1000x128xf32, #tpu.memory_space<vmem>>, %arg2: memref<128x128xf32, #tpu.memory_space<vmem>>, %arg3: memref<1000x128xf32, #tpu.memory_space<vmem>>) attributes {dimension_semantics = [#tpu.dimension_semantics<arbitrary>], iteration_bounds = array<i64: 10>, scalar_prefetch = 0 : i64, scratch_operands = 0 : i64, tpu.core_type = #tpu.core_type<tc>, window_params = [{transform_indices = @transform_0, window_bounds = array<i64: 1000, 128>}, {pipeline_mode = #tpu.pipeline_mode<synchronous>, transform_indices = @transform_1, window_bounds = array<i64: 128, 128>}, {transform_indices = @transform_2, window_bounds = array<i64: 1000, 128>}]} {
    %get3A = arith.constant 0 : index
    %get3A_0 = arith.constant 0 : index
    %get3A_1 = vector.load %arg1[%get3A, %get3A_0] : memref<1000x128xf32, #tpu.memory_space<vmem>>, vector<1000x128xf32>
    %get3A_2 = arith.constant 0 : index
    %get3A_3 = arith.constant 0 : index
    %get3A_4 = vector.load %arg2[%get3A_2, %get3A_3] : memref<128x128xf32, #tpu.memory_space<vmem>>, vector<128x128xf32>
    %dot_general3A = arith.constant dense<0.000000e+00> : vector<1000x128xf32>
    %dot_general3A_5 = tpu.matmul %get3A_1, %get3A_4, %dot_general3A {dimension_numbers = #tpu.dot_dimension_numbers<[1], [0], [0], [1], [0, 0, 1, 1], [], []>, transpose_lhs_hint = false} : vector<1000x128xf32>, vector<128x128xf32>, vector<1000x128xf32> -> vector<1000x128xf32>
    %swap3A = arith.constant 0 : index
    %swap3A_6 = arith.constant 0 : index
    %swap3A_7 = vector.load %arg3[%swap3A, %swap3A_6] : memref<1000x128xf32, #tpu.memory_space<vmem>>, vector<1000x128xf32>
    tpu.vector_store %arg3[%swap3A, %swap3A_6], %dot_general3A_5 {strides = array<i32>} : memref<1000x128xf32, #tpu.memory_space<vmem>>, vector<1000x128xf32>,
    return
  }
  func.func @transform_0(%arg0: i32) -> (i32, i32) {
    %c0_i32 = arith.constant 0 : i32
    %c0_i32_0 = arith.constant 0 : i32
    return %arg0, %c0_i32 : i32, i32
  }
  func.func @transform_1(%arg0: i32) -> (i32, i32) {
    %c0_i32 = arith.constant 0 : i32
    %c0_i32_0 = arith.constant 0 : i32
    %c0_i32_1 = arith.constant 0 : i32
    return %c0_i32, %c0_i32_0 : i32, i32
  }
  func.func @transform_2(%arg0: i32) -> (i32, i32) {
    %c0_i32 = arith.constant 0 : i32
    %c0_i32_0 = arith.constant 0 : i32
    return %arg0, %c0_i32 : i32, i32
  }
}

module attributes {stable_mosaic.version = 14 : i64} {
  func.func @_tc_scale_body(%arg0: i32, %arg1: memref<2x1000x16xf32, #tpu.memory_space<vmem>>, %arg2: memref<1000x128xf32, #tpu.memory_space<vmem>>, %arg3: memref<1000x64xf32, #tpu.memory_space<vmem>>, %arg4: memref<1000x64xf32, #tpu.memory_space<vmem>>, %arg5: memref<1000x8xf32, #tpu.memory_space<vmem>>) attributes {dimension_semantics = [#tpu.dimension_semantics<arbitrary>], iteration_bounds = array<i64: 10>, scalar_prefetch = 0 : i64, scratch_operands = 0 : i64, tpu.core_type = #tpu.core_type<tc>, window_params = [{transform_indices = @transform_0, window_bounds = array<i64: 2, 1000, 16>}, {transform_indices = @transform_1, window_bounds = array<i64: 1000, 128>}, {transform_indices = @transform_2, window_bounds = array<i64: 1000, 64>}, {transform_indices = @transform_3, window_bounds = array<i64: 1000, 64>}, {transform_indices = @transform_4, window_bounds = array<i64: 1000, 8>}]} {
    %get3A = arith.constant 0 : index
    %get3A_0 = arith.constant 0 : index
    %get3A_1 = arith.constant 0 : index
    %get3A_2 = vector.load %arg1[%get3A, %get3A_0, %get3A_1] : memref<2x1000x16xf32, #tpu.memory_space<vmem>>, vector<1x1000x1xf32>
    %get3A_3 = vector.shape_cast %get3A_2 : vector<1x1000x1xf32> to vector<1000x1xf32>
    %get3A_4 = arith.constant 1 : index
    %get3A_5 = arith.constant 0 : index
    %get3A_6 = arith.constant 0 : index
    %get3A_7 = vector.load %arg1[%get3A_4, %get3A_5, %get3A_6] : memref<2x1000x16xf32, #tpu.memory_space<vmem>>, vector<1x1000x1xf32>
    %get3A_8 = vector.shape_cast %get3A_7 : vector<1x1000x1xf32> to vector<1000x1xf32>
    %add3A = arith.addf %get3A_3, %get3A_8 : vector<1000x1xf32>
    %add3A_9 = arith.constant 1.000000e+00 : f32
    %add3A_10 = vector.broadcast %add3A_9 : f32 to vector<1000x1xf32>
    %add3A_11 = arith.addf %add3A, %add3A_10 : vector<1000x1xf32>
    %rsqrt3A = math.rsqrt %add3A_11 : vector<1000x1xf32>
    %get3A_12 = arith.constant 0 : index
    %get3A_13 = arith.constant 0 : index
    %get3A_14 = vector.load %arg2[%get3A_12, %get3A_13] : memref<1000x128xf32, #tpu.memory_space<vmem>>, vector<1000x128xf32>
    %mul3A = vector.broadcast %rsqrt3A : vector<1000x1xf32> to vector<1000x128xf32>
    %mul3A_15 = arith.mulf %get3A_14, %mul3A : vector<1000x128xf32>
    %slice3A = vector.extract_strided_slice %mul3A_15 {offsets = [0, 0], sizes = [1000, 64], strides = [1, 1]} : vector<1000x128xf32> to vector<1000x64xf32>
    %swap3A = arith.constant 0 : index
    %swap3A_16 = arith.constant 0 : index
    %swap3A_17 = vector.load %arg3[%swap3A, %swap3A_16] : memref<1000x64xf32, #tpu.memory_space<vmem>>, vector<1000x64xf32>
    tpu.vector_store %arg3[%swap3A, %swap3A_16], %slice3A {strides = array<i32>} : memref<1000x64xf32, #tpu.memory_space<vmem>>, vector<1000x64xf32>,
    %slice3A_18 = vector.extract_strided_slice %mul3A_15 {offsets = [0, 64], sizes = [1000, 64], strides = [1, 1]} : vector<1000x128xf32> to vector<1000x64xf32>
    %swap3A_19 = arith.constant 0 : index
    %swap3A_20 = arith.constant 0 : index
    %swap3A_21 = vector.load %arg4[%swap3A_19, %swap3A_20] : memref<1000x64xf32, #tpu.memory_space<vmem>>, vector<1000x64xf32>
    tpu.vector_store %arg4[%swap3A_19, %swap3A_20], %slice3A_18 {strides = array<i32>} : memref<1000x64xf32, #tpu.memory_space<vmem>>, vector<1000x64xf32>,
    %broadcast_in_dim3A = vector.shape_cast %rsqrt3A : vector<1000x1xf32> to vector<1000x1xf32>
    %broadcast_in_dim3A_22 = vector.broadcast %broadcast_in_dim3A : vector<1000x1xf32> to vector<1000x8xf32>
    %swap3A_23 = arith.constant 0 : index
    %swap3A_24 = arith.constant 0 : index
    %swap3A_25 = vector.load %arg5[%swap3A_23, %swap3A_24] : memref<1000x8xf32, #tpu.memory_space<vmem>>, vector<1000x8xf32>
    tpu.vector_store %arg5[%swap3A_23, %swap3A_24], %broadcast_in_dim3A_22 {strides = array<i32>} : memref<1000x8xf32, #tpu.memory_space<vmem>>, vector<1000x8xf32>,
    return
  }
  func.func @transform_0(%arg0: i32) -> (i32, i32, i32) {
    %c0_i32 = arith.constant 0 : i32
    %c0_i32_0 = arith.constant 0 : i32
    %c0_i32_1 = arith.constant 0 : i32
    return %c0_i32, %arg0, %c0_i32_0 : i32, i32, i32
  }
  func.func @transform_1(%arg0: i32) -> (i32, i32) {
    %c0_i32 = arith.constant 0 : i32
    %c0_i32_0 = arith.constant 0 : i32
    return %arg0, %c0_i32 : i32, i32
  }
  func.func @transform_2(%arg0: i32) -> (i32, i32) {
    %c0_i32 = arith.constant 0 : i32
    %c0_i32_0 = arith.constant 0 : i32
    return %arg0, %c0_i32 : i32, i32
  }
  func.func @transform_3(%arg0: i32) -> (i32, i32) {
    %c0_i32 = arith.constant 0 : i32
    %c0_i32_0 = arith.constant 0 : i32
    return %arg0, %c0_i32 : i32, i32
  }
  func.func @transform_4(%arg0: i32) -> (i32, i32) {
    %c0_i32 = arith.constant 0 : i32
    %c0_i32_0 = arith.constant 0 : i32
    return %arg0, %c0_i32 : i32, i32
  }
}

module attributes {stable_mosaic.version = 14 : i64} {
  func.func @_tc_b_body(%arg0: i32, %arg1: memref<2x1000x64xf32, #tpu.memory_space<vmem>>, %arg2: memref<2x1000x64xf32, #tpu.memory_space<vmem>>, %arg3: memref<1000x64xf32, #tpu.memory_space<vmem>>, %arg4: memref<1000x64xf32, #tpu.memory_space<vmem>>, %arg5: memref<1000x8xf32, #tpu.memory_space<vmem>>, %arg6: memref<1x128xf32, #tpu.memory_space<vmem>>, %arg7: memref<128x16xf32, #tpu.memory_space<vmem>>, %arg8: memref<1000x16xf32, #tpu.memory_space<vmem>>) attributes {dimension_semantics = [#tpu.dimension_semantics<arbitrary>], iteration_bounds = array<i64: 10>, scalar_prefetch = 0 : i64, scratch_operands = 0 : i64, tpu.core_type = #tpu.core_type<tc>, window_params = [{transform_indices = @transform_0, window_bounds = array<i64: 2, 1000, 64>}, {transform_indices = @transform_1, window_bounds = array<i64: 2, 1000, 64>}, {transform_indices = @transform_2, window_bounds = array<i64: 1000, 64>}, {transform_indices = @transform_3, window_bounds = array<i64: 1000, 64>}, {transform_indices = @transform_4, window_bounds = array<i64: 1000, 8>}, {pipeline_mode = #tpu.pipeline_mode<synchronous>, transform_indices = @transform_5, window_bounds = array<i64: 1, 128>}, {pipeline_mode = #tpu.pipeline_mode<synchronous>, transform_indices = @transform_6, window_bounds = array<i64: 128, 16>}, {transform_indices = @transform_7, window_bounds = array<i64: 1000, 16>}]} {
    %get3A = arith.constant 0 : index
    %get3A_0 = arith.constant 0 : index
    %get3A_1 = vector.load %arg5[%get3A, %get3A_0] : memref<1000x8xf32, #tpu.memory_space<vmem>>, vector<1000x1xf32>
    %get3A_2 = arith.constant 0 : index
    %get3A_3 = arith.constant 0 : index
    %get3A_4 = arith.constant 0 : index
    %get3A_5 = vector.load %arg1[%get3A_2, %get3A_3, %get3A_4] : memref<2x1000x64xf32, #tpu.memory_space<vmem>>, vector<1x1000x64xf32>
    %get3A_6 = vector.shape_cast %get3A_5 : vector<1x1000x64xf32> to vector<1000x64xf32>
    %get3A_7 = arith.constant 1 : index
    %get3A_8 = arith.constant 0 : index
    %get3A_9 = arith.constant 0 : index
    %get3A_10 = vector.load %arg1[%get3A_7, %get3A_8, %get3A_9] : memref<2x1000x64xf32, #tpu.memory_space<vmem>>, vector<1x1000x64xf32>
    %get3A_11 = vector.shape_cast %get3A_10 : vector<1x1000x64xf32> to vector<1000x64xf32>
    %add3A = arith.addf %get3A_6, %get3A_11 : vector<1000x64xf32>
    %get3A_12 = arith.constant 0 : index
    %get3A_13 = arith.constant 0 : index
    %get3A_14 = vector.load %arg3[%get3A_12, %get3A_13] : memref<1000x64xf32, #tpu.memory_space<vmem>>, vector<1000x64xf32>
    %add3A_15 = arith.addf %add3A, %get3A_14 : vector<1000x64xf32>
    %get3A_16 = arith.constant 0 : index
    %get3A_17 = arith.constant 0 : index
    %get3A_18 = arith.constant 0 : index
    %get3A_19 = vector.load %arg2[%get3A_16, %get3A_17, %get3A_18] : memref<2x1000x64xf32, #tpu.memory_space<vmem>>, vector<1x1000x64xf32>
    %get3A_20 = vector.shape_cast %get3A_19 : vector<1x1000x64xf32> to vector<1000x64xf32>
    %get3A_21 = arith.constant 1 : index
    %get3A_22 = arith.constant 0 : index
    %get3A_23 = arith.constant 0 : index
    %get3A_24 = vector.load %arg2[%get3A_21, %get3A_22, %get3A_23] : memref<2x1000x64xf32, #tpu.memory_space<vmem>>, vector<1x1000x64xf32>
    %get3A_25 = vector.shape_cast %get3A_24 : vector<1x1000x64xf32> to vector<1000x64xf32>
    %add3A_26 = arith.addf %get3A_20, %get3A_25 : vector<1000x64xf32>
    %get3A_27 = arith.constant 0 : index
    %get3A_28 = arith.constant 0 : index
    %get3A_29 = vector.load %arg4[%get3A_27, %get3A_28] : memref<1000x64xf32, #tpu.memory_space<vmem>>, vector<1000x64xf32>
    %add3A_30 = arith.addf %add3A_26, %get3A_29 : vector<1000x64xf32>
    %concatenate3A = tpu.concatenate %add3A_15, %add3A_30 in 1 : vector<1000x64xf32>, vector<1000x64xf32> -> vector<1000x128xf32>
    %mul3A = vector.broadcast %get3A_1 : vector<1000x1xf32> to vector<1000x128xf32>
    %mul3A_31 = arith.mulf %concatenate3A, %mul3A : vector<1000x128xf32>
    %get3A_32 = arith.constant 0 : index
    %get3A_33 = arith.constant 0 : index
    %get3A_34 = vector.load %arg6[%get3A_32, %get3A_33] : memref<1x128xf32, #tpu.memory_space<vmem>>, vector<1x128xf32>
    %add3A_35 = vector.broadcast %get3A_34 : vector<1x128xf32> to vector<1000x128xf32>
    %add3A_36 = arith.addf %mul3A_31, %add3A_35 : vector<1000x128xf32>
    %max3A = arith.constant 0.000000e+00 : f32
    %max3A_37 = vector.broadcast %max3A : f32 to vector<1000x128xf32>
    %max3A_38 = arith.maximumf %add3A_36, %max3A_37 : vector<1000x128xf32>
    %get3A_39 = arith.constant 0 : index
    %get3A_40 = arith.constant 0 : index
    %get3A_41 = vector.load %arg7[%get3A_39, %get3A_40] : memref<128x16xf32, #tpu.memory_space<vmem>>, vector<128x16xf32>
    %dot_general3A = arith.constant dense<0.000000e+00> : vector<1000x16xf32>
    %dot_general3A_42 = tpu.matmul %max3A_38, %get3A_41, %dot_general3A {dimension_numbers = #tpu.dot_dimension_numbers<[1], [0], [0], [1], [0, 0, 1, 1], [], []>, transpose_lhs_hint = false} : vector<1000x128xf32>, vector<128x16xf32>, vector<1000x16xf32> -> vector<1000x16xf32>
    %mul3A_43 = vector.broadcast %get3A_1 : vector<1000x1xf32> to vector<1000x16xf32>
    %mul3A_44 = arith.mulf %dot_general3A_42, %mul3A_43 : vector<1000x16xf32>
    %swap3A = arith.constant 0 : index
    %swap3A_45 = arith.constant 0 : index
    %swap3A_46 = vector.load %arg8[%swap3A, %swap3A_45] : memref<1000x16xf32, #tpu.memory_space<vmem>>, vector<1000x16xf32>
    tpu.vector_store %arg8[%swap3A, %swap3A_45], %mul3A_44 {strides = array<i32>} : memref<1000x16xf32, #tpu.memory_space<vmem>>, vector<1000x16xf32>,
    return
  }
  func.func @transform_0(%arg0: i32) -> (i32, i32, i32) {
    %c0_i32 = arith.constant 0 : i32
    %c0_i32_0 = arith.constant 0 : i32
    %c0_i32_1 = arith.constant 0 : i32
    return %c0_i32, %arg0, %c0_i32_0 : i32, i32, i32
  }
  func.func @transform_1(%arg0: i32) -> (i32, i32, i32) {
    %c0_i32 = arith.constant 0 : i32
    %c0_i32_0 = arith.constant 0 : i32
    %c0_i32_1 = arith.constant 0 : i32
    return %c0_i32, %arg0, %c0_i32_0 : i32, i32, i32
  }
  func.func @transform_2(%arg0: i32) -> (i32, i32) {
    %c0_i32 = arith.constant 0 : i32
    %c0_i32_0 = arith.constant 0 : i32
    return %arg0, %c0_i32 : i32, i32
  }
  func.func @transform_3(%arg0: i32) -> (i32, i32) {
    %c0_i32 = arith.constant 0 : i32
    %c0_i32_0 = arith.constant 0 : i32
    return %arg0, %c0_i32 : i32, i32
  }
  func.func @transform_4(%arg0: i32) -> (i32, i32) {
    %c0_i32 = arith.constant 0 : i32
    %c0_i32_0 = arith.constant 0 : i32
    return %arg0, %c0_i32 : i32, i32
  }
  func.func @transform_5(%arg0: i32) -> (i32, i32) {
    %c0_i32 = arith.constant 0 : i32
    %c0_i32_0 = arith.constant 0 : i32
    %c0_i32_1 = arith.constant 0 : i32
    return %c0_i32, %c0_i32_0 : i32, i32
  }
  func.func @transform_6(%arg0: i32) -> (i32, i32) {
    %c0_i32 = arith.constant 0 : i32
    %c0_i32_0 = arith.constant 0 : i32
    %c0_i32_1 = arith.constant 0 : i32
    return %c0_i32, %c0_i32_0 : i32, i32
  }
  func.func @transform_7(%arg0: i32) -> (i32, i32) {
    %c0_i32 = arith.constant 0 : i32
    %c0_i32_0 = arith.constant 0 : i32
    return %arg0, %c0_i32 : i32, i32
  }
}

module attributes {stable_mosaic.version = 14 : i64} {
  func.func @_tc_c_body(%arg0: i32, %arg1: memref<2x1000x16xf32, #tpu.memory_space<vmem>>, %arg2: memref<1000x16xf32, #tpu.memory_space<vmem>>, %arg3: memref<1000x8xf32, #tpu.memory_space<vmem>>, %arg4: memref<1x16xf32, #tpu.memory_space<vmem>>, %arg5: memref<1000x16xf32, #tpu.memory_space<vmem>>) attributes {dimension_semantics = [#tpu.dimension_semantics<arbitrary>], iteration_bounds = array<i64: 10>, scalar_prefetch = 0 : i64, scratch_operands = 0 : i64, tpu.core_type = #tpu.core_type<tc>, window_params = [{transform_indices = @transform_0, window_bounds = array<i64: 2, 1000, 16>}, {transform_indices = @transform_1, window_bounds = array<i64: 1000, 16>}, {transform_indices = @transform_2, window_bounds = array<i64: 1000, 8>}, {pipeline_mode = #tpu.pipeline_mode<synchronous>, transform_indices = @transform_3, window_bounds = array<i64: 1, 16>}, {transform_indices = @transform_4, window_bounds = array<i64: 1000, 16>}]} {
    %get3A = arith.constant 0 : index
    %get3A_0 = arith.constant 0 : index
    %get3A_1 = vector.load %arg3[%get3A, %get3A_0] : memref<1000x8xf32, #tpu.memory_space<vmem>>, vector<1000x1xf32>
    %get3A_2 = arith.constant 0 : index
    %get3A_3 = arith.constant 0 : index
    %get3A_4 = arith.constant 0 : index
    %get3A_5 = vector.load %arg1[%get3A_2, %get3A_3, %get3A_4] : memref<2x1000x16xf32, #tpu.memory_space<vmem>>, vector<1x1000x16xf32>
    %get3A_6 = vector.shape_cast %get3A_5 : vector<1x1000x16xf32> to vector<1000x16xf32>
    %get3A_7 = arith.constant 1 : index
    %get3A_8 = arith.constant 0 : index
    %get3A_9 = arith.constant 0 : index
    %get3A_10 = vector.load %arg1[%get3A_7, %get3A_8, %get3A_9] : memref<2x1000x16xf32, #tpu.memory_space<vmem>>, vector<1x1000x16xf32>
    %get3A_11 = vector.shape_cast %get3A_10 : vector<1x1000x16xf32> to vector<1000x16xf32>
    %add3A = arith.addf %get3A_6, %get3A_11 : vector<1000x16xf32>
    %get3A_12 = arith.constant 0 : index
    %get3A_13 = arith.constant 0 : index
    %get3A_14 = vector.load %arg2[%get3A_12, %get3A_13] : memref<1000x16xf32, #tpu.memory_space<vmem>>, vector<1000x16xf32>
    %add3A_15 = arith.addf %add3A, %get3A_14 : vector<1000x16xf32>
    %mul3A = vector.broadcast %get3A_1 : vector<1000x1xf32> to vector<1000x16xf32>
    %mul3A_16 = arith.mulf %add3A_15, %mul3A : vector<1000x16xf32>
    %get3A_17 = arith.constant 0 : index
    %get3A_18 = arith.constant 0 : index
    %get3A_19 = vector.load %arg4[%get3A_17, %get3A_18] : memref<1x16xf32, #tpu.memory_space<vmem>>, vector<1x16xf32>
    %add3A_20 = vector.broadcast %get3A_19 : vector<1x16xf32> to vector<1000x16xf32>
    %add3A_21 = arith.addf %mul3A_16, %add3A_20 : vector<1000x16xf32>
    %swap3A = arith.constant 0 : index
    %swap3A_22 = arith.constant 0 : index
    %swap3A_23 = vector.load %arg5[%swap3A, %swap3A_22] : memref<1000x16xf32, #tpu.memory_space<vmem>>, vector<1000x16xf32>
    tpu.vector_store %arg5[%swap3A, %swap3A_22], %add3A_21 {strides = array<i32>} : memref<1000x16xf32, #tpu.memory_space<vmem>>, vector<1000x16xf32>,
    return
  }
  func.func @transform_0(%arg0: i32) -> (i32, i32, i32) {
    %c0_i32 = arith.constant 0 : i32
    %c0_i32_0 = arith.constant 0 : i32
    %c0_i32_1 = arith.constant 0 : i32
    return %c0_i32, %arg0, %c0_i32_0 : i32, i32, i32
  }
  func.func @transform_1(%arg0: i32) -> (i32, i32) {
    %c0_i32 = arith.constant 0 : i32
    %c0_i32_0 = arith.constant 0 : i32
    return %arg0, %c0_i32 : i32, i32
  }
  func.func @transform_2(%arg0: i32) -> (i32, i32) {
    %c0_i32 = arith.constant 0 : i32
    %c0_i32_0 = arith.constant 0 : i32
    return %arg0, %c0_i32 : i32, i32
  }
  func.func @transform_3(%arg0: i32) -> (i32, i32) {
    %c0_i32 = arith.constant 0 : i32
    %c0_i32_0 = arith.constant 0 : i32
    %c0_i32_1 = arith.constant 0 : i32
    return %c0_i32, %c0_i32_0 : i32, i32
  }
  func.func @transform_4(%arg0: i32) -> (i32, i32) {
    %c0_i32 = arith.constant 0 : i32
    %c0_i32_0 = arith.constant 0 : i32
    return %arg0, %c0_i32 : i32, i32
  }
}

</mosaic_0001>

<sc_bundles>
// kernel: kernel.12.cloned.1.call-start
scs
__scs_entry_jumppad:
0x0: {  	(pc) =	sbr.rel $0x88, $3  }
0x1: {  	(tag) =	ssettag $0x0;
	lr =	simm.s32 $0x1  }
0x2: {  	[smem:$0x3F9B] =	sst lr;
	_ =	strace $0xD0000000  }
0x3: {  	_ = 	snop  }
0x4: {  	_ = 	snop  }
0x5: {  	_ = 	snop  }
0x6: {  	_ = 	snop  }
0x7: {  	_ = 	snop  }
__scs_overlays_trampoline_lowered:
0x8: {  	[smem:$0x3FAA] =	sst s0  }
0x9: {  	[smem:$0x3FAB] =	sst s1  }
0xa: {  	[smem:$0x3FAC] =	sst s2  }
0xb: {  	[smem:$0x3FAD] =	sst s3  }
0xc: {  	[smem:$0x3FAE] =	sst s4  }
0xd: {  	[smem:$0x3FAF] =	sst s5  }
0xe: {  	[smem:$0x3FB0] =	sst s6  }
0xf: {  	[smem:$0x3FB1] =	sst s7  }
0x10: {  	[smem:$0x3FB2] =	sst s8  }
0x11: {  	[smem:$0x3FB3] =	sst s9;
	s0 =	simm.s32 @!p0 $0x0  }
0x12: {  	s1 =	sld [smem:$0x3F99];
	s0 =	simm.s32 @p0 $0x1  }
0x13: {  	[smem:$0x3FB4] =	sst s0;
	s0 =	simm.s32 @!p1 $0x0  }
0x14: {  	s2 =	sld [smem:$0x3F98];
	s0 =	simm.s32 @p1 $0x1  }
0x15: {  	[smem:$0x3FB5] =	sst s0;
	s0 =	simm.s32 @!p2 $0x0  }
0x16: {  	s3 =	sld [smem:$0x3FDB];
	s0 =	simm.s32 @p2 $0x1  }
0x17: {  	s4 =	simm.s32 $0x1BF5;
	[smem:$0x3FB7] =	sst s0  }
0x18: {  	s0 =	sld [smem:$0x3F9A];
	_ =	swait.ge [sflag:s4], $0x0  }
0x19: {  	s7 =	sld [smem:$0x3F9B]  }
0x1a: {  	s8 =	sadd.s32 $0xFFFFE003, lr  }
0x1b: {  	s9 =	sadd.s32 $0xFFFFFEF7, lr;
	s5 =	simm.s32 $0xFFFFFFFF;
	p2 =	slt.u32 s8, $0xFFFFF086  }
0x1c: {  	p1 =	slt.u32 s9, $0xF7A;
	s5 =	simm.s32 @!p2 $0x0  }
0x1d: {  	s5 =	simm.s32 @p1 $0x1;
	p0 =	seq.s32 s7, s2  }
0x1e: {  	s7 =	smul.u32 @!p0 $0xF7A, s2;
	p2 =	seq.s32 @!p0 s5, $0x0  }
0x1f: {  	s9 =	smul.u32 $0xF7A, s1;
	s8 =	simm.s32 @!p0 $0x1BF5;
	p2 =	por !p2, p0  }
0x20: {  	[sflag:s8] =	ssyncset.s32 @!p0 $0xFFFFF086;
	s6 =	sadd.s32 @!p0 s3, s7;
	s7 =	simm.s32 @!p0 $0x108  }
0x21: {  	s3 =	sadd.s32 s3, s9;
	s6 =	sadd.s32 @!p0 $0x88, s6;
	s7 =	simm.s32 @p2 $0x1082  }
0x22: {  	[simem:s7], [sflag:s8] =	dma.local @!p0 [hbm:s6], $0xF7A  }
0x23: {  	s9 =	sor.u32 $0xD0000000, s2;
	s6 =	simm.s32 $0x108;
	_ =	swait.ge @!p0 [sflag:s8], $0x0  }
0x24: {  	s3 =	sadd.s32 $0x88, s3;
	s6 =	simm.s32 @!p1 $0x1082;
	[sflag:s4] =	ssyncset.s32 $0xFFFFF086  }
0x25: {  	[simem:s6], [sflag:s4] =	dma.local [hbm:s3], $0xF7A  }
0x26: {  	[smem:$0x3F9B] =	sst s1;
	(tag) =	ssettag s2;
	_ =	strace s9  }
0x27: {  	s1 =	sld [smem:$0x3FAB]  }
0x28: {  	s2 =	sld [smem:$0x3FAC]  }
0x29: {  	s4 =	sld [smem:$0x3FAE]  }
0x2a: {  	p0 =	seq.s32 s5, $0x0;
	s5 =	sld [smem:$0x3FAF]  }
0x2b: {  	s6 =	sld [smem:$0x3FB0]  }
0x2c: {  	s7 =	sld [smem:$0x3FB1]  }
0x2d: {  	s3 =	simm.s32 $0x108;
	s8 =	sld [smem:$0x3FB2]  }
0x2e: {  	s3 =	simm.s32 @!p0 $0x1082;
	s9 =	sld [smem:$0x3FB3]  }
0x2f: {  	lr =	sadd.s32 s0, s3;
	s0 =	sld [smem:$0x3FAA]  }
0x30: {  	s3 =	sld [smem:$0x3FAD]  }
0x31: {  	[smem:$0x3FB6] =	sst s10  }
0x32: {  	s10 =	sld [smem:$0x3FB4];
	_ =	sdelay $0x3  }
0x33: {  	p0 =	seq.s32 s10, $0x1;
	s10 =	sld [smem:$0x3FB6];
	_ =	sdelay $0x3  }
0x34: {  	[smem:$0x3FB6] =	sst s10  }
0x35: {  	s10 =	sld [smem:$0x3FB5];
	_ =	sdelay $0x3  }
0x36: {  	p1 =	seq.s32 s10, $0x1;
	s10 =	sld [smem:$0x3FB6];
	_ =	sdelay $0x3  }
0x37: {  	[smem:$0x3FB6] =	sst s10  }
0x38: {  	s10 =	sld [smem:$0x3FB7]  }
0x39: {  	_ = 	snop;
	(pc) =	sbr.ind lr, $3  }
0x3a: {  	_ = 	snop  }
0x3b: {  	_ = 	snop  }
0x3c: {  	p2 =	seq.s32 s10, $0x1;
	s10 =	sld [smem:$0x3FB6]  }
0x3d: {  	_ =	shalt  }
0x3e: {  	_ =	shalt  }
0x3f: {  	_ =	shalt  }
0x40: {  	_ =	shalt  }
0x41: {  	_ =	shalt  }
0x42: {  	_ =	shalt  }
0x43: {  	_ =	shalt  }
0x44: {  	_ =	shalt  }
0x45: {  	_ =	shalt  }
0x46: {  	_ =	shalt  }
0x47: {  	_ =	shalt  }
0x48: {  	_ =	shalt  }
0x49: {  	_ =	shalt  }
0x4a: {  	_ =	shalt  }
0x4b: {  	_ =	shalt  }
0x4c: {  	_ =	shalt  }
0x4d: {  	_ =	shalt  }
0x4e: {  	_ =	shalt  }
0x4f: {  	_ =	shalt  }
0x50: {  	_ =	shalt  }
0x51: {  	_ =	shalt  }
0x52: {  	_ =	shalt  }
0x53: {  	_ =	shalt  }
0x54: {  	_ =	shalt  }
0x55: {  	_ =	shalt  }
0x56: {  	_ =	shalt  }
0x57: {  	_ =	shalt  }
0x58: {  	_ =	shalt  }
0x59: {  	_ =	shalt  }
0x5a: {  	_ =	shalt  }
0x5b: {  	_ =	shalt  }
0x5c: {  	_ =	shalt  }
0x5d: {  	_ =	shalt  }
0x5e: {  	_ =	shalt  }
0x5f: {  	_ =	shalt  }
0x60: {  	_ =	shalt  }
0x61: {  	_ =	shalt  }
0x62: {  	_ =	shalt  }
0x63: {  	_ =	shalt  }
0x64: {  	_ =	shalt  }
0x65: {  	_ =	shalt  }
0x66: {  	_ =	shalt  }
0x67: {  	_ =	shalt  }
0x68: {  	_ =	shalt  }
0x69: {  	_ =	shalt  }
0x6a: {  	_ =	shalt  }
0x6b: {  	_ =	shalt  }
0x6c: {  	_ =	shalt  }
0x6d: {  	_ =	shalt  }
0x6e: {  	_ =	shalt  }
0x6f: {  	_ =	shalt  }
0x70: {  	_ =	shalt  }
0x71: {  	_ =	shalt  }
0x72: {  	_ =	shalt  }
0x73: {  	_ =	shalt  }
0x74: {  	_ =	shalt  }
0x75: {  	_ =	shalt  }
0x76: {  	_ =	shalt  }
0x77: {  	_ =	shalt  }
0x78: {  	_ =	shalt  }
0x79: {  	_ =	shalt  }
0x7a: {  	_ =	shalt  }
0x7b: {  	_ =	shalt  }
0x7c: {  	_ =	shalt  }
0x7d: {  	_ =	shalt  }
0x7e: {  	_ =	shalt  }
0x7f: {  	_ =	shalt  }
0x80: {  	_ =	shalt  }
0x81: {  	_ =	shalt  }
0x82: {  	_ =	shalt  }
0x83: {  	_ =	shalt  }
0x84: {  	_ =	shalt  }
0x85: {  	_ =	shalt  }
0x86: {  	_ =	shalt  }
0x87: {  	_ =	shalt  }
.Lfunc_end0:
.L_simem_size_0:
called_computation.1_lowered:
.L_overlay_start_0:
0x88: {  	s2 =	sld [smem:$0x3FD9]  }
0x89: {  	s3 =	sld [smem:$0x3FFE];
	_ =	sdelay $0x1  }
0x8a: {  	s1 =	srdreg.scid  }
0x8b: {  	s0 =	sand.u32 $0x1, s1  }
0x8c: {  	s16 =	sshll.u32 s0, $0xA;
	s2 =	sadd.s32 s3, s2  }
0x8d: {  	s2 =	sadd.s32 s2, s16  }
0x8e: {  	[smem:$0x3FC2] =	sst s2  }
0x8f: {  	_ = 	snop  }
0x90: {  	(tm) =	ssettm $0x1  }
0x91: {  	s17 =	sld [smem:$0x3FFB];
	_ =	sdelay $0x3  }
0x92: {  	_ =	strace s17  }
0x93: {  	s2 =	sld [smem:$0x3FFC];
	_ =	sdelay $0x3  }
0x94: {  	_ =	strace s2  }
0x95: {  	s2 =	sld [smem:$0x3FFD];
	_ =	sdelay $0x3  }
0x96: {  	_ =	strace s2  }
0x97: {  	_ =	strace $0x8FFFFFFF  }
0x98: {  	s18 =	sld [smem:$0x3FDB];
	_ =	sdelay $0x1  }
0x99: {  	s19 =	simm.s32 $_scs_section_size  }
0x9a: {  	s4 =	simm.s32 $_size__tile_overlayer_lowered;
	s5 =	simm.s32 $_tile_overlayer_lowered  }
0x9b: {  	s22 =	simm.s32 $0x1BFF;
	s21 =	sshll.u32 s5, $0x1;
	s2 =	sadd.s32 s19, s18  }
0x9c: {  	s6 =	simm.s32 $0x0;
	s20 =	sshll.u32 s4, $0x1;
	s4 =	sadd.s32 s21, s2  }
0x9d: {  	[timem:s6], [sflag:s22] =	dma.local [hbm:s4], s20  }
0x9e: {  	_ =	swait.ge [sflag:s22], s20  }
0x9f: {  	s3 =	ssub.s32 $0x0, s20;
	[sflag:s22] =	ssyncset.done $0x0  }
0xa0: {  	[sflag:s22] =	ssyncadd.s32 s3;
	_ =	sdelay $0x1  }
0xa1: {  	s23 =	simm.s32 $0x1B8B  }
0xa2: {  	_ =	swait.ge [sflag:s23], $0x1  }
0xa3: {  	[sflag:s23] =	ssyncset.done $0x0  }
0xa4: {  	s25 =	simm.s32 $0x1B8E;
	s24 =	sld [smem:$0x3FFE];
	[sflag:s23] =	ssyncadd.s32 $0xFFFFFFFF  }
0xa5: {  	s26 =	simm.s32 $execute0_lowered;
	[smem:$0x3FD2] =	sst s25  }
0xa6: {  	s4 =	sshll.u32 s26, $0x1;
	_ =	strace $0x80000049;
	[dreg:$0x1] =	wrdreg $0xFFFFFFFF  }
0xa7: {  	s28 =	simm.s32 $_size_execute0_lowered;
	s2 =	sadd.s32 s2, s4;
	[dreg:$0x0] =	wrdreg $0x0  }
0xa8: {  	s4 =	sshll.u32 s28, $0x1;
	[dreg:$0x2] =	wrdreg s2  }
0xa9: {  	[dreg:$0x3] =	wrdreg s4  }
0xaa: {  	[dreg:$0x4] =	wrdreg $0xC0  }
0xab: {  	_ =	task [dreg:s6], $0x5FFFF  }
0xac: {  	[dreg:$0x1] =	wrdreg $0xFFFFFFFF  }
0xad: {  	[dreg:$0x0] =	wrdreg $0x60  }
0xae: {  	[dreg:$0x2] =	wrdreg s24  }
0xaf: {  	[dreg:$0x3] =	wrdreg $0x110000  }
0xb0: {  	[dreg:$0x4] =	wrdreg $0x9  }
0xb1: {  	_ =	task.clear_ibuf [dreg:s6], $0x5FFFF;
	_ =	strace $0x90000049  }
0xb2: {  	s29 =	simm.s32 $0x9;
	_ =	strace $0x8000004B  }
0xb3: {  	_ =	swait.ge [sflag:s29], $0x1  }
0xb4: {  	[sflag:s29] =	ssyncadd.s32 $0xFFFFFFFF  }
0xb5: {  	_ =	strace $0x9000004B  }
0xb6: {  	_ =	sfence  }
0xb7: {  	s30 =	sld [smem:$0x0];
	_ =	sdelay $0x2  }
0xb8: {  	s31 =	sshll.u32 s1, $0xD;
	s1 =	sshrl.u32 s1, $0x2  }
0xb9: {  	s3 =	sand.u32 $0x4000, s31;
	s1 =	sadd.s32 s1, s30  }
0xba: {  	s0 =	sor.u32 s3, s0;
	s1 =	sshll.u32 s1, $0x11  }
0xbb: {  	s0 =	sor.u32 s1, s0  }
0xbc: {  	s0 =	sadd.s32 $0x8F2B, s0  }
0xbd: {  	[sflag:s0] =	ssyncadd.remote.s32 $0x1  }
0xbe: {  	_ =	sfence.sel $0xFFFF  }
0xbf: {  	[dreg:$0x0] =	wrdreg $0xFFFFFFFF;
	(pc) =	sbr.abs _section_cstart, $3  }
0xc0: {  	[dreg:$0x1] =	wrdreg $0xFFFFFFFF  }
0xc1: {  	_ =	task.clear_ibuf [dreg:s6], $0x2FFFF;
	_ =	strace $0x9FFFFFFF  }
0xc2: {  	(tm) =	ssettm $0x7FFFFFFF  }
0xc3: {  	_ =	shalt  }
tec
execute0_lowered:
.L_overlay_start_1:
0x0: {  	(tag) =	ssettag $0x1  }
0x1: {  	s0 =	rddreg [dreg:$0x0]  }
0x2: {  	s2 =	rddreg [dreg:$0x1]  }
0x3: {  	s11 =	stileid.u32;
	s4 =	srdreg.scid  }
0x4: {  	s3 =	simm.s32 $0x0;
	s18 =	simm.s32 $0x9000;
	s19 =	simm.s32 $0x9  }
0x5: {  	s20 =	simm.s32 $0x80;
	s28 =	simm.s32 $0x4;
	s29 =	simm.s32 $0x5  }
0x6: {  	s30 =	simm.s32 $0x6;
	s31 =	simm.s32 $0x7;
	s1 =	smul.u32 $0x900, s11  }
0x7: {  	s6 =	sand.u32 $0x1, s4;
	s7 =	smul.u32 $0xA000, s11;
	[smem:$0x7FF] =	sst s3  }
0x8: {  	s4 =	sadd.s32 $0x33A00, s0;
	s9 =	sshll.u32 s11, $0x8;
	s11 =	smul.u32 $0x28000, s11  }
0x9: {  	s5 =	sadd.s32 $0x20000, s0;
	s8 =	smul.u32 $0xA0000, s6;
	_ =	strace $0x8000004A  }
0xa: {  	s10 =	ssub.s32 $0x2, s6;
	s9 =	sadd.s32 s9, s0;
	p0 =	sne.s32 s6, $0x0  }
0xb: {  	s1 =	sadd.s32 s1, s0;
	s21 =	sshrl.u32 s10, $0x1;
	s22 =	sadd.s32 $0x1F000, s9  }
0xc: {  	s23 =	sshrl.u32 s11, $0x2;
	s9 =	sadd.s32 $0x14000, s9;
	[dreg:$0x3] =	wrdreg s22  }
0xd: {  	s8 =	sadd.s32 s7, s8;
	[dreg:$0x4] =	wrdreg s9;
	s24 =	sadd.s32 $0x2000, s1  }
0xe: {  	s25 =	sadd.s32 s23, s2;
	s1 =	sadd.s32 $0xB000, s1;
	s22 =	simm.s32 $0xD000  }
0xf: {  	s23 =	simm.s32 $0xF000;
	s8 =	sshrl.u32 s8, $0x3;
	[dreg:$0x5] =	wrdreg s24  }
0x10: {  	[dreg:$0x6] =	wrdreg s1;
	s11 =	sadd.s32 $0x2000, s25;
	s12 =	sadd.s32 $0x4000, s25  }
0x11: {  	s13 =	sadd.s32 $0x6000, s25;
	s14 =	sadd.s32 $0x8000, s25;
	s24 =	simm.s32 $0x1  }
0x12: {  	s25 =	simm.s32 $0x2;
	s0 =	sadd.s32 s8, s0;
	s8 =	ssub.s32 s10, s21  }
0x13: {  	s10 =	sadd.s32 s7, s2;
	s21 =	simm.s32 $0xB000;
	s26 =	sadd.s32 $0x6F400, s0  }
0x14: {  	s0 =	sadd.s32 $0x47400, s0;
	s17 =	smax.u32 s8, $0x1;
	[dreg:$0x7] =	wrdreg s26  }
0x15: {  	v0 =	vimm.f32 $0.0e+00;
	[dreg:$0x8] =	wrdreg s0;
	s26 =	simm.s32 $0x3;
	s0 =	simm.s32 $0x8  }
.LBB2_1:
0x16: {  	s1 =	simm.s32 @p0 $0x0;
	s6 =	rddreg [dreg:$0x3]  }
0x17: {  	[tilespmem:s1], [sflag:$0x9] =	stream.linear.gather @p0 [hbm4b:s6+s1], $0x800, $0x38;
	[tilespmem:$0x1B000] =	vst v63  }
0x18: {  	s6 =	simm.s32 @p0 $0x9  }
0x19: {  	_ =	swait.ge @p0 [sflag:s6], $0x800  }
0x1a: {  	[sflag:s6] =	ssyncset.done @p0 $0x0  }
0x1b: {  	s7 =	simm.s32 @p0 $0x4800;
	s8 =	rddreg [dreg:$0x4];
	[sflag:s6] =	ssyncadd.s32 @p0 $0xFFFFF800  }
0x1c: {  	[tilespmem:s7], [sflag:$0x9] =	stream.linear.gather @p0 [hbm4b:s8+s1], $0x800, $0x38;
	[tilespmem:$0x1B000] =	vst v63  }
0x1d: {  	_ =	swait.ge @p0 [sflag:s6], $0x800  }
0x1e: {  	[sflag:s6] =	ssyncset.done @p0 $0x0  }
0x1f: {  	s1 =	simm.s32 @!p0 $0x0;
	[sflag:s6] =	ssyncadd.s32 @p0 $0xFFFFF800;
	s6 =	rddreg [dreg:$0x5]  }
0x20: {  	[tilespmem:s1], [sflag:$0x9] =	stream.linear.gather @!p0 [hbm4b:s6+s1], $0x4800, $0x38;
	[tilespmem:$0x1B000] =	vst v63  }
0x21: {  	s6 =	simm.s32 @!p0 $0x9  }
0x22: {  	_ =	swait.ge @!p0 [sflag:s6], $0x4800  }
0x23: {  	[sflag:s6] =	ssyncset.done @!p0 $0x0  }
0x24: {  	s7 =	simm.s32 @!p0 $0x4800;
	s8 =	rddreg [dreg:$0x6];
	[sflag:s6] =	ssyncadd.s32 @!p0 $0xFFFFB800  }
0x25: {  	[tilespmem:s7], [sflag:$0x9] =	stream.linear.gather @!p0 [hbm4b:s8+s1], $0x4800, $0x38;
	[tilespmem:$0x1B000] =	vst v63  }
0x26: {  	_ =	swait.ge @!p0 [sflag:s6], $0x4800  }
0x27: {  	s1 =	simm.s32 @!p0 $0x24;
	s7 =	simm.s32 $0x100;
	[sflag:s6] =	ssyncset.done @!p0 $0x0  }
0x28: {  	s1 =	simm.s32 @p0 $0x4;
	[sflag:s6] =	ssyncadd.s32 @!p0 $0xFFFFB800;
	s6 =	simm.s32 $0x0  }
.LBB2_2:
0x29: {  	p1 =	sne.s32 s7, $0x7F00;
	[tilespmem:s6+$0x9030] =	vst v0;
	s8 =	smov.u32 s7;
	s7 =	sadd.s32 $0x100, s7  }
.Ltmp0:
0x2a: {  	[tilespmem:s6+$0x9020] =	vst v0;
	(pc) =	sbr.rel @p1 .LBB2_2-.Ltmp0, $3  }
0x2b: {  	[tilespmem:s6+$0x9000] =	vst v0  }
0x2c: {  	[tilespmem:s6+$0x9010] =	vst v0;
	_ =	sdelay $0x1  }
0x2d: {  	s6 =	sshra.s32 s8, $0x2  }
0x2e: {  	[tilespmem:s6+$0x9030] =	vst v0  }
0x2f: {  	[tilespmem:s6+$0x9020] =	vst v0  }
0x30: {  	[tilespmem:s6+$0x9000] =	vst v0  }
0x31: {  	[tilespmem:s6+$0x9010] =	vst v0  }
0x32: {  	[spmem:s10] =	stream.linear.scatter [tilespmem:s18], [sflag:$0x9], $0x2000, $0x38;
	[tilespmem:$0x1B000] =	vst v63  }
0x33: {  	_ =	swait.ge [sflag:s19], $0x2000  }
0x34: {  	[sflag:s19] =	ssyncset.done $0x0  }
0x35: {  	[sflag:s19] =	ssyncadd.s32 $0xFFFFE000  }
0x36: {  	[spmem:s11] =	stream.linear.scatter [tilespmem:s18], [sflag:$0x9], $0x2000, $0x38;
	[tilespmem:$0x1B000] =	vst v63  }
0x37: {  	_ =	swait.ge [sflag:s19], $0x2000  }
0x38: {  	[sflag:s19] =	ssyncset.done $0x0  }
0x39: {  	[sflag:s19] =	ssyncadd.s32 $0xFFFFE000  }
0x3a: {  	[spmem:s12] =	stream.linear.scatter [tilespmem:s18], [sflag:$0x9], $0x2000, $0x38;
	[tilespmem:$0x1B000] =	vst v63  }
0x3b: {  	_ =	swait.ge [sflag:s19], $0x2000  }
0x3c: {  	[sflag:s19] =	ssyncset.done $0x0  }
0x3d: {  	[sflag:s19] =	ssyncadd.s32 $0xFFFFE000  }
0x3e: {  	[spmem:s13] =	stream.linear.scatter [tilespmem:s18], [sflag:$0x9], $0x2000, $0x38;
	[tilespmem:$0x1B000] =	vst v63  }
0x3f: {  	_ =	swait.ge [sflag:s19], $0x2000  }
0x40: {  	s1 =	sshll.u32 s1, $0xB;
	[sflag:s19] =	ssyncset.done $0x0  }
0x41: {  	p2 =	sne.s32 s1, $0x800;
	[sflag:s19] =	ssyncadd.s32 $0xFFFFE000  }
0x42: {  	[spmem:s14] =	stream.linear.scatter [tilespmem:s18], [sflag:$0x9], $0x2000, $0x38;
	[tilespmem:$0x1B000] =	vst v63  }
.Ltmp1:
0x43: {  	_ =	swait.ge [sflag:s19], $0x2000;
	(pc) =	sbr.rel @!p2 .LBB2_8-.Ltmp1, $4  }
0x44: {  	[sflag:s19] =	ssyncset.done $0x0  }
0x45: {  	[sflag:s19] =	ssyncadd.s32 $0xFFFFE000  }
0x46: {  	[bflag:$0x0] =	sbarrier.arrive $0xFFFF  }
0x47: {  	s7 =	simm.s32 $0x0;
	s6 =	simm.s32 $0x800;
	p1 =	por $0x0, $0x0  }
0x48: {  	s7 =	simm.s32 $0x0  }
0x49: {  	[tilespmem:s18], [sflag:$0x1] =	stream.indirect.gather [hbm4b:s4+s20], $0x40, s7, s20, $0xb8;
	[tilespmem:$0x1B000] =	vst v63  }
0x4a: {  	s9 =	simm.s32 $0x80  }
0x4b: {  	[tilespmem:s21], [sflag:$0x2] =	stream.indirect.gather [hbm4b:s4+s20], $0x40, s9, s20, $0xb8;
	[tilespmem:$0x1B000] =	vst v63  }
0x4c: {  	s15 =	simm.s32 $0x100  }
0x4d: {  	[tilespmem:s22], [sflag:$0x3] =	stream.indirect.gather [hbm4b:s4+s20], $0x40, s15, s20, $0xb8;
	[tilespmem:$0x1B000] =	vst v63  }
0x4e: {  	s16 =	simm.s32 $0x180  }
0x4f: {  	[tilespmem:s23], [sflag:$0x4] =	stream.indirect.gather [hbm4b:s4+s20], $0x40, s16, s20, $0xb8;
	[tilespmem:$0x1B000] =	vst v63  }
0x50: {  	_ =	swait.ge [sflag:s24], $0x2000  }
0x51: {  	[sflag:s24] =	ssyncset.done $0x0  }
0x52: {  	s8 =	simm.s32 $0x4800;
	[sflag:s24] =	ssyncadd.s32 $0xFFFFE000  }
0x53: {  	[spmem:s2] =	stream.indirect.scatter.add.f32 [tilespmem:s18], [sflag:$0x5], $0x40, s8, s20, $0xb8;
	[tilespmem:$0x1B000] =	vst v63  }
0x54: {  	_ =	swait.ge [sflag:s25], $0x2000  }
0x55: {  	[sflag:s25] =	ssyncset.done $0x0  }
0x56: {  	s9 =	simm.s32 $0x4880;
	[sflag:s25] =	ssyncadd.s32 $0xFFFFE000  }
0x57: {  	[spmem:s2] =	stream.indirect.scatter.add.f32 [tilespmem:s21], [sflag:$0x6], $0x40, s9, s20, $0xb8;
	[tilespmem:$0x1B000] =	vst v63  }
0x58: {  	_ =	swait.ge [sflag:s26], $0x2000  }
0x59: {  	[sflag:s26] =	ssyncset.done $0x0  }
0x5a: {  	s15 =	simm.s32 $0x4900;
	[sflag:s26] =	ssyncadd.s32 $0xFFFFE000  }
0x5b: {  	[spmem:s2] =	stream.indirect.scatter.add.f32 [tilespmem:s22], [sflag:$0x7], $0x40, s15, s20, $0xb8;
	[tilespmem:$0x1B000] =	vst v63  }
0x5c: {  	_ =	swait.ge [sflag:s28], $0x2000  }
0x5d: {  	[sflag:s28] =	ssyncset.done $0x0  }
0x5e: {  	s16 =	simm.s32 $0x4980;
	[sflag:s28] =	ssyncadd.s32 $0xFFFFE000  }
0x5f: {  	[spmem:s2] =	stream.indirect.scatter.add.f32 [tilespmem:s23], [sflag:$0x8], $0x40, s16, s20, $0xb8;
	[tilespmem:$0x1B000] =	vst v63  }
0x60: {  	_ =	swait.ge [sflag:s29], $0x2000  }
0x61: {  	[sflag:s29] =	ssyncset.done $0x0  }
0x62: {  	[sflag:s29] =	ssyncadd.s32 $0xFFFFE000  }
0x63: {  	_ =	swait.ge [sflag:s30], $0x2000  }
0x64: {  	[sflag:s30] =	ssyncset.done $0x0  }
0x65: {  	p2 =	sne.s32 s1, $0x1000;
	[sflag:s30] =	ssyncadd.s32 $0xFFFFE000  }
.Ltmp2:
0x66: {  	_ =	swait.ge [sflag:s31], $0x2000;
	(pc) =	sbr.rel @!p2 .LBB2_5-.Ltmp2, $4  }
0x67: {  	[sflag:s31] =	ssyncset.done $0x0  }
0x68: {  	[sflag:s31] =	ssyncadd.s32 $0xFFFFE000  }
0x69: {  	_ =	swait.ge [sflag:s0], $0x2000  }
0x6a: {  	p1 =	por $0x1, $0x1;
	s7 =	simm.s32 $0x1000;
	[sflag:s0] =	ssyncset.done $0x0  }
.LBB2_6:
0x6b: {  	s8 =	sshra.s32 s6, $0x2  }
0x6c: {  	[sflag:s0] =	ssyncadd.s32 $0xFFFFE000;
	s6 =	smov.u32 s7;
	s7 =	sadd.s32 $0x800, s7  }
0x6d: {  	[tilespmem:s18], [sflag:$0x1] =	stream.indirect.gather [hbm4b:s4+s20], $0x40, s8, s20, $0xb8;
	[tilespmem:$0x1B000] =	vst v63  }
0x6e: {  	p2 =	sne.s32 s1, s7;
	s9 =	sadd.s32 $0x80, s8  }
0x6f: {  	[tilespmem:s21], [sflag:$0x2] =	stream.indirect.gather [hbm4b:s4+s20], $0x40, s9, s20, $0xb8;
	[tilespmem:$0x1B000] =	vst v63  }
0x70: {  	s9 =	sadd.s32 $0x100, s8  }
0x71: {  	[tilespmem:s22], [sflag:$0x3] =	stream.indirect.gather [hbm4b:s4+s20], $0x40, s9, s20, $0xb8;
	[tilespmem:$0x1B000] =	vst v63  }
0x72: {  	s9 =	sadd.s32 $0x180, s8  }
0x73: {  	[tilespmem:s23], [sflag:$0x4] =	stream.indirect.gather [hbm4b:s4+s20], $0x40, s9, s20, $0xb8;
	[tilespmem:$0x1B000] =	vst v63  }
0x74: {  	_ =	swait.ge [sflag:s24], $0x2000  }
0x75: {  	[sflag:s24] =	ssyncset.done $0x0  }
0x76: {  	s9 =	sadd.s32 $0x4800, s8;
	[sflag:s24] =	ssyncadd.s32 $0xFFFFE000  }
0x77: {  	[spmem:s2] =	stream.indirect.scatter.add.f32 [tilespmem:s18], [sflag:$0x5], $0x40, s9, s20, $0xb8;
	[tilespmem:$0x1B000] =	vst v63  }
0x78: {  	_ =	swait.ge [sflag:s25], $0x2000  }
0x79: {  	[sflag:s25] =	ssyncset.done $0x0  }
0x7a: {  	s9 =	sadd.s32 $0x4880, s8;
	[sflag:s25] =	ssyncadd.s32 $0xFFFFE000  }
0x7b: {  	[spmem:s2] =	stream.indirect.scatter.add.f32 [tilespmem:s21], [sflag:$0x6], $0x40, s9, s20, $0xb8;
	[tilespmem:$0x1B000] =	vst v63  }
0x7c: {  	_ =	swait.ge [sflag:s26], $0x2000  }
0x7d: {  	[sflag:s26] =	ssyncset.done $0x0  }
0x7e: {  	s9 =	sadd.s32 $0x4900, s8;
	[sflag:s26] =	ssyncadd.s32 $0xFFFFE000  }
0x7f: {  	[spmem:s2] =	stream.indirect.scatter.add.f32 [tilespmem:s22], [sflag:$0x7], $0x40, s9, s20, $0xb8;
	[tilespmem:$0x1B000] =	vst v63  }
0x80: {  	_ =	swait.ge [sflag:s28], $0x2000  }
0x81: {  	[sflag:s28] =	ssyncset.done $0x0  }
0x82: {  	s8 =	sadd.s32 $0x4980, s8;
	[sflag:s28] =	ssyncadd.s32 $0xFFFFE000  }
0x83: {  	[spmem:s2] =	stream.indirect.scatter.add.f32 [tilespmem:s23], [sflag:$0x8], $0x40, s8, s20, $0xb8;
	[tilespmem:$0x1B000] =	vst v63  }
0x84: {  	_ =	swait.ge [sflag:s29], $0x2000  }
0x85: {  	[sflag:s29] =	ssyncset.done $0x0  }
0x86: {  	[sflag:s29] =	ssyncadd.s32 $0xFFFFE000  }
0x87: {  	_ =	swait.ge [sflag:s30], $0x2000  }
0x88: {  	[sflag:s30] =	ssyncset.done $0x0  }
0x89: {  	[sflag:s30] =	ssyncadd.s32 $0xFFFFE000  }
.Ltmp3:
0x8a: {  	_ =	swait.ge [sflag:s31], $0x2000;
	(pc) =	sbr.rel @p2 .LBB2_6-.Ltmp3, $4  }
0x8b: {  	[sflag:s31] =	ssyncset.done $0x0  }
0x8c: {  	[sflag:s31] =	ssyncadd.s32 $0xFFFFE000  }
0x8d: {  	_ =	swait.ge [sflag:s0], $0x2000  }
0x8e: {  	[sflag:s0] =	ssyncset.done $0x0  }
0x8f: {  	s7 =	smov.u32 s6  }
.LBB2_8:
0x90: {  	s6 =	sshra.s32 s7, $0x2;
	[sflag:s0] =	ssyncadd.s32 @p1 $0xFFFFE000  }
0x91: {  	[tilespmem:s18], [sflag:$0x1] =	stream.indirect.gather [hbm4b:s4+s20], $0x40, s6, s20, $0xb8;
	[tilespmem:$0x1B000] =	vst v63  }
0x92: {  	s7 =	sadd.s32 $0x80, s6  }
0x93: {  	[tilespmem:s21], [sflag:$0x2] =	stream.indirect.gather [hbm4b:s4+s20], $0x40, s7, s20, $0xb8;
	[tilespmem:$0x1B000] =	vst v63  }
0x94: {  	s15 =	sadd.s32 $0x100, s6  }
0x95: {  	[tilespmem:s22], [sflag:$0x3] =	stream.indirect.gather [hbm4b:s4+s20], $0x40, s15, s20, $0xb8;
	[tilespmem:$0x1B000] =	vst v63  }
0x96: {  	s16 =	sadd.s32 $0x180, s6  }
0x97: {  	[tilespmem:s23], [sflag:$0x4] =	stream.indirect.gather [hbm4b:s4+s20], $0x40, s16, s20, $0xb8;
	[tilespmem:$0x1B000] =	vst v63  }
0x98: {  	_ =	swait.ge [sflag:s24], $0x2000  }
0x99: {  	[sflag:s24] =	ssyncset.done $0x0  }
0x9a: {  	s8 =	sadd.s32 $0x4800, s6;
	[sflag:s24] =	ssyncadd.s32 $0xFFFFE000  }
0x9b: {  	[spmem:s2] =	stream.indirect.scatter.add.f32 [tilespmem:s18], [sflag:$0x5], $0x40, s8, s20, $0xb8;
	[tilespmem:$0x1B000] =	vst v63  }
0x9c: {  	_ =	swait.ge [sflag:s25], $0x2000  }
0x9d: {  	[sflag:s25] =	ssyncset.done $0x0  }
0x9e: {  	s9 =	sadd.s32 $0x4880, s6;
	[sflag:s25] =	ssyncadd.s32 $0xFFFFE000  }
0x9f: {  	[spmem:s2] =	stream.indirect.scatter.add.f32 [tilespmem:s21], [sflag:$0x6], $0x40, s9, s20, $0xb8;
	[tilespmem:$0x1B000] =	vst v63  }
0xa0: {  	_ =	swait.ge [sflag:s26], $0x2000  }
0xa1: {  	[sflag:s26] =	ssyncset.done $0x0  }
0xa2: {  	s15 =	sadd.s32 $0x4900, s6;
	[sflag:s26] =	ssyncadd.s32 $0xFFFFE000  }
0xa3: {  	[spmem:s2] =	stream.indirect.scatter.add.f32 [tilespmem:s22], [sflag:$0x7], $0x40, s15, s20, $0xb8;
	[tilespmem:$0x1B000] =	vst v63  }
0xa4: {  	_ =	swait.ge [sflag:s28], $0x2000  }
0xa5: {  	[sflag:s28] =	ssyncset.done $0x0  }
0xa6: {  	s6 =	sadd.s32 $0x4980, s6;
	[sflag:s28] =	ssyncadd.s32 $0xFFFFE000  }
0xa7: {  	[spmem:s2] =	stream.indirect.scatter.add.f32 [tilespmem:s23], [sflag:$0x8], $0x40, s6, s20, $0xb8;
	[tilespmem:$0x1B000] =	vst v63  }
0xa8: {  	_ =	swait.ge [sflag:s29], $0x2000  }
0xa9: {  	[sflag:s29] =	ssyncset.done $0x0  }
0xaa: {  	[sflag:s29] =	ssyncadd.s32 $0xFFFFE000  }
0xab: {  	_ =	swait.ge [sflag:s30], $0x2000  }
0xac: {  	[sflag:s30] =	ssyncset.done $0x0  }
0xad: {  	[sflag:s30] =	ssyncadd.s32 $0xFFFFE000  }
0xae: {  	_ =	swait.ge [sflag:s31], $0x2000  }
0xaf: {  	[sflag:s31] =	ssyncset.done $0x0  }
0xb0: {  	[sflag:s31] =	ssyncadd.s32 $0xFFFFE000  }
0xb1: {  	_ =	swait.ge [sflag:s0], $0x2000  }
0xb2: {  	[sflag:s0] =	ssyncset.done $0x0  }
0xb3: {  	s16 =	stileid.u32;
	[sflag:s0] =	ssyncadd.s32 $0xFFFFE000  }
0xb4: {  	s6 =	sshll.u32 s16, $0x6;
	[bflag:$0x0] =	sbarrier.arrive $0xFFFF  }
0xb5: {  	s7 =	sshrl.u32 s10, $0x3;
	s6 =	sor.u32 $0x1C09, s6;
	s8 =	rddreg [dreg:$0x7]  }
0xb6: {  	[hbm:s8], [sflag:s6] =	dma.local [spmem:s7], $0x1400  }
0xb7: {  	_ =	swait.ge [sflag:s19], $0x1400  }
0xb8: {  	[sflag:s19] =	ssyncset.done $0x0  }
0xb9: {  	[sflag:s19] =	ssyncadd.s32 $0xFFFFEC00  }
0xba: {  	s9 =	simm.s32 $0x100;
	s8 =	simm.s32 $0x0;
	[bflag:$0x0] =	sbarrier.arrive $0xFFFF  }
.LBB2_9:
0xbb: {  	p1 =	sne.s32 s9, $0x7F00;
	[tilespmem:s8+$0x9030] =	vst v0;
	s15 =	smov.u32 s9;
	s9 =	sadd.s32 $0x100, s9  }
.Ltmp4:
0xbc: {  	[tilespmem:s8+$0x9020] =	vst v0;
	(pc) =	sbr.rel @p1 .LBB2_9-.Ltmp4, $3  }
0xbd: {  	[tilespmem:s8+$0x9000] =	vst v0  }
0xbe: {  	[tilespmem:s8+$0x9010] =	vst v0;
	_ =	sdelay $0x1  }
0xbf: {  	s8 =	sshra.s32 s15, $0x2  }
0xc0: {  	[tilespmem:s8+$0x9030] =	vst v0  }
0xc1: {  	[tilespmem:s8+$0x9020] =	vst v0  }
0xc2: {  	[tilespmem:s8+$0x9000] =	vst v0  }
0xc3: {  	[tilespmem:s8+$0x9010] =	vst v0  }
0xc4: {  	[spmem:s10] =	stream.linear.scatter [tilespmem:s18], [sflag:$0x9], $0x2000, $0x38;
	[tilespmem:$0x1B000] =	vst v63  }
0xc5: {  	_ =	swait.ge [sflag:s19], $0x2000  }
0xc6: {  	[sflag:s19] =	ssyncset.done $0x0  }
0xc7: {  	[sflag:s19] =	ssyncadd.s32 $0xFFFFE000  }
0xc8: {  	[spmem:s11] =	stream.linear.scatter [tilespmem:s18], [sflag:$0x9], $0x2000, $0x38;
	[tilespmem:$0x1B000] =	vst v63  }
0xc9: {  	_ =	swait.ge [sflag:s19], $0x2000  }
0xca: {  	[sflag:s19] =	ssyncset.done $0x0  }
0xcb: {  	[sflag:s19] =	ssyncadd.s32 $0xFFFFE000  }
0xcc: {  	[spmem:s12] =	stream.linear.scatter [tilespmem:s18], [sflag:$0x9], $0x2000, $0x38;
	[tilespmem:$0x1B000] =	vst v63  }
0xcd: {  	_ =	swait.ge [sflag:s19], $0x2000  }
0xce: {  	[sflag:s19] =	ssyncset.done $0x0  }
0xcf: {  	[sflag:s19] =	ssyncadd.s32 $0xFFFFE000  }
0xd0: {  	[spmem:s13] =	stream.linear.scatter [tilespmem:s18], [sflag:$0x9], $0x2000, $0x38;
	[tilespmem:$0x1B000] =	vst v63  }
0xd1: {  	_ =	swait.ge [sflag:s19], $0x2000  }
0xd2: {  	[sflag:s19] =	ssyncset.done $0x0  }
0xd3: {  	p2 =	sne.s32 s1, $0x800;
	[sflag:s19] =	ssyncadd.s32 $0xFFFFE000  }
0xd4: {  	[spmem:s14] =	stream.linear.scatter [tilespmem:s18], [sflag:$0x9], $0x2000, $0x38;
	[tilespmem:$0x1B000] =	vst v63  }
.Ltmp5:
0xd5: {  	_ =	swait.ge [sflag:s19], $0x2000;
	(pc) =	sbr.rel @!p2 .LBB2_15-.Ltmp5, $4  }
0xd6: {  	[sflag:s19] =	ssyncset.done $0x0  }
0xd7: {  	[sflag:s19] =	ssyncadd.s32 $0xFFFFE000  }
0xd8: {  	[bflag:$0x0] =	sbarrier.arrive $0xFFFF  }
0xd9: {  	s9 =	simm.s32 $0x0;
	s8 =	simm.s32 $0x800;
	p1 =	por $0x0, $0x0  }
0xda: {  	s9 =	simm.s32 $0x0  }
0xdb: {  	[tilespmem:s18], [sflag:$0x1] =	stream.indirect.gather [hbm4b:s5+s20], $0x40, s9, s20, $0xb8;
	[tilespmem:$0x1B000] =	vst v63  }
0xdc: {  	s16 =	simm.s32 $0x80  }
0xdd: {  	[tilespmem:s21], [sflag:$0x2] =	stream.indirect.gather [hbm4b:s5+s20], $0x40, s16, s20, $0xb8;
	[tilespmem:$0x1B000] =	vst v63  }
0xde: {  	s15 =	simm.s32 $0x100  }
0xdf: {  	[tilespmem:s22], [sflag:$0x3] =	stream.indirect.gather [hbm4b:s5+s20], $0x40, s15, s20, $0xb8;
	[tilespmem:$0x1B000] =	vst v63  }
0xe0: {  	s16 =	simm.s32 $0x180  }
0xe1: {  	[tilespmem:s23], [sflag:$0x4] =	stream.indirect.gather [hbm4b:s5+s20], $0x40, s16, s20, $0xb8;
	[tilespmem:$0x1B000] =	vst v63  }
0xe2: {  	_ =	swait.ge [sflag:s24], $0x2000  }
0xe3: {  	[sflag:s24] =	ssyncset.done $0x0  }
0xe4: {  	s15 =	simm.s32 $0x4800;
	[sflag:s24] =	ssyncadd.s32 $0xFFFFE000  }
0xe5: {  	[spmem:s2] =	stream.indirect.scatter.add.f32 [tilespmem:s18], [sflag:$0x5], $0x40, s15, s20, $0xb8;
	[tilespmem:$0x1B000] =	vst v63  }
0xe6: {  	_ =	swait.ge [sflag:s25], $0x2000  }
0xe7: {  	[sflag:s25] =	ssyncset.done $0x0  }
0xe8: {  	s16 =	simm.s32 $0x4880;
	[sflag:s25] =	ssyncadd.s32 $0xFFFFE000  }
0xe9: {  	[spmem:s2] =	stream.indirect.scatter.add.f32 [tilespmem:s21], [sflag:$0x6], $0x40, s16, s20, $0xb8;
	[tilespmem:$0x1B000] =	vst v63  }
0xea: {  	_ =	swait.ge [sflag:s26], $0x2000  }
0xeb: {  	[sflag:s26] =	ssyncset.done $0x0  }
0xec: {  	s15 =	simm.s32 $0x4900;
	[sflag:s26] =	ssyncadd.s32 $0xFFFFE000  }
0xed: {  	[spmem:s2] =	stream.indirect.scatter.add.f32 [tilespmem:s22], [sflag:$0x7], $0x40, s15, s20, $0xb8;
	[tilespmem:$0x1B000] =	vst v63  }
0xee: {  	_ =	swait.ge [sflag:s28], $0x2000  }
0xef: {  	[sflag:s28] =	ssyncset.done $0x0  }
0xf0: {  	s16 =	simm.s32 $0x4980;
	[sflag:s28] =	ssyncadd.s32 $0xFFFFE000  }
0xf1: {  	[spmem:s2] =	stream.indirect.scatter.add.f32 [tilespmem:s23], [sflag:$0x8], $0x40, s16, s20, $0xb8;
	[tilespmem:$0x1B000] =	vst v63  }
0xf2: {  	_ =	swait.ge [sflag:s29], $0x2000  }
0xf3: {  	[sflag:s29] =	ssyncset.done $0x0  }
0xf4: {  	[sflag:s29] =	ssyncadd.s32 $0xFFFFE000  }
0xf5: {  	_ =	swait.ge [sflag:s30], $0x2000  }
0xf6: {  	[sflag:s30] =	ssyncset.done $0x0  }
0xf7: {  	p2 =	sne.s32 s1, $0x1000;
	[sflag:s30] =	ssyncadd.s32 $0xFFFFE000  }
.Ltmp6:
0xf8: {  	_ =	swait.ge [sflag:s31], $0x2000;
	(pc) =	sbr.rel @!p2 .LBB2_12-.Ltmp6, $4  }
0xf9: {  	[sflag:s31] =	ssyncset.done $0x0  }
0xfa: {  	[sflag:s31] =	ssyncadd.s32 $0xFFFFE000  }
0xfb: {  	_ =	swait.ge [sflag:s0], $0x2000  }
0xfc: {  	p1 =	por $0x1, $0x1;
	s9 =	simm.s32 $0x1000;
	[sflag:s0] =	ssyncset.done $0x0  }
.LBB2_13:
0xfd: {  	s15 =	sshra.s32 s8, $0x2  }
0xfe: {  	[sflag:s0] =	ssyncadd.s32 $0xFFFFE000;
	s8 =	smov.u32 s9;
	s9 =	sadd.s32 $0x800, s9  }
0xff: {  	[tilespmem:s18], [sflag:$0x1] =	stream.indirect.gather [hbm4b:s5+s20], $0x40, s15, s20, $0xb8;
	[tilespmem:$0x1B000] =	vst v63  }
0x100: {  	p2 =	sne.s32 s1, s9;
	s16 =	sadd.s32 $0x80, s15  }
0x101: {  	[tilespmem:s21], [sflag:$0x2] =	stream.indirect.gather [hbm4b:s5+s20], $0x40, s16, s20, $0xb8;
	[tilespmem:$0x1B000] =	vst v63  }
0x102: {  	s16 =	sadd.s32 $0x100, s15  }
0x103: {  	[tilespmem:s22], [sflag:$0x3] =	stream.indirect.gather [hbm4b:s5+s20], $0x40, s16, s20, $0xb8;
	[tilespmem:$0x1B000] =	vst v63  }
0x104: {  	s16 =	sadd.s32 $0x180, s15  }
0x105: {  	[tilespmem:s23], [sflag:$0x4] =	stream.indirect.gather [hbm4b:s5+s20], $0x40, s16, s20, $0xb8;
	[tilespmem:$0x1B000] =	vst v63  }
0x106: {  	_ =	swait.ge [sflag:s24], $0x2000  }
0x107: {  	[sflag:s24] =	ssyncset.done $0x0  }
0x108: {  	s16 =	sadd.s32 $0x4800, s15;
	[sflag:s24] =	ssyncadd.s32 $0xFFFFE000  }
0x109: {  	[spmem:s2] =	stream.indirect.scatter.add.f32 [tilespmem:s18], [sflag:$0x5], $0x40, s16, s20, $0xb8;
	[tilespmem:$0x1B000] =	vst v63  }
0x10a: {  	_ =	swait.ge [sflag:s25], $0x2000  }
0x10b: {  	[sflag:s25] =	ssyncset.done $0x0  }
0x10c: {  	s16 =	sadd.s32 $0x4880, s15;
	[sflag:s25] =	ssyncadd.s32 $0xFFFFE000  }
0x10d: {  	[spmem:s2] =	stream.indirect.scatter.add.f32 [tilespmem:s21], [sflag:$0x6], $0x40, s16, s20, $0xb8;
	[tilespmem:$0x1B000] =	vst v63  }
0x10e: {  	_ =	swait.ge [sflag:s26], $0x2000  }
0x10f: {  	[sflag:s26] =	ssyncset.done $0x0  }
0x110: {  	s16 =	sadd.s32 $0x4900, s15;
	[sflag:s26] =	ssyncadd.s32 $0xFFFFE000  }
0x111: {  	[spmem:s2] =	stream.indirect.scatter.add.f32 [tilespmem:s22], [sflag:$0x7], $0x40, s16, s20, $0xb8;
	[tilespmem:$0x1B000] =	vst v63  }
0x112: {  	_ =	swait.ge [sflag:s28], $0x2000  }
0x113: {  	[sflag:s28] =	ssyncset.done $0x0  }
0x114: {  	s15 =	sadd.s32 $0x4980, s15;
	[sflag:s28] =	ssyncadd.s32 $0xFFFFE000  }
0x115: {  	[spmem:s2] =	stream.indirect.scatter.add.f32 [tilespmem:s23], [sflag:$0x8], $0x40, s15, s20, $0xb8;
	[tilespmem:$0x1B000] =	vst v63  }
0x116: {  	_ =	swait.ge [sflag:s29], $0x2000  }
0x117: {  	[sflag:s29] =	ssyncset.done $0x0  }
0x118: {  	[sflag:s29] =	ssyncadd.s32 $0xFFFFE000  }
0x119: {  	_ =	swait.ge [sflag:s30], $0x2000  }
0x11a: {  	[sflag:s30] =	ssyncset.done $0x0  }
0x11b: {  	[sflag:s30] =	ssyncadd.s32 $0xFFFFE000  }
.Ltmp7:
0x11c: {  	_ =	swait.ge [sflag:s31], $0x2000;
	(pc) =	sbr.rel @p2 .LBB2_13-.Ltmp7, $4  }
0x11d: {  	[sflag:s31] =	ssyncset.done $0x0  }
0x11e: {  	[sflag:s31] =	ssyncadd.s32 $0xFFFFE000  }
0x11f: {  	_ =	swait.ge [sflag:s0], $0x2000  }
0x120: {  	[sflag:s0] =	ssyncset.done $0x0  }
0x121: {  	s9 =	smov.u32 s8  }
.LBB2_15:
0x122: {  	s1 =	sshra.s32 s9, $0x2;
	[sflag:s0] =	ssyncadd.s32 @p1 $0xFFFFE000  }
0x123: {  	[tilespmem:s18], [sflag:$0x1] =	stream.indirect.gather [hbm4b:s5+s20], $0x40, s1, s20, $0xb8;
	[tilespmem:$0x1B000] =	vst v63  }
0x124: {  	s8 =	sadd.s32 $0x80, s1  }
0x125: {  	[tilespmem:s21], [sflag:$0x2] =	stream.indirect.gather [hbm4b:s5+s20], $0x40, s8, s20, $0xb8;
	[tilespmem:$0x1B000] =	vst v63  }
0x126: {  	s9 =	sadd.s32 $0x100, s1  }
0x127: {  	[tilespmem:s22], [sflag:$0x3] =	stream.indirect.gather [hbm4b:s5+s20], $0x40, s9, s20, $0xb8;
	[tilespmem:$0x1B000] =	vst v63  }
0x128: {  	s15 =	sadd.s32 $0x180, s1  }
0x129: {  	[tilespmem:s23], [sflag:$0x4] =	stream.indirect.gather [hbm4b:s5+s20], $0x40, s15, s20, $0xb8;
	[tilespmem:$0x1B000] =	vst v63  }
0x12a: {  	_ =	swait.ge [sflag:s24], $0x2000  }
0x12b: {  	[sflag:s24] =	ssyncset.done $0x0  }
0x12c: {  	s16 =	sadd.s32 $0x4800, s1;
	[sflag:s24] =	ssyncadd.s32 $0xFFFFE000  }
0x12d: {  	[spmem:s2] =	stream.indirect.scatter.add.f32 [tilespmem:s18], [sflag:$0x5], $0x40, s16, s20, $0xb8;
	[tilespmem:$0x1B000] =	vst v63  }
0x12e: {  	_ =	swait.ge [sflag:s25], $0x2000  }
0x12f: {  	[sflag:s25] =	ssyncset.done $0x0  }
0x130: {  	s9 =	sadd.s32 $0x4880, s1;
	[sflag:s25] =	ssyncadd.s32 $0xFFFFE000  }
0x131: {  	[spmem:s2] =	stream.indirect.scatter.add.f32 [tilespmem:s21], [sflag:$0x6], $0x40, s9, s20, $0xb8;
	[tilespmem:$0x1B000] =	vst v63  }
0x132: {  	_ =	swait.ge [sflag:s26], $0x2000  }
0x133: {  	[sflag:s26] =	ssyncset.done $0x0  }
0x134: {  	s15 =	sadd.s32 $0x4900, s1;
	[sflag:s26] =	ssyncadd.s32 $0xFFFFE000  }
0x135: {  	[spmem:s2] =	stream.indirect.scatter.add.f32 [tilespmem:s22], [sflag:$0x7], $0x40, s15, s20, $0xb8;
	[tilespmem:$0x1B000] =	vst v63  }
0x136: {  	_ =	swait.ge [sflag:s28], $0x2000  }
0x137: {  	[sflag:s28] =	ssyncset.done $0x0  }
0x138: {  	s1 =	sadd.s32 $0x4980, s1;
	[sflag:s28] =	ssyncadd.s32 $0xFFFFE000  }
0x139: {  	[spmem:s2] =	stream.indirect.scatter.add.f32 [tilespmem:s23], [sflag:$0x8], $0x40, s1, s20, $0xb8;
	[tilespmem:$0x1B000] =	vst v63  }
0x13a: {  	_ =	swait.ge [sflag:s29], $0x2000  }
0x13b: {  	[sflag:s29] =	ssyncset.done $0x0  }
0x13c: {  	[sflag:s29] =	ssyncadd.s32 $0xFFFFE000  }
0x13d: {  	_ =	swait.ge [sflag:s30], $0x2000  }
0x13e: {  	[sflag:s30] =	ssyncset.done $0x0  }
0x13f: {  	[sflag:s30] =	ssyncadd.s32 $0xFFFFE000  }
0x140: {  	_ =	swait.ge [sflag:s31], $0x2000  }
0x141: {  	[sflag:s31] =	ssyncset.done $0x0  }
0x142: {  	[sflag:s31] =	ssyncadd.s32 $0xFFFFE000  }
0x143: {  	_ =	swait.ge [sflag:s0], $0x2000  }
0x144: {  	[sflag:s0] =	ssyncset.done $0x0  }
0x145: {  	[sflag:s0] =	ssyncadd.s32 $0xFFFFE000  }
0x146: {  	s3 =	sadd.s32 $0x1, s3;
	[bflag:$0x0] =	sbarrier.arrive $0xFFFF  }
0x147: {  	p1 =	sne.s32 s3, s17;
	s16 =	rddreg [dreg:$0x8]  }
0x148: {  	[hbm:s16], [sflag:s6] =	dma.local [spmem:s7], $0x1400  }
.Ltmp8:
0x149: {  	_ =	swait.ge [sflag:s19], $0x1400;
	(pc) =	sbr.rel @p1 .LBB2_1-.Ltmp8, $4  }
.Ltmp9:
0x14a: {  	[sflag:s19] =	ssyncset.done $0x0;
	(pc) =	sbr.rel @!p1 .LBB2_16-.Ltmp9, $4  }
0x14b: {  	[sflag:s19] =	ssyncadd.s32 $0xFFFFEC00  }
0x14c: {  	[bflag:$0x0] =	sbarrier.arrive $0xFFFF  }
0x14d: {  	_ = 	snop  }
0x14e: {  	_ = 	snop  }
.LBB2_5:
.Ltmp10:
0x14f: {  	(pc) =	sbr.rel .LBB2_8-.Ltmp10, $2  }
0x150: {  	_ =	sdelay $0x2  }
0x151: {  	s7 =	simm.s32 $0x800  }
.LBB2_12:
.Ltmp11:
0x152: {  	(pc) =	sbr.rel .LBB2_15-.Ltmp11, $2  }
0x153: {  	_ =	sdelay $0x2  }
0x154: {  	s9 =	simm.s32 $0x800  }
.LBB2_16:
0x155: {  	_ =	sfence.sel $0x180000  }
0x156: {  	[bflag:$0x0] =	sbarrier.arrive $0xFFFF  }
0x157: {  	_ =	strace $0x9000004A  }
0x158: {  	s0 =	stileid.u32;
	[bflag:$0x2] =	sbarrier.arrive $0xFFFF  }
0x159: {  	p0 =	sne.s32 s0, $0x0;
	s0 =	rddreg [dreg:$0x2]  }
0x15a: {  	s0 =	sadd.s32 @!p0 $0x100000, s0  }
0x15b: {  	[sflag:s0] =	ssyncadd.tile.s32 @!p0 $0x1;
	_ =	shalt  }
.Lfunc_end2:
_tile_overlayer_lowered:
.L_overlay_start_2:
0x15c: {  	(tag) =	ssettag $0x2  }
0x15d: {  	s0 =	rddreg [dreg:$0x0];
	s2 =	stileid.u32  }
0x15e: {  	s1 =	rddreg [dreg:$0x1];
	p0 =	sne.s32 s2, $0x0  }
0x15f: {  	s3 =	rddreg [dreg:$0x2];
	[bflag:$0x3] =	sbarrier.arrive $0xFFFF;
	s2 =	simm.s32 @!p0 $0x1C09  }
0x160: {  	[timem:s3], [sflag:s2] =	dma.local @!p0 [hbm:s0], s1  }
0x161: {  	s0 =	simm.s32 @!p0 $0x9  }
0x162: {  	_ =	swait.ge @!p0 [sflag:s0], s1  }
0x163: {  	s1 =	ssub.s32 @!p0 $0x0, s1;
	[sflag:s0] =	ssyncset.done @!p0 $0x0  }
0x164: {  	[sflag:s0] =	ssyncadd.s32 @!p0 s1  }
0x165: {  	[bflag:$0x3] =	sbarrier.arrive $0xFFFF  }
0x166: {  	_ =	shalt  }

// kernel: kernel.15.cloned.1.call-start
scs
__scs_entry_jumppad:
0x0: {  	(pc) =	sbr.rel $0x88, $3  }
0x1: {  	(tag) =	ssettag $0x0;
	lr =	simm.s32 $0x1  }
0x2: {  	[smem:$0x3F9B] =	sst lr;
	_ =	strace $0xD0000000  }
0x3: {  	_ = 	snop  }
0x4: {  	_ = 	snop  }
0x5: {  	_ = 	snop  }
0x6: {  	_ = 	snop  }
0x7: {  	_ = 	snop  }
__scs_overlays_trampoline_lowered:
0x8: {  	[smem:$0x3FAA] =	sst s0  }
0x9: {  	[smem:$0x3FAB] =	sst s1  }
0xa: {  	[smem:$0x3FAC] =	sst s2  }
0xb: {  	[smem:$0x3FAD] =	sst s3  }
0xc: {  	[smem:$0x3FAE] =	sst s4  }
0xd: {  	[smem:$0x3FAF] =	sst s5  }
0xe: {  	[smem:$0x3FB0] =	sst s6  }
0xf: {  	[smem:$0x3FB1] =	sst s7  }
0x10: {  	[smem:$0x3FB2] =	sst s8  }
0x11: {  	[smem:$0x3FB3] =	sst s9;
	s0 =	simm.s32 @!p0 $0x0  }
0x12: {  	s1 =	sld [smem:$0x3F99];
	s0 =	simm.s32 @p0 $0x1  }
0x13: {  	[smem:$0x3FB4] =	sst s0;
	s0 =	simm.s32 @!p1 $0x0  }
0x14: {  	s2 =	sld [smem:$0x3F98];
	s0 =	simm.s32 @p1 $0x1  }
0x15: {  	[smem:$0x3FB5] =	sst s0;
	s0 =	simm.s32 @!p2 $0x0  }
0x16: {  	s3 =	sld [smem:$0x3FDB];
	s0 =	simm.s32 @p2 $0x1  }
0x17: {  	s4 =	simm.s32 $0x1BF5;
	[smem:$0x3FB7] =	sst s0  }
0x18: {  	s0 =	sld [smem:$0x3F9A];
	_ =	swait.ge [sflag:s4], $0x0  }
0x19: {  	s7 =	sld [smem:$0x3F9B]  }
0x1a: {  	s8 =	sadd.s32 $0xFFFFE003, lr  }
0x1b: {  	s9 =	sadd.s32 $0xFFFFFEF7, lr;
	s5 =	simm.s32 $0xFFFFFFFF;
	p2 =	slt.u32 s8, $0xFFFFF086  }
0x1c: {  	p1 =	slt.u32 s9, $0xF7A;
	s5 =	simm.s32 @!p2 $0x0  }
0x1d: {  	s5 =	simm.s32 @p1 $0x1;
	p0 =	seq.s32 s7, s2  }
0x1e: {  	s7 =	smul.u32 @!p0 $0xF7A, s2;
	p2 =	seq.s32 @!p0 s5, $0x0  }
0x1f: {  	s9 =	smul.u32 $0xF7A, s1;
	s8 =	simm.s32 @!p0 $0x1BF5;
	p2 =	por !p2, p0  }
0x20: {  	[sflag:s8] =	ssyncset.s32 @!p0 $0xFFFFF086;
	s6 =	sadd.s32 @!p0 s3, s7;
	s7 =	simm.s32 @!p0 $0x108  }
0x21: {  	s3 =	sadd.s32 s3, s9;
	s6 =	sadd.s32 @!p0 $0x88, s6;
	s7 =	simm.s32 @p2 $0x1082  }
0x22: {  	[simem:s7], [sflag:s8] =	dma.local @!p0 [hbm:s6], $0xF7A  }
0x23: {  	s9 =	sor.u32 $0xD0000000, s2;
	s6 =	simm.s32 $0x108;
	_ =	swait.ge @!p0 [sflag:s8], $0x0  }
0x24: {  	s3 =	sadd.s32 $0x88, s3;
	s6 =	simm.s32 @!p1 $0x1082;
	[sflag:s4] =	ssyncset.s32 $0xFFFFF086  }
0x25: {  	[simem:s6], [sflag:s4] =	dma.local [hbm:s3], $0xF7A  }
0x26: {  	[smem:$0x3F9B] =	sst s1;
	(tag) =	ssettag s2;
	_ =	strace s9  }
0x27: {  	s1 =	sld [smem:$0x3FAB]  }
0x28: {  	s2 =	sld [smem:$0x3FAC]  }
0x29: {  	s4 =	sld [smem:$0x3FAE]  }
0x2a: {  	p0 =	seq.s32 s5, $0x0;
	s5 =	sld [smem:$0x3FAF]  }
0x2b: {  	s6 =	sld [smem:$0x3FB0]  }
0x2c: {  	s7 =	sld [smem:$0x3FB1]  }
0x2d: {  	s3 =	simm.s32 $0x108;
	s8 =	sld [smem:$0x3FB2]  }
0x2e: {  	s3 =	simm.s32 @!p0 $0x1082;
	s9 =	sld [smem:$0x3FB3]  }
0x2f: {  	lr =	sadd.s32 s0, s3;
	s0 =	sld [smem:$0x3FAA]  }
0x30: {  	s3 =	sld [smem:$0x3FAD]  }
0x31: {  	[smem:$0x3FB6] =	sst s10  }
0x32: {  	s10 =	sld [smem:$0x3FB4];
	_ =	sdelay $0x3  }
0x33: {  	p0 =	seq.s32 s10, $0x1;
	s10 =	sld [smem:$0x3FB6];
	_ =	sdelay $0x3  }
0x34: {  	[smem:$0x3FB6] =	sst s10  }
0x35: {  	s10 =	sld [smem:$0x3FB5];
	_ =	sdelay $0x3  }
0x36: {  	p1 =	seq.s32 s10, $0x1;
	s10 =	sld [smem:$0x3FB6];
	_ =	sdelay $0x3  }
0x37: {  	[smem:$0x3FB6] =	sst s10  }
0x38: {  	s10 =	sld [smem:$0x3FB7]  }
0x39: {  	_ = 	snop;
	(pc) =	sbr.ind lr, $3  }
0x3a: {  	_ = 	snop  }
0x3b: {  	_ = 	snop  }
0x3c: {  	p2 =	seq.s32 s10, $0x1;
	s10 =	sld [smem:$0x3FB6]  }
0x3d: {  	_ =	shalt  }
0x3e: {  	_ =	shalt  }
0x3f: {  	_ =	shalt  }
0x40: {  	_ =	shalt  }
0x41: {  	_ =	shalt  }
0x42: {  	_ =	shalt  }
0x43: {  	_ =	shalt  }
0x44: {  	_ =	shalt  }
0x45: {  	_ =	shalt  }
0x46: {  	_ =	shalt  }
0x47: {  	_ =	shalt  }
0x48: {  	_ =	shalt  }
0x49: {  	_ =	shalt  }
0x4a: {  	_ =	shalt  }
0x4b: {  	_ =	shalt  }
0x4c: {  	_ =	shalt  }
0x4d: {  	_ =	shalt  }
0x4e: {  	_ =	shalt  }
0x4f: {  	_ =	shalt  }
0x50: {  	_ =	shalt  }
0x51: {  	_ =	shalt  }
0x52: {  	_ =	shalt  }
0x53: {  	_ =	shalt  }
0x54: {  	_ =	shalt  }
0x55: {  	_ =	shalt  }
0x56: {  	_ =	shalt  }
0x57: {  	_ =	shalt  }
0x58: {  	_ =	shalt  }
0x59: {  	_ =	shalt  }
0x5a: {  	_ =	shalt  }
0x5b: {  	_ =	shalt  }
0x5c: {  	_ =	shalt  }
0x5d: {  	_ =	shalt  }
0x5e: {  	_ =	shalt  }
0x5f: {  	_ =	shalt  }
0x60: {  	_ =	shalt  }
0x61: {  	_ =	shalt  }
0x62: {  	_ =	shalt  }
0x63: {  	_ =	shalt  }
0x64: {  	_ =	shalt  }
0x65: {  	_ =	shalt  }
0x66: {  	_ =	shalt  }
0x67: {  	_ =	shalt  }
0x68: {  	_ =	shalt  }
0x69: {  	_ =	shalt  }
0x6a: {  	_ =	shalt  }
0x6b: {  	_ =	shalt  }
0x6c: {  	_ =	shalt  }
0x6d: {  	_ =	shalt  }
0x6e: {  	_ =	shalt  }
0x6f: {  	_ =	shalt  }
0x70: {  	_ =	shalt  }
0x71: {  	_ =	shalt  }
0x72: {  	_ =	shalt  }
0x73: {  	_ =	shalt  }
0x74: {  	_ =	shalt  }
0x75: {  	_ =	shalt  }
0x76: {  	_ =	shalt  }
0x77: {  	_ =	shalt  }
0x78: {  	_ =	shalt  }
0x79: {  	_ =	shalt  }
0x7a: {  	_ =	shalt  }
0x7b: {  	_ =	shalt  }
0x7c: {  	_ =	shalt  }
0x7d: {  	_ =	shalt  }
0x7e: {  	_ =	shalt  }
0x7f: {  	_ =	shalt  }
0x80: {  	_ =	shalt  }
0x81: {  	_ =	shalt  }
0x82: {  	_ =	shalt  }
0x83: {  	_ =	shalt  }
0x84: {  	_ =	shalt  }
0x85: {  	_ =	shalt  }
0x86: {  	_ =	shalt  }
0x87: {  	_ =	shalt  }
.Lfunc_end0:
.L_simem_size_0:
called_computation.2_lowered:
.L_overlay_start_0:
0x88: {  	s2 =	sld [smem:$0x3FD9]  }
0x89: {  	s3 =	sld [smem:$0x3FFE];
	_ =	sdelay $0x1  }
0x8a: {  	s1 =	srdreg.scid  }
0x8b: {  	s0 =	sand.u32 $0x1, s1  }
0x8c: {  	s17 =	sshll.u32 s0, $0xA;
	s2 =	sadd.s32 s3, s2  }
0x8d: {  	s2 =	sadd.s32 s2, s17  }
0x8e: {  	[smem:$0x3FC2] =	sst s2  }
0x8f: {  	_ = 	snop  }
0x90: {  	s2 =	sld [smem:$0x3FD0];
	(tm) =	ssettm $0x1  }
0x91: {  	s18 =	sld [smem:$0x3FFB];
	_ =	sdelay $0x3  }
0x92: {  	_ =	strace s18  }
0x93: {  	s3 =	sld [smem:$0x3FFC];
	_ =	sdelay $0x3  }
0x94: {  	_ =	strace s3  }
0x95: {  	s3 =	sld [smem:$0x3FFD];
	_ =	sdelay $0x3  }
0x96: {  	_ =	strace s3  }
0x97: {  	_ =	strace $0x8FFFFFFF  }
0x98: {  	s19 =	sld [smem:$0x3FDB];
	_ =	sdelay $0x1  }
0x99: {  	s4 =	simm.s32 $_scs_section_size  }
0x9a: {  	s5 =	simm.s32 $_size__tile_overlayer_lowered;
	s6 =	simm.s32 $_tile_overlayer_lowered  }
0x9b: {  	s22 =	simm.s32 $0x1BFF;
	s21 =	sshll.u32 s6, $0x1;
	s3 =	sadd.s32 s4, s19  }
0x9c: {  	s7 =	simm.s32 $0x0;
	s20 =	sshll.u32 s5, $0x1;
	s5 =	sadd.s32 s21, s3  }
0x9d: {  	[timem:s7], [sflag:s22] =	dma.local [hbm:s5], s20  }
0x9e: {  	_ =	swait.ge [sflag:s22], s20  }
0x9f: {  	s4 =	ssub.s32 $0x0, s20;
	[sflag:s22] =	ssyncset.done $0x0  }
0xa0: {  	[sflag:s22] =	ssyncadd.s32 s4;
	_ =	sdelay $0x1  }
0xa1: {  	s23 =	simm.s32 $0x1B8B  }
0xa2: {  	_ =	swait.ge [sflag:s23], $0x1  }
0xa3: {  	[sflag:s23] =	ssyncset.done $0x0  }
0xa4: {  	s25 =	simm.s32 $0x1B8E;
	s24 =	sld [smem:$0x3FFE];
	[sflag:s23] =	ssyncadd.s32 $0xFFFFFFFF  }
0xa5: {  	s26 =	simm.s32 $execute0_lowered;
	[smem:$0x3FD2] =	sst s25  }
0xa6: {  	s5 =	sshll.u32 s26, $0x1;
	_ =	strace $0x8000004C;
	[dreg:$0x1] =	wrdreg $0xFFFFFFFF  }
0xa7: {  	s28 =	simm.s32 $_size_execute0_lowered;
	s3 =	sadd.s32 s3, s5;
	[dreg:$0x0] =	wrdreg $0x0  }
0xa8: {  	s5 =	sshll.u32 s28, $0x1;
	[dreg:$0x2] =	wrdreg s3  }
0xa9: {  	[dreg:$0x3] =	wrdreg s5  }
0xaa: {  	[dreg:$0x4] =	wrdreg $0xC0  }
0xab: {  	_ =	task [dreg:s7], $0x5FFFF  }
0xac: {  	[dreg:$0x1] =	wrdreg $0xFFFFFFFF  }
0xad: {  	[dreg:$0x0] =	wrdreg $0x60  }
0xae: {  	[dreg:$0x2] =	wrdreg s2  }
0xaf: {  	[dreg:$0x3] =	wrdreg s24  }
0xb0: {  	[dreg:$0x4] =	wrdreg $0xD0000  }
0xb1: {  	[dreg:$0x5] =	wrdreg $0x9  }
0xb2: {  	_ =	task.clear_ibuf [dreg:s7], $0x6FFFF;
	_ =	strace $0x9000004C  }
0xb3: {  	s29 =	simm.s32 $0x9;
	_ =	strace $0x8000004E  }
0xb4: {  	_ =	swait.ge [sflag:s29], $0x1  }
0xb5: {  	[sflag:s29] =	ssyncadd.s32 $0xFFFFFFFF  }
0xb6: {  	_ =	strace $0x9000004E  }
0xb7: {  	_ =	sfence  }
0xb8: {  	s30 =	sld [smem:$0x0];
	_ =	sdelay $0x2  }
0xb9: {  	s31 =	sshll.u32 s1, $0xD;
	s1 =	sshrl.u32 s1, $0x2  }
0xba: {  	s3 =	sand.u32 $0x4000, s31;
	s1 =	sadd.s32 s1, s30  }
0xbb: {  	s0 =	sor.u32 s3, s0;
	s1 =	sshll.u32 s1, $0x11  }
0xbc: {  	s0 =	sor.u32 s1, s0  }
0xbd: {  	s0 =	sadd.s32 $0x8F2B, s0  }
0xbe: {  	[sflag:s0] =	ssyncadd.remote.s32 $0x1  }
0xbf: {  	_ =	sfence.sel $0xFFFF  }
0xc0: {  	[dreg:$0x0] =	wrdreg $0xFFFFFFFF;
	(pc) =	sbr.abs _section_cstart, $3  }
0xc1: {  	[dreg:$0x1] =	wrdreg $0xFFFFFFFF  }
0xc2: {  	_ =	task.clear_ibuf [dreg:s7], $0x2FFFF;
	_ =	strace $0x9FFFFFFF  }
0xc3: {  	(tm) =	ssettm $0x7FFFFFFF  }
tec
execute0_lowered:
.L_overlay_start_1:
0x0: {  	(tag) =	ssettag $0x1  }
0x1: {  	s2 =	rddreg [dreg:$0x0]  }
0x2: {  	s0 =	rddreg [dreg:$0x1]  }
0x3: {  	s3 =	rddreg [dreg:$0x2]  }
0x4: {  	s10 =	stileid.u32;
	s4 =	srdreg.scid;
	s15 =	simm.s32 $0x0  }
0x5: {  	s16 =	simm.s32 $0x9000;
	s28 =	simm.s32 $0x2;
	s29 =	simm.s32 $0x3  }
0x6: {  	s30 =	simm.s32 $0x4;
	s31 =	simm.s32 $0x5;
	s11 =	simm.s32 $0xD  }
0x7: {  	s12 =	simm.s32 $0xE;
	s13 =	simm.s32 $0xF;
	s1 =	smul.u32 $0x900, s10  }
0x8: {  	s14 =	simm.s32 $0x10;
	s4 =	sand.u32 $0x1, s4;
	s5 =	smul.u32 $0x2800, s10  }
0x9: {  	[smem:$0x7FF] =	sst s15;
	s7 =	sshll.u32 s10, $0x8;
	s10 =	smul.u32 $0xA000, s10  }
0xa: {  	s6 =	smul.u32 $0x28000, s4;
	_ =	strace $0x8000004D;
	s7 =	sadd.s32 s7, s0  }
0xb: {  	s8 =	ssub.s32 $0x2, s4;
	p0 =	sne.s32 s4, $0x0;
	s1 =	sadd.s32 s1, s0  }
0xc: {  	s9 =	sshrl.u32 s8, $0x1;
	s19 =	sadd.s32 $0x1F000, s7;
	s7 =	sadd.s32 $0x14000, s7  }
0xd: {  	s21 =	sshrl.u32 s10, $0x2;
	s17 =	sadd.s32 s5, s3;
	s10 =	simm.s32 $0xC  }
0xe: {  	s6 =	sadd.s32 s5, s6;
	s18 =	ssub.s32 s8, s9;
	[dreg:$0x6] =	wrdreg s19  }
0xf: {  	[dreg:$0x7] =	wrdreg s7;
	s20 =	sadd.s32 $0x2000, s1;
	s1 =	sadd.s32 $0xB000, s1  }
0x10: {  	s22 =	sadd.s32 s21, s3;
	s19 =	simm.s32 $0x9800;
	[dreg:$0xa] =	wrdreg s17  }
0x11: {  	s21 =	simm.s32 $0xA800;
	s5 =	simm.s32 $0x8;
	[dreg:$0x8] =	wrdreg s20  }
0x12: {  	s7 =	simm.s32 $0xA;
	[dreg:$0x9] =	wrdreg s1;
	s23 =	sadd.s32 $0x800, s22  }
0x13: {  	s8 =	simm.s32 $0xB;
	s24 =	sadd.s32 $0x1000, s22;
	[dreg:$0xb] =	wrdreg s23  }
0x14: {  	s6 =	sshrl.u32 s6, $0x3;
	s25 =	sadd.s32 $0x1800, s22;
	[dreg:$0xc] =	wrdreg s24  }
0x15: {  	s1 =	sadd.s32 $0x2000, s22;
	s26 =	smax.u32 s18, $0x1;
	[dreg:$0xd] =	wrdreg s25  }
0x16: {  	s18 =	simm.s32 $0x80;
	s20 =	simm.s32 $0xA000;
	[dreg:$0xe] =	wrdreg s1  }
0x17: {  	s22 =	simm.s32 $0xB000;
	s0 =	sadd.s32 s6, s0;
	[dreg:$0x10] =	wrdreg s26  }
0x18: {  	s23 =	simm.s32 $0xB800;
	s24 =	simm.s32 $0xC000;
	s25 =	simm.s32 $0xC800  }
0x19: {  	s26 =	simm.s32 $0x1;
	s1 =	simm.s32 $0x7;
	s0 =	sadd.s32 $0x15000, s0  }
0x1a: {  	v0 =	vimm.f32 $0.0e+00;
	s6 =	simm.s32 $0x9;
	[dreg:$0xf] =	wrdreg s0;
	s0 =	simm.s32 $0x6  }
.LBB2_1:
0x1b: {  	s4 =	simm.s32 @p0 $0x0;
	s9 =	rddreg [dreg:$0x6]  }
0x1c: {  	[tilespmem:s4], [sflag:$0x11] =	stream.linear.gather @p0 [hbm4b:s9+s4], $0x800, $0x38;
	[tilespmem:$0xF800] =	vst v63  }
0x1d: {  	[dreg:$0x5] =	wrdreg s15;
	s9 =	simm.s32 @p0 $0x11  }
0x1e: {  	_ =	swait.ge @p0 [sflag:s9], $0x800  }
0x1f: {  	[sflag:s9] =	ssyncset.done @p0 $0x0  }
0x20: {  	s15 =	simm.s32 @p0 $0x4800;
	s17 =	rddreg [dreg:$0x7];
	[sflag:s9] =	ssyncadd.s32 @p0 $0xFFFFF800  }
0x21: {  	[tilespmem:s15], [sflag:$0x11] =	stream.linear.gather @p0 [hbm4b:s17+s4], $0x800, $0x38;
	[tilespmem:$0xF800] =	vst v63  }
0x22: {  	_ =	swait.ge @p0 [sflag:s9], $0x800  }
0x23: {  	[sflag:s9] =	ssyncset.done @p0 $0x0  }
0x24: {  	s4 =	simm.s32 @!p0 $0x0;
	[sflag:s9] =	ssyncadd.s32 @p0 $0xFFFFF800;
	s9 =	rddreg [dreg:$0x8]  }
0x25: {  	[tilespmem:s4], [sflag:$0x11] =	stream.linear.gather @!p0 [hbm4b:s9+s4], $0x4800, $0x38;
	[tilespmem:$0xF800] =	vst v63  }
0x26: {  	s9 =	simm.s32 @!p0 $0x11  }
0x27: {  	_ =	swait.ge @!p0 [sflag:s9], $0x4800  }
0x28: {  	[sflag:s9] =	ssyncset.done @!p0 $0x0  }
0x29: {  	s15 =	simm.s32 @!p0 $0x4800;
	s17 =	rddreg [dreg:$0x9];
	[sflag:s9] =	ssyncadd.s32 @!p0 $0xFFFFB800  }
0x2a: {  	[tilespmem:s15], [sflag:$0x11] =	stream.linear.gather @!p0 [hbm4b:s17+s4], $0x4800, $0x38;
	[tilespmem:$0xF800] =	vst v63  }
0x2b: {  	_ =	swait.ge @!p0 [sflag:s9], $0x4800  }
0x2c: {  	s15 =	simm.s32 @!p0 $0x12;
	s4 =	simm.s32 $0x0;
	[sflag:s9] =	ssyncset.done @!p0 $0x0  }
0x2d: {  	s15 =	simm.s32 @p0 $0x2;
	[sflag:s9] =	ssyncadd.s32 @!p0 $0xFFFFB800;
	s9 =	simm.s32 $0x40  }
.LBB2_2:
0x2e: {  	p1 =	sne.s32 s9, $0x1FC0;
	[tilespmem:s4+$0x9000] =	vst v0;
	s4 =	smov.u32 s9;
	s9 =	sadd.s32 $0x40, s9  }
.Ltmp0:
0x2f: {  	(pc) =	sbr.rel @p1 .LBB2_2-.Ltmp0, $2  }
0x30: {  	_ =	sdelay $0x2  }
0x31: {  	s4 =	sshra.s32 s4, $0x2  }
0x32: {  	[tilespmem:s4+$0x9000] =	vst v0;
	s17 =	rddreg [dreg:$0xa];
	s9 =	simm.s32 $0x11  }
0x33: {  	[spmem:s17] =	stream.linear.scatter [tilespmem:s16], [sflag:$0x11], $0x800, $0x38;
	[tilespmem:$0xF800] =	vst v63  }
0x34: {  	_ =	swait.ge [sflag:s9], $0x800  }
0x35: {  	[sflag:s9] =	ssyncset.done $0x0  }
0x36: {  	s4 =	rddreg [dreg:$0xb];
	[sflag:s9] =	ssyncadd.s32 $0xFFFFF800  }
0x37: {  	[spmem:s4] =	stream.linear.scatter [tilespmem:s16], [sflag:$0x11], $0x800, $0x38;
	[tilespmem:$0xF800] =	vst v63  }
0x38: {  	_ =	swait.ge [sflag:s9], $0x800  }
0x39: {  	[sflag:s9] =	ssyncset.done $0x0  }
0x3a: {  	s4 =	rddreg [dreg:$0xc];
	[sflag:s9] =	ssyncadd.s32 $0xFFFFF800  }
0x3b: {  	[spmem:s4] =	stream.linear.scatter [tilespmem:s16], [sflag:$0x11], $0x800, $0x38;
	[tilespmem:$0xF800] =	vst v63  }
0x3c: {  	_ =	swait.ge [sflag:s9], $0x800  }
0x3d: {  	[sflag:s9] =	ssyncset.done $0x0  }
0x3e: {  	s4 =	rddreg [dreg:$0xd];
	[sflag:s9] =	ssyncadd.s32 $0xFFFFF800  }
0x3f: {  	[spmem:s4] =	stream.linear.scatter [tilespmem:s16], [sflag:$0x11], $0x800, $0x38;
	[tilespmem:$0xF800] =	vst v63  }
0x40: {  	_ =	swait.ge [sflag:s9], $0x800  }
0x41: {  	[sflag:s9] =	ssyncset.done $0x0  }
0x42: {  	s4 =	rddreg [dreg:$0xe];
	[sflag:s9] =	ssyncadd.s32 $0xFFFFF800  }
0x43: {  	[spmem:s4] =	stream.linear.scatter [tilespmem:s16], [sflag:$0x11], $0x800, $0x38;
	[tilespmem:$0xF800] =	vst v63  }
0x44: {  	_ =	swait.ge [sflag:s9], $0x800  }
0x45: {  	[sflag:s9] =	ssyncset.done $0x0  }
0x46: {  	[sflag:s9] =	ssyncadd.s32 $0xFFFFF800  }
0x47: {  	s15 =	sshll.u32 s15, $0xC;
	[bflag:$0x0] =	sbarrier.arrive $0xFFFF  }
0x48: {  	[dreg:$0x4] =	wrdreg s15;
	s15 =	simm.s32 $0x0  }
.LBB2_4:
0x49: {  	s4 =	sshra.s32 s15, $0x2  }
0x4a: {  	[tilespmem:s16], [sflag:$0x1] =	stream.indirect.gather [hbm4b:s2+s18], $0x10, s4, s18, $0xb8;
	[tilespmem:$0xF800] =	vst v63  }
0x4b: {  	s9 =	sadd.s32 $0x80, s4  }
0x4c: {  	[tilespmem:s19], [sflag:$0x2] =	stream.indirect.gather [hbm4b:s2+s18], $0x10, s9, s18, $0xb8;
	[tilespmem:$0xF800] =	vst v63  }
0x4d: {  	s9 =	sadd.s32 $0x100, s4  }
0x4e: {  	[tilespmem:s20], [sflag:$0x3] =	stream.indirect.gather [hbm4b:s2+s18], $0x10, s9, s18, $0xb8;
	[tilespmem:$0xF800] =	vst v63  }
0x4f: {  	s9 =	sadd.s32 $0x180, s4  }
0x50: {  	[tilespmem:s21], [sflag:$0x4] =	stream.indirect.gather [hbm4b:s2+s18], $0x10, s9, s18, $0xb8;
	[tilespmem:$0xF800] =	vst v63  }
0x51: {  	s9 =	sadd.s32 $0x200, s4  }
0x52: {  	[tilespmem:s22], [sflag:$0x5] =	stream.indirect.gather [hbm4b:s2+s18], $0x10, s9, s18, $0xb8;
	[tilespmem:$0xF800] =	vst v63  }
0x53: {  	s9 =	sadd.s32 $0x280, s4  }
0x54: {  	[tilespmem:s23], [sflag:$0x6] =	stream.indirect.gather [hbm4b:s2+s18], $0x10, s9, s18, $0xb8;
	[tilespmem:$0xF800] =	vst v63  }
0x55: {  	s9 =	sadd.s32 $0x300, s4  }
0x56: {  	[tilespmem:s24], [sflag:$0x7] =	stream.indirect.gather [hbm4b:s2+s18], $0x10, s9, s18, $0xb8;
	[tilespmem:$0xF800] =	vst v63  }
0x57: {  	s9 =	sadd.s32 $0x380, s4  }
0x58: {  	[tilespmem:s25], [sflag:$0x8] =	stream.indirect.gather [hbm4b:s2+s18], $0x10, s9, s18, $0xb8;
	[tilespmem:$0xF800] =	vst v63  }
0x59: {  	_ =	swait.ge [sflag:s26], $0x800  }
0x5a: {  	[sflag:s26] =	ssyncset.done $0x0  }
0x5b: {  	s9 =	sadd.s32 $0x4800, s4;
	[sflag:s26] =	ssyncadd.s32 $0xFFFFF800  }
0x5c: {  	[spmem:s3] =	stream.indirect.scatter.add.f32 [tilespmem:s16], [sflag:$0x9], $0x10, s9, s18, $0xb8;
	[tilespmem:$0xF800] =	vst v63  }
0x5d: {  	_ =	swait.ge [sflag:s28], $0x800  }
0x5e: {  	[sflag:s28] =	ssyncset.done $0x0  }
0x5f: {  	s9 =	sadd.s32 $0x4880, s4;
	[sflag:s28] =	ssyncadd.s32 $0xFFFFF800  }
0x60: {  	[spmem:s3] =	stream.indirect.scatter.add.f32 [tilespmem:s19], [sflag:$0xA], $0x10, s9, s18, $0xb8;
	[tilespmem:$0xF800] =	vst v63  }
0x61: {  	_ =	swait.ge [sflag:s29], $0x800  }
0x62: {  	[sflag:s29] =	ssyncset.done $0x0  }
0x63: {  	s9 =	sadd.s32 $0x4900, s4;
	[sflag:s29] =	ssyncadd.s32 $0xFFFFF800  }
0x64: {  	[spmem:s3] =	stream.indirect.scatter.add.f32 [tilespmem:s20], [sflag:$0xB], $0x10, s9, s18, $0xb8;
	[tilespmem:$0xF800] =	vst v63  }
0x65: {  	_ =	swait.ge [sflag:s30], $0x800  }
0x66: {  	[sflag:s30] =	ssyncset.done $0x0  }
0x67: {  	s9 =	sadd.s32 $0x4980, s4;
	[sflag:s30] =	ssyncadd.s32 $0xFFFFF800  }
0x68: {  	[spmem:s3] =	stream.indirect.scatter.add.f32 [tilespmem:s21], [sflag:$0xC], $0x10, s9, s18, $0xb8;
	[tilespmem:$0xF800] =	vst v63  }
0x69: {  	_ =	swait.ge [sflag:s31], $0x800  }
0x6a: {  	[sflag:s31] =	ssyncset.done $0x0  }
0x6b: {  	s9 =	sadd.s32 $0x4A00, s4;
	[sflag:s31] =	ssyncadd.s32 $0xFFFFF800  }
0x6c: {  	[spmem:s3] =	stream.indirect.scatter.add.f32 [tilespmem:s22], [sflag:$0xD], $0x10, s9, s18, $0xb8;
	[tilespmem:$0xF800] =	vst v63  }
0x6d: {  	_ =	swait.ge [sflag:s0], $0x800  }
0x6e: {  	[sflag:s0] =	ssyncset.done $0x0  }
0x6f: {  	s9 =	sadd.s32 $0x4A80, s4;
	[sflag:s0] =	ssyncadd.s32 $0xFFFFF800  }
0x70: {  	[spmem:s3] =	stream.indirect.scatter.add.f32 [tilespmem:s23], [sflag:$0xE], $0x10, s9, s18, $0xb8;
	[tilespmem:$0xF800] =	vst v63  }
0x71: {  	_ =	swait.ge [sflag:s1], $0x800  }
0x72: {  	[sflag:s1] =	ssyncset.done $0x0  }
0x73: {  	s9 =	sadd.s32 $0x4B00, s4;
	[sflag:s1] =	ssyncadd.s32 $0xFFFFF800  }
0x74: {  	[spmem:s3] =	stream.indirect.scatter.add.f32 [tilespmem:s24], [sflag:$0xF], $0x10, s9, s18, $0xb8;
	[tilespmem:$0xF800] =	vst v63  }
0x75: {  	_ =	swait.ge [sflag:s5], $0x800  }
0x76: {  	[sflag:s5] =	ssyncset.done $0x0  }
0x77: {  	s4 =	sadd.s32 $0x4B80, s4;
	[sflag:s5] =	ssyncadd.s32 $0xFFFFF800  }
0x78: {  	[spmem:s3] =	stream.indirect.scatter.add.f32 [tilespmem:s25], [sflag:$0x10], $0x10, s4, s18, $0xb8;
	[tilespmem:$0xF800] =	vst v63  }
0x79: {  	_ =	swait.ge [sflag:s6], $0x800  }
0x7a: {  	[sflag:s6] =	ssyncset.done $0x0  }
0x7b: {  	[sflag:s6] =	ssyncadd.s32 $0xFFFFF800  }
0x7c: {  	_ =	swait.ge [sflag:s7], $0x800  }
0x7d: {  	[sflag:s7] =	ssyncset.done $0x0  }
0x7e: {  	[sflag:s7] =	ssyncadd.s32 $0xFFFFF800  }
0x7f: {  	_ =	swait.ge [sflag:s8], $0x800  }
0x80: {  	[sflag:s8] =	ssyncset.done $0x0  }
0x81: {  	[sflag:s8] =	ssyncadd.s32 $0xFFFFF800  }
0x82: {  	_ =	swait.ge [sflag:s10], $0x800  }
0x83: {  	[sflag:s10] =	ssyncset.done $0x0  }
0x84: {  	[sflag:s10] =	ssyncadd.s32 $0xFFFFF800  }
0x85: {  	_ =	swait.ge [sflag:s11], $0x800  }
0x86: {  	[sflag:s11] =	ssyncset.done $0x0  }
0x87: {  	[sflag:s11] =	ssyncadd.s32 $0xFFFFF800  }
0x88: {  	_ =	swait.ge [sflag:s12], $0x800  }
0x89: {  	[sflag:s12] =	ssyncset.done $0x0  }
0x8a: {  	[sflag:s12] =	ssyncadd.s32 $0xFFFFF800  }
0x8b: {  	_ =	swait.ge [sflag:s13], $0x800  }
0x8c: {  	[sflag:s13] =	ssyncset.done $0x0  }
0x8d: {  	[sflag:s13] =	ssyncadd.s32 $0xFFFFF800  }
0x8e: {  	_ =	swait.ge [sflag:s14], $0x800  }
0x8f: {  	s15 =	sadd.s32 $0x1000, s15;
	s9 =	rddreg [dreg:$0x4]  }
0x90: {  	p1 =	sne.s32 s9, s15  }
.Ltmp1:
0x91: {  	_ = 	snop;
	(pc) =	sbr.rel @p1 .LBB2_4-.Ltmp1, $3  }
0x92: {  	_ =	sdelay $0x1  }
0x93: {  	[sflag:s14] =	ssyncset.done $0x0  }
0x94: {  	[sflag:s14] =	ssyncadd.s32 $0xFFFFF800  }
0x95: {  	s4 =	stileid.u32  }
0x96: {  	[bflag:$0x0] =	sbarrier.arrive $0xFFFF;
	s4 =	sshll.u32 s4, $0x6  }
0x97: {  	s9 =	sshrl.u32 s17, $0x3;
	s15 =	rddreg [dreg:$0xf];
	s4 =	sor.u32 $0x1C11, s4  }
0x98: {  	[hbm:s15], [sflag:s4] =	dma.local [spmem:s9], $0x500  }
0x99: {  	s9 =	simm.s32 $0x11  }
0x9a: {  	_ =	swait.ge [sflag:s9], $0x500  }
0x9b: {  	s4 =	rddreg [dreg:$0x5]  }
0x9c: {  	s17 =	rddreg [dreg:$0x10];
	s15 =	sadd.s32 $0x1, s4  }
0x9d: {  	p1 =	sne.s32 s15, s17  }
.Ltmp2:
0x9e: {  	_ = 	snop;
	(pc) =	sbr.rel @p1 .LBB2_1-.Ltmp2, $3  }
0x9f: {  	_ =	sdelay $0x1  }
0xa0: {  	[sflag:s9] =	ssyncset.done $0x0  }
0xa1: {  	[sflag:s9] =	ssyncadd.s32 $0xFFFFFB00  }
0xa2: {  	_ =	sfence.sel $0x180000  }
0xa3: {  	[bflag:$0x0] =	sbarrier.arrive $0xFFFF  }
0xa4: {  	_ =	strace $0x9000004D  }
0xa5: {  	s0 =	stileid.u32;
	[bflag:$0x2] =	sbarrier.arrive $0xFFFF  }
0xa6: {  	p0 =	sne.s32 s0, $0x0;
	s0 =	rddreg [dreg:$0x3]  }
0xa7: {  	s0 =	sadd.s32 @!p0 $0x100000, s0  }
0xa8: {  	[sflag:s0] =	ssyncadd.tile.s32 @!p0 $0x1;
	_ =	shalt  }
.Lfunc_end2:
_tile_overlayer_lowered:
.L_overlay_start_2:
0xa9: {  	(tag) =	ssettag $0x2  }
0xaa: {  	s0 =	rddreg [dreg:$0x0];
	s2 =	stileid.u32  }
0xab: {  	s1 =	rddreg [dreg:$0x1];
	p0 =	sne.s32 s2, $0x0  }
0xac: {  	s3 =	rddreg [dreg:$0x2];
	[bflag:$0x3] =	sbarrier.arrive $0xFFFF;
	s2 =	simm.s32 @!p0 $0x1C11  }
0xad: {  	[timem:s3], [sflag:s2] =	dma.local @!p0 [hbm:s0], s1  }
0xae: {  	s0 =	simm.s32 @!p0 $0x11  }
0xaf: {  	_ =	swait.ge @!p0 [sflag:s0], s1  }
0xb0: {  	s1 =	ssub.s32 @!p0 $0x0, s1;
	[sflag:s0] =	ssyncset.done @!p0 $0x0  }
0xb1: {  	[sflag:s0] =	ssyncadd.s32 @!p0 s1  }
0xb2: {  	[bflag:$0x3] =	sbarrier.arrive $0xFFFF  }
0xb3: {  	_ =	shalt  }

// kernel: kernel.9.cloned.1.call-start
scs
__scs_entry_jumppad:
0x0: {  	(pc) =	sbr.rel $0x88, $3  }
0x1: {  	(tag) =	ssettag $0x0;
	lr =	simm.s32 $0x1  }
0x2: {  	[smem:$0x3F9B] =	sst lr;
	_ =	strace $0xD0000000  }
0x3: {  	_ = 	snop  }
0x4: {  	_ = 	snop  }
0x5: {  	_ = 	snop  }
0x6: {  	_ = 	snop  }
0x7: {  	_ = 	snop  }
__scs_overlays_trampoline_lowered:
0x8: {  	[smem:$0x3FAA] =	sst s0  }
0x9: {  	[smem:$0x3FAB] =	sst s1  }
0xa: {  	[smem:$0x3FAC] =	sst s2  }
0xb: {  	[smem:$0x3FAD] =	sst s3  }
0xc: {  	[smem:$0x3FAE] =	sst s4  }
0xd: {  	[smem:$0x3FAF] =	sst s5  }
0xe: {  	[smem:$0x3FB0] =	sst s6  }
0xf: {  	[smem:$0x3FB1] =	sst s7  }
0x10: {  	[smem:$0x3FB2] =	sst s8  }
0x11: {  	[smem:$0x3FB3] =	sst s9;
	s0 =	simm.s32 @!p0 $0x0  }
0x12: {  	s1 =	sld [smem:$0x3F99];
	s0 =	simm.s32 @p0 $0x1  }
0x13: {  	[smem:$0x3FB4] =	sst s0;
	s0 =	simm.s32 @!p1 $0x0  }
0x14: {  	s2 =	sld [smem:$0x3F98];
	s0 =	simm.s32 @p1 $0x1  }
0x15: {  	[smem:$0x3FB5] =	sst s0;
	s0 =	simm.s32 @!p2 $0x0  }
0x16: {  	s3 =	sld [smem:$0x3FDB];
	s0 =	simm.s32 @p2 $0x1  }
0x17: {  	s4 =	simm.s32 $0x1BF5;
	[smem:$0x3FB7] =	sst s0  }
0x18: {  	s0 =	sld [smem:$0x3F9A];
	_ =	swait.ge [sflag:s4], $0x0  }
0x19: {  	s7 =	sld [smem:$0x3F9B]  }
0x1a: {  	s8 =	sadd.s32 $0xFFFFE003, lr  }
0x1b: {  	s9 =	sadd.s32 $0xFFFFFEF7, lr;
	s5 =	simm.s32 $0xFFFFFFFF;
	p2 =	slt.u32 s8, $0xFFFFF086  }
0x1c: {  	p1 =	slt.u32 s9, $0xF7A;
	s5 =	simm.s32 @!p2 $0x0  }
0x1d: {  	s5 =	simm.s32 @p1 $0x1;
	p0 =	seq.s32 s7, s2  }
0x1e: {  	s7 =	smul.u32 @!p0 $0xF7A, s2;
	p2 =	seq.s32 @!p0 s5, $0x0  }
0x1f: {  	s9 =	smul.u32 $0xF7A, s1;
	s8 =	simm.s32 @!p0 $0x1BF5;
	p2 =	por !p2, p0  }
0x20: {  	[sflag:s8] =	ssyncset.s32 @!p0 $0xFFFFF086;
	s6 =	sadd.s32 @!p0 s3, s7;
	s7 =	simm.s32 @!p0 $0x108  }
0x21: {  	s3 =	sadd.s32 s3, s9;
	s6 =	sadd.s32 @!p0 $0x88, s6;
	s7 =	simm.s32 @p2 $0x1082  }
0x22: {  	[simem:s7], [sflag:s8] =	dma.local @!p0 [hbm:s6], $0xF7A  }
0x23: {  	s9 =	sor.u32 $0xD0000000, s2;
	s6 =	simm.s32 $0x108;
	_ =	swait.ge @!p0 [sflag:s8], $0x0  }
0x24: {  	s3 =	sadd.s32 $0x88, s3;
	s6 =	simm.s32 @!p1 $0x1082;
	[sflag:s4] =	ssyncset.s32 $0xFFFFF086  }
0x25: {  	[simem:s6], [sflag:s4] =	dma.local [hbm:s3], $0xF7A  }
0x26: {  	[smem:$0x3F9B] =	sst s1;
	(tag) =	ssettag s2;
	_ =	strace s9  }
0x27: {  	s1 =	sld [smem:$0x3FAB]  }
0x28: {  	s2 =	sld [smem:$0x3FAC]  }
0x29: {  	s4 =	sld [smem:$0x3FAE]  }
0x2a: {  	p0 =	seq.s32 s5, $0x0;
	s5 =	sld [smem:$0x3FAF]  }
0x2b: {  	s6 =	sld [smem:$0x3FB0]  }
0x2c: {  	s7 =	sld [smem:$0x3FB1]  }
0x2d: {  	s3 =	simm.s32 $0x108;
	s8 =	sld [smem:$0x3FB2]  }
0x2e: {  	s3 =	simm.s32 @!p0 $0x1082;
	s9 =	sld [smem:$0x3FB3]  }
0x2f: {  	lr =	sadd.s32 s0, s3;
	s0 =	sld [smem:$0x3FAA]  }
0x30: {  	s3 =	sld [smem:$0x3FAD]  }
0x31: {  	[smem:$0x3FB6] =	sst s10  }
0x32: {  	s10 =	sld [smem:$0x3FB4];
	_ =	sdelay $0x3  }
0x33: {  	p0 =	seq.s32 s10, $0x1;
	s10 =	sld [smem:$0x3FB6];
	_ =	sdelay $0x3  }
0x34: {  	[smem:$0x3FB6] =	sst s10  }
0x35: {  	s10 =	sld [smem:$0x3FB5];
	_ =	sdelay $0x3  }
0x36: {  	p1 =	seq.s32 s10, $0x1;
	s10 =	sld [smem:$0x3FB6];
	_ =	sdelay $0x3  }
0x37: {  	[smem:$0x3FB6] =	sst s10  }
0x38: {  	s10 =	sld [smem:$0x3FB7]  }
0x39: {  	_ = 	snop;
	(pc) =	sbr.ind lr, $3  }
0x3a: {  	_ = 	snop  }
0x3b: {  	_ = 	snop  }
0x3c: {  	p2 =	seq.s32 s10, $0x1;
	s10 =	sld [smem:$0x3FB6]  }
0x3d: {  	_ =	shalt  }
0x3e: {  	_ =	shalt  }
0x3f: {  	_ =	shalt  }
0x40: {  	_ =	shalt  }
0x41: {  	_ =	shalt  }
0x42: {  	_ =	shalt  }
0x43: {  	_ =	shalt  }
0x44: {  	_ =	shalt  }
0x45: {  	_ =	shalt  }
0x46: {  	_ =	shalt  }
0x47: {  	_ =	shalt  }
0x48: {  	_ =	shalt  }
0x49: {  	_ =	shalt  }
0x4a: {  	_ =	shalt  }
0x4b: {  	_ =	shalt  }
0x4c: {  	_ =	shalt  }
0x4d: {  	_ =	shalt  }
0x4e: {  	_ =	shalt  }
0x4f: {  	_ =	shalt  }
0x50: {  	_ =	shalt  }
0x51: {  	_ =	shalt  }
0x52: {  	_ =	shalt  }
0x53: {  	_ =	shalt  }
0x54: {  	_ =	shalt  }
0x55: {  	_ =	shalt  }
0x56: {  	_ =	shalt  }
0x57: {  	_ =	shalt  }
0x58: {  	_ =	shalt  }
0x59: {  	_ =	shalt  }
0x5a: {  	_ =	shalt  }
0x5b: {  	_ =	shalt  }
0x5c: {  	_ =	shalt  }
0x5d: {  	_ =	shalt  }
0x5e: {  	_ =	shalt  }
0x5f: {  	_ =	shalt  }
0x60: {  	_ =	shalt  }
0x61: {  	_ =	shalt  }
0x62: {  	_ =	shalt  }
0x63: {  	_ =	shalt  }
0x64: {  	_ =	shalt  }
0x65: {  	_ =	shalt  }
0x66: {  	_ =	shalt  }
0x67: {  	_ =	shalt  }
0x68: {  	_ =	shalt  }
0x69: {  	_ =	shalt  }
0x6a: {  	_ =	shalt  }
0x6b: {  	_ =	shalt  }
0x6c: {  	_ =	shalt  }
0x6d: {  	_ =	shalt  }
0x6e: {  	_ =	shalt  }
0x6f: {  	_ =	shalt  }
0x70: {  	_ =	shalt  }
0x71: {  	_ =	shalt  }
0x72: {  	_ =	shalt  }
0x73: {  	_ =	shalt  }
0x74: {  	_ =	shalt  }
0x75: {  	_ =	shalt  }
0x76: {  	_ =	shalt  }
0x77: {  	_ =	shalt  }
0x78: {  	_ =	shalt  }
0x79: {  	_ =	shalt  }
0x7a: {  	_ =	shalt  }
0x7b: {  	_ =	shalt  }
0x7c: {  	_ =	shalt  }
0x7d: {  	_ =	shalt  }
0x7e: {  	_ =	shalt  }
0x7f: {  	_ =	shalt  }
0x80: {  	_ =	shalt  }
0x81: {  	_ =	shalt  }
0x82: {  	_ =	shalt  }
0x83: {  	_ =	shalt  }
0x84: {  	_ =	shalt  }
0x85: {  	_ =	shalt  }
0x86: {  	_ =	shalt  }
0x87: {  	_ =	shalt  }
.Lfunc_end0:
.L_simem_size_0:
called_computation_lowered:
.L_overlay_start_0:
0x88: {  	s2 =	sld [smem:$0x3FD9]  }
0x89: {  	s3 =	sld [smem:$0x3FFE];
	_ =	sdelay $0x1  }
0x8a: {  	s1 =	srdreg.scid  }
0x8b: {  	s0 =	sand.u32 $0x1, s1  }
0x8c: {  	s16 =	sshll.u32 s0, $0xA;
	s2 =	sadd.s32 s3, s2  }
0x8d: {  	s2 =	sadd.s32 s2, s16  }
0x8e: {  	[smem:$0x3FC2] =	sst s2  }
0x8f: {  	_ = 	snop  }
0x90: {  	(tm) =	ssettm $0x1  }
0x91: {  	s17 =	sld [smem:$0x3FFB];
	_ =	sdelay $0x3  }
0x92: {  	_ =	strace s17  }
0x93: {  	s2 =	sld [smem:$0x3FFC];
	_ =	sdelay $0x3  }
0x94: {  	_ =	strace s2  }
0x95: {  	s2 =	sld [smem:$0x3FFD];
	_ =	sdelay $0x3  }
0x96: {  	_ =	strace s2  }
0x97: {  	_ =	strace $0x8FFFFFFF  }
0x98: {  	s18 =	sld [smem:$0x3FDB];
	_ =	sdelay $0x1  }
0x99: {  	s19 =	simm.s32 $_scs_section_size  }
0x9a: {  	s4 =	simm.s32 $_size__tile_overlayer_lowered;
	s5 =	simm.s32 $_tile_overlayer_lowered  }
0x9b: {  	s22 =	simm.s32 $0x1BFF;
	s21 =	sshll.u32 s5, $0x1;
	s2 =	sadd.s32 s19, s18  }
0x9c: {  	s6 =	simm.s32 $0x0;
	s20 =	sshll.u32 s4, $0x1;
	s4 =	sadd.s32 s21, s2  }
0x9d: {  	[timem:s6], [sflag:s22] =	dma.local [hbm:s4], s20  }
0x9e: {  	_ =	swait.ge [sflag:s22], s20  }
0x9f: {  	s3 =	ssub.s32 $0x0, s20;
	[sflag:s22] =	ssyncset.done $0x0  }
0xa0: {  	[sflag:s22] =	ssyncadd.s32 s3;
	_ =	sdelay $0x1  }
0xa1: {  	s23 =	simm.s32 $0x1B8B  }
0xa2: {  	_ =	swait.ge [sflag:s23], $0x1  }
0xa3: {  	[sflag:s23] =	ssyncset.done $0x0  }
0xa4: {  	s25 =	simm.s32 $0x1B8E;
	s24 =	sld [smem:$0x3FFE];
	[sflag:s23] =	ssyncadd.s32 $0xFFFFFFFF  }
0xa5: {  	s26 =	simm.s32 $execute0_lowered;
	[smem:$0x3FD2] =	sst s25  }
0xa6: {  	s4 =	sshll.u32 s26, $0x1;
	_ =	strace $0x80000046;
	[dreg:$0x1] =	wrdreg $0xFFFFFFFF  }
0xa7: {  	s28 =	simm.s32 $_size_execute0_lowered;
	s2 =	sadd.s32 s2, s4;
	[dreg:$0x0] =	wrdreg $0x0  }
0xa8: {  	s4 =	sshll.u32 s28, $0x1;
	[dreg:$0x2] =	wrdreg s2  }
0xa9: {  	[dreg:$0x3] =	wrdreg s4  }
0xaa: {  	[dreg:$0x4] =	wrdreg $0xC0  }
0xab: {  	_ =	task [dreg:s6], $0x5FFFF  }
0xac: {  	[dreg:$0x1] =	wrdreg $0xFFFFFFFF  }
0xad: {  	[dreg:$0x0] =	wrdreg $0x60  }
0xae: {  	[dreg:$0x2] =	wrdreg s24  }
0xaf: {  	[dreg:$0x3] =	wrdreg $0x58000  }
0xb0: {  	[dreg:$0x4] =	wrdreg $0x9  }
0xb1: {  	_ =	task.clear_ibuf [dreg:s6], $0x5FFFF;
	_ =	strace $0x90000046  }
0xb2: {  	s29 =	simm.s32 $0x9;
	_ =	strace $0x80000048  }
0xb3: {  	_ =	swait.ge [sflag:s29], $0x1  }
0xb4: {  	[sflag:s29] =	ssyncadd.s32 $0xFFFFFFFF  }
0xb5: {  	_ =	strace $0x90000048  }
0xb6: {  	_ =	sfence  }
0xb7: {  	s30 =	sld [smem:$0x0];
	_ =	sdelay $0x2  }
0xb8: {  	s31 =	sshll.u32 s1, $0xD;
	s1 =	sshrl.u32 s1, $0x2  }
0xb9: {  	s3 =	sand.u32 $0x4000, s31;
	s1 =	sadd.s32 s1, s30  }
0xba: {  	s0 =	sor.u32 s3, s0;
	s1 =	sshll.u32 s1, $0x11  }
0xbb: {  	s0 =	sor.u32 s1, s0  }
0xbc: {  	s0 =	sadd.s32 $0x8F2B, s0  }
0xbd: {  	[sflag:s0] =	ssyncadd.remote.s32 $0x1  }
0xbe: {  	_ =	sfence.sel $0xFFFF  }
0xbf: {  	[dreg:$0x0] =	wrdreg $0xFFFFFFFF;
	(pc) =	sbr.abs _section_cstart, $3  }
0xc0: {  	[dreg:$0x1] =	wrdreg $0xFFFFFFFF  }
0xc1: {  	_ =	task.clear_ibuf [dreg:s6], $0x2FFFF;
	_ =	strace $0x9FFFFFFF  }
0xc2: {  	(tm) =	ssettm $0x7FFFFFFF  }
0xc3: {  	_ =	shalt  }
tec
execute0_lowered:
.L_overlay_start_1:
0x0: {  	(tag) =	ssettag $0x1  }
0x1: {  	s4 =	rddreg [dreg:$0x0]  }
0x2: {  	s2 =	rddreg [dreg:$0x1]  }
0x3: {  	s0 =	rddreg [dreg:$0x2];
	s1 =	stileid.u32  }
0x4: {  	s6 =	srdreg.scid;
	s3 =	simm.s32 $0x0;
	s14 =	simm.s32 $0x9  }
0x5: {  	s15 =	simm.s32 $0x80;
	s16 =	simm.s32 $0x4800;
	s17 =	simm.s32 $0x1  }
0x6: {  	s18 =	simm.s32 $0x2;
	s19 =	simm.s32 $0x3;
	s20 =	simm.s32 $0x4  }
0x7: {  	s21 =	simm.s32 $0x5;
	s22 =	simm.s32 $0x6;
	s5 =	smul.u32 $0x900, s1  }
0x8: {  	s23 =	simm.s32 $0x7;
	s24 =	simm.s32 $0x8;
	s28 =	smul.u32 $0x2800, s1  }
0x9: {  	s13 =	sand.u32 $0x1, s6;
	[smem:$0x7FF] =	sst s3;
	s9 =	smul.u32 $0xA000, s1  }
0xa: {  	s8 =	sshll.u32 s1, $0x8;
	s7 =	smul.u32 $0x28000, s13;
	_ =	strace $0x80000047  }
0xb: {  	s8 =	sadd.s32 s8, s4;
	s10 =	ssub.s32 $0x2, s13;
	p0 =	sne.s32 s13, $0x0  }
0xc: {  	s13 =	simm.s32 $0x5000;
	s5 =	sadd.s32 s5, s4;
	s29 =	sshrl.u32 s10, $0x1  }
0xd: {  	s30 =	sshrl.u32 s9, $0x2;
	s6 =	sadd.s32 s28, s2;
	s7 =	sadd.s32 s28, s7  }
0xe: {  	s12 =	ssub.s32 s10, s29;
	s31 =	sadd.s32 s30, s2;
	s5 =	sadd.s32 $0xB000, s5  }
0xf: {  	s7 =	sshrl.u32 s7, $0x3;
	s9 =	sadd.s32 $0x1800, s31;
	s10 =	sadd.s32 $0x2000, s31  }
0x10: {  	s12 =	smax.u32 s12, $0x1;
	s11 =	sadd.s32 s7, s4;
	s4 =	sadd.s32 $0x14000, s8  }
0x11: {  	v0 =	vimm.f32 $1.000000000e+00;
	v1 =	vimm.f32 $0.0e+00;
	s7 =	sadd.s32 $0x800, s31;
	s8 =	sadd.s32 $0x1000, s31;
	s11 =	sadd.s32 $0x15000, s11  }
.LBB2_1:
0x12: {  	s25 =	simm.s32 @p0 $0x0  }
0x13: {  	[tilespmem:s25], [sflag:$0x9] =	stream.linear.gather @p0 [hbm4b:s4+s25], $0x800, $0x38;
	[tilespmem:$0x8000] =	vst v63  }
0x14: {  	s25 =	simm.s32 @p0 $0x9  }
0x15: {  	_ =	swait.ge @p0 [sflag:s25], $0x800  }
0x16: {  	[sflag:s25] =	ssyncset.done @p0 $0x0  }
0x17: {  	s26 =	simm.s32 @!p0 $0x9;
	[sflag:s25] =	ssyncadd.s32 @p0 $0xFFFFF800;
	s25 =	simm.s32 @!p0 $0x0  }
0x18: {  	[tilespmem:s25], [sflag:$0x9] =	stream.linear.gather @!p0 [hbm4b:s5+s25], $0x4800, $0x38;
	[tilespmem:$0x8000] =	vst v63  }
0x19: {  	_ =	swait.ge @!p0 [sflag:s26], $0x4800  }
0x1a: {  	s25 =	simm.s32 @!p0 $0x12;
	[sflag:s26] =	ssyncset.done @!p0 $0x0  }
0x1b: {  	s25 =	simm.s32 @p0 $0x2;
	[sflag:s26] =	ssyncadd.s32 @!p0 $0xFFFFB800;
	s26 =	simm.s32 $0x0  }
.LBB2_2:
0x1c: {  	p1 =	sne.s32 s26, $0x1FC0  }
.Ltmp0:
0x1d: {  	_ = 	snop;
	(pc) =	sbr.rel @p1 .LBB2_2-.Ltmp0, $3  }
0x1e: {  	_ =	sdelay $0x1  }
0x1f: {  	s28 =	sshra.s32 s26, $0x2  }
0x20: {  	s26 =	sadd.s32 $0x40, s26;
	[tilespmem:s28+$0x4800] =	vst v0  }
0x21: {  	s26 =	simm.s32 $0x40;
	s28 =	simm.s32 $0x0  }
.LBB2_4:
0x22: {  	p1 =	sne.s32 s26, $0x1FC0;
	[tilespmem:s28+$0x5000] =	vst v1;
	s28 =	smov.u32 s26;
	s26 =	sadd.s32 $0x40, s26  }
.Ltmp1:
0x23: {  	(pc) =	sbr.rel @p1 .LBB2_4-.Ltmp1, $2  }
0x24: {  	_ =	sdelay $0x2  }
0x25: {  	s28 =	sshra.s32 s28, $0x2  }
0x26: {  	[tilespmem:s28+$0x5000] =	vst v1  }
0x27: {  	[spmem:s6] =	stream.linear.scatter [tilespmem:s13], [sflag:$0x9], $0x800, $0x38;
	[tilespmem:$0x8000] =	vst v63  }
0x28: {  	_ =	swait.ge [sflag:s14], $0x800  }
0x29: {  	[sflag:s14] =	ssyncset.done $0x0  }
0x2a: {  	[sflag:s14] =	ssyncadd.s32 $0xFFFFF800  }
0x2b: {  	[spmem:s7] =	stream.linear.scatter [tilespmem:s13], [sflag:$0x9], $0x800, $0x38;
	[tilespmem:$0x8000] =	vst v63  }
0x2c: {  	_ =	swait.ge [sflag:s14], $0x800  }
0x2d: {  	[sflag:s14] =	ssyncset.done $0x0  }
0x2e: {  	[sflag:s14] =	ssyncadd.s32 $0xFFFFF800  }
0x2f: {  	[spmem:s8] =	stream.linear.scatter [tilespmem:s13], [sflag:$0x9], $0x800, $0x38;
	[tilespmem:$0x8000] =	vst v63  }
0x30: {  	_ =	swait.ge [sflag:s14], $0x800  }
0x31: {  	[sflag:s14] =	ssyncset.done $0x0  }
0x32: {  	[sflag:s14] =	ssyncadd.s32 $0xFFFFF800  }
0x33: {  	[spmem:s9] =	stream.linear.scatter [tilespmem:s13], [sflag:$0x9], $0x800, $0x38;
	[tilespmem:$0x8000] =	vst v63  }
0x34: {  	_ =	swait.ge [sflag:s14], $0x800  }
0x35: {  	s25 =	sshll.u32 s25, $0xC;
	[sflag:s14] =	ssyncset.done $0x0  }
0x36: {  	p2 =	sne.s32 s25, $0x1000;
	[sflag:s14] =	ssyncadd.s32 $0xFFFFF800  }
0x37: {  	[spmem:s10] =	stream.linear.scatter [tilespmem:s13], [sflag:$0x9], $0x800, $0x38;
	[tilespmem:$0x8000] =	vst v63  }
.Ltmp2:
0x38: {  	_ =	swait.ge [sflag:s14], $0x800;
	(pc) =	sbr.rel @!p2 .LBB2_10-.Ltmp2, $4  }
0x39: {  	[sflag:s14] =	ssyncset.done $0x0  }
0x3a: {  	[sflag:s14] =	ssyncadd.s32 $0xFFFFF800  }
0x3b: {  	[bflag:$0x0] =	sbarrier.arrive $0xFFFF  }
0x3c: {  	s28 =	simm.s32 $0x0;
	s26 =	simm.s32 $0x1000;
	p1 =	por $0x0, $0x0  }
0x3d: {  	s28 =	simm.s32 $0x0  }
0x3e: {  	[spmem:s2] =	stream.indirect.scatter.add.f32 [tilespmem:s16], [sflag:$0x1], $0x10, s28, s15, $0xb8;
	[tilespmem:$0x8000] =	vst v63  }
0x3f: {  	s28 =	simm.s32 $0x80  }
0x40: {  	[spmem:s2] =	stream.indirect.scatter.add.f32 [tilespmem:s16], [sflag:$0x2], $0x10, s28, s15, $0xb8;
	[tilespmem:$0x8000] =	vst v63  }
0x41: {  	s28 =	simm.s32 $0x100  }
0x42: {  	[spmem:s2] =	stream.indirect.scatter.add.f32 [tilespmem:s16], [sflag:$0x3], $0x10, s28, s15, $0xb8;
	[tilespmem:$0x8000] =	vst v63  }
0x43: {  	s28 =	simm.s32 $0x180  }
0x44: {  	[spmem:s2] =	stream.indirect.scatter.add.f32 [tilespmem:s16], [sflag:$0x4], $0x10, s28, s15, $0xb8;
	[tilespmem:$0x8000] =	vst v63  }
0x45: {  	s28 =	simm.s32 $0x200  }
0x46: {  	[spmem:s2] =	stream.indirect.scatter.add.f32 [tilespmem:s16], [sflag:$0x5], $0x10, s28, s15, $0xb8;
	[tilespmem:$0x8000] =	vst v63  }
0x47: {  	s28 =	simm.s32 $0x280  }
0x48: {  	[spmem:s2] =	stream.indirect.scatter.add.f32 [tilespmem:s16], [sflag:$0x6], $0x10, s28, s15, $0xb8;
	[tilespmem:$0x8000] =	vst v63  }
0x49: {  	s28 =	simm.s32 $0x300  }
0x4a: {  	[spmem:s2] =	stream.indirect.scatter.add.f32 [tilespmem:s16], [sflag:$0x7], $0x10, s28, s15, $0xb8;
	[tilespmem:$0x8000] =	vst v63  }
0x4b: {  	s28 =	simm.s32 $0x380  }
0x4c: {  	[spmem:s2] =	stream.indirect.scatter.add.f32 [tilespmem:s16], [sflag:$0x8], $0x10, s28, s15, $0xb8;
	[tilespmem:$0x8000] =	vst v63  }
0x4d: {  	_ =	swait.ge [sflag:s17], $0x800  }
0x4e: {  	[sflag:s17] =	ssyncset.done $0x0  }
0x4f: {  	[sflag:s17] =	ssyncadd.s32 $0xFFFFF800  }
0x50: {  	_ =	swait.ge [sflag:s18], $0x800  }
0x51: {  	[sflag:s18] =	ssyncset.done $0x0  }
0x52: {  	[sflag:s18] =	ssyncadd.s32 $0xFFFFF800  }
0x53: {  	_ =	swait.ge [sflag:s19], $0x800  }
0x54: {  	[sflag:s19] =	ssyncset.done $0x0  }
0x55: {  	[sflag:s19] =	ssyncadd.s32 $0xFFFFF800  }
0x56: {  	_ =	swait.ge [sflag:s20], $0x800  }
0x57: {  	[sflag:s20] =	ssyncset.done $0x0  }
0x58: {  	[sflag:s20] =	ssyncadd.s32 $0xFFFFF800  }
0x59: {  	_ =	swait.ge [sflag:s21], $0x800  }
0x5a: {  	[sflag:s21] =	ssyncset.done $0x0  }
0x5b: {  	[sflag:s21] =	ssyncadd.s32 $0xFFFFF800  }
0x5c: {  	_ =	swait.ge [sflag:s22], $0x800  }
0x5d: {  	[sflag:s22] =	ssyncset.done $0x0  }
0x5e: {  	p2 =	sne.s32 s25, $0x2000;
	[sflag:s22] =	ssyncadd.s32 $0xFFFFF800  }
.Ltmp3:
0x5f: {  	_ =	swait.ge [sflag:s23], $0x800;
	(pc) =	sbr.rel @!p2 .LBB2_7-.Ltmp3, $4  }
0x60: {  	[sflag:s23] =	ssyncset.done $0x0  }
0x61: {  	[sflag:s23] =	ssyncadd.s32 $0xFFFFF800  }
0x62: {  	_ =	swait.ge [sflag:s24], $0x800  }
0x63: {  	p1 =	por $0x1, $0x1;
	s28 =	simm.s32 $0x2000;
	[sflag:s24] =	ssyncset.done $0x0  }
.LBB2_8:
0x64: {  	s29 =	sshra.s32 s26, $0x2  }
0x65: {  	[sflag:s24] =	ssyncadd.s32 $0xFFFFF800;
	s26 =	smov.u32 s28;
	s28 =	sadd.s32 $0x1000, s28  }
0x66: {  	[spmem:s2] =	stream.indirect.scatter.add.f32 [tilespmem:s16], [sflag:$0x1], $0x10, s29, s15, $0xb8;
	[tilespmem:$0x8000] =	vst v63  }
0x67: {  	p2 =	sne.s32 s25, s28;
	s30 =	sadd.s32 $0x80, s29  }
0x68: {  	[spmem:s2] =	stream.indirect.scatter.add.f32 [tilespmem:s16], [sflag:$0x2], $0x10, s30, s15, $0xb8;
	[tilespmem:$0x8000] =	vst v63  }
0x69: {  	s30 =	sadd.s32 $0x100, s29  }
0x6a: {  	[spmem:s2] =	stream.indirect.scatter.add.f32 [tilespmem:s16], [sflag:$0x3], $0x10, s30, s15, $0xb8;
	[tilespmem:$0x8000] =	vst v63  }
0x6b: {  	s30 =	sadd.s32 $0x180, s29  }
0x6c: {  	[spmem:s2] =	stream.indirect.scatter.add.f32 [tilespmem:s16], [sflag:$0x4], $0x10, s30, s15, $0xb8;
	[tilespmem:$0x8000] =	vst v63  }
0x6d: {  	s30 =	sadd.s32 $0x200, s29  }
0x6e: {  	[spmem:s2] =	stream.indirect.scatter.add.f32 [tilespmem:s16], [sflag:$0x5], $0x10, s30, s15, $0xb8;
	[tilespmem:$0x8000] =	vst v63  }
0x6f: {  	s30 =	sadd.s32 $0x280, s29  }
0x70: {  	[spmem:s2] =	stream.indirect.scatter.add.f32 [tilespmem:s16], [sflag:$0x6], $0x10, s30, s15, $0xb8;
	[tilespmem:$0x8000] =	vst v63  }
0x71: {  	s30 =	sadd.s32 $0x300, s29  }
0x72: {  	[spmem:s2] =	stream.indirect.scatter.add.f32 [tilespmem:s16], [sflag:$0x7], $0x10, s30, s15, $0xb8;
	[tilespmem:$0x8000] =	vst v63  }
0x73: {  	s29 =	sadd.s32 $0x380, s29  }
0x74: {  	[spmem:s2] =	stream.indirect.scatter.add.f32 [tilespmem:s16], [sflag:$0x8], $0x10, s29, s15, $0xb8;
	[tilespmem:$0x8000] =	vst v63  }
0x75: {  	_ =	swait.ge [sflag:s17], $0x800  }
0x76: {  	[sflag:s17] =	ssyncset.done $0x0  }
0x77: {  	[sflag:s17] =	ssyncadd.s32 $0xFFFFF800  }
0x78: {  	_ =	swait.ge [sflag:s18], $0x800  }
0x79: {  	[sflag:s18] =	ssyncset.done $0x0  }
0x7a: {  	[sflag:s18] =	ssyncadd.s32 $0xFFFFF800  }
0x7b: {  	_ =	swait.ge [sflag:s19], $0x800  }
0x7c: {  	[sflag:s19] =	ssyncset.done $0x0  }
0x7d: {  	[sflag:s19] =	ssyncadd.s32 $0xFFFFF800  }
0x7e: {  	_ =	swait.ge [sflag:s20], $0x800  }
0x7f: {  	[sflag:s20] =	ssyncset.done $0x0  }
0x80: {  	[sflag:s20] =	ssyncadd.s32 $0xFFFFF800  }
0x81: {  	_ =	swait.ge [sflag:s21], $0x800  }
0x82: {  	[sflag:s21] =	ssyncset.done $0x0  }
0x83: {  	[sflag:s21] =	ssyncadd.s32 $0xFFFFF800  }
0x84: {  	_ =	swait.ge [sflag:s22], $0x800  }
0x85: {  	[sflag:s22] =	ssyncset.done $0x0  }
0x86: {  	[sflag:s22] =	ssyncadd.s32 $0xFFFFF800  }
.Ltmp4:
0x87: {  	_ =	swait.ge [sflag:s23], $0x800;
	(pc) =	sbr.rel @p2 .LBB2_8-.Ltmp4, $4  }
0x88: {  	[sflag:s23] =	ssyncset.done $0x0  }
0x89: {  	[sflag:s23] =	ssyncadd.s32 $0xFFFFF800  }
0x8a: {  	_ =	swait.ge [sflag:s24], $0x800  }
0x8b: {  	[sflag:s24] =	ssyncset.done $0x0  }
0x8c: {  	s28 =	smov.u32 s26  }
.LBB2_10:
0x8d: {  	s25 =	sshra.s32 s28, $0x2;
	[sflag:s24] =	ssyncadd.s32 @p1 $0xFFFFF800  }
0x8e: {  	[spmem:s2] =	stream.indirect.scatter.add.f32 [tilespmem:s16], [sflag:$0x1], $0x10, s25, s15, $0xb8;
	[tilespmem:$0x8000] =	vst v63  }
0x8f: {  	s26 =	sadd.s32 $0x80, s25  }
0x90: {  	[spmem:s2] =	stream.indirect.scatter.add.f32 [tilespmem:s16], [sflag:$0x2], $0x10, s26, s15, $0xb8;
	[tilespmem:$0x8000] =	vst v63  }
0x91: {  	s29 =	sadd.s32 $0x100, s25  }
0x92: {  	[spmem:s2] =	stream.indirect.scatter.add.f32 [tilespmem:s16], [sflag:$0x3], $0x10, s29, s15, $0xb8;
	[tilespmem:$0x8000] =	vst v63  }
0x93: {  	s30 =	sadd.s32 $0x180, s25  }
0x94: {  	[spmem:s2] =	stream.indirect.scatter.add.f32 [tilespmem:s16], [sflag:$0x4], $0x10, s30, s15, $0xb8;
	[tilespmem:$0x8000] =	vst v63  }
0x95: {  	s31 =	sadd.s32 $0x200, s25  }
0x96: {  	[spmem:s2] =	stream.indirect.scatter.add.f32 [tilespmem:s16], [sflag:$0x5], $0x10, s31, s15, $0xb8;
	[tilespmem:$0x8000] =	vst v63  }
0x97: {  	s28 =	sadd.s32 $0x280, s25  }
0x98: {  	[spmem:s2] =	stream.indirect.scatter.add.f32 [tilespmem:s16], [sflag:$0x6], $0x10, s28, s15, $0xb8;
	[tilespmem:$0x8000] =	vst v63  }
0x99: {  	s29 =	sadd.s32 $0x300, s25  }
0x9a: {  	[spmem:s2] =	stream.indirect.scatter.add.f32 [tilespmem:s16], [sflag:$0x7], $0x10, s29, s15, $0xb8;
	[tilespmem:$0x8000] =	vst v63  }
0x9b: {  	s25 =	sadd.s32 $0x380, s25  }
0x9c: {  	[spmem:s2] =	stream.indirect.scatter.add.f32 [tilespmem:s16], [sflag:$0x8], $0x10, s25, s15, $0xb8;
	[tilespmem:$0x8000] =	vst v63  }
0x9d: {  	_ =	swait.ge [sflag:s17], $0x800  }
0x9e: {  	[sflag:s17] =	ssyncset.done $0x0  }
0x9f: {  	[sflag:s17] =	ssyncadd.s32 $0xFFFFF800  }
0xa0: {  	_ =	swait.ge [sflag:s18], $0x800  }
0xa1: {  	[sflag:s18] =	ssyncset.done $0x0  }
0xa2: {  	[sflag:s18] =	ssyncadd.s32 $0xFFFFF800  }
0xa3: {  	_ =	swait.ge [sflag:s19], $0x800  }
0xa4: {  	[sflag:s19] =	ssyncset.done $0x0  }
0xa5: {  	[sflag:s19] =	ssyncadd.s32 $0xFFFFF800  }
0xa6: {  	_ =	swait.ge [sflag:s20], $0x800  }
0xa7: {  	[sflag:s20] =	ssyncset.done $0x0  }
0xa8: {  	[sflag:s20] =	ssyncadd.s32 $0xFFFFF800  }
0xa9: {  	_ =	swait.ge [sflag:s21], $0x800  }
0xaa: {  	[sflag:s21] =	ssyncset.done $0x0  }
0xab: {  	[sflag:s21] =	ssyncadd.s32 $0xFFFFF800  }
0xac: {  	_ =	swait.ge [sflag:s22], $0x800  }
0xad: {  	[sflag:s22] =	ssyncset.done $0x0  }
0xae: {  	[sflag:s22] =	ssyncadd.s32 $0xFFFFF800  }
0xaf: {  	_ =	swait.ge [sflag:s23], $0x800  }
0xb0: {  	[sflag:s23] =	ssyncset.done $0x0  }
0xb1: {  	[sflag:s23] =	ssyncadd.s32 $0xFFFFF800  }
0xb2: {  	_ =	swait.ge [sflag:s24], $0x800  }
0xb3: {  	s3 =	sadd.s32 $0x1, s3;
	[sflag:s24] =	ssyncset.done $0x0  }
0xb4: {  	p1 =	sne.s32 s3, s12;
	s30 =	sshll.u32 s1, $0x6;
	[sflag:s24] =	ssyncadd.s32 $0xFFFFF800  }
0xb5: {  	s31 =	sshrl.u32 s6, $0x3;
	s25 =	sor.u32 $0x1C09, s30;
	[bflag:$0x0] =	sbarrier.arrive $0xFFFF  }
0xb6: {  	[hbm:s11], [sflag:s25] =	dma.local [spmem:s31], $0x500  }
.Ltmp5:
0xb7: {  	_ = 	snop;
	(pc) =	sbr.rel @p1 .LBB2_1-.Ltmp5, $4  }
.Ltmp6:
0xb8: {  	_ = 	snop;
	(pc) =	sbr.rel @!p1 .LBB2_11-.Ltmp6, $4  }
0xb9: {  	_ =	swait.ge [sflag:s14], $0x500  }
0xba: {  	[sflag:s14] =	ssyncset.done $0x0  }
0xbb: {  	[sflag:s14] =	ssyncadd.s32 $0xFFFFFB00  }
0xbc: {  	_ = 	snop  }
.LBB2_7:
.Ltmp7:
0xbd: {  	(pc) =	sbr.rel .LBB2_10-.Ltmp7, $2  }
0xbe: {  	_ =	sdelay $0x2  }
0xbf: {  	s28 =	simm.s32 $0x1000  }
.LBB2_11:
0xc0: {  	_ =	sfence.sel $0x180000  }
0xc1: {  	[bflag:$0x0] =	sbarrier.arrive $0xFFFF  }
0xc2: {  	p0 =	sne.s32 s1, $0x0;
	_ =	strace $0x90000047  }
0xc3: {  	s0 =	sadd.s32 @!p0 $0x100000, s0;
	[bflag:$0x2] =	sbarrier.arrive $0xFFFF  }
0xc4: {  	[sflag:s0] =	ssyncadd.tile.s32 @!p0 $0x1;
	_ =	shalt  }
.Lfunc_end2:
_tile_overlayer_lowered:
.L_overlay_start_2:
0xc5: {  	(tag) =	ssettag $0x2  }
0xc6: {  	s0 =	rddreg [dreg:$0x0];
	s2 =	stileid.u32  }
0xc7: {  	s1 =	rddreg [dreg:$0x1];
	p0 =	sne.s32 s2, $0x0  }
0xc8: {  	s3 =	rddreg [dreg:$0x2];
	[bflag:$0x3] =	sbarrier.arrive $0xFFFF;
	s2 =	simm.s32 @!p0 $0x1C09  }
0xc9: {  	[timem:s3], [sflag:s2] =	dma.local @!p0 [hbm:s0], s1  }
0xca: {  	s0 =	simm.s32 @!p0 $0x9  }
0xcb: {  	_ =	swait.ge @!p0 [sflag:s0], s1  }
0xcc: {  	s1 =	ssub.s32 @!p0 $0x0, s1;
	[sflag:s0] =	ssyncset.done @!p0 $0x0  }
0xcd: {  	[sflag:s0] =	ssyncadd.s32 @!p0 s1  }
0xce: {  	[bflag:$0x3] =	sbarrier.arrive $0xFFFF  }
0xcf: {  	_ =	shalt  }

</sc_bundles>
